<compile_context>
chip_gen: v7x
topology: tpu7x:2x2x1
jax: 0.10.2.dev20260603
libtpu: 0.0.44.dev20260713+nightly
codegen_flags: <defaults>
</compile_context>

<pallas_src>
import jax
import jax.numpy as jnp
from jax.experimental import pallas as pl
from jax.experimental.pallas import tpu as pltpu
import jax.experimental.pallas.tpu_sc as plsc

_N, _D = 100000, 128
_SC_BLOCK = 200

_vector_mesh = plsc.VectorSubcoreMesh(
    core_axis_name="core", subcore_axis_name="subcore"
)


def kernel(data_list):
    @pl.kernel(
        out_type=jax.ShapeDtypeStruct((_N, _D), jnp.float32),
        mesh=_vector_mesh,
    )
    def _sc_copy(x_hbm, o_hbm):
        def body(in_vmem, out_vmem):
            out_vmem[...] = in_vmem[...]

        pltpu.emit_pipeline(
            body,
            grid=(_N // _SC_BLOCK,),
            in_specs=[pl.BlockSpec((_SC_BLOCK, _D), lambda i: (i, 0))],
            out_specs=[pl.BlockSpec((_SC_BLOCK, _D), lambda i: (i, 0))],
            core_axis_name=("core", "subcore"),
            dimension_semantics=(pltpu.PARALLEL,),
        )(x_hbm, o_hbm)

    return _sc_copy(data_list)

# --- scband reference (transcript-rebuilt; emitter-appended) ---
"""Pipeline reference for scband-v-wrap-29901562314952 (READ-ONLY COPY).

The authoritative reference and input builder live on the scoring server;
editing this copy changes nothing except your own understanding.
"""

import jax, jax.numpy as jnp
import numpy as np


def setup_inputs(seed: int = 0) -> dict:
    key = jax.random.key(seed)
    data_list = jax.random.normal(key, (100000, 128), dtype=jnp.float32)
    return {"data_list": data_list}


def reference(data_list):
    # vWrap with num_levels=1 and skip_mp_levels=[0]:
    #   self.layers = [Identity()]; self.up = [] (range(num_levels-1) is empty)
    # forward:
    #   for i in range(1): data_list[i] = Identity(data_list[i])
    #   reversed(range(0)) loop never executes (no coarse-to-fine scatter/up path)
    #   return data_list
    # Faithful translation: data_list[0] = data_list[0] (an in-place row write that is
    # a no-op mathematically), then return the (list-like) container. We model the
    # container as a single stacked tensor of node features.
    data_list = data_list.at[0].set(data_list[0])
    return data_list

if __name__ == "__main__":
    import jax
    _d = setup_inputs()
    print(jax.jit(kernel)(*tuple(_d.values())))

</pallas_src>

<mosaic_0001>
#map = affine_map<(d0, d1) -> (0, 0)>
module attributes {stable_mosaic.version = 14 : i64} {
  func.func @_sc_copy(%arg0: i32, %arg1: i32, %arg2: memref<100000x128xf32, #tpu.memory_space<hbm>>, %arg3: memref<100000x128xf32, #tpu.memory_space<hbm>>) attributes {dimension_semantics = [#tpu.dimension_semantics<core_parallel>, #tpu.dimension_semantics<subcore_parallel>], iteration_bounds = array<i64: 2, 16>, scalar_prefetch = 0 : i64, scratch_operands = 0 : i64, tpu.core_type = #tpu.core_type<sc_vector_subcore>, window_params = [{transform_indices = #map}, {transform_indices = #map}]} {
    %mul3A = arith.constant 1 : i32
    %mul3A_0 = arith.muli %arg1, %mul3A : i32
    %add3A = arith.constant 0 : i32
    %add3A_1 = arith.addi %add3A, %mul3A_0 : i32
    %mul3A_2 = arith.constant 16 : i32
    %mul3A_3 = arith.muli %arg0, %mul3A_2 : i32
    %add3A_4 = arith.addi %add3A_1, %mul3A_3 : i32
    %lt3A = arith.constant 20 : i32
    %lt3A_5 = arith.cmpi slt, %add3A_4, %lt3A : i32
    %jit3A = arith.constant 16 : i32
    %jit3A_6 = arith.constant 15 : i32
    %select_n3A = arith.select %lt3A_5, %jit3A, %jit3A_6 : i32
    %lt3A_7 = arith.constant 20 : i32
    %lt3A_8 = arith.cmpi slt, %add3A_4, %lt3A_7 : i32
    %mul3A_9 = arith.muli %add3A_4, %select_n3A : i32
    %mul3A_10 = arith.constant 15 : i32
    %mul3A_11 = arith.muli %add3A_4, %mul3A_10 : i32
    %add3A_12 = arith.constant 20 : i32
    %add3A_13 = arith.addi %mul3A_11, %add3A_12 : i32
    %select_n3A_14 = arith.select %lt3A_8, %mul3A_9, %add3A_13 : i32
    %mul3A_15 = arith.constant 1 : i32
    %mul3A_16 = arith.muli %mul3A_15, %select_n3A : i32
    "tpu.region"() ({
      %run_scoped3A = memref.alloca() : memref<2x200x128xf32, #tpu.memory_space<vmem>>
      %run_scoped3A_17 = tpu.sem_alloc : memref<2x!tpu.dma_semaphore, #tpu.memory_space<semaphore_mem>>
      %run_scoped3A_18 = memref.alloca() : memref<2x200x128xf32, #tpu.memory_space<vmem>>
      %run_scoped3A_19 = tpu.sem_alloc : memref<2x!tpu.dma_semaphore, #tpu.memory_space<semaphore_mem>>
      %gt3A = arith.constant 0 : i32
      %gt3A_20 = arith.cmpi sgt, %mul3A_16, %gt3A : i32
      %convert_element_type3A = arith.extui %gt3A_20 : i1 to i32
      %cond3A = arith.constant 0 : i32
      %cond3A_21 = arith.cmpi ne, %convert_element_type3A, %cond3A : i32
      scf.if %cond3A_21 {
        %mul3A_22 = arith.constant 1 : i32
        %mul3A_23 = arith.muli %mul3A_22, %select_n3A : i32
        %sub3A = arith.constant 1 : i32
        %sub3A_24 = arith.subi %mul3A_23, %sub3A : i32
        %eq3A = arith.constant 0 : i32
        %eq3A_25 = arith.cmpi eq, %sub3A_24, %eq3A : i32
        %add3A_26 = arith.constant 0 : i32
        %add3A_27 = arith.addi %add3A_26, %select_n3A_14 : i32
        %select_n3A_28 = arith.constant true
        %select_n3A_29 = arith.constant 0 : i32
        %select_n3A_30 = arith.constant -1 : i32
        %select_n3A_31 = arith.select %select_n3A_28, %select_n3A_30, %select_n3A_29 : i32
        %eq3A_32 = arith.constant -1 : i32
        %eq3A_33 = arith.cmpi eq, %select_n3A_31, %eq3A_32 : i32
        %sub3A_34 = arith.constant 1 : i32
        %sub3A_35 = arith.subi %select_n3A, %sub3A_34 : i32
        %select_n3A_36 = arith.select %eq3A_33, %sub3A_35, %select_n3A_31 : i32
        %add3A_37 = arith.addi %select_n3A_36, %select_n3A_14 : i32
        %select_n3A_38 = arith.constant true
        %select_n3A_39 = arith.constant 0 : i32
        %select_n3A_40 = arith.constant 1 : i32
        %select_n3A_41 = arith.select %select_n3A_38, %select_n3A_40, %select_n3A_39 : i32
        %eq3A_42 = arith.cmpi eq, %select_n3A_41, %select_n3A : i32
        %select_n3A_43 = arith.constant 0 : i32
        %select_n3A_44 = arith.select %eq3A_42, %select_n3A_43, %select_n3A_41 : i32
        %add3A_45 = arith.addi %select_n3A_44, %select_n3A_14 : i32
        %add3A_46 = arith.constant 1 : i32
        %add3A_47 = arith.addi %select_n3A_44, %add3A_46 : i32
        %select_n3A_48 = arith.constant true
        %select_n3A_49 = arith.select %select_n3A_48, %add3A_47, %select_n3A_44 : i32
        %eq3A_50 = arith.cmpi eq, %select_n3A_49, %select_n3A : i32
        %select_n3A_51 = arith.constant 0 : i32
        %select_n3A_52 = arith.select %eq3A_50, %select_n3A_51, %select_n3A_49 : i32
        %add3A_53 = arith.addi %select_n3A_52, %select_n3A_14 : i32
        "tpu.trace_start"() <{level = 10 : i32, message = "ep_initialize_0"}> : () -> ()
        %rem3A = arith.constant 0 : i32
        %rem3A_54 = arith.constant 2 : i32
        %rem3A_55 = arith.remui %rem3A, %rem3A_54 : i32
        %mul3A_56 = arith.constant 200 : i32
        %mul3A_57 = arith.muli %mul3A_56, %add3A_27 : i32
        %dma_start3A = arith.constant 0 : i32
        %dma_start3A_58 = arith.constant 0 : i32
        %dma_start3A_59 = tpu.memref_slice %run_scoped3A[%rem3A_55, %dma_start3A, %dma_start3A_58] : memref<2x200x128xf32, #tpu.memory_space<vmem>> -> memref<1x200x128xf32, #tpu.memory_space<vmem>>
        %dma_start3A_60 = tpu.memref_squeeze %dma_start3A_59 : memref<1x200x128xf32, #tpu.memory_space<vmem>> -> memref<200x128xf32, #tpu.memory_space<vmem>>
        %dma_start3A_61 = arith.constant 0 : i32
        %dma_start3A_62 = tpu.memref_slice %arg2[%mul3A_57, %dma_start3A_61] : memref<100000x128xf32, #tpu.memory_space<hbm>> -> memref<200x128xf32, #tpu.memory_space<hbm>>
        %dma_start3A_63 = tpu.memref_slice %run_scoped3A_17[%rem3A_55] : memref<2x!tpu.dma_semaphore, #tpu.memory_space<semaphore_mem>> -> memref<1x!tpu.dma_semaphore, #tpu.memory_space<semaphore_mem>>
        %dma_start3A_64 = tpu.memref_squeeze %dma_start3A_63 : memref<1x!tpu.dma_semaphore, #tpu.memory_space<semaphore_mem>> -> memref<!tpu.dma_semaphore, #tpu.memory_space<semaphore_mem>>
        %dma_start3A_65 = arith.constant 0 : i32
        %dma_start3A_66 = arith.constant 0 : i32
        %dma_start3A_67 = tpu.memref_slice %run_scoped3A[%rem3A_55, %dma_start3A_65, %dma_start3A_66] : memref<2x200x128xf32, #tpu.memory_space<vmem>> -> memref<1x200x128xf32, #tpu.memory_space<vmem>>
        %dma_start3A_68 = tpu.memref_squeeze %dma_start3A_67 : memref<1x200x128xf32, #tpu.memory_space<vmem>> -> memref<200x128xf32, #tpu.memory_space<vmem>>
        %dma_start3A_69 = arith.constant 0 : i32
        %dma_start3A_70 = tpu.memref_slice %arg2[%mul3A_57, %dma_start3A_69] : memref<100000x128xf32, #tpu.memory_space<hbm>> -> memref<200x128xf32, #tpu.memory_space<hbm>>
        tpu.enqueue_dma source(%dma_start3A_70 : memref<200x128xf32, #tpu.memory_space<hbm>>) target(%dma_start3A_68 : memref<200x128xf32, #tpu.memory_space<vmem>>) target_semaphore(%dma_start3A_64 : memref<!tpu.dma_semaphore, #tpu.memory_space<semaphore_mem>>)
        %add3A_71 = arith.constant 0 : i32
        %add3A_72 = arith.constant 1 : i32
        %add3A_73 = arith.addi %add3A_71, %add3A_72 : i32
        %select_n3A_74 = arith.constant true
        %select_n3A_75 = arith.constant 0 : i32
        %select_n3A_76 = arith.select %select_n3A_74, %add3A_73, %select_n3A_75 : i32
        %while3A = arith.constant 0 : i32
        %while3A_77 = arith.constant 0 : i32
        %while3A_78 = arith.constant 0 : i32
        %while3A_79 = arith.constant 0 : i32
        %while3A_80 = arith.constant 0 : i32
        "tpu.trace_stop"() : () -> ()
        %while3A_81 = arith.subi %mul3A_16, %while3A : i32
        %while3A_82 = arith.addi %while3A, %while3A_81 : i32
        %while3A_83 = arith.constant 1 : i32
        %while3A_84 = arith.divsi %while3A_81, %while3A_83 : i32
        %while3A_85 = arith.muli %while3A_84, %while3A_83 : i32
        %while3A_86 = arith.addi %while3A, %while3A_85 : i32
        %while3A_87 = arith.constant 1 : i32
        %while3A_88:5 = scf.for %while3A_142 = %while3A to %while3A_86 step %while3A_87 iter_args(%while3A_143 = %select_n3A_76, %while3A_144 = %while3A_77, %while3A_145 = %while3A_78, %while3A_146 = %while3A_79, %while3A_147 = %while3A_80) -> (i32, i32, i32, i32, i32)  : i32 {
          %mul3A_148 = arith.constant 1 : i32
          %mul3A_149 = arith.muli %mul3A_148, %select_n3A : i32
          %eq3A_150 = arith.constant 0 : i32
          %eq3A_151 = arith.cmpi eq, %while3A_142, %eq3A_150 : i32
          %sub3A_152 = arith.constant 1 : i32
          %sub3A_153 = arith.subi %mul3A_149, %sub3A_152 : i32
          %eq3A_154 = arith.cmpi eq, %while3A_142, %sub3A_153 : i32
          %add3A_155 = arith.addi %while3A_147, %select_n3A_14 : i32
          %sub3A_156 = arith.constant 1 : i32
          %sub3A_157 = arith.subi %while3A_147, %sub3A_156 : i32
          %select_n3A_158 = arith.constant true
          %select_n3A_159 = arith.select %select_n3A_158, %sub3A_157, %while3A_147 : i32
          %eq3A_160 = arith.constant -1 : i32
          %eq3A_161 = arith.cmpi eq, %select_n3A_159, %eq3A_160 : i32
          %sub3A_162 = arith.constant 1 : i32
          %sub3A_163 = arith.subi %select_n3A, %sub3A_162 : i32
          %select_n3A_164 = arith.select %eq3A_161, %sub3A_163, %select_n3A_159 : i32
          %add3A_165 = arith.addi %select_n3A_164, %select_n3A_14 : i32
          %add3A_166 = arith.constant 1 : i32
          %add3A_167 = arith.addi %while3A_147, %add3A_166 : i32
          %select_n3A_168 = arith.constant true
          %select_n3A_169 = arith.select %select_n3A_168, %add3A_167, %while3A_147 : i32
          %eq3A_170 = arith.cmpi eq, %select_n3A_169, %select_n3A : i32
          %select_n3A_171 = arith.constant 0 : i32
          %select_n3A_172 = arith.select %eq3A_170, %select_n3A_171, %select_n3A_169 : i32
          %add3A_173 = arith.addi %select_n3A_172, %select_n3A_14 : i32
          %add3A_174 = arith.constant 1 : i32
          %add3A_175 = arith.addi %select_n3A_172, %add3A_174 : i32
          %select_n3A_176 = arith.constant true
          %select_n3A_177 = arith.select %select_n3A_176, %add3A_175, %select_n3A_172 : i32
          %eq3A_178 = arith.cmpi eq, %select_n3A_177, %select_n3A : i32
          %select_n3A_179 = arith.constant 0 : i32
          %select_n3A_180 = arith.select %eq3A_178, %select_n3A_179, %select_n3A_177 : i32
          %add3A_181 = arith.addi %select_n3A_180, %select_n3A_14 : i32
          %ne3A = arith.cmpi ne, %add3A_155, %add3A_173 : i32
          %or3A = arith.constant false
          %or3A_182 = arith.ori %or3A, %ne3A : i1
          %or3A_183 = arith.constant false
          %or3A_184 = arith.ori %or3A_182, %or3A_183 : i1
          %sub3A_185 = arith.constant 2 : i32
          %sub3A_186 = arith.subi %mul3A_149, %sub3A_185 : i32
          %add3A_187 = arith.constant 1 : i32
          %add3A_188 = arith.addi %sub3A_186, %add3A_187 : i32
          %ge3A = arith.cmpi sge, %while3A_142, %add3A_188 : i32
          %not3A = arith.constant true
          %not3A_189 = arith.xori %ge3A, %not3A : i1
          %and3A = arith.andi %or3A_184, %not3A_189 : i1
          %convert_element_type3A_190 = arith.extui %and3A : i1 to i32
          %cond3A_191 = arith.constant 0 : i32
          %cond3A_192 = arith.cmpi ne, %convert_element_type3A_190, %cond3A_191 : i32
          scf.if %cond3A_192 {
            "tpu.trace_start"() <{level = 10 : i32, message = "ep_copy_in"}> : () -> ()
            %rem3A_312 = arith.constant 2 : i32
            %rem3A_313 = arith.remui %while3A_143, %rem3A_312 : i32
            %mul3A_314 = arith.constant 200 : i32
            %mul3A_315 = arith.muli %mul3A_314, %add3A_173 : i32
            %dma_start3A_316 = arith.constant 0 : i32
            %dma_start3A_317 = arith.constant 0 : i32
            %dma_start3A_318 = tpu.memref_slice %run_scoped3A[%rem3A_313, %dma_start3A_316, %dma_start3A_317] : memref<2x200x128xf32, #tpu.memory_space<vmem>> -> memref<1x200x128xf32, #tpu.memory_space<vmem>>
            %dma_start3A_319 = tpu.memref_squeeze %dma_start3A_318 : memref<1x200x128xf32, #tpu.memory_space<vmem>> -> memref<200x128xf32, #tpu.memory_space<vmem>>
            %dma_start3A_320 = arith.constant 0 : i32
            %dma_start3A_321 = tpu.memref_slice %arg2[%mul3A_315, %dma_start3A_320] : memref<100000x128xf32, #tpu.memory_space<hbm>> -> memref<200x128xf32, #tpu.memory_space<hbm>>
            %dma_start3A_322 = tpu.memref_slice %run_scoped3A_17[%rem3A_313] : memref<2x!tpu.dma_semaphore, #tpu.memory_space<semaphore_mem>> -> memref<1x!tpu.dma_semaphore, #tpu.memory_space<semaphore_mem>>
            %dma_start3A_323 = tpu.memref_squeeze %dma_start3A_322 : memref<1x!tpu.dma_semaphore, #tpu.memory_space<semaphore_mem>> -> memref<!tpu.dma_semaphore, #tpu.memory_space<semaphore_mem>>
            %dma_start3A_324 = arith.constant 0 : i32
            %dma_start3A_325 = arith.constant 0 : i32
            %dma_start3A_326 = tpu.memref_slice %run_scoped3A[%rem3A_313, %dma_start3A_324, %dma_start3A_325] : memref<2x200x128xf32, #tpu.memory_space<vmem>> -> memref<1x200x128xf32, #tpu.memory_space<vmem>>
            %dma_start3A_327 = tpu.memref_squeeze %dma_start3A_326 : memref<1x200x128xf32, #tpu.memory_space<vmem>> -> memref<200x128xf32, #tpu.memory_space<vmem>>
            %dma_start3A_328 = arith.constant 0 : i32
            %dma_start3A_329 = tpu.memref_slice %arg2[%mul3A_315, %dma_start3A_328] : memref<100000x128xf32, #tpu.memory_space<hbm>> -> memref<200x128xf32, #tpu.memory_space<hbm>>
            tpu.enqueue_dma source(%dma_start3A_329 : memref<200x128xf32, #tpu.memory_space<hbm>>) target(%dma_start3A_327 : memref<200x128xf32, #tpu.memory_space<vmem>>) target_semaphore(%dma_start3A_323 : memref<!tpu.dma_semaphore, #tpu.memory_space<semaphore_mem>>)
            "tpu.trace_stop"() : () -> ()
          } else {
          }
          %and3A_193 = arith.constant true
          %and3A_194 = arith.andi %and3A, %and3A_193 : i1
          %add3A_195 = arith.constant 1 : i32
          %add3A_196 = arith.addi %while3A_143, %add3A_195 : i32
          %select_n3A_197 = arith.select %and3A_194, %add3A_196, %while3A_143 : i32
          %ne3A_198 = arith.cmpi ne, %add3A_155, %add3A_173 : i32
          %or3A_199 = arith.constant false
          %or3A_200 = arith.ori %or3A_199, %ne3A_198 : i1
          %or3A_201 = arith.constant false
          %or3A_202 = arith.ori %or3A_200, %or3A_201 : i1
          %sub3A_203 = arith.constant 2 : i32
          %sub3A_204 = arith.subi %mul3A_149, %sub3A_203 : i32
          %add3A_205 = arith.constant 1 : i32
          %add3A_206 = arith.addi %sub3A_204, %add3A_205 : i32
          %ge3A_207 = arith.cmpi sge, %while3A_142, %add3A_206 : i32
          %not3A_208 = arith.constant true
          %not3A_209 = arith.xori %ge3A_207, %not3A_208 : i1
          %and3A_210 = arith.andi %or3A_202, %not3A_209 : i1
          %ne3A_211 = arith.cmpi ne, %add3A_155, %add3A_165 : i32
          %or3A_212 = arith.constant false
          %or3A_213 = arith.ori %or3A_212, %ne3A_211 : i1
          %or3A_214 = arith.constant false
          %or3A_215 = arith.ori %or3A_213, %or3A_214 : i1
          %or3A_216 = arith.ori %or3A_215, %eq3A_151 : i1
          %convert_element_type3A_217 = arith.extui %or3A_216 : i1 to i32
          %cond3A_218 = arith.constant 0 : i32
          %cond3A_219 = arith.cmpi ne, %convert_element_type3A_217, %cond3A_218 : i32
          scf.if %cond3A_219 {
            "tpu.trace_start"() <{level = 10 : i32, message = "ep_wait_in"}> : () -> ()
            %mul3A_312 = arith.constant 200 : i32
            %mul3A_313 = arith.muli %mul3A_312, %add3A_155 : i32
            %rem3A_314 = arith.constant 2 : i32
            %rem3A_315 = arith.remui %while3A_144, %rem3A_314 : i32
            %dma_wait3A = arith.constant 0 : i32
            %dma_wait3A_316 = arith.constant 0 : i32
            %dma_wait3A_317 = tpu.memref_slice %run_scoped3A[%rem3A_315, %dma_wait3A, %dma_wait3A_316] : memref<2x200x128xf32, #tpu.memory_space<vmem>> -> memref<1x200x128xf32, #tpu.memory_space<vmem>>
            %dma_wait3A_318 = tpu.memref_squeeze %dma_wait3A_317 : memref<1x200x128xf32, #tpu.memory_space<vmem>> -> memref<200x128xf32, #tpu.memory_space<vmem>>
            %dma_wait3A_319 = arith.constant 0 : i32
            %dma_wait3A_320 = tpu.memref_slice %arg2[%mul3A_313, %dma_wait3A_319] : memref<100000x128xf32, #tpu.memory_space<hbm>> -> memref<200x128xf32, #tpu.memory_space<hbm>>
            %dma_wait3A_321 = tpu.memref_slice %run_scoped3A_17[%rem3A_315] : memref<2x!tpu.dma_semaphore, #tpu.memory_space<semaphore_mem>> -> memref<1x!tpu.dma_semaphore, #tpu.memory_space<semaphore_mem>>
            %dma_wait3A_322 = tpu.memref_squeeze %dma_wait3A_321 : memref<1x!tpu.dma_semaphore, #tpu.memory_space<semaphore_mem>> -> memref<!tpu.dma_semaphore, #tpu.memory_space<semaphore_mem>>
            %dma_wait3A_323 = arith.constant 0 : i32
            %dma_wait3A_324 = arith.constant 0 : i32
            %dma_wait3A_325 = tpu.memref_slice %run_scoped3A[%rem3A_315, %dma_wait3A_323, %dma_wait3A_324] : memref<2x200x128xf32, #tpu.memory_space<vmem>> -> memref<1x200x128xf32, #tpu.memory_space<vmem>>
            %dma_wait3A_326 = tpu.memref_squeeze %dma_wait3A_325 : memref<1x200x128xf32, #tpu.memory_space<vmem>> -> memref<200x128xf32, #tpu.memory_space<vmem>>
            %dma_wait3A_327 = arith.constant 0 : i32
            %dma_wait3A_328 = tpu.memref_slice %arg2[%mul3A_313, %dma_wait3A_327] : memref<100000x128xf32, #tpu.memory_space<hbm>> -> memref<200x128xf32, #tpu.memory_space<hbm>>
            tpu.wait_dma2 semaphore(%dma_wait3A_322 : memref<!tpu.dma_semaphore, #tpu.memory_space<semaphore_mem>>) src(%dma_wait3A_328 : memref<200x128xf32, #tpu.memory_space<hbm>>) dst(%dma_wait3A_326 : memref<200x128xf32, #tpu.memory_space<vmem>>)
            "tpu.trace_stop"() : () -> ()
          } else {
          }
          %ne3A_220 = arith.cmpi ne, %add3A_155, %add3A_165 : i32
          %or3A_221 = arith.constant false
          %or3A_222 = arith.ori %or3A_221, %ne3A_220 : i1
          %or3A_223 = arith.constant false
          %or3A_224 = arith.ori %or3A_222, %or3A_223 : i1
          %or3A_225 = arith.ori %or3A_224, %eq3A_151 : i1
          %convert_element_type3A_226 = arith.extui %or3A_225 : i1 to i32
          %cond3A_227 = arith.constant 0 : i32
          %cond3A_228 = arith.cmpi ne, %convert_element_type3A_226, %cond3A_227 : i32
          scf.if %cond3A_228 {
          } else {
          }
          %rem3A_229 = arith.constant 2 : i32
          %rem3A_230 = arith.remui %while3A_144, %rem3A_229 : i32
          %rem3A_231 = arith.constant 2 : i32
          %rem3A_232 = arith.remui %while3A_145, %rem3A_231 : i32
          "tpu.trace_start"() <{level = 10 : i32, message = "ep_run_kernel"}> : () -> ()
          %get3A = arith.index_cast %rem3A_230 : i32 to index
          %get3A_233 = arith.constant 0 : index
          %get3A_234 = arith.constant 0 : index
          %get3A_235 = tpu.vector_load %run_scoped3A[%get3A, %get3A_233, %get3A_234] {strides = array<i32>} : memref<2x200x128xf32, #tpu.memory_space<vmem>>, vector<1x200x128xf32>,
          %get3A_236 = vector.shape_cast %get3A_235 : vector<1x200x128xf32> to vector<200x128xf32>
          %swap3A = arith.index_cast %rem3A_232 : i32 to index
          %swap3A_237 = arith.constant 0 : index
          %swap3A_238 = arith.constant 0 : index
          %swap3A_239 = tpu.vector_load %run_scoped3A_18[%swap3A, %swap3A_237, %swap3A_238] {strides = array<i32>} : memref<2x200x128xf32, #tpu.memory_space<vmem>>, vector<1x200x128xf32>,
          %swap3A_240 = vector.shape_cast %swap3A_239 : vector<1x200x128xf32> to vector<200x128xf32>
          %swap3A_241 = vector.shape_cast %get3A_236 : vector<200x128xf32> to vector<1x200x128xf32>
          tpu.vector_store %run_scoped3A_18[%swap3A, %swap3A_237, %swap3A_238], %swap3A_241 {strides = array<i32>} : memref<2x200x128xf32, #tpu.memory_space<vmem>>, vector<1x200x128xf32>,
          "tpu.trace_stop"() : () -> ()
          %ne3A_242 = arith.cmpi ne, %add3A_155, %add3A_173 : i32
          %or3A_243 = arith.constant false
          %or3A_244 = arith.ori %or3A_243, %ne3A_242 : i1
          %or3A_245 = arith.constant false
          %or3A_246 = arith.ori %or3A_244, %or3A_245 : i1
          %or3A_247 = arith.ori %or3A_246, %eq3A_154 : i1
          %convert_element_type3A_248 = arith.extui %or3A_247 : i1 to i32
          %cond3A_249 = arith.constant 0 : i32
          %cond3A_250 = arith.cmpi ne, %convert_element_type3A_248, %cond3A_249 : i32
          scf.if %cond3A_250 {
          } else {
          }
          %and3A_251 = arith.constant false
          %and3A_252 = arith.andi %or3A_247, %and3A_251 : i1
          %ne3A_253 = arith.cmpi ne, %add3A_155, %add3A_173 : i32
          %or3A_254 = arith.constant false
          %or3A_255 = arith.ori %or3A_254, %ne3A_253 : i1
          %or3A_256 = arith.constant false
          %or3A_257 = arith.ori %or3A_255, %or3A_256 : i1
          %or3A_258 = arith.ori %or3A_257, %eq3A_154 : i1
          %convert_element_type3A_259 = arith.extui %or3A_258 : i1 to i32
          %cond3A_260 = arith.constant 0 : i32
          %cond3A_261 = arith.cmpi ne, %convert_element_type3A_259, %cond3A_260 : i32
          scf.if %cond3A_261 {
            "tpu.trace_start"() <{level = 10 : i32, message = "ep_copy_out"}> : () -> ()
            %rem3A_312 = arith.constant 2 : i32
            %rem3A_313 = arith.remui %while3A_145, %rem3A_312 : i32
            %mul3A_314 = arith.constant 200 : i32
            %mul3A_315 = arith.muli %mul3A_314, %add3A_155 : i32
            %dma_start3A_316 = arith.constant 0 : i32
            %dma_start3A_317 = arith.constant 0 : i32
            %dma_start3A_318 = tpu.memref_slice %run_scoped3A_18[%rem3A_313, %dma_start3A_316, %dma_start3A_317] : memref<2x200x128xf32, #tpu.memory_space<vmem>> -> memref<1x200x128xf32, #tpu.memory_space<vmem>>
            %dma_start3A_319 = tpu.memref_squeeze %dma_start3A_318 : memref<1x200x128xf32, #tpu.memory_space<vmem>> -> memref<200x128xf32, #tpu.memory_space<vmem>>
            %dma_start3A_320 = arith.constant 0 : i32
            %dma_start3A_321 = tpu.memref_slice %arg3[%mul3A_315, %dma_start3A_320] : memref<100000x128xf32, #tpu.memory_space<hbm>> -> memref<200x128xf32, #tpu.memory_space<hbm>>
            %dma_start3A_322 = tpu.memref_slice %run_scoped3A_19[%rem3A_313] : memref<2x!tpu.dma_semaphore, #tpu.memory_space<semaphore_mem>> -> memref<1x!tpu.dma_semaphore, #tpu.memory_space<semaphore_mem>>
            %dma_start3A_323 = tpu.memref_squeeze %dma_start3A_322 : memref<1x!tpu.dma_semaphore, #tpu.memory_space<semaphore_mem>> -> memref<!tpu.dma_semaphore, #tpu.memory_space<semaphore_mem>>
            %dma_start3A_324 = arith.constant 0 : i32
            %dma_start3A_325 = tpu.memref_slice %arg3[%mul3A_315, %dma_start3A_324] : memref<100000x128xf32, #tpu.memory_space<hbm>> -> memref<200x128xf32, #tpu.memory_space<hbm>>
            %dma_start3A_326 = arith.constant 0 : i32
            %dma_start3A_327 = arith.constant 0 : i32
            %dma_start3A_328 = tpu.memref_slice %run_scoped3A_18[%rem3A_313, %dma_start3A_326, %dma_start3A_327] : memref<2x200x128xf32, #tpu.memory_space<vmem>> -> memref<1x200x128xf32, #tpu.memory_space<vmem>>
            %dma_start3A_329 = tpu.memref_squeeze %dma_start3A_328 : memref<1x200x128xf32, #tpu.memory_space<vmem>> -> memref<200x128xf32, #tpu.memory_space<vmem>>
            tpu.enqueue_dma source(%dma_start3A_329 : memref<200x128xf32, #tpu.memory_space<vmem>>) target(%dma_start3A_325 : memref<200x128xf32, #tpu.memory_space<hbm>>) target_semaphore(%dma_start3A_323 : memref<!tpu.dma_semaphore, #tpu.memory_space<semaphore_mem>>)
            "tpu.trace_stop"() : () -> ()
          } else {
          }
          %and3A_262 = arith.constant true
          %and3A_263 = arith.andi %or3A_258, %and3A_262 : i1
          %add3A_264 = arith.constant 1 : i32
          %add3A_265 = arith.addi %while3A_145, %add3A_264 : i32
          %select_n3A_266 = arith.select %and3A_263, %add3A_265, %while3A_145 : i32
          %ne3A_267 = arith.cmpi ne, %add3A_155, %add3A_165 : i32
          %or3A_268 = arith.constant false
          %or3A_269 = arith.ori %or3A_268, %ne3A_267 : i1
          %or3A_270 = arith.constant false
          %or3A_271 = arith.ori %or3A_269, %or3A_270 : i1
          %not3A_272 = arith.constant true
          %not3A_273 = arith.xori %eq3A_151, %not3A_272 : i1
          %and3A_274 = arith.andi %or3A_271, %not3A_273 : i1
          %convert_element_type3A_275 = arith.extui %and3A_274 : i1 to i32
          %cond3A_276 = arith.constant 0 : i32
          %cond3A_277 = arith.cmpi ne, %convert_element_type3A_275, %cond3A_276 : i32
          scf.if %cond3A_277 {
          } else {
          }
          %and3A_278 = arith.constant false
          %and3A_279 = arith.andi %and3A_274, %and3A_278 : i1
          %ne3A_280 = arith.cmpi ne, %add3A_155, %add3A_165 : i32
          %or3A_281 = arith.constant false
          %or3A_282 = arith.ori %or3A_281, %ne3A_280 : i1
          %or3A_283 = arith.constant false
          %or3A_284 = arith.ori %or3A_282, %or3A_283 : i1
          %not3A_285 = arith.constant true
          %not3A_286 = arith.xori %eq3A_151, %not3A_285 : i1
          %and3A_287 = arith.andi %or3A_284, %not3A_286 : i1
          %convert_element_type3A_288 = arith.extui %and3A_287 : i1 to i32
          %cond3A_289 = arith.constant 0 : i32
          %cond3A_290 = arith.cmpi ne, %convert_element_type3A_288, %cond3A_289 : i32
          scf.if %cond3A_290 {
            "tpu.trace_start"() <{level = 10 : i32, message = "ep_wait_out"}> : () -> ()
            %rem3A_312 = arith.constant 2 : i32
            %rem3A_313 = arith.remui %while3A_146, %rem3A_312 : i32
            %mul3A_314 = arith.constant 200 : i32
            %mul3A_315 = arith.muli %mul3A_314, %add3A_165 : i32
            %dma_wait3A = arith.constant 0 : i32
            %dma_wait3A_316 = arith.constant 0 : i32
            %dma_wait3A_317 = tpu.memref_slice %run_scoped3A_18[%rem3A_313, %dma_wait3A, %dma_wait3A_316] : memref<2x200x128xf32, #tpu.memory_space<vmem>> -> memref<1x200x128xf32, #tpu.memory_space<vmem>>
            %dma_wait3A_318 = tpu.memref_squeeze %dma_wait3A_317 : memref<1x200x128xf32, #tpu.memory_space<vmem>> -> memref<200x128xf32, #tpu.memory_space<vmem>>
            %dma_wait3A_319 = arith.constant 0 : i32
            %dma_wait3A_320 = tpu.memref_slice %arg3[%mul3A_315, %dma_wait3A_319] : memref<100000x128xf32, #tpu.memory_space<hbm>> -> memref<200x128xf32, #tpu.memory_space<hbm>>
            %dma_wait3A_321 = tpu.memref_slice %run_scoped3A_19[%rem3A_313] : memref<2x!tpu.dma_semaphore, #tpu.memory_space<semaphore_mem>> -> memref<1x!tpu.dma_semaphore, #tpu.memory_space<semaphore_mem>>
            %dma_wait3A_322 = tpu.memref_squeeze %dma_wait3A_321 : memref<1x!tpu.dma_semaphore, #tpu.memory_space<semaphore_mem>> -> memref<!tpu.dma_semaphore, #tpu.memory_space<semaphore_mem>>
            %dma_wait3A_323 = arith.constant 0 : i32
            %dma_wait3A_324 = tpu.memref_slice %arg3[%mul3A_315, %dma_wait3A_323] : memref<100000x128xf32, #tpu.memory_space<hbm>> -> memref<200x128xf32, #tpu.memory_space<hbm>>
            %dma_wait3A_325 = arith.constant 0 : i32
            %dma_wait3A_326 = arith.constant 0 : i32
            %dma_wait3A_327 = tpu.memref_slice %run_scoped3A_18[%rem3A_313, %dma_wait3A_325, %dma_wait3A_326] : memref<2x200x128xf32, #tpu.memory_space<vmem>> -> memref<1x200x128xf32, #tpu.memory_space<vmem>>
            %dma_wait3A_328 = tpu.memref_squeeze %dma_wait3A_327 : memref<1x200x128xf32, #tpu.memory_space<vmem>> -> memref<200x128xf32, #tpu.memory_space<vmem>>
            tpu.wait_dma2 semaphore(%dma_wait3A_322 : memref<!tpu.dma_semaphore, #tpu.memory_space<semaphore_mem>>) src(%dma_wait3A_328 : memref<200x128xf32, #tpu.memory_space<vmem>>) dst(%dma_wait3A_324 : memref<200x128xf32, #tpu.memory_space<hbm>>)
            "tpu.trace_stop"() : () -> ()
          } else {
          }
          %and3A_291 = arith.constant true
          %and3A_292 = arith.andi %and3A_287, %and3A_291 : i1
          %add3A_293 = arith.constant 1 : i32
          %add3A_294 = arith.addi %while3A_146, %add3A_293 : i32
          %select_n3A_295 = arith.select %and3A_292, %add3A_294, %while3A_146 : i32
          %ne3A_296 = arith.cmpi ne, %add3A_155, %add3A_173 : i32
          %or3A_297 = arith.constant false
          %or3A_298 = arith.ori %or3A_297, %ne3A_296 : i1
          %or3A_299 = arith.constant false
          %or3A_300 = arith.ori %or3A_298, %or3A_299 : i1
          %or3A_301 = arith.ori %or3A_300, %eq3A_154 : i1
          %add3A_302 = arith.constant 1 : i32
          %add3A_303 = arith.addi %while3A_144, %add3A_302 : i32
          %select_n3A_304 = arith.select %or3A_301, %add3A_303, %while3A_144 : i32
          %add3A_305 = arith.constant 1 : i32
          %add3A_306 = arith.addi %while3A_147, %add3A_305 : i32
          %select_n3A_307 = arith.constant true
          %select_n3A_308 = arith.select %select_n3A_307, %add3A_306, %while3A_147 : i32
          %eq3A_309 = arith.cmpi eq, %select_n3A_308, %select_n3A : i32
          %select_n3A_310 = arith.constant 0 : i32
          %select_n3A_311 = arith.select %eq3A_309, %select_n3A_310, %select_n3A_308 : i32
          scf.yield %select_n3A_197, %select_n3A_304, %select_n3A_266, %select_n3A_295, %select_n3A_311 : i32, i32, i32, i32, i32
        }
        %while3A_89 = arith.constant 1 : i32
        %while3A_90:5 = scf.for %while3A_142 = %while3A_86 to %while3A_82 step %while3A_89 iter_args(%while3A_143 = %while3A_88#0, %while3A_144 = %while3A_88#1, %while3A_145 = %while3A_88#2, %while3A_146 = %while3A_88#3, %while3A_147 = %while3A_88#4) -> (i32, i32, i32, i32, i32)  : i32 {
          %mul3A_148 = arith.constant 1 : i32
          %mul3A_149 = arith.muli %mul3A_148, %select_n3A : i32
          %eq3A_150 = arith.constant 0 : i32
          %eq3A_151 = arith.cmpi eq, %while3A_142, %eq3A_150 : i32
          %sub3A_152 = arith.constant 1 : i32
          %sub3A_153 = arith.subi %mul3A_149, %sub3A_152 : i32
          %eq3A_154 = arith.cmpi eq, %while3A_142, %sub3A_153 : i32
          %add3A_155 = arith.addi %while3A_147, %select_n3A_14 : i32
          %sub3A_156 = arith.constant 1 : i32
          %sub3A_157 = arith.subi %while3A_147, %sub3A_156 : i32
          %select_n3A_158 = arith.constant true
          %select_n3A_159 = arith.select %select_n3A_158, %sub3A_157, %while3A_147 : i32
          %eq3A_160 = arith.constant -1 : i32
          %eq3A_161 = arith.cmpi eq, %select_n3A_159, %eq3A_160 : i32
          %sub3A_162 = arith.constant 1 : i32
          %sub3A_163 = arith.subi %select_n3A, %sub3A_162 : i32
          %select_n3A_164 = arith.select %eq3A_161, %sub3A_163, %select_n3A_159 : i32
          %add3A_165 = arith.addi %select_n3A_164, %select_n3A_14 : i32
          %add3A_166 = arith.constant 1 : i32
          %add3A_167 = arith.addi %while3A_147, %add3A_166 : i32
          %select_n3A_168 = arith.constant true
          %select_n3A_169 = arith.select %select_n3A_168, %add3A_167, %while3A_147 : i32
          %eq3A_170 = arith.cmpi eq, %select_n3A_169, %select_n3A : i32
          %select_n3A_171 = arith.constant 0 : i32
          %select_n3A_172 = arith.select %eq3A_170, %select_n3A_171, %select_n3A_169 : i32
          %add3A_173 = arith.addi %select_n3A_172, %select_n3A_14 : i32
          %add3A_174 = arith.constant 1 : i32
          %add3A_175 = arith.addi %select_n3A_172, %add3A_174 : i32
          %select_n3A_176 = arith.constant true
          %select_n3A_177 = arith.select %select_n3A_176, %add3A_175, %select_n3A_172 : i32
          %eq3A_178 = arith.cmpi eq, %select_n3A_177, %select_n3A : i32
          %select_n3A_179 = arith.constant 0 : i32
          %select_n3A_180 = arith.select %eq3A_178, %select_n3A_179, %select_n3A_177 : i32
          %add3A_181 = arith.addi %select_n3A_180, %select_n3A_14 : i32
          %ne3A = arith.cmpi ne, %add3A_155, %add3A_173 : i32
          %or3A = arith.constant false
          %or3A_182 = arith.ori %or3A, %ne3A : i1
          %or3A_183 = arith.constant false
          %or3A_184 = arith.ori %or3A_182, %or3A_183 : i1
          %sub3A_185 = arith.constant 2 : i32
          %sub3A_186 = arith.subi %mul3A_149, %sub3A_185 : i32
          %add3A_187 = arith.constant 1 : i32
          %add3A_188 = arith.addi %sub3A_186, %add3A_187 : i32
          %ge3A = arith.cmpi sge, %while3A_142, %add3A_188 : i32
          %not3A = arith.constant true
          %not3A_189 = arith.xori %ge3A, %not3A : i1
          %and3A = arith.andi %or3A_184, %not3A_189 : i1
          %convert_element_type3A_190 = arith.extui %and3A : i1 to i32
          %cond3A_191 = arith.constant 0 : i32
          %cond3A_192 = arith.cmpi ne, %convert_element_type3A_190, %cond3A_191 : i32
          scf.if %cond3A_192 {
            "tpu.trace_start"() <{level = 10 : i32, message = "ep_copy_in"}> : () -> ()
            %rem3A_312 = arith.constant 2 : i32
            %rem3A_313 = arith.remui %while3A_143, %rem3A_312 : i32
            %mul3A_314 = arith.constant 200 : i32
            %mul3A_315 = arith.muli %mul3A_314, %add3A_173 : i32
            %dma_start3A_316 = arith.constant 0 : i32
            %dma_start3A_317 = arith.constant 0 : i32
            %dma_start3A_318 = tpu.memref_slice %run_scoped3A[%rem3A_313, %dma_start3A_316, %dma_start3A_317] : memref<2x200x128xf32, #tpu.memory_space<vmem>> -> memref<1x200x128xf32, #tpu.memory_space<vmem>>
            %dma_start3A_319 = tpu.memref_squeeze %dma_start3A_318 : memref<1x200x128xf32, #tpu.memory_space<vmem>> -> memref<200x128xf32, #tpu.memory_space<vmem>>
            %dma_start3A_320 = arith.constant 0 : i32
            %dma_start3A_321 = tpu.memref_slice %arg2[%mul3A_315, %dma_start3A_320] : memref<100000x128xf32, #tpu.memory_space<hbm>> -> memref<200x128xf32, #tpu.memory_space<hbm>>
            %dma_start3A_322 = tpu.memref_slice %run_scoped3A_17[%rem3A_313] : memref<2x!tpu.dma_semaphore, #tpu.memory_space<semaphore_mem>> -> memref<1x!tpu.dma_semaphore, #tpu.memory_space<semaphore_mem>>
            %dma_start3A_323 = tpu.memref_squeeze %dma_start3A_322 : memref<1x!tpu.dma_semaphore, #tpu.memory_space<semaphore_mem>> -> memref<!tpu.dma_semaphore, #tpu.memory_space<semaphore_mem>>
            %dma_start3A_324 = arith.constant 0 : i32
            %dma_start3A_325 = arith.constant 0 : i32
            %dma_start3A_326 = tpu.memref_slice %run_scoped3A[%rem3A_313, %dma_start3A_324, %dma_start3A_325] : memref<2x200x128xf32, #tpu.memory_space<vmem>> -> memref<1x200x128xf32, #tpu.memory_space<vmem>>
            %dma_start3A_327 = tpu.memref_squeeze %dma_start3A_326 : memref<1x200x128xf32, #tpu.memory_space<vmem>> -> memref<200x128xf32, #tpu.memory_space<vmem>>
            %dma_start3A_328 = arith.constant 0 : i32
            %dma_start3A_329 = tpu.memref_slice %arg2[%mul3A_315, %dma_start3A_328] : memref<100000x128xf32, #tpu.memory_space<hbm>> -> memref<200x128xf32, #tpu.memory_space<hbm>>
            tpu.enqueue_dma source(%dma_start3A_329 : memref<200x128xf32, #tpu.memory_space<hbm>>) target(%dma_start3A_327 : memref<200x128xf32, #tpu.memory_space<vmem>>) target_semaphore(%dma_start3A_323 : memref<!tpu.dma_semaphore, #tpu.memory_space<semaphore_mem>>)
            "tpu.trace_stop"() : () -> ()
          } else {
          }
          %and3A_193 = arith.constant true
          %and3A_194 = arith.andi %and3A, %and3A_193 : i1
          %add3A_195 = arith.constant 1 : i32
          %add3A_196 = arith.addi %while3A_143, %add3A_195 : i32
          %select_n3A_197 = arith.select %and3A_194, %add3A_196, %while3A_143 : i32
          %ne3A_198 = arith.cmpi ne, %add3A_155, %add3A_173 : i32
          %or3A_199 = arith.constant false
          %or3A_200 = arith.ori %or3A_199, %ne3A_198 : i1
          %or3A_201 = arith.constant false
          %or3A_202 = arith.ori %or3A_200, %or3A_201 : i1
          %sub3A_203 = arith.constant 2 : i32
          %sub3A_204 = arith.subi %mul3A_149, %sub3A_203 : i32
          %add3A_205 = arith.constant 1 : i32
          %add3A_206 = arith.addi %sub3A_204, %add3A_205 : i32
          %ge3A_207 = arith.cmpi sge, %while3A_142, %add3A_206 : i32
          %not3A_208 = arith.constant true
          %not3A_209 = arith.xori %ge3A_207, %not3A_208 : i1
          %and3A_210 = arith.andi %or3A_202, %not3A_209 : i1
          %ne3A_211 = arith.cmpi ne, %add3A_155, %add3A_165 : i32
          %or3A_212 = arith.constant false
          %or3A_213 = arith.ori %or3A_212, %ne3A_211 : i1
          %or3A_214 = arith.constant false
          %or3A_215 = arith.ori %or3A_213, %or3A_214 : i1
          %or3A_216 = arith.ori %or3A_215, %eq3A_151 : i1
          %convert_element_type3A_217 = arith.extui %or3A_216 : i1 to i32
          %cond3A_218 = arith.constant 0 : i32
          %cond3A_219 = arith.cmpi ne, %convert_element_type3A_217, %cond3A_218 : i32
          scf.if %cond3A_219 {
            "tpu.trace_start"() <{level = 10 : i32, message = "ep_wait_in"}> : () -> ()
            %mul3A_312 = arith.constant 200 : i32
            %mul3A_313 = arith.muli %mul3A_312, %add3A_155 : i32
            %rem3A_314 = arith.constant 2 : i32
            %rem3A_315 = arith.remui %while3A_144, %rem3A_314 : i32
            %dma_wait3A = arith.constant 0 : i32
            %dma_wait3A_316 = arith.constant 0 : i32
            %dma_wait3A_317 = tpu.memref_slice %run_scoped3A[%rem3A_315, %dma_wait3A, %dma_wait3A_316] : memref<2x200x128xf32, #tpu.memory_space<vmem>> -> memref<1x200x128xf32, #tpu.memory_space<vmem>>
            %dma_wait3A_318 = tpu.memref_squeeze %dma_wait3A_317 : memref<1x200x128xf32, #tpu.memory_space<vmem>> -> memref<200x128xf32, #tpu.memory_space<vmem>>
            %dma_wait3A_319 = arith.constant 0 : i32
            %dma_wait3A_320 = tpu.memref_slice %arg2[%mul3A_313, %dma_wait3A_319] : memref<100000x128xf32, #tpu.memory_space<hbm>> -> memref<200x128xf32, #tpu.memory_space<hbm>>
            %dma_wait3A_321 = tpu.memref_slice %run_scoped3A_17[%rem3A_315] : memref<2x!tpu.dma_semaphore, #tpu.memory_space<semaphore_mem>> -> memref<1x!tpu.dma_semaphore, #tpu.memory_space<semaphore_mem>>
            %dma_wait3A_322 = tpu.memref_squeeze %dma_wait3A_321 : memref<1x!tpu.dma_semaphore, #tpu.memory_space<semaphore_mem>> -> memref<!tpu.dma_semaphore, #tpu.memory_space<semaphore_mem>>
            %dma_wait3A_323 = arith.constant 0 : i32
            %dma_wait3A_324 = arith.constant 0 : i32
            %dma_wait3A_325 = tpu.memref_slice %run_scoped3A[%rem3A_315, %dma_wait3A_323, %dma_wait3A_324] : memref<2x200x128xf32, #tpu.memory_space<vmem>> -> memref<1x200x128xf32, #tpu.memory_space<vmem>>
            %dma_wait3A_326 = tpu.memref_squeeze %dma_wait3A_325 : memref<1x200x128xf32, #tpu.memory_space<vmem>> -> memref<200x128xf32, #tpu.memory_space<vmem>>
            %dma_wait3A_327 = arith.constant 0 : i32
            %dma_wait3A_328 = tpu.memref_slice %arg2[%mul3A_313, %dma_wait3A_327] : memref<100000x128xf32, #tpu.memory_space<hbm>> -> memref<200x128xf32, #tpu.memory_space<hbm>>
            tpu.wait_dma2 semaphore(%dma_wait3A_322 : memref<!tpu.dma_semaphore, #tpu.memory_space<semaphore_mem>>) src(%dma_wait3A_328 : memref<200x128xf32, #tpu.memory_space<hbm>>) dst(%dma_wait3A_326 : memref<200x128xf32, #tpu.memory_space<vmem>>)
            "tpu.trace_stop"() : () -> ()
          } else {
          }
          %ne3A_220 = arith.cmpi ne, %add3A_155, %add3A_165 : i32
          %or3A_221 = arith.constant false
          %or3A_222 = arith.ori %or3A_221, %ne3A_220 : i1
          %or3A_223 = arith.constant false
          %or3A_224 = arith.ori %or3A_222, %or3A_223 : i1
          %or3A_225 = arith.ori %or3A_224, %eq3A_151 : i1
          %convert_element_type3A_226 = arith.extui %or3A_225 : i1 to i32
          %cond3A_227 = arith.constant 0 : i32
          %cond3A_228 = arith.cmpi ne, %convert_element_type3A_226, %cond3A_227 : i32
          scf.if %cond3A_228 {
          } else {
          }
          %rem3A_229 = arith.constant 2 : i32
          %rem3A_230 = arith.remui %while3A_144, %rem3A_229 : i32
          %rem3A_231 = arith.constant 2 : i32
          %rem3A_232 = arith.remui %while3A_145, %rem3A_231 : i32
          "tpu.trace_start"() <{level = 10 : i32, message = "ep_run_kernel"}> : () -> ()
          %get3A = arith.index_cast %rem3A_230 : i32 to index
          %get3A_233 = arith.constant 0 : index
          %get3A_234 = arith.constant 0 : index
          %get3A_235 = tpu.vector_load %run_scoped3A[%get3A, %get3A_233, %get3A_234] {strides = array<i32>} : memref<2x200x128xf32, #tpu.memory_space<vmem>>, vector<1x200x128xf32>,
          %get3A_236 = vector.shape_cast %get3A_235 : vector<1x200x128xf32> to vector<200x128xf32>
          %swap3A = arith.index_cast %rem3A_232 : i32 to index
          %swap3A_237 = arith.constant 0 : index
          %swap3A_238 = arith.constant 0 : index
          %swap3A_239 = tpu.vector_load %run_scoped3A_18[%swap3A, %swap3A_237, %swap3A_238] {strides = array<i32>} : memref<2x200x128xf32, #tpu.memory_space<vmem>>, vector<1x200x128xf32>,
          %swap3A_240 = vector.shape_cast %swap3A_239 : vector<1x200x128xf32> to vector<200x128xf32>
          %swap3A_241 = vector.shape_cast %get3A_236 : vector<200x128xf32> to vector<1x200x128xf32>
          tpu.vector_store %run_scoped3A_18[%swap3A, %swap3A_237, %swap3A_238], %swap3A_241 {strides = array<i32>} : memref<2x200x128xf32, #tpu.memory_space<vmem>>, vector<1x200x128xf32>,
          "tpu.trace_stop"() : () -> ()
          %ne3A_242 = arith.cmpi ne, %add3A_155, %add3A_173 : i32
          %or3A_243 = arith.constant false
          %or3A_244 = arith.ori %or3A_243, %ne3A_242 : i1
          %or3A_245 = arith.constant false
          %or3A_246 = arith.ori %or3A_244, %or3A_245 : i1
          %or3A_247 = arith.ori %or3A_246, %eq3A_154 : i1
          %convert_element_type3A_248 = arith.extui %or3A_247 : i1 to i32
          %cond3A_249 = arith.constant 0 : i32
          %cond3A_250 = arith.cmpi ne, %convert_element_type3A_248, %cond3A_249 : i32
          scf.if %cond3A_250 {
          } else {
          }
          %and3A_251 = arith.constant false
          %and3A_252 = arith.andi %or3A_247, %and3A_251 : i1
          %ne3A_253 = arith.cmpi ne, %add3A_155, %add3A_173 : i32
          %or3A_254 = arith.constant false
          %or3A_255 = arith.ori %or3A_254, %ne3A_253 : i1
          %or3A_256 = arith.constant false
          %or3A_257 = arith.ori %or3A_255, %or3A_256 : i1
          %or3A_258 = arith.ori %or3A_257, %eq3A_154 : i1
          %convert_element_type3A_259 = arith.extui %or3A_258 : i1 to i32
          %cond3A_260 = arith.constant 0 : i32
          %cond3A_261 = arith.cmpi ne, %convert_element_type3A_259, %cond3A_260 : i32
          scf.if %cond3A_261 {
            "tpu.trace_start"() <{level = 10 : i32, message = "ep_copy_out"}> : () -> ()
            %rem3A_312 = arith.constant 2 : i32
            %rem3A_313 = arith.remui %while3A_145, %rem3A_312 : i32
            %mul3A_314 = arith.constant 200 : i32
            %mul3A_315 = arith.muli %mul3A_314, %add3A_155 : i32
            %dma_start3A_316 = arith.constant 0 : i32
            %dma_start3A_317 = arith.constant 0 : i32
            %dma_start3A_318 = tpu.memref_slice %run_scoped3A_18[%rem3A_313, %dma_start3A_316, %dma_start3A_317] : memref<2x200x128xf32, #tpu.memory_space<vmem>> -> memref<1x200x128xf32, #tpu.memory_space<vmem>>
            %dma_start3A_319 = tpu.memref_squeeze %dma_start3A_318 : memref<1x200x128xf32, #tpu.memory_space<vmem>> -> memref<200x128xf32, #tpu.memory_space<vmem>>
            %dma_start3A_320 = arith.constant 0 : i32
            %dma_start3A_321 = tpu.memref_slice %arg3[%mul3A_315, %dma_start3A_320] : memref<100000x128xf32, #tpu.memory_space<hbm>> -> memref<200x128xf32, #tpu.memory_space<hbm>>
            %dma_start3A_322 = tpu.memref_slice %run_scoped3A_19[%rem3A_313] : memref<2x!tpu.dma_semaphore, #tpu.memory_space<semaphore_mem>> -> memref<1x!tpu.dma_semaphore, #tpu.memory_space<semaphore_mem>>
            %dma_start3A_323 = tpu.memref_squeeze %dma_start3A_322 : memref<1x!tpu.dma_semaphore, #tpu.memory_space<semaphore_mem>> -> memref<!tpu.dma_semaphore, #tpu.memory_space<semaphore_mem>>
            %dma_start3A_324 = arith.constant 0 : i32
            %dma_start3A_325 = tpu.memref_slice %arg3[%mul3A_315, %dma_start3A_324] : memref<100000x128xf32, #tpu.memory_space<hbm>> -> memref<200x128xf32, #tpu.memory_space<hbm>>
            %dma_start3A_326 = arith.constant 0 : i32
            %dma_start3A_327 = arith.constant 0 : i32
            %dma_start3A_328 = tpu.memref_slice %run_scoped3A_18[%rem3A_313, %dma_start3A_326, %dma_start3A_327] : memref<2x200x128xf32, #tpu.memory_space<vmem>> -> memref<1x200x128xf32, #tpu.memory_space<vmem>>
            %dma_start3A_329 = tpu.memref_squeeze %dma_start3A_328 : memref<1x200x128xf32, #tpu.memory_space<vmem>> -> memref<200x128xf32, #tpu.memory_space<vmem>>
            tpu.enqueue_dma source(%dma_start3A_329 : memref<200x128xf32, #tpu.memory_space<vmem>>) target(%dma_start3A_325 : memref<200x128xf32, #tpu.memory_space<hbm>>) target_semaphore(%dma_start3A_323 : memref<!tpu.dma_semaphore, #tpu.memory_space<semaphore_mem>>)
            "tpu.trace_stop"() : () -> ()
          } else {
          }
          %and3A_262 = arith.constant true
          %and3A_263 = arith.andi %or3A_258, %and3A_262 : i1
          %add3A_264 = arith.constant 1 : i32
          %add3A_265 = arith.addi %while3A_145, %add3A_264 : i32
          %select_n3A_266 = arith.select %and3A_263, %add3A_265, %while3A_145 : i32
          %ne3A_267 = arith.cmpi ne, %add3A_155, %add3A_165 : i32
          %or3A_268 = arith.constant false
          %or3A_269 = arith.ori %or3A_268, %ne3A_267 : i1
          %or3A_270 = arith.constant false
          %or3A_271 = arith.ori %or3A_269, %or3A_270 : i1
          %not3A_272 = arith.constant true
          %not3A_273 = arith.xori %eq3A_151, %not3A_272 : i1
          %and3A_274 = arith.andi %or3A_271, %not3A_273 : i1
          %convert_element_type3A_275 = arith.extui %and3A_274 : i1 to i32
          %cond3A_276 = arith.constant 0 : i32
          %cond3A_277 = arith.cmpi ne, %convert_element_type3A_275, %cond3A_276 : i32
          scf.if %cond3A_277 {
          } else {
          }
          %and3A_278 = arith.constant false
          %and3A_279 = arith.andi %and3A_274, %and3A_278 : i1
          %ne3A_280 = arith.cmpi ne, %add3A_155, %add3A_165 : i32
          %or3A_281 = arith.constant false
          %or3A_282 = arith.ori %or3A_281, %ne3A_280 : i1
          %or3A_283 = arith.constant false
          %or3A_284 = arith.ori %or3A_282, %or3A_283 : i1
          %not3A_285 = arith.constant true
          %not3A_286 = arith.xori %eq3A_151, %not3A_285 : i1
          %and3A_287 = arith.andi %or3A_284, %not3A_286 : i1
          %convert_element_type3A_288 = arith.extui %and3A_287 : i1 to i32
          %cond3A_289 = arith.constant 0 : i32
          %cond3A_290 = arith.cmpi ne, %convert_element_type3A_288, %cond3A_289 : i32
          scf.if %cond3A_290 {
            "tpu.trace_start"() <{level = 10 : i32, message = "ep_wait_out"}> : () -> ()
            %rem3A_312 = arith.constant 2 : i32
            %rem3A_313 = arith.remui %while3A_146, %rem3A_312 : i32
            %mul3A_314 = arith.constant 200 : i32
            %mul3A_315 = arith.muli %mul3A_314, %add3A_165 : i32
            %dma_wait3A = arith.constant 0 : i32
            %dma_wait3A_316 = arith.constant 0 : i32
            %dma_wait3A_317 = tpu.memref_slice %run_scoped3A_18[%rem3A_313, %dma_wait3A, %dma_wait3A_316] : memref<2x200x128xf32, #tpu.memory_space<vmem>> -> memref<1x200x128xf32, #tpu.memory_space<vmem>>
            %dma_wait3A_318 = tpu.memref_squeeze %dma_wait3A_317 : memref<1x200x128xf32, #tpu.memory_space<vmem>> -> memref<200x128xf32, #tpu.memory_space<vmem>>
            %dma_wait3A_319 = arith.constant 0 : i32
            %dma_wait3A_320 = tpu.memref_slice %arg3[%mul3A_315, %dma_wait3A_319] : memref<100000x128xf32, #tpu.memory_space<hbm>> -> memref<200x128xf32, #tpu.memory_space<hbm>>
            %dma_wait3A_321 = tpu.memref_slice %run_scoped3A_19[%rem3A_313] : memref<2x!tpu.dma_semaphore, #tpu.memory_space<semaphore_mem>> -> memref<1x!tpu.dma_semaphore, #tpu.memory_space<semaphore_mem>>
            %dma_wait3A_322 = tpu.memref_squeeze %dma_wait3A_321 : memref<1x!tpu.dma_semaphore, #tpu.memory_space<semaphore_mem>> -> memref<!tpu.dma_semaphore, #tpu.memory_space<semaphore_mem>>
            %dma_wait3A_323 = arith.constant 0 : i32
            %dma_wait3A_324 = tpu.memref_slice %arg3[%mul3A_315, %dma_wait3A_323] : memref<100000x128xf32, #tpu.memory_space<hbm>> -> memref<200x128xf32, #tpu.memory_space<hbm>>
            %dma_wait3A_325 = arith.constant 0 : i32
            %dma_wait3A_326 = arith.constant 0 : i32
            %dma_wait3A_327 = tpu.memref_slice %run_scoped3A_18[%rem3A_313, %dma_wait3A_325, %dma_wait3A_326] : memref<2x200x128xf32, #tpu.memory_space<vmem>> -> memref<1x200x128xf32, #tpu.memory_space<vmem>>
            %dma_wait3A_328 = tpu.memref_squeeze %dma_wait3A_327 : memref<1x200x128xf32, #tpu.memory_space<vmem>> -> memref<200x128xf32, #tpu.memory_space<vmem>>
            tpu.wait_dma2 semaphore(%dma_wait3A_322 : memref<!tpu.dma_semaphore, #tpu.memory_space<semaphore_mem>>) src(%dma_wait3A_328 : memref<200x128xf32, #tpu.memory_space<vmem>>) dst(%dma_wait3A_324 : memref<200x128xf32, #tpu.memory_space<hbm>>)
            "tpu.trace_stop"() : () -> ()
          } else {
          }
          %and3A_291 = arith.constant true
          %and3A_292 = arith.andi %and3A_287, %and3A_291 : i1
          %add3A_293 = arith.constant 1 : i32
          %add3A_294 = arith.addi %while3A_146, %add3A_293 : i32
          %select_n3A_295 = arith.select %and3A_292, %add3A_294, %while3A_146 : i32
          %ne3A_296 = arith.cmpi ne, %add3A_155, %add3A_173 : i32
          %or3A_297 = arith.constant false
          %or3A_298 = arith.ori %or3A_297, %ne3A_296 : i1
          %or3A_299 = arith.constant false
          %or3A_300 = arith.ori %or3A_298, %or3A_299 : i1
          %or3A_301 = arith.ori %or3A_300, %eq3A_154 : i1
          %add3A_302 = arith.constant 1 : i32
          %add3A_303 = arith.addi %while3A_144, %add3A_302 : i32
          %select_n3A_304 = arith.select %or3A_301, %add3A_303, %while3A_144 : i32
          %add3A_305 = arith.constant 1 : i32
          %add3A_306 = arith.addi %while3A_147, %add3A_305 : i32
          %select_n3A_307 = arith.constant true
          %select_n3A_308 = arith.select %select_n3A_307, %add3A_306, %while3A_147 : i32
          %eq3A_309 = arith.cmpi eq, %select_n3A_308, %select_n3A : i32
          %select_n3A_310 = arith.constant 0 : i32
          %select_n3A_311 = arith.select %eq3A_309, %select_n3A_310, %select_n3A_308 : i32
          scf.yield %select_n3A_197, %select_n3A_304, %select_n3A_266, %select_n3A_295, %select_n3A_311 : i32, i32, i32, i32, i32
        }
        %sub3A_91 = arith.constant 1 : i32
        %sub3A_92 = arith.subi %while3A_90#4, %sub3A_91 : i32
        %select_n3A_93 = arith.constant true
        %select_n3A_94 = arith.select %select_n3A_93, %sub3A_92, %while3A_90#4 : i32
        %eq3A_95 = arith.constant -1 : i32
        %eq3A_96 = arith.cmpi eq, %select_n3A_94, %eq3A_95 : i32
        %sub3A_97 = arith.constant 1 : i32
        %sub3A_98 = arith.subi %select_n3A, %sub3A_97 : i32
        %select_n3A_99 = arith.select %eq3A_96, %sub3A_98, %select_n3A_94 : i32
        %sub3A_100 = arith.constant 1 : i32
        %sub3A_101 = arith.subi %mul3A_16, %sub3A_100 : i32
        %mul3A_102 = arith.constant 1 : i32
        %mul3A_103 = arith.muli %mul3A_102, %select_n3A : i32
        %eq3A_104 = arith.constant 0 : i32
        %eq3A_105 = arith.cmpi eq, %sub3A_101, %eq3A_104 : i32
        %sub3A_106 = arith.constant 1 : i32
        %sub3A_107 = arith.subi %mul3A_103, %sub3A_106 : i32
        %eq3A_108 = arith.cmpi eq, %sub3A_101, %sub3A_107 : i32
        %add3A_109 = arith.addi %select_n3A_99, %select_n3A_14 : i32
        %sub3A_110 = arith.constant 1 : i32
        %sub3A_111 = arith.subi %select_n3A_99, %sub3A_110 : i32
        %select_n3A_112 = arith.constant true
        %select_n3A_113 = arith.select %select_n3A_112, %sub3A_111, %select_n3A_99 : i32
        %eq3A_114 = arith.constant -1 : i32
        %eq3A_115 = arith.cmpi eq, %select_n3A_113, %eq3A_114 : i32
        %sub3A_116 = arith.constant 1 : i32
        %sub3A_117 = arith.subi %select_n3A, %sub3A_116 : i32
        %select_n3A_118 = arith.select %eq3A_115, %sub3A_117, %select_n3A_113 : i32
        %add3A_119 = arith.addi %select_n3A_118, %select_n3A_14 : i32
        %add3A_120 = arith.constant 1 : i32
        %add3A_121 = arith.addi %select_n3A_99, %add3A_120 : i32
        %select_n3A_122 = arith.constant true
        %select_n3A_123 = arith.select %select_n3A_122, %add3A_121, %select_n3A_99 : i32
        %eq3A_124 = arith.cmpi eq, %select_n3A_123, %select_n3A : i32
        %select_n3A_125 = arith.constant 0 : i32
        %select_n3A_126 = arith.select %eq3A_124, %select_n3A_125, %select_n3A_123 : i32
        %add3A_127 = arith.addi %select_n3A_126, %select_n3A_14 : i32
        %add3A_128 = arith.constant 1 : i32
        %add3A_129 = arith.addi %select_n3A_126, %add3A_128 : i32
        %select_n3A_130 = arith.constant true
        %select_n3A_131 = arith.select %select_n3A_130, %add3A_129, %select_n3A_126 : i32
        %eq3A_132 = arith.cmpi eq, %select_n3A_131, %select_n3A : i32
        %select_n3A_133 = arith.constant 0 : i32
        %select_n3A_134 = arith.select %eq3A_132, %select_n3A_133, %select_n3A_131 : i32
        %add3A_135 = arith.addi %select_n3A_134, %select_n3A_14 : i32
        %convert_element_type3A_136 = arith.extui %eq3A_108 : i1 to i32
        %cond3A_137 = arith.constant 0 : i32
        %cond3A_138 = arith.cmpi ne, %convert_element_type3A_136, %cond3A_137 : i32
        scf.if %cond3A_138 {
        } else {
        }
        %convert_element_type3A_139 = arith.extui %eq3A_108 : i1 to i32
        %cond3A_140 = arith.constant 0 : i32
        %cond3A_141 = arith.cmpi ne, %convert_element_type3A_139, %cond3A_140 : i32
        scf.if %cond3A_141 {
          "tpu.trace_start"() <{level = 10 : i32, message = "ep_finalize"}> : () -> ()
          %rem3A_142 = arith.constant 2 : i32
          %rem3A_143 = arith.remui %while3A_90#3, %rem3A_142 : i32
          %mul3A_144 = arith.constant 200 : i32
          %mul3A_145 = arith.muli %mul3A_144, %add3A_109 : i32
          %dma_wait3A = arith.constant 0 : i32
          %dma_wait3A_146 = arith.constant 0 : i32
          %dma_wait3A_147 = tpu.memref_slice %run_scoped3A_18[%rem3A_143, %dma_wait3A, %dma_wait3A_146] : memref<2x200x128xf32, #tpu.memory_space<vmem>> -> memref<1x200x128xf32, #tpu.memory_space<vmem>>
          %dma_wait3A_148 = tpu.memref_squeeze %dma_wait3A_147 : memref<1x200x128xf32, #tpu.memory_space<vmem>> -> memref<200x128xf32, #tpu.memory_space<vmem>>
          %dma_wait3A_149 = arith.constant 0 : i32
          %dma_wait3A_150 = tpu.memref_slice %arg3[%mul3A_145, %dma_wait3A_149] : memref<100000x128xf32, #tpu.memory_space<hbm>> -> memref<200x128xf32, #tpu.memory_space<hbm>>
          %dma_wait3A_151 = tpu.memref_slice %run_scoped3A_19[%rem3A_143] : memref<2x!tpu.dma_semaphore, #tpu.memory_space<semaphore_mem>> -> memref<1x!tpu.dma_semaphore, #tpu.memory_space<semaphore_mem>>
          %dma_wait3A_152 = tpu.memref_squeeze %dma_wait3A_151 : memref<1x!tpu.dma_semaphore, #tpu.memory_space<semaphore_mem>> -> memref<!tpu.dma_semaphore, #tpu.memory_space<semaphore_mem>>
          %dma_wait3A_153 = arith.constant 0 : i32
          %dma_wait3A_154 = tpu.memref_slice %arg3[%mul3A_145, %dma_wait3A_153] : memref<100000x128xf32, #tpu.memory_space<hbm>> -> memref<200x128xf32, #tpu.memory_space<hbm>>
          %dma_wait3A_155 = arith.constant 0 : i32
          %dma_wait3A_156 = arith.constant 0 : i32
          %dma_wait3A_157 = tpu.memref_slice %run_scoped3A_18[%rem3A_143, %dma_wait3A_155, %dma_wait3A_156] : memref<2x200x128xf32, #tpu.memory_space<vmem>> -> memref<1x200x128xf32, #tpu.memory_space<vmem>>
          %dma_wait3A_158 = tpu.memref_squeeze %dma_wait3A_157 : memref<1x200x128xf32, #tpu.memory_space<vmem>> -> memref<200x128xf32, #tpu.memory_space<vmem>>
          tpu.wait_dma2 semaphore(%dma_wait3A_152 : memref<!tpu.dma_semaphore, #tpu.memory_space<semaphore_mem>>) src(%dma_wait3A_158 : memref<200x128xf32, #tpu.memory_space<vmem>>) dst(%dma_wait3A_154 : memref<200x128xf32, #tpu.memory_space<hbm>>)
          "tpu.trace_stop"() : () -> ()
        } else {
        }
      } else {
      }
      tpu.yield
    }) : () -> ()
    return
  }
}

</mosaic_0001>

<sc_bundles>
// kernel: kernel.3.cloned.1.call-start
scs
__scs_entry_jumppad:
0x0: {  	(pc) =	sbr.rel $0x88, $3  }
0x1: {  	(tag) =	ssettag $0x0;
	lr =	simm.s32 $0x1  }
0x2: {  	[smem:$0x3FA0] =	sst lr;
	_ =	strace $0xD0000000  }
0x3: {  	_ = 	snop  }
0x4: {  	_ = 	snop  }
0x5: {  	_ = 	snop  }
0x6: {  	_ = 	snop  }
0x7: {  	_ = 	snop  }
__scs_overlays_trampoline_lowered:
0x8: {  	[smem:$0x3FAF] =	sst s0  }
0x9: {  	[smem:$0x3FB0] =	sst s1  }
0xa: {  	[smem:$0x3FB1] =	sst s2  }
0xb: {  	[smem:$0x3FB2] =	sst s3  }
0xc: {  	[smem:$0x3FB3] =	sst s4  }
0xd: {  	[smem:$0x3FB4] =	sst s5  }
0xe: {  	[smem:$0x3FB5] =	sst s6  }
0xf: {  	[smem:$0x3FB6] =	sst s7  }
0x10: {  	[smem:$0x3FB7] =	sst s8  }
0x11: {  	[smem:$0x3FB8] =	sst s9;
	s0 =	simm.s32 @!p0 $0x0  }
0x12: {  	s1 =	sld [smem:$0x3F9E];
	s0 =	simm.s32 @p0 $0x1  }
0x13: {  	[smem:$0x3FB9] =	sst s0;
	s0 =	simm.s32 @!p1 $0x0  }
0x14: {  	s2 =	sld [smem:$0x3F9D];
	s0 =	simm.s32 @p1 $0x1  }
0x15: {  	[smem:$0x3FBA] =	sst s0;
	s0 =	simm.s32 @!p2 $0x0  }
0x16: {  	s3 =	sld [smem:$0x3FDB];
	s0 =	simm.s32 @p2 $0x1  }
0x17: {  	s4 =	simm.s32 $0x1BF5;
	[smem:$0x3FBC] =	sst s0  }
0x18: {  	s0 =	sld [smem:$0x3F9F];
	_ =	swait.ge [sflag:s4], $0x0  }
0x19: {  	s7 =	sld [smem:$0x3FA0]  }
0x1a: {  	s8 =	sadd.s32 $0xFFFFE003, lr  }
0x1b: {  	s9 =	sadd.s32 $0xFFFFFEF7, lr;
	s5 =	simm.s32 $0xFFFFFFFF;
	p2 =	slt.u32 s8, $0xFFFFF086  }
0x1c: {  	p1 =	slt.u32 s9, $0xF7A;
	s5 =	simm.s32 @!p2 $0x0  }
0x1d: {  	s5 =	simm.s32 @p1 $0x1;
	p0 =	seq.s32 s7, s2  }
0x1e: {  	s7 =	smul.u32 @!p0 $0xF7A, s2;
	p2 =	seq.s32 @!p0 s5, $0x0  }
0x1f: {  	s9 =	smul.u32 $0xF7A, s1;
	s8 =	simm.s32 @!p0 $0x1BF5;
	p2 =	por !p2, p0  }
0x20: {  	[sflag:s8] =	ssyncset.s32 @!p0 $0xFFFFF086;
	s6 =	sadd.s32 @!p0 s3, s7;
	s7 =	simm.s32 @!p0 $0x108  }
0x21: {  	s3 =	sadd.s32 s3, s9;
	s6 =	sadd.s32 @!p0 $0x88, s6;
	s7 =	simm.s32 @p2 $0x1082  }
0x22: {  	[simem:s7], [sflag:s8] =	dma.local @!p0 [hbm:s6], $0xF7A  }
0x23: {  	s9 =	sor.u32 $0xD0000000, s2;
	s6 =	simm.s32 $0x108;
	_ =	swait.ge @!p0 [sflag:s8], $0x0  }
0x24: {  	s3 =	sadd.s32 $0x88, s3;
	s6 =	simm.s32 @!p1 $0x1082;
	[sflag:s4] =	ssyncset.s32 $0xFFFFF086  }
0x25: {  	[simem:s6], [sflag:s4] =	dma.local [hbm:s3], $0xF7A  }
0x26: {  	[smem:$0x3FA0] =	sst s1;
	(tag) =	ssettag s2;
	_ =	strace s9  }
0x27: {  	s1 =	sld [smem:$0x3FB0]  }
0x28: {  	s2 =	sld [smem:$0x3FB1]  }
0x29: {  	s4 =	sld [smem:$0x3FB3]  }
0x2a: {  	p0 =	seq.s32 s5, $0x0;
	s5 =	sld [smem:$0x3FB4]  }
0x2b: {  	s6 =	sld [smem:$0x3FB5]  }
0x2c: {  	s7 =	sld [smem:$0x3FB6]  }
0x2d: {  	s3 =	simm.s32 $0x108;
	s8 =	sld [smem:$0x3FB7]  }
0x2e: {  	s3 =	simm.s32 @!p0 $0x1082;
	s9 =	sld [smem:$0x3FB8]  }
0x2f: {  	lr =	sadd.s32 s0, s3;
	s0 =	sld [smem:$0x3FAF]  }
0x30: {  	s3 =	sld [smem:$0x3FB2]  }
0x31: {  	[smem:$0x3FBB] =	sst s10  }
0x32: {  	s10 =	sld [smem:$0x3FB9];
	_ =	sdelay $0x3  }
0x33: {  	p0 =	seq.s32 s10, $0x1;
	s10 =	sld [smem:$0x3FBB];
	_ =	sdelay $0x3  }
0x34: {  	[smem:$0x3FBB] =	sst s10  }
0x35: {  	s10 =	sld [smem:$0x3FBA];
	_ =	sdelay $0x3  }
0x36: {  	p1 =	seq.s32 s10, $0x1;
	s10 =	sld [smem:$0x3FBB];
	_ =	sdelay $0x3  }
0x37: {  	[smem:$0x3FBB] =	sst s10  }
0x38: {  	s10 =	sld [smem:$0x3FBC]  }
0x39: {  	_ = 	snop;
	(pc) =	sbr.ind lr, $3  }
0x3a: {  	_ = 	snop  }
0x3b: {  	_ = 	snop  }
0x3c: {  	p2 =	seq.s32 s10, $0x1;
	s10 =	sld [smem:$0x3FBB]  }
0x3d: {  	_ =	shalt  }
0x3e: {  	_ =	shalt  }
0x3f: {  	_ =	shalt  }
0x40: {  	_ =	shalt  }
0x41: {  	_ =	shalt  }
0x42: {  	_ =	shalt  }
0x43: {  	_ =	shalt  }
0x44: {  	_ =	shalt  }
0x45: {  	_ =	shalt  }
0x46: {  	_ =	shalt  }
0x47: {  	_ =	shalt  }
0x48: {  	_ =	shalt  }
0x49: {  	_ =	shalt  }
0x4a: {  	_ =	shalt  }
0x4b: {  	_ =	shalt  }
0x4c: {  	_ =	shalt  }
0x4d: {  	_ =	shalt  }
0x4e: {  	_ =	shalt  }
0x4f: {  	_ =	shalt  }
0x50: {  	_ =	shalt  }
0x51: {  	_ =	shalt  }
0x52: {  	_ =	shalt  }
0x53: {  	_ =	shalt  }
0x54: {  	_ =	shalt  }
0x55: {  	_ =	shalt  }
0x56: {  	_ =	shalt  }
0x57: {  	_ =	shalt  }
0x58: {  	_ =	shalt  }
0x59: {  	_ =	shalt  }
0x5a: {  	_ =	shalt  }
0x5b: {  	_ =	shalt  }
0x5c: {  	_ =	shalt  }
0x5d: {  	_ =	shalt  }
0x5e: {  	_ =	shalt  }
0x5f: {  	_ =	shalt  }
0x60: {  	_ =	shalt  }
0x61: {  	_ =	shalt  }
0x62: {  	_ =	shalt  }
0x63: {  	_ =	shalt  }
0x64: {  	_ =	shalt  }
0x65: {  	_ =	shalt  }
0x66: {  	_ =	shalt  }
0x67: {  	_ =	shalt  }
0x68: {  	_ =	shalt  }
0x69: {  	_ =	shalt  }
0x6a: {  	_ =	shalt  }
0x6b: {  	_ =	shalt  }
0x6c: {  	_ =	shalt  }
0x6d: {  	_ =	shalt  }
0x6e: {  	_ =	shalt  }
0x6f: {  	_ =	shalt  }
0x70: {  	_ =	shalt  }
0x71: {  	_ =	shalt  }
0x72: {  	_ =	shalt  }
0x73: {  	_ =	shalt  }
0x74: {  	_ =	shalt  }
0x75: {  	_ =	shalt  }
0x76: {  	_ =	shalt  }
0x77: {  	_ =	shalt  }
0x78: {  	_ =	shalt  }
0x79: {  	_ =	shalt  }
0x7a: {  	_ =	shalt  }
0x7b: {  	_ =	shalt  }
0x7c: {  	_ =	shalt  }
0x7d: {  	_ =	shalt  }
0x7e: {  	_ =	shalt  }
0x7f: {  	_ =	shalt  }
0x80: {  	_ =	shalt  }
0x81: {  	_ =	shalt  }
0x82: {  	_ =	shalt  }
0x83: {  	_ =	shalt  }
0x84: {  	_ =	shalt  }
0x85: {  	_ =	shalt  }
0x86: {  	_ =	shalt  }
0x87: {  	_ =	shalt  }
.Lfunc_end0:
.L_simem_size_0:
called_computation_lowered:
.L_overlay_start_0:
0x88: {  	s2 =	sld [smem:$0x3FD9]  }
0x89: {  	s3 =	sld [smem:$0x3FFE];
	_ =	sdelay $0x1  }
0x8a: {  	s1 =	srdreg.scid  }
0x8b: {  	s0 =	sand.u32 $0x1, s1  }
0x8c: {  	s18 =	sshll.u32 s0, $0xA;
	s2 =	sadd.s32 s3, s2  }
0x8d: {  	s2 =	sadd.s32 s2, s18  }
0x8e: {  	[smem:$0x3FC7] =	sst s2  }
0x8f: {  	_ = 	snop  }
0x90: {  	s2 =	sld [smem:$0x3FC9]  }
0x91: {  	s19 =	sld [smem:$0x3FD0];
	(tm) =	ssettm $0x1  }
0x92: {  	s4 =	sld [smem:$0x3FFB];
	_ =	sdelay $0x3  }
0x93: {  	_ =	strace s4  }
0x94: {  	s4 =	sld [smem:$0x3FFC];
	_ =	sdelay $0x3  }
0x95: {  	_ =	strace s4  }
0x96: {  	s4 =	sld [smem:$0x3FFD];
	_ =	sdelay $0x3  }
0x97: {  	_ =	strace s4  }
0x98: {  	_ =	strace $0x8FFFFFFF  }
0x99: {  	s20 =	sld [smem:$0x3FDB];
	_ =	sdelay $0x1  }
0x9a: {  	s5 =	simm.s32 $_scs_section_size  }
0x9b: {  	s6 =	simm.s32 $_size__tile_overlayer_lowered;
	s7 =	simm.s32 $_tile_overlayer_lowered  }
0x9c: {  	s23 =	simm.s32 $0x1BFF;
	s22 =	sshll.u32 s7, $0x1;
	s4 =	sadd.s32 s5, s20  }
0x9d: {  	s8 =	simm.s32 $0x0;
	s21 =	sshll.u32 s6, $0x1;
	s6 =	sadd.s32 s22, s4  }
0x9e: {  	[timem:s8], [sflag:s23] =	dma.local [hbm:s6], s21  }
0x9f: {  	_ =	swait.ge [sflag:s23], s21  }
0xa0: {  	s5 =	ssub.s32 $0x0, s21;
	[sflag:s23] =	ssyncset.done $0x0  }
0xa1: {  	[sflag:s23] =	ssyncadd.s32 s5;
	_ =	sdelay $0x1  }
0xa2: {  	s24 =	simm.s32 $0x1B8B  }
0xa3: {  	_ =	swait.ge [sflag:s24], $0x1  }
0xa4: {  	[sflag:s24] =	ssyncset.done $0x0  }
0xa5: {  	s25 =	simm.s32 $0x1B8E;
	[sflag:s24] =	ssyncadd.s32 $0xFFFFFFFF  }
0xa6: {  	s26 =	simm.s32 $execute0_lowered;
	[smem:$0x3FD2] =	sst s25  }
0xa7: {  	s5 =	sshll.u32 s26, $0x1;
	_ =	strace $0x80000046;
	[dreg:$0x1] =	wrdreg $0xFFFFFFFF  }
0xa8: {  	s28 =	simm.s32 $_size_execute0_lowered;
	s4 =	sadd.s32 s4, s5;
	[dreg:$0x0] =	wrdreg $0x0  }
0xa9: {  	s5 =	sshll.u32 s28, $0x1;
	[dreg:$0x2] =	wrdreg s4  }
0xaa: {  	[dreg:$0x3] =	wrdreg s5  }
0xab: {  	[dreg:$0x4] =	wrdreg $0xC0  }
0xac: {  	_ =	task [dreg:s8], $0x5FFFF  }
0xad: {  	[dreg:$0x1] =	wrdreg $0xFFFFFFFF  }
0xae: {  	[dreg:$0x0] =	wrdreg $0x60  }
0xaf: {  	[dreg:$0x2] =	wrdreg s2  }
0xb0: {  	[dreg:$0x3] =	wrdreg s19  }
0xb1: {  	[dreg:$0x4] =	wrdreg $0x9  }
0xb2: {  	_ =	task.clear_ibuf [dreg:s8], $0x5FFFF;
	_ =	strace $0x90000046  }
0xb3: {  	s29 =	simm.s32 $0x9;
	_ =	strace $0x8000004F  }
0xb4: {  	_ =	swait.ge [sflag:s29], $0x1  }
0xb5: {  	[sflag:s29] =	ssyncadd.s32 $0xFFFFFFFF  }
0xb6: {  	_ =	strace $0x9000004F  }
0xb7: {  	_ =	sfence  }
0xb8: {  	s30 =	sld [smem:$0x0];
	_ =	sdelay $0x2  }
0xb9: {  	s31 =	sshll.u32 s1, $0xD;
	s1 =	sshrl.u32 s1, $0x2  }
0xba: {  	s3 =	sand.u32 $0x4000, s31;
	s1 =	sadd.s32 s1, s30  }
0xbb: {  	s0 =	sor.u32 s3, s0;
	s1 =	sshll.u32 s1, $0x11  }
0xbc: {  	s0 =	sor.u32 s1, s0  }
0xbd: {  	s0 =	sadd.s32 $0x8F2B, s0  }
0xbe: {  	[sflag:s0] =	ssyncadd.remote.s32 $0x1  }
0xbf: {  	_ =	sfence.sel $0xFFFF  }
0xc0: {  	[dreg:$0x0] =	wrdreg $0xFFFFFFFF;
	(pc) =	sbr.abs _section_cstart, $3  }
0xc1: {  	[dreg:$0x1] =	wrdreg $0xFFFFFFFF  }
0xc2: {  	_ =	task.clear_ibuf [dreg:s8], $0x2FFFF;
	_ =	strace $0x9FFFFFFF  }
0xc3: {  	(tm) =	ssettm $0x7FFFFFFF  }
tec
execute0_lowered:
.L_overlay_start_1:
0x0: {  	(tag) =	ssettag $0x1  }
0x1: {  	s0 =	srdreg.scid  }
0x2: {  	s5 =	sand.u32 $0x1, s0  }
0x3: {  	s1 =	rddreg [dreg:$0x0];
	s0 =	stileid.u32;
	s2 =	sshll.u32 s5, $0x4  }
0x4: {  	s3 =	rddreg [dreg:$0x1];
	s10 =	simm.s32 $0x6400;
	s4 =	sor.u32 s0, s2  }
0x5: {  	[dreg:$0x4] =	wrdreg s3;
	s3 =	simm.s32 $0x0;
	s6 =	smul.u32 $0xF, s4  }
0x6: {  	[smem:$0x7FF] =	sst s3;
	s30 =	ssub.s32 $0x2, s5;
	s5 =	simm.s32 $0x10  }
0x7: {  	p0 =	slt.u32 s4, $0x14;
	s7 =	sshll.u32 s4, $0x4;
	s4 =	sadd.s32 $0x14, s6  }
0x8: {  	s2 =	rddreg [dreg:$0x2];
	s31 =	sshrl.u32 s30, $0x1;
	s4 =	smov.u32 @p0 s7  }
0x9: {  	_ =	strace $0x80000047;
	s5 =	simm.s32 @!p0 $0xF;
	s8 =	smul.u32 $0xC80, s4  }
0xa: {  	[dreg:$0x3] =	wrdreg s10;
	s9 =	ssub.s32 s30, s31;
	s7 =	sadd.s32 $0xFFFFFFFF, s5  }
0xb: {  	s6 =	sadd.s32 s1, s8;
	s8 =	smax.u32 s9, $0x1;
	s9 =	simm.s32 $0x0  }
.LBB2_1:
0xc: {  	_ =	strace $0x80000048;
	s11 =	simm.s32 $0x0  }
0xd: {  	s10 =	simm.s32 $0x0;
	s12 =	simm.s32 $0x0;
	s13 =	simm.s32 $0x0  }
0xe: {  	[tilespmem:s3], [sflag:$0x1] =	stream.linear.gather [hbm4b:s6+s3], $0x6400, $0x200038;
	[tilespmem:$0x19000] =	vst v63  }
0xf: {  	s14 =	simm.s32 $0x1;
	s15 =	simm.s32 $0x0;
	_ =	strace $0x90000048  }
.LBB2_2:
0x10: {  	s16 =	smov.u32 s11;
	s11 =	sadd.s32 $0x1, s11  }
0x11: {  	p0 =	seq.s32 s11, s5  }
0x12: {  	s11 =	simm.s32 @p0 $0x0  }
0x13: {  	p5 =	slt.s32 s15, s7;
	p1 =	sne.s32 s16, s11  }
0x14: {  	p0 =	por !p5, !p1  }
0x15: {  	p0 =	por !p0, !p0  }
0x16: {  	s17 =	sadd.s32 @p0 s4, s11  }
0x17: {  	s18 =	sand.u32 @p0 $0x1, s14;
	s17 =	smul.u32 @p0 $0x6400, s17  }
0x18: {  	s19 =	smul.u32 @p0 $0x19000, s18  }
0x19: {  	_ =	strace @p0 $0x80000049;
	s20 =	simm.s32 @p0 $0x0;
	s17 =	sshrl.u32 @p0 s17, $0x3  }
0x1a: {  	s18 =	sadd.s32 @p0 $0x1, s18;
	s19 =	sshrl.u32 @p0 s19, $0x2;
	s17 =	sadd.s32 @p0 s1, s17  }
0x1b: {  	[tilespmem:s19], [sflag:s18] =	stream.linear.gather @p0 [hbm4b:s17+s20], $0x6400, $0x200038;
	[tilespmem:$0x19000] =	vst v63  }
0x1c: {  	s29 =	sand.u32 $0x1, s13;
	_ =	strace @p0 $0x90000049  }
0x1d: {  	s30 =	sadd.s32 $0x1, s29;
	_ =	strace $0x8000004A  }
0x1e: {  	_ =	swait.ge [sflag:s30], $0x6400  }
0x1f: {  	[sflag:s30] =	ssyncset.done $0x0  }
0x20: {  	[sflag:s30] =	ssyncadd.s32 $0xFFFF9C00  }
0x21: {  	_ =	strace $0x9000004A  }
0x22: {  	_ =	strace $0x8000004B  }
0x23: {  	p2 =	seq.s32 s29, $0x1;
	s19 =	rddreg [dreg:$0x3]  }
0x24: {  	s19 =	simm.s32 @!p2 $0x0  }
0x25: {  	v0 =	vld [tilespmem:s19+$0x0]  }
0x26: {  	v62 =	vld [tilespmem:s19+$0x10]  }
0x27: {  	v40 =	vld [tilespmem:s19+$0x20]  }
0x28: {  	v63 =	vld [tilespmem:s19+$0x30]  }
0x29: {  	v44 =	vld [tilespmem:s19+$0x40]  }
0x2a: {  	v4 =	vld [tilespmem:s19+$0x50]  }
0x2b: {  	v48 =	vld [tilespmem:s19+$0x60]  }
0x2c: {  	v5 =	vld [tilespmem:s19+$0x70]  }
0x2d: {  	v52 =	vld [tilespmem:s19+$0x80]  }
0x2e: {  	v6 =	vld [tilespmem:s19+$0x90]  }
0x2f: {  	v56 =	vld [tilespmem:s19+$0xA0]  }
0x30: {  	v7 =	vld [tilespmem:s19+$0xB0]  }
0x31: {  	v60 =	vld [tilespmem:s19+$0xC0]  }
0x32: {  	v8 =	vld [tilespmem:s19+$0xD0]  }
0x33: {  	v9 =	vld [tilespmem:s19+$0xE0]  }
0x34: {  	v10 =	vld [tilespmem:s19+$0xF0]  }
0x35: {  	v11 =	vld [tilespmem:s19+$0x100]  }
0x36: {  	v12 =	vld [tilespmem:s19+$0x110]  }
0x37: {  	v13 =	vld [tilespmem:s19+$0x120]  }
0x38: {  	v14 =	vld [tilespmem:s19+$0x130]  }
0x39: {  	v15 =	vld [tilespmem:s19+$0x140]  }
0x3a: {  	v16 =	vld [tilespmem:s19+$0x150]  }
0x3b: {  	v17 =	vld [tilespmem:s19+$0x160]  }
0x3c: {  	v18 =	vld [tilespmem:s19+$0x170]  }
0x3d: {  	v19 =	vld [tilespmem:s19+$0x180]  }
0x3e: {  	v20 =	vld [tilespmem:s19+$0x190]  }
0x3f: {  	v21 =	vld [tilespmem:s19+$0x1A0]  }
0x40: {  	v22 =	vld [tilespmem:s19+$0x1B0]  }
0x41: {  	v23 =	vld [tilespmem:s19+$0x1C0]  }
0x42: {  	v24 =	vld [tilespmem:s19+$0x1D0]  }
0x43: {  	v25 =	vld [tilespmem:s19+$0x1E0]  }
0x44: {  	v26 =	vld [tilespmem:s19+$0x1F0]  }
0x45: {  	v27 =	vld [tilespmem:s19+$0x200]  }
0x46: {  	v28 =	vld [tilespmem:s19+$0x210]  }
0x47: {  	v29 =	vld [tilespmem:s19+$0x220]  }
0x48: {  	v30 =	vld [tilespmem:s19+$0x230]  }
0x49: {  	v31 =	vld [tilespmem:s19+$0x240]  }
0x4a: {  	v32 =	vld [tilespmem:s19+$0x250]  }
0x4b: {  	v33 =	vld [tilespmem:s19+$0x260]  }
0x4c: {  	v61 =	vld [tilespmem:s19+$0x290]  }
0x4d: {  	v34 =	vld [tilespmem:s19+$0x2A0]  }
0x4e: {  	v59 =	vld [tilespmem:s19+$0x2B0]  }
0x4f: {  	v58 =	vld [tilespmem:s19+$0x2C0]  }
0x50: {  	v57 =	vld [tilespmem:s19+$0x2D0]  }
0x51: {  	v35 =	vld [tilespmem:s19+$0x2E0]  }
0x52: {  	v55 =	vld [tilespmem:s19+$0x2F0]  }
0x53: {  	v54 =	vld [tilespmem:s19+$0x300]  }
0x54: {  	v53 =	vld [tilespmem:s19+$0x310]  }
0x55: {  	v36 =	vld [tilespmem:s19+$0x320]  }
0x56: {  	v51 =	vld [tilespmem:s19+$0x330]  }
0x57: {  	v50 =	vld [tilespmem:s19+$0x340]  }
0x58: {  	v49 =	vld [tilespmem:s19+$0x350]  }
0x59: {  	v37 =	vld [tilespmem:s19+$0x360]  }
0x5a: {  	v47 =	vld [tilespmem:s19+$0x370]  }
0x5b: {  	v46 =	vld [tilespmem:s19+$0x380]  }
0x5c: {  	v45 =	vld [tilespmem:s19+$0x390]  }
0x5d: {  	v38 =	vld [tilespmem:s19+$0x3A0]  }
0x5e: {  	v43 =	vld [tilespmem:s19+$0x3B0]  }
0x5f: {  	v42 =	vld [tilespmem:s19+$0x3C0]  }
0x60: {  	v41 =	vld [tilespmem:s19+$0x3D0]  }
0x61: {  	v39 =	vld [tilespmem:s19+$0x3E0]  }
0x62: {  	v3 =	vld [tilespmem:s19+$0x630]  }
0x63: {  	v2 =	vld [tilespmem:s19+$0x640]  }
0x64: {  	v1 =	vld [tilespmem:s19+$0x670];
	[tilespmem:$0x1A3E0] =	vst v0  }
0x65: {  	[tilespmem:$0x1A400] =	vst v63;
	v63 =	vld [tilespmem:s19+$0x270]  }
0x66: {  	[tilespmem:$0x1A3F0] =	vst v62;
	v62 =	vld [tilespmem:s19+$0x280]  }
0x67: {  	[tilespmem:$0x1A640] =	vst v39;
	v39 =	vld [tilespmem:s19+$0x3F0]  }
0x68: {  	[tilespmem:$0x1A630] =	vst v38;
	v38 =	vld [tilespmem:s19+$0x400]  }
0x69: {  	[tilespmem:$0x1A620] =	vst v37;
	v37 =	vld [tilespmem:s19+$0x410]  }
0x6a: {  	[tilespmem:$0x1A610] =	vst v36;
	v36 =	vld [tilespmem:s19+$0x420]  }
0x6b: {  	[tilespmem:$0x1A600] =	vst v35;
	v35 =	vld [tilespmem:s19+$0x430]  }
0x6c: {  	[tilespmem:$0x1A5F0] =	vst v34;
	v34 =	vld [tilespmem:s19+$0x440]  }
0x6d: {  	[tilespmem:$0x1A5E0] =	vst v33;
	v33 =	vld [tilespmem:s19+$0x450]  }
0x6e: {  	[tilespmem:$0x1A5D0] =	vst v32;
	v32 =	vld [tilespmem:s19+$0x460]  }
0x6f: {  	[tilespmem:$0x1A5C0] =	vst v31;
	v31 =	vld [tilespmem:s19+$0x470]  }
0x70: {  	[tilespmem:$0x1A5B0] =	vst v30;
	v30 =	vld [tilespmem:s19+$0x480]  }
0x71: {  	[tilespmem:$0x1A5A0] =	vst v29;
	v29 =	vld [tilespmem:s19+$0x490]  }
0x72: {  	[tilespmem:$0x1A410] =	vst v4;
	v0 =	vld [tilespmem:s19+$0x650]  }
0x73: {  	[tilespmem:$0x1A590] =	vst v28;
	v28 =	vld [tilespmem:s19+$0x4A0]  }
0x74: {  	[tilespmem:$0x1A4F0] =	vst v27;
	v27 =	vld [tilespmem:s19+$0x4B0]  }
0x75: {  	[tilespmem:$0x1A4E0] =	vst v26;
	v26 =	vld [tilespmem:s19+$0x4C0]  }
0x76: {  	[tilespmem:$0x1A500] =	vst v25;
	v25 =	vld [tilespmem:s19+$0x4D0]  }
0x77: {  	[tilespmem:$0x1A650] =	vst v0;
	v0 =	vld [tilespmem:s19+$0x660]  }
0x78: {  	[tilespmem:$0x1A4D0] =	vst v24;
	v24 =	vld [tilespmem:s19+$0x4E0]  }
0x79: {  	[tilespmem:$0x1A510] =	vst v23;
	v23 =	vld [tilespmem:s19+$0x4F0]  }
0x7a: {  	[tilespmem:$0x1A4C0] =	vst v22;
	v22 =	vld [tilespmem:s19+$0x500]  }
0x7b: {  	[tilespmem:$0x1A520] =	vst v21;
	v21 =	vld [tilespmem:s19+$0x510]  }
0x7c: {  	[tilespmem:$0x1A660] =	vst v0;
	v0 =	vld [tilespmem:s19+$0x680]  }
0x7d: {  	[tilespmem:$0x1A4B0] =	vst v20;
	v20 =	vld [tilespmem:s19+$0x520]  }
0x7e: {  	[tilespmem:$0x1A530] =	vst v19;
	v19 =	vld [tilespmem:s19+$0x530]  }
0x7f: {  	[tilespmem:$0x1A4A0] =	vst v18;
	v18 =	vld [tilespmem:s19+$0x540]  }
0x80: {  	[tilespmem:$0x1A540] =	vst v17;
	v17 =	vld [tilespmem:s19+$0x550]  }
0x81: {  	[tilespmem:$0x1A670] =	vst v0;
	v0 =	vld [tilespmem:s19+$0x690]  }
0x82: {  	[tilespmem:$0x1A490] =	vst v16;
	v16 =	vld [tilespmem:s19+$0x560]  }
0x83: {  	[tilespmem:$0x1A550] =	vst v15;
	v15 =	vld [tilespmem:s19+$0x570]  }
0x84: {  	[tilespmem:$0x1A480] =	vst v14;
	v14 =	vld [tilespmem:s19+$0x580]  }
0x85: {  	[tilespmem:$0x1A560] =	vst v13;
	v13 =	vld [tilespmem:s19+$0x590]  }
0x86: {  	[tilespmem:$0x1A680] =	vst v0;
	v0 =	vld [tilespmem:s19+$0x6A0]  }
0x87: {  	[tilespmem:$0x1A470] =	vst v12;
	v12 =	vld [tilespmem:s19+$0x5A0]  }
0x88: {  	[tilespmem:$0x1A570] =	vst v11;
	v11 =	vld [tilespmem:s19+$0x5B0]  }
0x89: {  	[tilespmem:$0x1A460] =	vst v10;
	v10 =	vld [tilespmem:s19+$0x5C0]  }
0x8a: {  	[tilespmem:$0x1A580] =	vst v9;
	v9 =	vld [tilespmem:s19+$0x5D0]  }
0x8b: {  	[tilespmem:$0x1A690] =	vst v0;
	v0 =	vld [tilespmem:s19+$0x6B0]  }
0x8c: {  	[tilespmem:$0x1A450] =	vst v8;
	v8 =	vld [tilespmem:s19+$0x5E0]  }
0x8d: {  	[tilespmem:$0x1A440] =	vst v7;
	v7 =	vld [tilespmem:s19+$0x5F0]  }
0x8e: {  	[tilespmem:$0x1A430] =	vst v6;
	v6 =	vld [tilespmem:s19+$0x600]  }
0x8f: {  	[tilespmem:$0x1A420] =	vst v5;
	v5 =	vld [tilespmem:s19+$0x610]  }
0x90: {  	v4 =	vld [tilespmem:s19+$0x620];
	[tilespmem:$0x1A6A0] =	vst v0  }
0x91: {  	v0 =	vld [tilespmem:s19+$0x6C0];
	_ =	sdelay $0x4  }
0x92: {  	[tilespmem:$0x1A6B0] =	vst v0;
	v0 =	vld [tilespmem:s19+$0x6D0];
	_ =	sdelay $0x4  }
0x93: {  	[tilespmem:$0x1A6C0] =	vst v0;
	v0 =	vld [tilespmem:s19+$0x6E0];
	_ =	sdelay $0x4  }
0x94: {  	[tilespmem:$0x1A6D0] =	vst v0;
	v0 =	vld [tilespmem:s19+$0x6F0];
	_ =	sdelay $0x4  }
0x95: {  	[tilespmem:$0x1A6E0] =	vst v0;
	v0 =	vld [tilespmem:s19+$0x700];
	_ =	sdelay $0x4  }
0x96: {  	[tilespmem:$0x1A6F0] =	vst v0;
	v0 =	vld [tilespmem:s19+$0x710];
	_ =	sdelay $0x4  }
0x97: {  	[tilespmem:$0x1A700] =	vst v0;
	v0 =	vld [tilespmem:s19+$0x720];
	_ =	sdelay $0x4  }
0x98: {  	[tilespmem:$0x1A710] =	vst v0;
	v0 =	vld [tilespmem:s19+$0x730];
	_ =	sdelay $0x4  }
0x99: {  	[tilespmem:$0x1A720] =	vst v0;
	v0 =	vld [tilespmem:s19+$0x740];
	_ =	sdelay $0x4  }
0x9a: {  	[tilespmem:$0x1A730] =	vst v0;
	v0 =	vld [tilespmem:s19+$0x750];
	_ =	sdelay $0x4  }
0x9b: {  	[tilespmem:$0x1A740] =	vst v0;
	v0 =	vld [tilespmem:s19+$0x760];
	_ =	sdelay $0x4  }
0x9c: {  	[tilespmem:$0x1A750] =	vst v0;
	v0 =	vld [tilespmem:s19+$0x770];
	_ =	sdelay $0x4  }
0x9d: {  	[tilespmem:$0x1A760] =	vst v0;
	v0 =	vld [tilespmem:s19+$0x780];
	_ =	sdelay $0x4  }
0x9e: {  	[tilespmem:$0x1A770] =	vst v0;
	v0 =	vld [tilespmem:s19+$0x790];
	_ =	sdelay $0x4  }
0x9f: {  	[tilespmem:$0x1A780] =	vst v0;
	v0 =	vld [tilespmem:s19+$0x7A0];
	_ =	sdelay $0x4  }
0xa0: {  	[tilespmem:$0x1A790] =	vst v0;
	v0 =	vld [tilespmem:s19+$0x7B0];
	_ =	sdelay $0x4  }
0xa1: {  	[tilespmem:$0x1A7A0] =	vst v0;
	v0 =	vld [tilespmem:s19+$0x7C0];
	_ =	sdelay $0x4  }
0xa2: {  	[tilespmem:$0x1A7B0] =	vst v0;
	v0 =	vld [tilespmem:s19+$0x7D0];
	_ =	sdelay $0x4  }
0xa3: {  	[tilespmem:$0x1A7C0] =	vst v0;
	v0 =	vld [tilespmem:s19+$0x7E0];
	_ =	sdelay $0x4  }
0xa4: {  	[tilespmem:$0x1A7D0] =	vst v0;
	v0 =	vld [tilespmem:s19+$0x7F0];
	_ =	sdelay $0x4  }
0xa5: {  	[tilespmem:$0x1A7E0] =	vst v0;
	v0 =	vld [tilespmem:s19+$0x800];
	_ =	sdelay $0x4  }
0xa6: {  	[tilespmem:$0x1A7F0] =	vst v0;
	v0 =	vld [tilespmem:s19+$0x810];
	_ =	sdelay $0x4  }
0xa7: {  	[tilespmem:$0x1A800] =	vst v0;
	v0 =	vld [tilespmem:s19+$0x820];
	_ =	sdelay $0x4  }
0xa8: {  	[tilespmem:$0x1A810] =	vst v0;
	v0 =	vld [tilespmem:s19+$0x830];
	_ =	sdelay $0x4  }
0xa9: {  	[tilespmem:$0x1A820] =	vst v0;
	v0 =	vld [tilespmem:s19+$0x840];
	_ =	sdelay $0x4  }
0xaa: {  	[tilespmem:$0x1A830] =	vst v0;
	v0 =	vld [tilespmem:s19+$0x850];
	_ =	sdelay $0x4  }
0xab: {  	[tilespmem:$0x1A840] =	vst v0;
	v0 =	vld [tilespmem:s19+$0x860];
	_ =	sdelay $0x4  }
0xac: {  	[tilespmem:$0x1A850] =	vst v0;
	v0 =	vld [tilespmem:s19+$0x870];
	_ =	sdelay $0x4  }
0xad: {  	[tilespmem:$0x1A860] =	vst v0;
	v0 =	vld [tilespmem:s19+$0x880];
	_ =	sdelay $0x4  }
0xae: {  	[tilespmem:$0x1A870] =	vst v0;
	v0 =	vld [tilespmem:s19+$0x890];
	_ =	sdelay $0x4  }
0xaf: {  	[tilespmem:$0x1A880] =	vst v0;
	v0 =	vld [tilespmem:s19+$0x8A0];
	_ =	sdelay $0x4  }
0xb0: {  	[tilespmem:$0x1A890] =	vst v0;
	v0 =	vld [tilespmem:s19+$0x8B0];
	_ =	sdelay $0x4  }
0xb1: {  	[tilespmem:$0x1A8A0] =	vst v0;
	v0 =	vld [tilespmem:s19+$0x8C0];
	_ =	sdelay $0x4  }
0xb2: {  	[tilespmem:$0x1A8B0] =	vst v0;
	v0 =	vld [tilespmem:s19+$0x8D0];
	_ =	sdelay $0x4  }
0xb3: {  	[tilespmem:$0x1A8C0] =	vst v0;
	v0 =	vld [tilespmem:s19+$0x8E0];
	_ =	sdelay $0x4  }
0xb4: {  	[tilespmem:$0x1A8D0] =	vst v0;
	v0 =	vld [tilespmem:s19+$0x8F0];
	_ =	sdelay $0x4  }
0xb5: {  	[tilespmem:$0x1A8E0] =	vst v0;
	v0 =	vld [tilespmem:s19+$0x900];
	_ =	sdelay $0x4  }
0xb6: {  	[tilespmem:$0x1A8F0] =	vst v0;
	v0 =	vld [tilespmem:s19+$0x910];
	_ =	sdelay $0x4  }
0xb7: {  	[tilespmem:$0x1A900] =	vst v0;
	v0 =	vld [tilespmem:s19+$0x920];
	_ =	sdelay $0x4  }
0xb8: {  	[tilespmem:$0x1A910] =	vst v0;
	v0 =	vld [tilespmem:s19+$0x930];
	_ =	sdelay $0x4  }
0xb9: {  	[tilespmem:$0x1A920] =	vst v0;
	v0 =	vld [tilespmem:s19+$0x940];
	_ =	sdelay $0x4  }
0xba: {  	[tilespmem:$0x1A930] =	vst v0;
	v0 =	vld [tilespmem:s19+$0x950];
	_ =	sdelay $0x4  }
0xbb: {  	[tilespmem:$0x1A940] =	vst v0;
	v0 =	vld [tilespmem:s19+$0x960];
	_ =	sdelay $0x4  }
0xbc: {  	[tilespmem:$0x1A950] =	vst v0;
	v0 =	vld [tilespmem:s19+$0x970];
	_ =	sdelay $0x4  }
0xbd: {  	[tilespmem:$0x1A960] =	vst v0;
	v0 =	vld [tilespmem:s19+$0x980];
	_ =	sdelay $0x4  }
0xbe: {  	[tilespmem:$0x1A970] =	vst v0;
	v0 =	vld [tilespmem:s19+$0x990];
	_ =	sdelay $0x4  }
0xbf: {  	[tilespmem:$0x1A980] =	vst v0;
	v0 =	vld [tilespmem:s19+$0x9A0];
	_ =	sdelay $0x4  }
0xc0: {  	[tilespmem:$0x1A990] =	vst v0;
	v0 =	vld [tilespmem:s19+$0x9B0];
	_ =	sdelay $0x4  }
0xc1: {  	[tilespmem:$0x1A9A0] =	vst v0;
	v0 =	vld [tilespmem:s19+$0x9C0];
	_ =	sdelay $0x4  }
0xc2: {  	[tilespmem:$0x1A9B0] =	vst v0;
	v0 =	vld [tilespmem:s19+$0x9D0];
	_ =	sdelay $0x4  }
0xc3: {  	[tilespmem:$0x1A9C0] =	vst v0;
	v0 =	vld [tilespmem:s19+$0x9E0];
	_ =	sdelay $0x4  }
0xc4: {  	[tilespmem:$0x1A9D0] =	vst v0;
	v0 =	vld [tilespmem:s19+$0x9F0];
	_ =	sdelay $0x4  }
0xc5: {  	[tilespmem:$0x1A9E0] =	vst v0;
	v0 =	vld [tilespmem:s19+$0xA00];
	_ =	sdelay $0x4  }
0xc6: {  	[tilespmem:$0x1A9F0] =	vst v0;
	v0 =	vld [tilespmem:s19+$0xA10];
	_ =	sdelay $0x4  }
0xc7: {  	[tilespmem:$0x1AA00] =	vst v0;
	v0 =	vld [tilespmem:s19+$0xA20];
	_ =	sdelay $0x4  }
0xc8: {  	[tilespmem:$0x1AA10] =	vst v0;
	v0 =	vld [tilespmem:s19+$0xA30];
	_ =	sdelay $0x4  }
0xc9: {  	[tilespmem:$0x1AA20] =	vst v0;
	v0 =	vld [tilespmem:s19+$0xA40];
	_ =	sdelay $0x4  }
0xca: {  	[tilespmem:$0x1AA30] =	vst v0;
	v0 =	vld [tilespmem:s19+$0xA50];
	_ =	sdelay $0x4  }
0xcb: {  	[tilespmem:$0x1AA40] =	vst v0;
	v0 =	vld [tilespmem:s19+$0xA60];
	_ =	sdelay $0x4  }
0xcc: {  	[tilespmem:$0x1AA50] =	vst v0;
	v0 =	vld [tilespmem:s19+$0xA70];
	_ =	sdelay $0x4  }
0xcd: {  	[tilespmem:$0x1AA60] =	vst v0;
	v0 =	vld [tilespmem:s19+$0xA80];
	_ =	sdelay $0x4  }
0xce: {  	[tilespmem:$0x1AA70] =	vst v0;
	v0 =	vld [tilespmem:s19+$0xA90];
	_ =	sdelay $0x4  }
0xcf: {  	[tilespmem:$0x1AA80] =	vst v0;
	v0 =	vld [tilespmem:s19+$0xAA0];
	_ =	sdelay $0x4  }
0xd0: {  	[tilespmem:$0x1AA90] =	vst v0;
	v0 =	vld [tilespmem:s19+$0xAB0];
	_ =	sdelay $0x4  }
0xd1: {  	[tilespmem:$0x1AAA0] =	vst v0;
	v0 =	vld [tilespmem:s19+$0xAC0];
	_ =	sdelay $0x4  }
0xd2: {  	[tilespmem:$0x1AAB0] =	vst v0;
	v0 =	vld [tilespmem:s19+$0xAD0];
	_ =	sdelay $0x4  }
0xd3: {  	[tilespmem:$0x1AAC0] =	vst v0;
	v0 =	vld [tilespmem:s19+$0xAE0];
	_ =	sdelay $0x4  }
0xd4: {  	[tilespmem:$0x1AAD0] =	vst v0;
	v0 =	vld [tilespmem:s19+$0xAF0];
	_ =	sdelay $0x4  }
0xd5: {  	[tilespmem:$0x1AAE0] =	vst v0;
	v0 =	vld [tilespmem:s19+$0xB00];
	_ =	sdelay $0x4  }
0xd6: {  	[tilespmem:$0x1AAF0] =	vst v0;
	v0 =	vld [tilespmem:s19+$0xB10];
	_ =	sdelay $0x4  }
0xd7: {  	[tilespmem:$0x1AB00] =	vst v0;
	v0 =	vld [tilespmem:s19+$0xB20];
	_ =	sdelay $0x4  }
0xd8: {  	[tilespmem:$0x1AB10] =	vst v0;
	v0 =	vld [tilespmem:s19+$0xB30];
	_ =	sdelay $0x4  }
0xd9: {  	[tilespmem:$0x1AB20] =	vst v0;
	v0 =	vld [tilespmem:s19+$0xB40];
	_ =	sdelay $0x4  }
0xda: {  	[tilespmem:$0x1AB30] =	vst v0;
	v0 =	vld [tilespmem:s19+$0xB50];
	_ =	sdelay $0x4  }
0xdb: {  	[tilespmem:$0x1AB40] =	vst v0;
	v0 =	vld [tilespmem:s19+$0xB60];
	_ =	sdelay $0x4  }
0xdc: {  	[tilespmem:$0x1AB50] =	vst v0;
	v0 =	vld [tilespmem:s19+$0xB70];
	_ =	sdelay $0x4  }
0xdd: {  	[tilespmem:$0x1AB60] =	vst v0;
	v0 =	vld [tilespmem:s19+$0xB80];
	_ =	sdelay $0x4  }
0xde: {  	[tilespmem:$0x1AB70] =	vst v0;
	v0 =	vld [tilespmem:s19+$0xB90];
	_ =	sdelay $0x4  }
0xdf: {  	[tilespmem:$0x1AB80] =	vst v0;
	v0 =	vld [tilespmem:s19+$0xBA0];
	_ =	sdelay $0x4  }
0xe0: {  	[tilespmem:$0x1AB90] =	vst v0;
	v0 =	vld [tilespmem:s19+$0xBB0];
	_ =	sdelay $0x4  }
0xe1: {  	[tilespmem:$0x1ABA0] =	vst v0;
	v0 =	vld [tilespmem:s19+$0xBC0];
	_ =	sdelay $0x4  }
0xe2: {  	[tilespmem:$0x1ABB0] =	vst v0;
	v0 =	vld [tilespmem:s19+$0xBD0];
	_ =	sdelay $0x4  }
0xe3: {  	[tilespmem:$0x1ABC0] =	vst v0;
	v0 =	vld [tilespmem:s19+$0xBE0];
	_ =	sdelay $0x4  }
0xe4: {  	[tilespmem:$0x1ABD0] =	vst v0;
	v0 =	vld [tilespmem:s19+$0xBF0];
	_ =	sdelay $0x4  }
0xe5: {  	[tilespmem:$0x1ABE0] =	vst v0;
	v0 =	vld [tilespmem:s19+$0xC00];
	_ =	sdelay $0x4  }
0xe6: {  	[tilespmem:$0x1ABF0] =	vst v0;
	v0 =	vld [tilespmem:s19+$0xC10];
	_ =	sdelay $0x4  }
0xe7: {  	[tilespmem:$0x1AC00] =	vst v0;
	v0 =	vld [tilespmem:s19+$0xC20];
	_ =	sdelay $0x4  }
0xe8: {  	[tilespmem:$0x1AC10] =	vst v0;
	v0 =	vld [tilespmem:s19+$0xC30];
	_ =	sdelay $0x4  }
0xe9: {  	[tilespmem:$0x1AC20] =	vst v0;
	v0 =	vld [tilespmem:s19+$0xC40];
	_ =	sdelay $0x4  }
0xea: {  	[tilespmem:$0x1AC30] =	vst v0;
	v0 =	vld [tilespmem:s19+$0xC50];
	_ =	sdelay $0x4  }
0xeb: {  	[tilespmem:$0x1AC40] =	vst v0;
	v0 =	vld [tilespmem:s19+$0xC60];
	_ =	sdelay $0x4  }
0xec: {  	[tilespmem:$0x1AC50] =	vst v0;
	v0 =	vld [tilespmem:s19+$0xC70];
	_ =	sdelay $0x4  }
0xed: {  	[tilespmem:$0x1AC60] =	vst v0;
	v0 =	vld [tilespmem:s19+$0xC80];
	_ =	sdelay $0x4  }
0xee: {  	[tilespmem:$0x1AC70] =	vst v0;
	v0 =	vld [tilespmem:s19+$0xC90];
	_ =	sdelay $0x4  }
0xef: {  	[tilespmem:$0x1AC80] =	vst v0;
	v0 =	vld [tilespmem:s19+$0xCA0];
	_ =	sdelay $0x4  }
0xf0: {  	[tilespmem:$0x1AC90] =	vst v0;
	v0 =	vld [tilespmem:s19+$0xCB0];
	_ =	sdelay $0x4  }
0xf1: {  	[tilespmem:$0x1ACA0] =	vst v0;
	v0 =	vld [tilespmem:s19+$0xCC0];
	_ =	sdelay $0x4  }
0xf2: {  	[tilespmem:$0x1ACB0] =	vst v0;
	v0 =	vld [tilespmem:s19+$0xCD0];
	_ =	sdelay $0x4  }
0xf3: {  	[tilespmem:$0x1ACC0] =	vst v0;
	v0 =	vld [tilespmem:s19+$0xCE0];
	_ =	sdelay $0x4  }
0xf4: {  	[tilespmem:$0x1ACD0] =	vst v0;
	v0 =	vld [tilespmem:s19+$0xCF0];
	_ =	sdelay $0x4  }
0xf5: {  	[tilespmem:$0x1ACE0] =	vst v0;
	v0 =	vld [tilespmem:s19+$0xD00];
	_ =	sdelay $0x4  }
0xf6: {  	[tilespmem:$0x1ACF0] =	vst v0;
	v0 =	vld [tilespmem:s19+$0xD10];
	_ =	sdelay $0x4  }
0xf7: {  	[tilespmem:$0x1AD00] =	vst v0;
	v0 =	vld [tilespmem:s19+$0xD20];
	_ =	sdelay $0x4  }
0xf8: {  	[tilespmem:$0x1AD10] =	vst v0;
	v0 =	vld [tilespmem:s19+$0xD30];
	_ =	sdelay $0x4  }
0xf9: {  	[tilespmem:$0x1AD20] =	vst v0;
	v0 =	vld [tilespmem:s19+$0xD40];
	_ =	sdelay $0x4  }
0xfa: {  	[tilespmem:$0x1AD30] =	vst v0;
	v0 =	vld [tilespmem:s19+$0xD50];
	_ =	sdelay $0x4  }
0xfb: {  	[tilespmem:$0x1AD40] =	vst v0;
	v0 =	vld [tilespmem:s19+$0xD60];
	_ =	sdelay $0x4  }
0xfc: {  	[tilespmem:$0x1AD50] =	vst v0;
	v0 =	vld [tilespmem:s19+$0xD70];
	_ =	sdelay $0x4  }
0xfd: {  	[tilespmem:$0x1AD60] =	vst v0;
	v0 =	vld [tilespmem:s19+$0xD80];
	_ =	sdelay $0x4  }
0xfe: {  	[tilespmem:$0x1AD70] =	vst v0;
	v0 =	vld [tilespmem:s19+$0xD90];
	_ =	sdelay $0x4  }
0xff: {  	[tilespmem:$0x1AD80] =	vst v0;
	v0 =	vld [tilespmem:s19+$0xDA0];
	_ =	sdelay $0x4  }
0x100: {  	[tilespmem:$0x1AD90] =	vst v0;
	v0 =	vld [tilespmem:s19+$0xDB0];
	_ =	sdelay $0x4  }
0x101: {  	[tilespmem:$0x1ADA0] =	vst v0;
	v0 =	vld [tilespmem:s19+$0xDC0];
	_ =	sdelay $0x4  }
0x102: {  	[tilespmem:$0x1ADB0] =	vst v0;
	v0 =	vld [tilespmem:s19+$0xDD0];
	_ =	sdelay $0x4  }
0x103: {  	[tilespmem:$0x1ADC0] =	vst v0;
	v0 =	vld [tilespmem:s19+$0xDE0];
	_ =	sdelay $0x4  }
0x104: {  	[tilespmem:$0x1ADD0] =	vst v0;
	v0 =	vld [tilespmem:s19+$0xDF0];
	_ =	sdelay $0x4  }
0x105: {  	[tilespmem:$0x1ADE0] =	vst v0;
	v0 =	vld [tilespmem:s19+$0xE00];
	_ =	sdelay $0x4  }
0x106: {  	[tilespmem:$0x1ADF0] =	vst v0;
	v0 =	vld [tilespmem:s19+$0xE10];
	_ =	sdelay $0x4  }
0x107: {  	[tilespmem:$0x1AE00] =	vst v0;
	v0 =	vld [tilespmem:s19+$0xE20];
	_ =	sdelay $0x4  }
0x108: {  	[tilespmem:$0x1AE10] =	vst v0;
	v0 =	vld [tilespmem:s19+$0xE30];
	_ =	sdelay $0x4  }
0x109: {  	[tilespmem:$0x1AE20] =	vst v0;
	v0 =	vld [tilespmem:s19+$0xE40];
	_ =	sdelay $0x4  }
0x10a: {  	[tilespmem:$0x1AE30] =	vst v0;
	v0 =	vld [tilespmem:s19+$0xE50];
	_ =	sdelay $0x4  }
0x10b: {  	[tilespmem:$0x1AE40] =	vst v0;
	v0 =	vld [tilespmem:s19+$0xE60];
	_ =	sdelay $0x4  }
0x10c: {  	[tilespmem:$0x1AE50] =	vst v0;
	v0 =	vld [tilespmem:s19+$0xE70];
	_ =	sdelay $0x4  }
0x10d: {  	[tilespmem:$0x1AE60] =	vst v0;
	v0 =	vld [tilespmem:s19+$0xE80];
	_ =	sdelay $0x4  }
0x10e: {  	[tilespmem:$0x1AE70] =	vst v0;
	v0 =	vld [tilespmem:s19+$0xE90];
	_ =	sdelay $0x4  }
0x10f: {  	[tilespmem:$0x1AE80] =	vst v0;
	v0 =	vld [tilespmem:s19+$0xEA0];
	_ =	sdelay $0x4  }
0x110: {  	[tilespmem:$0x1AE90] =	vst v0;
	v0 =	vld [tilespmem:s19+$0xEB0];
	_ =	sdelay $0x4  }
0x111: {  	[tilespmem:$0x1AEA0] =	vst v0;
	v0 =	vld [tilespmem:s19+$0xEC0];
	_ =	sdelay $0x4  }
0x112: {  	[tilespmem:$0x1AEB0] =	vst v0;
	v0 =	vld [tilespmem:s19+$0xED0];
	_ =	sdelay $0x4  }
0x113: {  	[tilespmem:$0x1AEC0] =	vst v0;
	v0 =	vld [tilespmem:s19+$0xEE0];
	_ =	sdelay $0x4  }
0x114: {  	[tilespmem:$0x1AED0] =	vst v0;
	v0 =	vld [tilespmem:s19+$0xEF0];
	_ =	sdelay $0x4  }
0x115: {  	[tilespmem:$0x1AEE0] =	vst v0;
	v0 =	vld [tilespmem:s19+$0xF00];
	_ =	sdelay $0x4  }
0x116: {  	[tilespmem:$0x1AEF0] =	vst v0;
	v0 =	vld [tilespmem:s19+$0xF10];
	_ =	sdelay $0x4  }
0x117: {  	[tilespmem:$0x1AF00] =	vst v0;
	v0 =	vld [tilespmem:s19+$0xF20];
	_ =	sdelay $0x4  }
0x118: {  	[tilespmem:$0x1AF10] =	vst v0;
	v0 =	vld [tilespmem:s19+$0xF30];
	_ =	sdelay $0x4  }
0x119: {  	[tilespmem:$0x1AF20] =	vst v0;
	v0 =	vld [tilespmem:s19+$0xF40];
	_ =	sdelay $0x4  }
0x11a: {  	[tilespmem:$0x1AF30] =	vst v0;
	v0 =	vld [tilespmem:s19+$0xF50];
	_ =	sdelay $0x4  }
0x11b: {  	[tilespmem:$0x1AF40] =	vst v0;
	v0 =	vld [tilespmem:s19+$0xF60];
	_ =	sdelay $0x4  }
0x11c: {  	[tilespmem:$0x1AF50] =	vst v0;
	v0 =	vld [tilespmem:s19+$0xF70];
	_ =	sdelay $0x4  }
0x11d: {  	[tilespmem:$0x1AF60] =	vst v0;
	v0 =	vld [tilespmem:s19+$0xF80];
	_ =	sdelay $0x4  }
0x11e: {  	[tilespmem:$0x1AF70] =	vst v0;
	v0 =	vld [tilespmem:s19+$0xF90];
	_ =	sdelay $0x4  }
0x11f: {  	[tilespmem:$0x1AF80] =	vst v0;
	v0 =	vld [tilespmem:s19+$0xFA0];
	_ =	sdelay $0x4  }
0x120: {  	[tilespmem:$0x1AF90] =	vst v0;
	v0 =	vld [tilespmem:s19+$0xFB0];
	_ =	sdelay $0x4  }
0x121: {  	[tilespmem:$0x1AFA0] =	vst v0;
	v0 =	vld [tilespmem:s19+$0xFC0];
	_ =	sdelay $0x4  }
0x122: {  	[tilespmem:$0x1AFB0] =	vst v0;
	v0 =	vld [tilespmem:s19+$0xFD0];
	_ =	sdelay $0x4  }
0x123: {  	[tilespmem:$0x1AFC0] =	vst v0;
	v0 =	vld [tilespmem:s19+$0xFE0];
	_ =	sdelay $0x4  }
0x124: {  	[tilespmem:$0x1AFD0] =	vst v0;
	v0 =	vld [tilespmem:s19+$0xFF0];
	_ =	sdelay $0x4  }
0x125: {  	[tilespmem:$0x1AFE0] =	vst v0;
	v0 =	vld [tilespmem:s19+$0x1000];
	_ =	sdelay $0x4  }
0x126: {  	[tilespmem:$0x1AFF0] =	vst v0;
	v0 =	vld [tilespmem:s19+$0x1010];
	_ =	sdelay $0x4  }
0x127: {  	[tilespmem:$0x1B000] =	vst v0;
	v0 =	vld [tilespmem:s19+$0x1020];
	_ =	sdelay $0x4  }
0x128: {  	[tilespmem:$0x1B010] =	vst v0;
	v0 =	vld [tilespmem:s19+$0x1030];
	_ =	sdelay $0x4  }
0x129: {  	[tilespmem:$0x1B020] =	vst v0;
	v0 =	vld [tilespmem:s19+$0x1040];
	_ =	sdelay $0x4  }
0x12a: {  	[tilespmem:$0x1B030] =	vst v0;
	v0 =	vld [tilespmem:s19+$0x1050];
	_ =	sdelay $0x4  }
0x12b: {  	[tilespmem:$0x1B040] =	vst v0;
	v0 =	vld [tilespmem:s19+$0x1060];
	_ =	sdelay $0x4  }
0x12c: {  	[tilespmem:$0x1B050] =	vst v0;
	v0 =	vld [tilespmem:s19+$0x1070];
	_ =	sdelay $0x4  }
0x12d: {  	[tilespmem:$0x1B060] =	vst v0;
	v0 =	vld [tilespmem:s19+$0x1080];
	_ =	sdelay $0x4  }
0x12e: {  	[tilespmem:$0x1B070] =	vst v0;
	v0 =	vld [tilespmem:s19+$0x1090];
	_ =	sdelay $0x4  }
0x12f: {  	[tilespmem:$0x1B080] =	vst v0;
	v0 =	vld [tilespmem:s19+$0x10A0];
	_ =	sdelay $0x4  }
0x130: {  	[tilespmem:$0x1B090] =	vst v0;
	v0 =	vld [tilespmem:s19+$0x10B0];
	_ =	sdelay $0x4  }
0x131: {  	[tilespmem:$0x1B0A0] =	vst v0;
	v0 =	vld [tilespmem:s19+$0x10C0];
	_ =	sdelay $0x4  }
0x132: {  	[tilespmem:$0x1B0B0] =	vst v0;
	v0 =	vld [tilespmem:s19+$0x10D0];
	_ =	sdelay $0x4  }
0x133: {  	[tilespmem:$0x1B0C0] =	vst v0;
	v0 =	vld [tilespmem:s19+$0x10E0];
	_ =	sdelay $0x4  }
0x134: {  	[tilespmem:$0x1B0D0] =	vst v0;
	v0 =	vld [tilespmem:s19+$0x10F0];
	_ =	sdelay $0x4  }
0x135: {  	[tilespmem:$0x1B0E0] =	vst v0;
	v0 =	vld [tilespmem:s19+$0x1100];
	_ =	sdelay $0x4  }
0x136: {  	[tilespmem:$0x1B0F0] =	vst v0;
	v0 =	vld [tilespmem:s19+$0x1110];
	_ =	sdelay $0x4  }
0x137: {  	[tilespmem:$0x1B100] =	vst v0;
	v0 =	vld [tilespmem:s19+$0x1120];
	_ =	sdelay $0x4  }
0x138: {  	[tilespmem:$0x1B110] =	vst v0;
	v0 =	vld [tilespmem:s19+$0x1130];
	_ =	sdelay $0x4  }
0x139: {  	[tilespmem:$0x1B120] =	vst v0;
	v0 =	vld [tilespmem:s19+$0x1140];
	_ =	sdelay $0x4  }
0x13a: {  	[tilespmem:$0x1B130] =	vst v0;
	v0 =	vld [tilespmem:s19+$0x1150];
	_ =	sdelay $0x4  }
0x13b: {  	[tilespmem:$0x1B140] =	vst v0;
	v0 =	vld [tilespmem:s19+$0x1160];
	_ =	sdelay $0x4  }
0x13c: {  	[tilespmem:$0x1B150] =	vst v0;
	v0 =	vld [tilespmem:s19+$0x1170];
	_ =	sdelay $0x4  }
0x13d: {  	[tilespmem:$0x1B160] =	vst v0;
	v0 =	vld [tilespmem:s19+$0x1180];
	_ =	sdelay $0x4  }
0x13e: {  	[tilespmem:$0x1B170] =	vst v0;
	v0 =	vld [tilespmem:s19+$0x1190];
	_ =	sdelay $0x4  }
0x13f: {  	[tilespmem:$0x1B180] =	vst v0;
	v0 =	vld [tilespmem:s19+$0x11A0];
	_ =	sdelay $0x4  }
0x140: {  	[tilespmem:$0x1B190] =	vst v0;
	v0 =	vld [tilespmem:s19+$0x11B0];
	_ =	sdelay $0x4  }
0x141: {  	[tilespmem:$0x1B1A0] =	vst v0;
	v0 =	vld [tilespmem:s19+$0x11C0];
	_ =	sdelay $0x4  }
0x142: {  	[tilespmem:$0x1B1B0] =	vst v0;
	v0 =	vld [tilespmem:s19+$0x11D0];
	_ =	sdelay $0x4  }
0x143: {  	[tilespmem:$0x1B1C0] =	vst v0;
	v0 =	vld [tilespmem:s19+$0x11E0];
	_ =	sdelay $0x4  }
0x144: {  	[tilespmem:$0x1B1D0] =	vst v0;
	v0 =	vld [tilespmem:s19+$0x11F0];
	_ =	sdelay $0x4  }
0x145: {  	[tilespmem:$0x1B1E0] =	vst v0;
	v0 =	vld [tilespmem:s19+$0x1200];
	_ =	sdelay $0x4  }
0x146: {  	[tilespmem:$0x1B1F0] =	vst v0;
	v0 =	vld [tilespmem:s19+$0x1210];
	_ =	sdelay $0x4  }
0x147: {  	[tilespmem:$0x1B200] =	vst v0;
	v0 =	vld [tilespmem:s19+$0x1220];
	_ =	sdelay $0x4  }
0x148: {  	[tilespmem:$0x1B210] =	vst v0;
	v0 =	vld [tilespmem:s19+$0x1230];
	_ =	sdelay $0x4  }
0x149: {  	[tilespmem:$0x1B220] =	vst v0;
	v0 =	vld [tilespmem:s19+$0x1240];
	_ =	sdelay $0x4  }
0x14a: {  	[tilespmem:$0x1B230] =	vst v0;
	v0 =	vld [tilespmem:s19+$0x1250];
	_ =	sdelay $0x4  }
0x14b: {  	[tilespmem:$0x1B240] =	vst v0;
	v0 =	vld [tilespmem:s19+$0x1260];
	_ =	sdelay $0x4  }
0x14c: {  	[tilespmem:$0x1B250] =	vst v0;
	v0 =	vld [tilespmem:s19+$0x1270];
	_ =	sdelay $0x4  }
0x14d: {  	[tilespmem:$0x1B260] =	vst v0;
	v0 =	vld [tilespmem:s19+$0x1280];
	_ =	sdelay $0x4  }
0x14e: {  	[tilespmem:$0x1B270] =	vst v0;
	v0 =	vld [tilespmem:s19+$0x1290];
	_ =	sdelay $0x4  }
0x14f: {  	[tilespmem:$0x1B280] =	vst v0;
	v0 =	vld [tilespmem:s19+$0x12A0];
	_ =	sdelay $0x4  }
0x150: {  	[tilespmem:$0x1B290] =	vst v0;
	v0 =	vld [tilespmem:s19+$0x12B0];
	_ =	sdelay $0x4  }
0x151: {  	[tilespmem:$0x1B2A0] =	vst v0;
	v0 =	vld [tilespmem:s19+$0x12C0];
	_ =	sdelay $0x4  }
0x152: {  	[tilespmem:$0x1B2B0] =	vst v0;
	v0 =	vld [tilespmem:s19+$0x12D0];
	_ =	sdelay $0x4  }
0x153: {  	[tilespmem:$0x1B2C0] =	vst v0;
	v0 =	vld [tilespmem:s19+$0x12E0];
	_ =	sdelay $0x4  }
0x154: {  	[tilespmem:$0x1B2D0] =	vst v0;
	v0 =	vld [tilespmem:s19+$0x12F0];
	_ =	sdelay $0x4  }
0x155: {  	[tilespmem:$0x1B2E0] =	vst v0;
	v0 =	vld [tilespmem:s19+$0x1300];
	_ =	sdelay $0x4  }
0x156: {  	[tilespmem:$0x1B2F0] =	vst v0;
	v0 =	vld [tilespmem:s19+$0x1310];
	_ =	sdelay $0x4  }
0x157: {  	[tilespmem:$0x1B300] =	vst v0;
	v0 =	vld [tilespmem:s19+$0x1320];
	_ =	sdelay $0x4  }
0x158: {  	[tilespmem:$0x1B310] =	vst v0;
	v0 =	vld [tilespmem:s19+$0x1330];
	_ =	sdelay $0x4  }
0x159: {  	[tilespmem:$0x1B320] =	vst v0;
	v0 =	vld [tilespmem:s19+$0x1340];
	_ =	sdelay $0x4  }
0x15a: {  	[tilespmem:$0x1B330] =	vst v0;
	v0 =	vld [tilespmem:s19+$0x1350];
	_ =	sdelay $0x4  }
0x15b: {  	[tilespmem:$0x1B340] =	vst v0;
	v0 =	vld [tilespmem:s19+$0x1360];
	_ =	sdelay $0x4  }
0x15c: {  	[tilespmem:$0x1B350] =	vst v0;
	v0 =	vld [tilespmem:s19+$0x1370];
	_ =	sdelay $0x4  }
0x15d: {  	[tilespmem:$0x1B360] =	vst v0;
	v0 =	vld [tilespmem:s19+$0x1380];
	_ =	sdelay $0x4  }
0x15e: {  	[tilespmem:$0x1B370] =	vst v0;
	v0 =	vld [tilespmem:s19+$0x1390];
	_ =	sdelay $0x4  }
0x15f: {  	[tilespmem:$0x1B380] =	vst v0;
	v0 =	vld [tilespmem:s19+$0x13A0];
	_ =	sdelay $0x4  }
0x160: {  	[tilespmem:$0x1B390] =	vst v0;
	v0 =	vld [tilespmem:s19+$0x13B0];
	_ =	sdelay $0x4  }
0x161: {  	[tilespmem:$0x1B3A0] =	vst v0;
	v0 =	vld [tilespmem:s19+$0x13C0];
	_ =	sdelay $0x4  }
0x162: {  	[tilespmem:$0x1B3B0] =	vst v0;
	v0 =	vld [tilespmem:s19+$0x13D0];
	_ =	sdelay $0x4  }
0x163: {  	[tilespmem:$0x1B3C0] =	vst v0;
	v0 =	vld [tilespmem:s19+$0x13E0];
	_ =	sdelay $0x4  }
0x164: {  	[tilespmem:$0x1B3D0] =	vst v0;
	v0 =	vld [tilespmem:s19+$0x13F0];
	_ =	sdelay $0x4  }
0x165: {  	[tilespmem:$0x1B3E0] =	vst v0;
	v0 =	vld [tilespmem:s19+$0x1400];
	_ =	sdelay $0x4  }
0x166: {  	[tilespmem:$0x1B3F0] =	vst v0;
	v0 =	vld [tilespmem:s19+$0x1410];
	_ =	sdelay $0x4  }
0x167: {  	[tilespmem:$0x1B400] =	vst v0;
	v0 =	vld [tilespmem:s19+$0x1420];
	_ =	sdelay $0x4  }
0x168: {  	[tilespmem:$0x1B410] =	vst v0;
	v0 =	vld [tilespmem:s19+$0x1430];
	_ =	sdelay $0x4  }
0x169: {  	[tilespmem:$0x1B420] =	vst v0;
	v0 =	vld [tilespmem:s19+$0x1440];
	_ =	sdelay $0x4  }
0x16a: {  	[tilespmem:$0x1B430] =	vst v0;
	v0 =	vld [tilespmem:s19+$0x1450];
	_ =	sdelay $0x4  }
0x16b: {  	[tilespmem:$0x1B440] =	vst v0;
	v0 =	vld [tilespmem:s19+$0x1460];
	_ =	sdelay $0x4  }
0x16c: {  	[tilespmem:$0x1B450] =	vst v0;
	v0 =	vld [tilespmem:s19+$0x1470];
	_ =	sdelay $0x4  }
0x16d: {  	[tilespmem:$0x1B460] =	vst v0;
	v0 =	vld [tilespmem:s19+$0x1480];
	_ =	sdelay $0x4  }
0x16e: {  	[tilespmem:$0x1B470] =	vst v0;
	v0 =	vld [tilespmem:s19+$0x1490];
	_ =	sdelay $0x4  }
0x16f: {  	[tilespmem:$0x1B480] =	vst v0;
	v0 =	vld [tilespmem:s19+$0x14A0];
	_ =	sdelay $0x4  }
0x170: {  	[tilespmem:$0x1B490] =	vst v0;
	v0 =	vld [tilespmem:s19+$0x14B0];
	_ =	sdelay $0x4  }
0x171: {  	[tilespmem:$0x1B4A0] =	vst v0;
	v0 =	vld [tilespmem:s19+$0x14C0];
	_ =	sdelay $0x4  }
0x172: {  	[tilespmem:$0x1B4B0] =	vst v0;
	v0 =	vld [tilespmem:s19+$0x14D0];
	_ =	sdelay $0x4  }
0x173: {  	[tilespmem:$0x1B4C0] =	vst v0;
	v0 =	vld [tilespmem:s19+$0x14E0];
	_ =	sdelay $0x4  }
0x174: {  	[tilespmem:$0x1B4D0] =	vst v0;
	v0 =	vld [tilespmem:s19+$0x14F0];
	_ =	sdelay $0x4  }
0x175: {  	[tilespmem:$0x1B4E0] =	vst v0;
	v0 =	vld [tilespmem:s19+$0x1500];
	_ =	sdelay $0x4  }
0x176: {  	[tilespmem:$0x1B4F0] =	vst v0;
	v0 =	vld [tilespmem:s19+$0x1510];
	_ =	sdelay $0x4  }
0x177: {  	[tilespmem:$0x1B500] =	vst v0;
	v0 =	vld [tilespmem:s19+$0x1520];
	_ =	sdelay $0x4  }
0x178: {  	[tilespmem:$0x1B510] =	vst v0;
	v0 =	vld [tilespmem:s19+$0x1530];
	_ =	sdelay $0x4  }
0x179: {  	[tilespmem:$0x1B520] =	vst v0;
	v0 =	vld [tilespmem:s19+$0x1540];
	_ =	sdelay $0x4  }
0x17a: {  	[tilespmem:$0x1B530] =	vst v0;
	v0 =	vld [tilespmem:s19+$0x1550];
	_ =	sdelay $0x4  }
0x17b: {  	[tilespmem:$0x1B540] =	vst v0;
	v0 =	vld [tilespmem:s19+$0x1560];
	_ =	sdelay $0x4  }
0x17c: {  	[tilespmem:$0x1B550] =	vst v0;
	v0 =	vld [tilespmem:s19+$0x1570];
	_ =	sdelay $0x4  }
0x17d: {  	[tilespmem:$0x1B560] =	vst v0;
	v0 =	vld [tilespmem:s19+$0x1580];
	_ =	sdelay $0x4  }
0x17e: {  	[tilespmem:$0x1B570] =	vst v0;
	v0 =	vld [tilespmem:s19+$0x1590];
	_ =	sdelay $0x4  }
0x17f: {  	[tilespmem:$0x1B580] =	vst v0;
	v0 =	vld [tilespmem:s19+$0x15A0];
	_ =	sdelay $0x4  }
0x180: {  	[tilespmem:$0x1B590] =	vst v0;
	v0 =	vld [tilespmem:s19+$0x15B0];
	_ =	sdelay $0x4  }
0x181: {  	[tilespmem:$0x1B5A0] =	vst v0;
	v0 =	vld [tilespmem:s19+$0x15C0];
	_ =	sdelay $0x4  }
0x182: {  	[tilespmem:$0x1B5B0] =	vst v0;
	v0 =	vld [tilespmem:s19+$0x15D0];
	_ =	sdelay $0x4  }
0x183: {  	[tilespmem:$0x1B5C0] =	vst v0;
	v0 =	vld [tilespmem:s19+$0x15E0];
	_ =	sdelay $0x4  }
0x184: {  	[tilespmem:$0x1B5D0] =	vst v0;
	v0 =	vld [tilespmem:s19+$0x15F0];
	_ =	sdelay $0x4  }
0x185: {  	[tilespmem:$0x1B5E0] =	vst v0;
	v0 =	vld [tilespmem:s19+$0x1600];
	_ =	sdelay $0x4  }
0x186: {  	[tilespmem:$0x1B5F0] =	vst v0;
	v0 =	vld [tilespmem:s19+$0x1610];
	_ =	sdelay $0x4  }
0x187: {  	[tilespmem:$0x1B600] =	vst v0;
	v0 =	vld [tilespmem:s19+$0x1620];
	_ =	sdelay $0x4  }
0x188: {  	[tilespmem:$0x1B610] =	vst v0;
	v0 =	vld [tilespmem:s19+$0x1630];
	_ =	sdelay $0x4  }
0x189: {  	[tilespmem:$0x1B620] =	vst v0;
	v0 =	vld [tilespmem:s19+$0x1640];
	_ =	sdelay $0x4  }
0x18a: {  	[tilespmem:$0x1B630] =	vst v0;
	v0 =	vld [tilespmem:s19+$0x1650];
	_ =	sdelay $0x4  }
0x18b: {  	[tilespmem:$0x1B640] =	vst v0  }
0x18c: {  	v0 =	vld [tilespmem:s19+$0x1660];
	_ =	sdelay $0x4  }
0x18d: {  	[tilespmem:$0x1B650] =	vst v0;
	v0 =	vld [tilespmem:s19+$0x1670];
	_ =	sdelay $0x4  }
0x18e: {  	[tilespmem:$0x1B660] =	vst v0;
	v0 =	vld [tilespmem:s19+$0x1680];
	_ =	sdelay $0x4  }
0x18f: {  	[tilespmem:$0x1C590] =	vst v0;
	v0 =	vld [tilespmem:s19+$0x1690];
	_ =	sdelay $0x4  }
0x190: {  	[tilespmem:$0x1C580] =	vst v0;
	v0 =	vld [tilespmem:s19+$0x16A0];
	_ =	sdelay $0x4  }
0x191: {  	[tilespmem:$0x1C570] =	vst v0;
	v0 =	vld [tilespmem:s19+$0x16B0];
	_ =	sdelay $0x4  }
0x192: {  	[tilespmem:$0x1C560] =	vst v0;
	v0 =	vld [tilespmem:s19+$0x16C0];
	_ =	sdelay $0x4  }
0x193: {  	[tilespmem:$0x1C550] =	vst v0;
	v0 =	vld [tilespmem:s19+$0x16D0];
	_ =	sdelay $0x4  }
0x194: {  	[tilespmem:$0x1C540] =	vst v0;
	v0 =	vld [tilespmem:s19+$0x16E0];
	_ =	sdelay $0x4  }
0x195: {  	[tilespmem:$0x1C530] =	vst v0;
	v0 =	vld [tilespmem:s19+$0x16F0];
	_ =	sdelay $0x4  }
0x196: {  	[tilespmem:$0x1C520] =	vst v0;
	v0 =	vld [tilespmem:s19+$0x1700];
	_ =	sdelay $0x4  }
0x197: {  	[tilespmem:$0x1C510] =	vst v0;
	v0 =	vld [tilespmem:s19+$0x1710];
	_ =	sdelay $0x4  }
0x198: {  	[tilespmem:$0x1C500] =	vst v0;
	v0 =	vld [tilespmem:s19+$0x1720];
	_ =	sdelay $0x4  }
0x199: {  	[tilespmem:$0x1C4F0] =	vst v0;
	v0 =	vld [tilespmem:s19+$0x1730];
	_ =	sdelay $0x4  }
0x19a: {  	[tilespmem:$0x1C4E0] =	vst v0;
	v0 =	vld [tilespmem:s19+$0x1740];
	_ =	sdelay $0x4  }
0x19b: {  	[tilespmem:$0x1C4D0] =	vst v0;
	v0 =	vld [tilespmem:s19+$0x1750];
	_ =	sdelay $0x4  }
0x19c: {  	[tilespmem:$0x1C4C0] =	vst v0;
	v0 =	vld [tilespmem:s19+$0x1760];
	_ =	sdelay $0x4  }
0x19d: {  	[tilespmem:$0x1C4B0] =	vst v0;
	v0 =	vld [tilespmem:s19+$0x1770];
	_ =	sdelay $0x4  }
0x19e: {  	[tilespmem:$0x1C4A0] =	vst v0;
	v0 =	vld [tilespmem:s19+$0x1780];
	_ =	sdelay $0x4  }
0x19f: {  	[tilespmem:$0x1C490] =	vst v0;
	v0 =	vld [tilespmem:s19+$0x1790];
	_ =	sdelay $0x4  }
0x1a0: {  	[tilespmem:$0x1C480] =	vst v0;
	v0 =	vld [tilespmem:s19+$0x17A0];
	_ =	sdelay $0x4  }
0x1a1: {  	[tilespmem:$0x1C470] =	vst v0;
	v0 =	vld [tilespmem:s19+$0x17B0];
	_ =	sdelay $0x4  }
0x1a2: {  	[tilespmem:$0x1C460] =	vst v0;
	v0 =	vld [tilespmem:s19+$0x17C0];
	_ =	sdelay $0x4  }
0x1a3: {  	[tilespmem:$0x1C450] =	vst v0;
	v0 =	vld [tilespmem:s19+$0x17D0];
	_ =	sdelay $0x4  }
0x1a4: {  	[tilespmem:$0x1C440] =	vst v0;
	v0 =	vld [tilespmem:s19+$0x17E0];
	_ =	sdelay $0x4  }
0x1a5: {  	[tilespmem:$0x1C430] =	vst v0;
	v0 =	vld [tilespmem:s19+$0x17F0];
	_ =	sdelay $0x4  }
0x1a6: {  	[tilespmem:$0x1C420] =	vst v0;
	v0 =	vld [tilespmem:s19+$0x1800];
	_ =	sdelay $0x4  }
0x1a7: {  	[tilespmem:$0x1C410] =	vst v0;
	v0 =	vld [tilespmem:s19+$0x1810];
	_ =	sdelay $0x4  }
0x1a8: {  	[tilespmem:$0x1C400] =	vst v0;
	v0 =	vld [tilespmem:s19+$0x1820];
	_ =	sdelay $0x4  }
0x1a9: {  	[tilespmem:$0x1C3F0] =	vst v0;
	v0 =	vld [tilespmem:s19+$0x1830];
	_ =	sdelay $0x4  }
0x1aa: {  	[tilespmem:$0x1C3E0] =	vst v0;
	v0 =	vld [tilespmem:s19+$0x1840];
	_ =	sdelay $0x4  }
0x1ab: {  	[tilespmem:$0x1C3D0] =	vst v0;
	v0 =	vld [tilespmem:s19+$0x1850];
	_ =	sdelay $0x4  }
0x1ac: {  	[tilespmem:$0x1C3C0] =	vst v0;
	v0 =	vld [tilespmem:s19+$0x1860];
	_ =	sdelay $0x4  }
0x1ad: {  	[tilespmem:$0x1C3B0] =	vst v0;
	v0 =	vld [tilespmem:s19+$0x1870];
	_ =	sdelay $0x4  }
0x1ae: {  	[tilespmem:$0x1C3A0] =	vst v0;
	v0 =	vld [tilespmem:s19+$0x1880];
	_ =	sdelay $0x4  }
0x1af: {  	[tilespmem:$0x1C390] =	vst v0;
	v0 =	vld [tilespmem:s19+$0x1890];
	_ =	sdelay $0x4  }
0x1b0: {  	[tilespmem:$0x1C380] =	vst v0;
	v0 =	vld [tilespmem:s19+$0x18A0];
	_ =	sdelay $0x4  }
0x1b1: {  	[tilespmem:$0x1C370] =	vst v0;
	v0 =	vld [tilespmem:s19+$0x18B0];
	_ =	sdelay $0x4  }
0x1b2: {  	[tilespmem:$0x1C360] =	vst v0;
	v0 =	vld [tilespmem:s19+$0x18C0];
	_ =	sdelay $0x4  }
0x1b3: {  	[tilespmem:$0x1C350] =	vst v0;
	v0 =	vld [tilespmem:s19+$0x18D0];
	_ =	sdelay $0x4  }
0x1b4: {  	[tilespmem:$0x1C340] =	vst v0;
	v0 =	vld [tilespmem:s19+$0x18E0];
	_ =	sdelay $0x4  }
0x1b5: {  	[tilespmem:$0x1C330] =	vst v0;
	v0 =	vld [tilespmem:s19+$0x18F0];
	_ =	sdelay $0x4  }
0x1b6: {  	[tilespmem:$0x1C320] =	vst v0;
	v0 =	vld [tilespmem:s19+$0x1900];
	_ =	sdelay $0x4  }
0x1b7: {  	[tilespmem:$0x1C310] =	vst v0;
	v0 =	vld [tilespmem:s19+$0x1910];
	_ =	sdelay $0x4  }
0x1b8: {  	[tilespmem:$0x1C300] =	vst v0;
	v0 =	vld [tilespmem:s19+$0x1920];
	_ =	sdelay $0x4  }
0x1b9: {  	[tilespmem:$0x1C2F0] =	vst v0;
	v0 =	vld [tilespmem:s19+$0x1930];
	_ =	sdelay $0x4  }
0x1ba: {  	[tilespmem:$0x1C2E0] =	vst v0;
	v0 =	vld [tilespmem:s19+$0x1940];
	_ =	sdelay $0x4  }
0x1bb: {  	[tilespmem:$0x1C2D0] =	vst v0;
	v0 =	vld [tilespmem:s19+$0x1950];
	_ =	sdelay $0x4  }
0x1bc: {  	[tilespmem:$0x1C2C0] =	vst v0;
	v0 =	vld [tilespmem:s19+$0x1960];
	_ =	sdelay $0x4  }
0x1bd: {  	[tilespmem:$0x1C2B0] =	vst v0;
	v0 =	vld [tilespmem:s19+$0x1970];
	_ =	sdelay $0x4  }
0x1be: {  	[tilespmem:$0x1C2A0] =	vst v0;
	v0 =	vld [tilespmem:s19+$0x1980];
	_ =	sdelay $0x4  }
0x1bf: {  	[tilespmem:$0x1C290] =	vst v0;
	v0 =	vld [tilespmem:s19+$0x1990];
	_ =	sdelay $0x4  }
0x1c0: {  	[tilespmem:$0x1C280] =	vst v0;
	v0 =	vld [tilespmem:s19+$0x19A0];
	_ =	sdelay $0x4  }
0x1c1: {  	[tilespmem:$0x1C270] =	vst v0;
	v0 =	vld [tilespmem:s19+$0x19B0];
	_ =	sdelay $0x4  }
0x1c2: {  	[tilespmem:$0x1C260] =	vst v0;
	v0 =	vld [tilespmem:s19+$0x19C0];
	_ =	sdelay $0x4  }
0x1c3: {  	[tilespmem:$0x1C250] =	vst v0;
	v0 =	vld [tilespmem:s19+$0x19D0];
	_ =	sdelay $0x4  }
0x1c4: {  	[tilespmem:$0x1C240] =	vst v0;
	v0 =	vld [tilespmem:s19+$0x19E0];
	_ =	sdelay $0x4  }
0x1c5: {  	[tilespmem:$0x1C230] =	vst v0;
	v0 =	vld [tilespmem:s19+$0x19F0];
	_ =	sdelay $0x4  }
0x1c6: {  	[tilespmem:$0x1C220] =	vst v0;
	v0 =	vld [tilespmem:s19+$0x1A00];
	_ =	sdelay $0x4  }
0x1c7: {  	[tilespmem:$0x1C210] =	vst v0;
	v0 =	vld [tilespmem:s19+$0x1A10];
	_ =	sdelay $0x4  }
0x1c8: {  	[tilespmem:$0x1C200] =	vst v0;
	v0 =	vld [tilespmem:s19+$0x1A20];
	_ =	sdelay $0x4  }
0x1c9: {  	[tilespmem:$0x1C1F0] =	vst v0;
	v0 =	vld [tilespmem:s19+$0x1A30];
	_ =	sdelay $0x4  }
0x1ca: {  	[tilespmem:$0x1C1E0] =	vst v0;
	v0 =	vld [tilespmem:s19+$0x1A40];
	_ =	sdelay $0x4  }
0x1cb: {  	[tilespmem:$0x1C1D0] =	vst v0;
	v0 =	vld [tilespmem:s19+$0x1A50];
	_ =	sdelay $0x4  }
0x1cc: {  	[tilespmem:$0x1C1C0] =	vst v0;
	v0 =	vld [tilespmem:s19+$0x1A60];
	_ =	sdelay $0x4  }
0x1cd: {  	[tilespmem:$0x1C1B0] =	vst v0;
	v0 =	vld [tilespmem:s19+$0x1A70];
	_ =	sdelay $0x4  }
0x1ce: {  	[tilespmem:$0x1C1A0] =	vst v0;
	v0 =	vld [tilespmem:s19+$0x1A80];
	_ =	sdelay $0x4  }
0x1cf: {  	[tilespmem:$0x1C190] =	vst v0;
	v0 =	vld [tilespmem:s19+$0x1A90];
	_ =	sdelay $0x4  }
0x1d0: {  	[tilespmem:$0x1C180] =	vst v0;
	v0 =	vld [tilespmem:s19+$0x1AA0];
	_ =	sdelay $0x4  }
0x1d1: {  	[tilespmem:$0x1C170] =	vst v0;
	v0 =	vld [tilespmem:s19+$0x1AB0];
	_ =	sdelay $0x4  }
0x1d2: {  	[tilespmem:$0x1C160] =	vst v0;
	v0 =	vld [tilespmem:s19+$0x1AC0];
	_ =	sdelay $0x4  }
0x1d3: {  	[tilespmem:$0x1C150] =	vst v0;
	v0 =	vld [tilespmem:s19+$0x1AD0];
	_ =	sdelay $0x4  }
0x1d4: {  	[tilespmem:$0x1C140] =	vst v0;
	v0 =	vld [tilespmem:s19+$0x1AE0];
	_ =	sdelay $0x4  }
0x1d5: {  	[tilespmem:$0x1C130] =	vst v0;
	v0 =	vld [tilespmem:s19+$0x1AF0];
	_ =	sdelay $0x4  }
0x1d6: {  	[tilespmem:$0x1C120] =	vst v0;
	v0 =	vld [tilespmem:s19+$0x1B00];
	_ =	sdelay $0x4  }
0x1d7: {  	[tilespmem:$0x1C110] =	vst v0;
	v0 =	vld [tilespmem:s19+$0x1B10];
	_ =	sdelay $0x4  }
0x1d8: {  	[tilespmem:$0x1C100] =	vst v0;
	v0 =	vld [tilespmem:s19+$0x1B20];
	_ =	sdelay $0x4  }
0x1d9: {  	[tilespmem:$0x1C0F0] =	vst v0;
	v0 =	vld [tilespmem:s19+$0x1B30];
	_ =	sdelay $0x4  }
0x1da: {  	[tilespmem:$0x1C0E0] =	vst v0;
	v0 =	vld [tilespmem:s19+$0x1B40];
	_ =	sdelay $0x4  }
0x1db: {  	[tilespmem:$0x1C0D0] =	vst v0;
	v0 =	vld [tilespmem:s19+$0x1B50];
	_ =	sdelay $0x4  }
0x1dc: {  	[tilespmem:$0x1C0C0] =	vst v0;
	v0 =	vld [tilespmem:s19+$0x1B60];
	_ =	sdelay $0x4  }
0x1dd: {  	[tilespmem:$0x1C0B0] =	vst v0;
	v0 =	vld [tilespmem:s19+$0x1B70];
	_ =	sdelay $0x4  }
0x1de: {  	[tilespmem:$0x1C0A0] =	vst v0;
	v0 =	vld [tilespmem:s19+$0x1B80];
	_ =	sdelay $0x4  }
0x1df: {  	[tilespmem:$0x1C090] =	vst v0;
	v0 =	vld [tilespmem:s19+$0x1B90];
	_ =	sdelay $0x4  }
0x1e0: {  	[tilespmem:$0x1C080] =	vst v0;
	v0 =	vld [tilespmem:s19+$0x1BA0];
	_ =	sdelay $0x4  }
0x1e1: {  	[tilespmem:$0x1C070] =	vst v0;
	v0 =	vld [tilespmem:s19+$0x1BB0];
	_ =	sdelay $0x4  }
0x1e2: {  	[tilespmem:$0x1C060] =	vst v0;
	v0 =	vld [tilespmem:s19+$0x1BC0];
	_ =	sdelay $0x4  }
0x1e3: {  	[tilespmem:$0x1C050] =	vst v0;
	v0 =	vld [tilespmem:s19+$0x1BD0];
	_ =	sdelay $0x4  }
0x1e4: {  	[tilespmem:$0x1C040] =	vst v0;
	v0 =	vld [tilespmem:s19+$0x1BE0];
	_ =	sdelay $0x4  }
0x1e5: {  	[tilespmem:$0x1C030] =	vst v0;
	v0 =	vld [tilespmem:s19+$0x1BF0];
	_ =	sdelay $0x4  }
0x1e6: {  	[tilespmem:$0x1C020] =	vst v0;
	v0 =	vld [tilespmem:s19+$0x1C00];
	_ =	sdelay $0x4  }
0x1e7: {  	[tilespmem:$0x1C010] =	vst v0;
	v0 =	vld [tilespmem:s19+$0x1C10];
	_ =	sdelay $0x4  }
0x1e8: {  	[tilespmem:$0x1C000] =	vst v0;
	v0 =	vld [tilespmem:s19+$0x1C20];
	_ =	sdelay $0x4  }
0x1e9: {  	[tilespmem:$0x1BFF0] =	vst v0;
	v0 =	vld [tilespmem:s19+$0x1C30];
	_ =	sdelay $0x4  }
0x1ea: {  	[tilespmem:$0x1BFE0] =	vst v0;
	v0 =	vld [tilespmem:s19+$0x1C40];
	_ =	sdelay $0x4  }
0x1eb: {  	[tilespmem:$0x1BFD0] =	vst v0;
	v0 =	vld [tilespmem:s19+$0x1C50];
	_ =	sdelay $0x4  }
0x1ec: {  	[tilespmem:$0x1BFC0] =	vst v0;
	v0 =	vld [tilespmem:s19+$0x1C60];
	_ =	sdelay $0x4  }
0x1ed: {  	[tilespmem:$0x1BFB0] =	vst v0;
	v0 =	vld [tilespmem:s19+$0x1C70];
	_ =	sdelay $0x4  }
0x1ee: {  	[tilespmem:$0x1BFA0] =	vst v0;
	v0 =	vld [tilespmem:s19+$0x1C80];
	_ =	sdelay $0x4  }
0x1ef: {  	[tilespmem:$0x1BF90] =	vst v0;
	v0 =	vld [tilespmem:s19+$0x1C90];
	_ =	sdelay $0x4  }
0x1f0: {  	[tilespmem:$0x1BF80] =	vst v0;
	v0 =	vld [tilespmem:s19+$0x1CA0];
	_ =	sdelay $0x4  }
0x1f1: {  	[tilespmem:$0x1BF70] =	vst v0;
	v0 =	vld [tilespmem:s19+$0x1CB0];
	_ =	sdelay $0x4  }
0x1f2: {  	[tilespmem:$0x1BF60] =	vst v0;
	v0 =	vld [tilespmem:s19+$0x2BE0];
	_ =	sdelay $0x4  }
0x1f3: {  	[tilespmem:$0x1CBD0] =	vst v0;
	v0 =	vld [tilespmem:s19+$0x2BD0];
	_ =	sdelay $0x4  }
0x1f4: {  	[tilespmem:$0x1CBC0] =	vst v0;
	v0 =	vld [tilespmem:s19+$0x2BC0];
	_ =	sdelay $0x4  }
0x1f5: {  	[tilespmem:$0x1CBB0] =	vst v0;
	v0 =	vld [tilespmem:s19+$0x2BB0];
	_ =	sdelay $0x4  }
0x1f6: {  	[tilespmem:$0x1CBA0] =	vst v0;
	v0 =	vld [tilespmem:s19+$0x2BA0];
	_ =	sdelay $0x4  }
0x1f7: {  	[tilespmem:$0x1CB90] =	vst v0;
	v0 =	vld [tilespmem:s19+$0x2B90];
	_ =	sdelay $0x4  }
0x1f8: {  	[tilespmem:$0x1CB80] =	vst v0;
	v0 =	vld [tilespmem:s19+$0x2B80];
	_ =	sdelay $0x4  }
0x1f9: {  	[tilespmem:$0x1CB70] =	vst v0;
	v0 =	vld [tilespmem:s19+$0x2B70];
	_ =	sdelay $0x4  }
0x1fa: {  	[tilespmem:$0x1CB60] =	vst v0;
	v0 =	vld [tilespmem:s19+$0x2B60];
	_ =	sdelay $0x4  }
0x1fb: {  	[tilespmem:$0x1CB50] =	vst v0;
	v0 =	vld [tilespmem:s19+$0x2B50];
	_ =	sdelay $0x4  }
0x1fc: {  	[tilespmem:$0x1CB40] =	vst v0;
	v0 =	vld [tilespmem:s19+$0x2B40];
	_ =	sdelay $0x4  }
0x1fd: {  	[tilespmem:$0x1CB30] =	vst v0;
	v0 =	vld [tilespmem:s19+$0x2B30];
	_ =	sdelay $0x4  }
0x1fe: {  	[tilespmem:$0x1CB20] =	vst v0;
	v0 =	vld [tilespmem:s19+$0x2B20];
	_ =	sdelay $0x4  }
0x1ff: {  	[tilespmem:$0x1CB10] =	vst v0;
	v0 =	vld [tilespmem:s19+$0x2B10];
	_ =	sdelay $0x4  }
0x200: {  	[tilespmem:$0x1CB00] =	vst v0;
	v0 =	vld [tilespmem:s19+$0x2B00];
	_ =	sdelay $0x4  }
0x201: {  	[tilespmem:$0x1CAF0] =	vst v0;
	v0 =	vld [tilespmem:s19+$0x2AF0];
	_ =	sdelay $0x4  }
0x202: {  	[tilespmem:$0x1CAE0] =	vst v0;
	v0 =	vld [tilespmem:s19+$0x2AE0];
	_ =	sdelay $0x4  }
0x203: {  	[tilespmem:$0x1CAD0] =	vst v0;
	v0 =	vld [tilespmem:s19+$0x2AD0];
	_ =	sdelay $0x4  }
0x204: {  	[tilespmem:$0x1CAC0] =	vst v0;
	v0 =	vld [tilespmem:s19+$0x2AC0];
	_ =	sdelay $0x4  }
0x205: {  	[tilespmem:$0x1CAB0] =	vst v0;
	v0 =	vld [tilespmem:s19+$0x2AB0];
	_ =	sdelay $0x4  }
0x206: {  	[tilespmem:$0x1CAA0] =	vst v0;
	v0 =	vld [tilespmem:s19+$0x2AA0];
	_ =	sdelay $0x4  }
0x207: {  	[tilespmem:$0x1CA90] =	vst v0;
	v0 =	vld [tilespmem:s19+$0x2A90];
	_ =	sdelay $0x4  }
0x208: {  	[tilespmem:$0x1CA80] =	vst v0;
	v0 =	vld [tilespmem:s19+$0x2A80];
	_ =	sdelay $0x4  }
0x209: {  	[tilespmem:$0x1CA70] =	vst v0;
	v0 =	vld [tilespmem:s19+$0x2A70];
	_ =	sdelay $0x4  }
0x20a: {  	[tilespmem:$0x1CA60] =	vst v0;
	v0 =	vld [tilespmem:s19+$0x2A60];
	_ =	sdelay $0x4  }
0x20b: {  	[tilespmem:$0x1CA50] =	vst v0;
	v0 =	vld [tilespmem:s19+$0x2A50];
	_ =	sdelay $0x4  }
0x20c: {  	[tilespmem:$0x1CA40] =	vst v0;
	v0 =	vld [tilespmem:s19+$0x2A40];
	_ =	sdelay $0x4  }
0x20d: {  	[tilespmem:$0x1CA30] =	vst v0;
	v0 =	vld [tilespmem:s19+$0x2A30];
	_ =	sdelay $0x4  }
0x20e: {  	[tilespmem:$0x1CA20] =	vst v0;
	v0 =	vld [tilespmem:s19+$0x2A20];
	_ =	sdelay $0x4  }
0x20f: {  	[tilespmem:$0x1CA10] =	vst v0;
	v0 =	vld [tilespmem:s19+$0x2A10];
	_ =	sdelay $0x4  }
0x210: {  	[tilespmem:$0x1CA00] =	vst v0;
	v0 =	vld [tilespmem:s19+$0x2A00];
	_ =	sdelay $0x4  }
0x211: {  	[tilespmem:$0x1C9F0] =	vst v0;
	v0 =	vld [tilespmem:s19+$0x29F0];
	_ =	sdelay $0x4  }
0x212: {  	[tilespmem:$0x1C9E0] =	vst v0;
	v0 =	vld [tilespmem:s19+$0x29E0];
	_ =	sdelay $0x4  }
0x213: {  	[tilespmem:$0x1C9D0] =	vst v0;
	v0 =	vld [tilespmem:s19+$0x29D0];
	_ =	sdelay $0x4  }
0x214: {  	[tilespmem:$0x1C9C0] =	vst v0;
	v0 =	vld [tilespmem:s19+$0x29C0];
	_ =	sdelay $0x4  }
0x215: {  	[tilespmem:$0x1C9B0] =	vst v0;
	v0 =	vld [tilespmem:s19+$0x29B0];
	_ =	sdelay $0x4  }
0x216: {  	[tilespmem:$0x1C9A0] =	vst v0;
	v0 =	vld [tilespmem:s19+$0x29A0];
	_ =	sdelay $0x4  }
0x217: {  	[tilespmem:$0x1C990] =	vst v0;
	v0 =	vld [tilespmem:s19+$0x2990];
	_ =	sdelay $0x4  }
0x218: {  	[tilespmem:$0x1C980] =	vst v0;
	v0 =	vld [tilespmem:s19+$0x2980];
	_ =	sdelay $0x4  }
0x219: {  	[tilespmem:$0x1C970] =	vst v0;
	v0 =	vld [tilespmem:s19+$0x2970];
	_ =	sdelay $0x4  }
0x21a: {  	[tilespmem:$0x1C960] =	vst v0;
	v0 =	vld [tilespmem:s19+$0x2960];
	_ =	sdelay $0x4  }
0x21b: {  	[tilespmem:$0x1C950] =	vst v0;
	v0 =	vld [tilespmem:s19+$0x2950];
	_ =	sdelay $0x4  }
0x21c: {  	[tilespmem:$0x1C940] =	vst v0;
	v0 =	vld [tilespmem:s19+$0x2940];
	_ =	sdelay $0x4  }
0x21d: {  	[tilespmem:$0x1C930] =	vst v0;
	v0 =	vld [tilespmem:s19+$0x2930];
	_ =	sdelay $0x4  }
0x21e: {  	[tilespmem:$0x1C920] =	vst v0;
	v0 =	vld [tilespmem:s19+$0x2920];
	_ =	sdelay $0x4  }
0x21f: {  	[tilespmem:$0x1C910] =	vst v0;
	v0 =	vld [tilespmem:s19+$0x2910];
	_ =	sdelay $0x4  }
0x220: {  	[tilespmem:$0x1C900] =	vst v0;
	v0 =	vld [tilespmem:s19+$0x2900];
	_ =	sdelay $0x4  }
0x221: {  	[tilespmem:$0x1C8F0] =	vst v0;
	v0 =	vld [tilespmem:s19+$0x28F0];
	_ =	sdelay $0x4  }
0x222: {  	[tilespmem:$0x1C8E0] =	vst v0;
	v0 =	vld [tilespmem:s19+$0x28E0];
	_ =	sdelay $0x4  }
0x223: {  	[tilespmem:$0x1C8D0] =	vst v0;
	v0 =	vld [tilespmem:s19+$0x28D0];
	_ =	sdelay $0x4  }
0x224: {  	[tilespmem:$0x1C8C0] =	vst v0;
	v0 =	vld [tilespmem:s19+$0x28C0];
	_ =	sdelay $0x4  }
0x225: {  	[tilespmem:$0x1C8B0] =	vst v0;
	v0 =	vld [tilespmem:s19+$0x28B0];
	_ =	sdelay $0x4  }
0x226: {  	[tilespmem:$0x1C8A0] =	vst v0;
	v0 =	vld [tilespmem:s19+$0x28A0];
	_ =	sdelay $0x4  }
0x227: {  	[tilespmem:$0x1C890] =	vst v0;
	v0 =	vld [tilespmem:s19+$0x2890];
	_ =	sdelay $0x4  }
0x228: {  	[tilespmem:$0x1C880] =	vst v0;
	v0 =	vld [tilespmem:s19+$0x2880];
	_ =	sdelay $0x4  }
0x229: {  	[tilespmem:$0x1C870] =	vst v0;
	v0 =	vld [tilespmem:s19+$0x2870];
	_ =	sdelay $0x4  }
0x22a: {  	[tilespmem:$0x1C860] =	vst v0;
	v0 =	vld [tilespmem:s19+$0x2860];
	_ =	sdelay $0x4  }
0x22b: {  	[tilespmem:$0x1C850] =	vst v0;
	v0 =	vld [tilespmem:s19+$0x2850];
	_ =	sdelay $0x4  }
0x22c: {  	[tilespmem:$0x1C840] =	vst v0;
	v0 =	vld [tilespmem:s19+$0x2840];
	_ =	sdelay $0x4  }
0x22d: {  	[tilespmem:$0x1C830] =	vst v0;
	v0 =	vld [tilespmem:s19+$0x2830];
	_ =	sdelay $0x4  }
0x22e: {  	[tilespmem:$0x1C820] =	vst v0;
	v0 =	vld [tilespmem:s19+$0x2820];
	_ =	sdelay $0x4  }
0x22f: {  	[tilespmem:$0x1C810] =	vst v0;
	v0 =	vld [tilespmem:s19+$0x2810];
	_ =	sdelay $0x4  }
0x230: {  	[tilespmem:$0x1C800] =	vst v0;
	v0 =	vld [tilespmem:s19+$0x2800];
	_ =	sdelay $0x4  }
0x231: {  	[tilespmem:$0x1C7F0] =	vst v0;
	v0 =	vld [tilespmem:s19+$0x27F0];
	_ =	sdelay $0x4  }
0x232: {  	[tilespmem:$0x1C7E0] =	vst v0;
	v0 =	vld [tilespmem:s19+$0x27E0];
	_ =	sdelay $0x4  }
0x233: {  	[tilespmem:$0x1C7D0] =	vst v0;
	v0 =	vld [tilespmem:s19+$0x27D0];
	_ =	sdelay $0x4  }
0x234: {  	[tilespmem:$0x1C7C0] =	vst v0;
	v0 =	vld [tilespmem:s19+$0x27C0];
	_ =	sdelay $0x4  }
0x235: {  	[tilespmem:$0x1C7B0] =	vst v0;
	v0 =	vld [tilespmem:s19+$0x27B0];
	_ =	sdelay $0x4  }
0x236: {  	[tilespmem:$0x1C7A0] =	vst v0;
	v0 =	vld [tilespmem:s19+$0x27A0];
	_ =	sdelay $0x4  }
0x237: {  	[tilespmem:$0x1C790] =	vst v0;
	v0 =	vld [tilespmem:s19+$0x2790];
	_ =	sdelay $0x4  }
0x238: {  	[tilespmem:$0x1C780] =	vst v0;
	v0 =	vld [tilespmem:s19+$0x2780];
	_ =	sdelay $0x4  }
0x239: {  	[tilespmem:$0x1C770] =	vst v0;
	v0 =	vld [tilespmem:s19+$0x2770];
	_ =	sdelay $0x4  }
0x23a: {  	[tilespmem:$0x1C760] =	vst v0;
	v0 =	vld [tilespmem:s19+$0x2760];
	_ =	sdelay $0x4  }
0x23b: {  	[tilespmem:$0x1C750] =	vst v0;
	v0 =	vld [tilespmem:s19+$0x2750];
	_ =	sdelay $0x4  }
0x23c: {  	[tilespmem:$0x1C740] =	vst v0;
	v0 =	vld [tilespmem:s19+$0x2740];
	_ =	sdelay $0x4  }
0x23d: {  	[tilespmem:$0x1C730] =	vst v0;
	v0 =	vld [tilespmem:s19+$0x2730];
	_ =	sdelay $0x4  }
0x23e: {  	[tilespmem:$0x1C720] =	vst v0;
	v0 =	vld [tilespmem:s19+$0x2720];
	_ =	sdelay $0x4  }
0x23f: {  	[tilespmem:$0x1C710] =	vst v0;
	v0 =	vld [tilespmem:s19+$0x2710];
	_ =	sdelay $0x4  }
0x240: {  	[tilespmem:$0x1C700] =	vst v0;
	v0 =	vld [tilespmem:s19+$0x2700];
	_ =	sdelay $0x4  }
0x241: {  	[tilespmem:$0x1C6F0] =	vst v0;
	v0 =	vld [tilespmem:s19+$0x26F0];
	_ =	sdelay $0x4  }
0x242: {  	[tilespmem:$0x1C6E0] =	vst v0;
	v0 =	vld [tilespmem:s19+$0x26E0];
	_ =	sdelay $0x4  }
0x243: {  	[tilespmem:$0x1C6D0] =	vst v0;
	v0 =	vld [tilespmem:s19+$0x26D0];
	_ =	sdelay $0x4  }
0x244: {  	[tilespmem:$0x1C6C0] =	vst v0;
	v0 =	vld [tilespmem:s19+$0x26C0];
	_ =	sdelay $0x4  }
0x245: {  	[tilespmem:$0x1C6B0] =	vst v0;
	v0 =	vld [tilespmem:s19+$0x26B0];
	_ =	sdelay $0x4  }
0x246: {  	[tilespmem:$0x1C6A0] =	vst v0;
	v0 =	vld [tilespmem:s19+$0x26A0];
	_ =	sdelay $0x4  }
0x247: {  	[tilespmem:$0x1C690] =	vst v0;
	v0 =	vld [tilespmem:s19+$0x2690];
	_ =	sdelay $0x4  }
0x248: {  	[tilespmem:$0x1C680] =	vst v0;
	v0 =	vld [tilespmem:s19+$0x2680];
	_ =	sdelay $0x4  }
0x249: {  	[tilespmem:$0x1C670] =	vst v0;
	v0 =	vld [tilespmem:s19+$0x2670];
	_ =	sdelay $0x4  }
0x24a: {  	[tilespmem:$0x1C660] =	vst v0;
	v0 =	vld [tilespmem:s19+$0x2660];
	_ =	sdelay $0x4  }
0x24b: {  	[tilespmem:$0x1C650] =	vst v0;
	v0 =	vld [tilespmem:s19+$0x2650];
	_ =	sdelay $0x4  }
0x24c: {  	[tilespmem:$0x1C640] =	vst v0;
	v0 =	vld [tilespmem:s19+$0x2640];
	_ =	sdelay $0x4  }
0x24d: {  	[tilespmem:$0x1C630] =	vst v0;
	v0 =	vld [tilespmem:s19+$0x2630];
	_ =	sdelay $0x4  }
0x24e: {  	[tilespmem:$0x1C620] =	vst v0;
	v0 =	vld [tilespmem:s19+$0x2620];
	_ =	sdelay $0x4  }
0x24f: {  	[tilespmem:$0x1C610] =	vst v0;
	v0 =	vld [tilespmem:s19+$0x2610];
	_ =	sdelay $0x4  }
0x250: {  	[tilespmem:$0x1C600] =	vst v0;
	v0 =	vld [tilespmem:s19+$0x2600];
	_ =	sdelay $0x4  }
0x251: {  	[tilespmem:$0x1C5F0] =	vst v0;
	v0 =	vld [tilespmem:s19+$0x25F0];
	_ =	sdelay $0x4  }
0x252: {  	[tilespmem:$0x1C5E0] =	vst v0;
	v0 =	vld [tilespmem:s19+$0x25E0];
	_ =	sdelay $0x4  }
0x253: {  	[tilespmem:$0x1C5D0] =	vst v0;
	v0 =	vld [tilespmem:s19+$0x25D0];
	_ =	sdelay $0x4  }
0x254: {  	[tilespmem:$0x1C5C0] =	vst v0;
	v0 =	vld [tilespmem:s19+$0x25C0];
	_ =	sdelay $0x4  }
0x255: {  	[tilespmem:$0x1C5B0] =	vst v0;
	v0 =	vld [tilespmem:s19+$0x25B0];
	_ =	sdelay $0x4  }
0x256: {  	[tilespmem:$0x1C5A0] =	vst v0;
	v0 =	vld [tilespmem:s19+$0x25A0];
	_ =	sdelay $0x4  }
0x257: {  	[tilespmem:$0x1B670] =	vst v0;
	v0 =	vld [tilespmem:s19+$0x2590];
	_ =	sdelay $0x4  }
0x258: {  	[tilespmem:$0x1B680] =	vst v0;
	v0 =	vld [tilespmem:s19+$0x2580];
	_ =	sdelay $0x4  }
0x259: {  	[tilespmem:$0x1B690] =	vst v0;
	v0 =	vld [tilespmem:s19+$0x2570];
	_ =	sdelay $0x4  }
0x25a: {  	[tilespmem:$0x1B6A0] =	vst v0;
	v0 =	vld [tilespmem:s19+$0x2560];
	_ =	sdelay $0x4  }
0x25b: {  	[tilespmem:$0x1B6B0] =	vst v0;
	v0 =	vld [tilespmem:s19+$0x2550];
	_ =	sdelay $0x4  }
0x25c: {  	[tilespmem:$0x1B6C0] =	vst v0;
	v0 =	vld [tilespmem:s19+$0x2540];
	_ =	sdelay $0x4  }
0x25d: {  	[tilespmem:$0x1B6D0] =	vst v0;
	v0 =	vld [tilespmem:s19+$0x2530];
	_ =	sdelay $0x4  }
0x25e: {  	[tilespmem:$0x1B6E0] =	vst v0;
	v0 =	vld [tilespmem:s19+$0x2520];
	_ =	sdelay $0x4  }
0x25f: {  	[tilespmem:$0x1B6F0] =	vst v0;
	v0 =	vld [tilespmem:s19+$0x2510];
	_ =	sdelay $0x4  }
0x260: {  	[tilespmem:$0x1B700] =	vst v0;
	v0 =	vld [tilespmem:s19+$0x2500];
	_ =	sdelay $0x4  }
0x261: {  	[tilespmem:$0x1B710] =	vst v0;
	v0 =	vld [tilespmem:s19+$0x24F0];
	_ =	sdelay $0x4  }
0x262: {  	[tilespmem:$0x1B720] =	vst v0;
	v0 =	vld [tilespmem:s19+$0x24E0];
	_ =	sdelay $0x4  }
0x263: {  	[tilespmem:$0x1B730] =	vst v0;
	v0 =	vld [tilespmem:s19+$0x24D0];
	_ =	sdelay $0x4  }
0x264: {  	[tilespmem:$0x1B740] =	vst v0;
	v0 =	vld [tilespmem:s19+$0x24C0];
	_ =	sdelay $0x4  }
0x265: {  	[tilespmem:$0x1B750] =	vst v0;
	v0 =	vld [tilespmem:s19+$0x24B0];
	_ =	sdelay $0x4  }
0x266: {  	[tilespmem:$0x1B760] =	vst v0;
	v0 =	vld [tilespmem:s19+$0x24A0];
	_ =	sdelay $0x4  }
0x267: {  	[tilespmem:$0x1B770] =	vst v0;
	v0 =	vld [tilespmem:s19+$0x2490];
	_ =	sdelay $0x4  }
0x268: {  	[tilespmem:$0x1B780] =	vst v0;
	v0 =	vld [tilespmem:s19+$0x2480];
	_ =	sdelay $0x4  }
0x269: {  	[tilespmem:$0x1B790] =	vst v0;
	v0 =	vld [tilespmem:s19+$0x2470];
	_ =	sdelay $0x4  }
0x26a: {  	[tilespmem:$0x1B7A0] =	vst v0;
	v0 =	vld [tilespmem:s19+$0x2460];
	_ =	sdelay $0x4  }
0x26b: {  	[tilespmem:$0x1B7B0] =	vst v0;
	v0 =	vld [tilespmem:s19+$0x2450];
	_ =	sdelay $0x4  }
0x26c: {  	[tilespmem:$0x1B7C0] =	vst v0;
	v0 =	vld [tilespmem:s19+$0x2440];
	_ =	sdelay $0x4  }
0x26d: {  	[tilespmem:$0x1B7D0] =	vst v0;
	v0 =	vld [tilespmem:s19+$0x2430];
	_ =	sdelay $0x4  }
0x26e: {  	[tilespmem:$0x1B7E0] =	vst v0;
	v0 =	vld [tilespmem:s19+$0x2420];
	_ =	sdelay $0x4  }
0x26f: {  	[tilespmem:$0x1B7F0] =	vst v0;
	v0 =	vld [tilespmem:s19+$0x2410];
	_ =	sdelay $0x4  }
0x270: {  	[tilespmem:$0x1B800] =	vst v0;
	v0 =	vld [tilespmem:s19+$0x2400];
	_ =	sdelay $0x4  }
0x271: {  	[tilespmem:$0x1B810] =	vst v0;
	v0 =	vld [tilespmem:s19+$0x23F0];
	_ =	sdelay $0x4  }
0x272: {  	[tilespmem:$0x1B820] =	vst v0;
	v0 =	vld [tilespmem:s19+$0x23E0];
	_ =	sdelay $0x4  }
0x273: {  	[tilespmem:$0x1B830] =	vst v0;
	v0 =	vld [tilespmem:s19+$0x23D0];
	_ =	sdelay $0x4  }
0x274: {  	[tilespmem:$0x1B840] =	vst v0;
	v0 =	vld [tilespmem:s19+$0x23C0];
	_ =	sdelay $0x4  }
0x275: {  	[tilespmem:$0x1B850] =	vst v0;
	v0 =	vld [tilespmem:s19+$0x23B0];
	_ =	sdelay $0x4  }
0x276: {  	[tilespmem:$0x1B860] =	vst v0;
	v0 =	vld [tilespmem:s19+$0x23A0];
	_ =	sdelay $0x4  }
0x277: {  	[tilespmem:$0x1B870] =	vst v0;
	v0 =	vld [tilespmem:s19+$0x2390];
	_ =	sdelay $0x4  }
0x278: {  	[tilespmem:$0x1B880] =	vst v0;
	v0 =	vld [tilespmem:s19+$0x2380];
	_ =	sdelay $0x4  }
0x279: {  	[tilespmem:$0x1B890] =	vst v0;
	v0 =	vld [tilespmem:s19+$0x2370];
	_ =	sdelay $0x4  }
0x27a: {  	[tilespmem:$0x1B8A0] =	vst v0;
	v0 =	vld [tilespmem:s19+$0x2360];
	_ =	sdelay $0x4  }
0x27b: {  	[tilespmem:$0x1B8B0] =	vst v0;
	v0 =	vld [tilespmem:s19+$0x2350];
	_ =	sdelay $0x4  }
0x27c: {  	[tilespmem:$0x1B8C0] =	vst v0;
	v0 =	vld [tilespmem:s19+$0x2340];
	_ =	sdelay $0x4  }
0x27d: {  	[tilespmem:$0x1B8D0] =	vst v0;
	v0 =	vld [tilespmem:s19+$0x2330];
	_ =	sdelay $0x4  }
0x27e: {  	[tilespmem:$0x1B8E0] =	vst v0;
	v0 =	vld [tilespmem:s19+$0x2320];
	_ =	sdelay $0x4  }
0x27f: {  	[tilespmem:$0x1B8F0] =	vst v0;
	v0 =	vld [tilespmem:s19+$0x2310];
	_ =	sdelay $0x4  }
0x280: {  	[tilespmem:$0x1B900] =	vst v0;
	v0 =	vld [tilespmem:s19+$0x2300];
	_ =	sdelay $0x4  }
0x281: {  	[tilespmem:$0x1B910] =	vst v0;
	v0 =	vld [tilespmem:s19+$0x22F0];
	_ =	sdelay $0x4  }
0x282: {  	[tilespmem:$0x1B920] =	vst v0;
	v0 =	vld [tilespmem:s19+$0x22E0];
	_ =	sdelay $0x4  }
0x283: {  	[tilespmem:$0x1B930] =	vst v0;
	v0 =	vld [tilespmem:s19+$0x22D0];
	_ =	sdelay $0x4  }
0x284: {  	[tilespmem:$0x1B940] =	vst v0;
	v0 =	vld [tilespmem:s19+$0x22C0];
	_ =	sdelay $0x4  }
0x285: {  	[tilespmem:$0x1B950] =	vst v0;
	v0 =	vld [tilespmem:s19+$0x22B0];
	_ =	sdelay $0x4  }
0x286: {  	[tilespmem:$0x1B960] =	vst v0  }
0x287: {  	v0 =	vld [tilespmem:s19+$0x22A0];
	_ =	sdelay $0x4  }
0x288: {  	[tilespmem:$0x1B970] =	vst v0;
	v0 =	vld [tilespmem:s19+$0x2290];
	_ =	sdelay $0x4  }
0x289: {  	[tilespmem:$0x1B980] =	vst v0;
	v0 =	vld [tilespmem:s19+$0x2280];
	_ =	sdelay $0x4  }
0x28a: {  	[tilespmem:$0x1B990] =	vst v0;
	v0 =	vld [tilespmem:s19+$0x2270];
	_ =	sdelay $0x4  }
0x28b: {  	[tilespmem:$0x1B9A0] =	vst v0;
	v0 =	vld [tilespmem:s19+$0x2260];
	_ =	sdelay $0x4  }
0x28c: {  	[tilespmem:$0x1B9B0] =	vst v0;
	v0 =	vld [tilespmem:s19+$0x2250];
	_ =	sdelay $0x4  }
0x28d: {  	[tilespmem:$0x1B9C0] =	vst v0;
	v0 =	vld [tilespmem:s19+$0x2240];
	_ =	sdelay $0x4  }
0x28e: {  	[tilespmem:$0x1B9D0] =	vst v0;
	v0 =	vld [tilespmem:s19+$0x2230];
	_ =	sdelay $0x4  }
0x28f: {  	[tilespmem:$0x1B9E0] =	vst v0;
	v0 =	vld [tilespmem:s19+$0x2220];
	_ =	sdelay $0x4  }
0x290: {  	[tilespmem:$0x1B9F0] =	vst v0;
	v0 =	vld [tilespmem:s19+$0x2210];
	_ =	sdelay $0x4  }
0x291: {  	[tilespmem:$0x1BA00] =	vst v0;
	v0 =	vld [tilespmem:s19+$0x2200];
	_ =	sdelay $0x4  }
0x292: {  	[tilespmem:$0x1BA10] =	vst v0;
	v0 =	vld [tilespmem:s19+$0x21F0];
	_ =	sdelay $0x4  }
0x293: {  	[tilespmem:$0x1BA20] =	vst v0;
	v0 =	vld [tilespmem:s19+$0x21E0];
	_ =	sdelay $0x4  }
0x294: {  	[tilespmem:$0x1BA30] =	vst v0;
	v0 =	vld [tilespmem:s19+$0x21D0];
	_ =	sdelay $0x4  }
0x295: {  	[tilespmem:$0x1BA40] =	vst v0;
	v0 =	vld [tilespmem:s19+$0x21C0];
	_ =	sdelay $0x4  }
0x296: {  	[tilespmem:$0x1BA50] =	vst v0;
	v0 =	vld [tilespmem:s19+$0x21B0];
	_ =	sdelay $0x4  }
0x297: {  	[tilespmem:$0x1BA60] =	vst v0;
	v0 =	vld [tilespmem:s19+$0x21A0];
	_ =	sdelay $0x4  }
0x298: {  	[tilespmem:$0x1BA70] =	vst v0;
	v0 =	vld [tilespmem:s19+$0x2190];
	_ =	sdelay $0x4  }
0x299: {  	[tilespmem:$0x1BA80] =	vst v0;
	v0 =	vld [tilespmem:s19+$0x2180];
	_ =	sdelay $0x4  }
0x29a: {  	[tilespmem:$0x1BA90] =	vst v0;
	v0 =	vld [tilespmem:s19+$0x2170];
	_ =	sdelay $0x4  }
0x29b: {  	[tilespmem:$0x1BAA0] =	vst v0;
	v0 =	vld [tilespmem:s19+$0x2160];
	_ =	sdelay $0x4  }
0x29c: {  	[tilespmem:$0x1BAB0] =	vst v0;
	v0 =	vld [tilespmem:s19+$0x2150];
	_ =	sdelay $0x4  }
0x29d: {  	[tilespmem:$0x1BAC0] =	vst v0;
	v0 =	vld [tilespmem:s19+$0x2140];
	_ =	sdelay $0x4  }
0x29e: {  	[tilespmem:$0x1BAD0] =	vst v0;
	v0 =	vld [tilespmem:s19+$0x2130];
	_ =	sdelay $0x4  }
0x29f: {  	[tilespmem:$0x1BAE0] =	vst v0;
	v0 =	vld [tilespmem:s19+$0x2120];
	_ =	sdelay $0x4  }
0x2a0: {  	[tilespmem:$0x1BAF0] =	vst v0;
	v0 =	vld [tilespmem:s19+$0x2110];
	_ =	sdelay $0x4  }
0x2a1: {  	[tilespmem:$0x1BB00] =	vst v0;
	v0 =	vld [tilespmem:s19+$0x2100];
	_ =	sdelay $0x4  }
0x2a2: {  	[tilespmem:$0x1BB10] =	vst v0;
	v0 =	vld [tilespmem:s19+$0x20F0];
	_ =	sdelay $0x4  }
0x2a3: {  	[tilespmem:$0x1BB20] =	vst v0;
	v0 =	vld [tilespmem:s19+$0x20E0];
	_ =	sdelay $0x4  }
0x2a4: {  	[tilespmem:$0x1BB30] =	vst v0;
	v0 =	vld [tilespmem:s19+$0x20D0];
	_ =	sdelay $0x4  }
0x2a5: {  	[tilespmem:$0x1BB40] =	vst v0;
	v0 =	vld [tilespmem:s19+$0x20C0];
	_ =	sdelay $0x4  }
0x2a6: {  	[tilespmem:$0x1BB50] =	vst v0;
	v0 =	vld [tilespmem:s19+$0x20B0];
	_ =	sdelay $0x4  }
0x2a7: {  	[tilespmem:$0x1BB60] =	vst v0;
	v0 =	vld [tilespmem:s19+$0x20A0];
	_ =	sdelay $0x4  }
0x2a8: {  	[tilespmem:$0x1BB70] =	vst v0;
	v0 =	vld [tilespmem:s19+$0x2090];
	_ =	sdelay $0x4  }
0x2a9: {  	[tilespmem:$0x1BB80] =	vst v0;
	v0 =	vld [tilespmem:s19+$0x2080];
	_ =	sdelay $0x4  }
0x2aa: {  	[tilespmem:$0x1BB90] =	vst v0;
	v0 =	vld [tilespmem:s19+$0x2070];
	_ =	sdelay $0x4  }
0x2ab: {  	[tilespmem:$0x1BBA0] =	vst v0;
	v0 =	vld [tilespmem:s19+$0x2060];
	_ =	sdelay $0x4  }
0x2ac: {  	[tilespmem:$0x1BBB0] =	vst v0;
	v0 =	vld [tilespmem:s19+$0x2050];
	_ =	sdelay $0x4  }
0x2ad: {  	[tilespmem:$0x1BBC0] =	vst v0;
	v0 =	vld [tilespmem:s19+$0x2040];
	_ =	sdelay $0x4  }
0x2ae: {  	[tilespmem:$0x1BBD0] =	vst v0;
	v0 =	vld [tilespmem:s19+$0x2030];
	_ =	sdelay $0x4  }
0x2af: {  	[tilespmem:$0x1BBE0] =	vst v0;
	v0 =	vld [tilespmem:s19+$0x2020];
	_ =	sdelay $0x4  }
0x2b0: {  	[tilespmem:$0x1BBF0] =	vst v0;
	v0 =	vld [tilespmem:s19+$0x2010];
	_ =	sdelay $0x4  }
0x2b1: {  	[tilespmem:$0x1BC00] =	vst v0;
	v0 =	vld [tilespmem:s19+$0x2000];
	_ =	sdelay $0x4  }
0x2b2: {  	[tilespmem:$0x1BC10] =	vst v0;
	v0 =	vld [tilespmem:s19+$0x1FF0];
	_ =	sdelay $0x4  }
0x2b3: {  	[tilespmem:$0x1BC20] =	vst v0;
	v0 =	vld [tilespmem:s19+$0x1FE0];
	_ =	sdelay $0x4  }
0x2b4: {  	[tilespmem:$0x1BC30] =	vst v0;
	v0 =	vld [tilespmem:s19+$0x1FD0];
	_ =	sdelay $0x4  }
0x2b5: {  	[tilespmem:$0x1BC40] =	vst v0;
	v0 =	vld [tilespmem:s19+$0x1FC0];
	_ =	sdelay $0x4  }
0x2b6: {  	[tilespmem:$0x1BC50] =	vst v0;
	v0 =	vld [tilespmem:s19+$0x1FB0];
	_ =	sdelay $0x4  }
0x2b7: {  	[tilespmem:$0x1BC60] =	vst v0;
	v0 =	vld [tilespmem:s19+$0x1FA0];
	_ =	sdelay $0x4  }
0x2b8: {  	[tilespmem:$0x1BC70] =	vst v0;
	v0 =	vld [tilespmem:s19+$0x1F90];
	_ =	sdelay $0x4  }
0x2b9: {  	[tilespmem:$0x1BC80] =	vst v0;
	v0 =	vld [tilespmem:s19+$0x1F80];
	_ =	sdelay $0x4  }
0x2ba: {  	[tilespmem:$0x1BC90] =	vst v0;
	v0 =	vld [tilespmem:s19+$0x1F70];
	_ =	sdelay $0x4  }
0x2bb: {  	[tilespmem:$0x1BCA0] =	vst v0;
	v0 =	vld [tilespmem:s19+$0x1F60];
	_ =	sdelay $0x4  }
0x2bc: {  	[tilespmem:$0x1BCB0] =	vst v0;
	v0 =	vld [tilespmem:s19+$0x1F50];
	_ =	sdelay $0x4  }
0x2bd: {  	[tilespmem:$0x1BCC0] =	vst v0;
	v0 =	vld [tilespmem:s19+$0x1F40];
	_ =	sdelay $0x4  }
0x2be: {  	[tilespmem:$0x1BCD0] =	vst v0;
	v0 =	vld [tilespmem:s19+$0x1F30];
	_ =	sdelay $0x4  }
0x2bf: {  	[tilespmem:$0x1BCE0] =	vst v0;
	v0 =	vld [tilespmem:s19+$0x1F20];
	_ =	sdelay $0x4  }
0x2c0: {  	[tilespmem:$0x1BCF0] =	vst v0;
	v0 =	vld [tilespmem:s19+$0x1F10];
	_ =	sdelay $0x4  }
0x2c1: {  	[tilespmem:$0x1BD00] =	vst v0;
	v0 =	vld [tilespmem:s19+$0x1F00];
	_ =	sdelay $0x4  }
0x2c2: {  	[tilespmem:$0x1BD10] =	vst v0;
	v0 =	vld [tilespmem:s19+$0x1EF0];
	_ =	sdelay $0x4  }
0x2c3: {  	[tilespmem:$0x1BD20] =	vst v0;
	v0 =	vld [tilespmem:s19+$0x1EE0];
	_ =	sdelay $0x4  }
0x2c4: {  	[tilespmem:$0x1BD30] =	vst v0;
	v0 =	vld [tilespmem:s19+$0x1ED0];
	_ =	sdelay $0x4  }
0x2c5: {  	[tilespmem:$0x1BD40] =	vst v0;
	v0 =	vld [tilespmem:s19+$0x1EC0];
	_ =	sdelay $0x4  }
0x2c6: {  	[tilespmem:$0x1BD50] =	vst v0;
	v0 =	vld [tilespmem:s19+$0x1EB0];
	_ =	sdelay $0x4  }
0x2c7: {  	[tilespmem:$0x1BD60] =	vst v0;
	v0 =	vld [tilespmem:s19+$0x1EA0];
	_ =	sdelay $0x4  }
0x2c8: {  	[tilespmem:$0x1BD70] =	vst v0;
	v0 =	vld [tilespmem:s19+$0x1E90];
	_ =	sdelay $0x4  }
0x2c9: {  	[tilespmem:$0x1BD80] =	vst v0;
	v0 =	vld [tilespmem:s19+$0x1E80];
	_ =	sdelay $0x4  }
0x2ca: {  	[tilespmem:$0x1BD90] =	vst v0;
	v0 =	vld [tilespmem:s19+$0x1E70];
	_ =	sdelay $0x4  }
0x2cb: {  	[tilespmem:$0x1BDA0] =	vst v0;
	v0 =	vld [tilespmem:s19+$0x1E60];
	_ =	sdelay $0x4  }
0x2cc: {  	[tilespmem:$0x1BDB0] =	vst v0;
	v0 =	vld [tilespmem:s19+$0x1E50];
	_ =	sdelay $0x4  }
0x2cd: {  	[tilespmem:$0x1BDC0] =	vst v0;
	v0 =	vld [tilespmem:s19+$0x1E40];
	_ =	sdelay $0x4  }
0x2ce: {  	[tilespmem:$0x1BDD0] =	vst v0;
	v0 =	vld [tilespmem:s19+$0x1E30];
	_ =	sdelay $0x4  }
0x2cf: {  	[tilespmem:$0x1BDE0] =	vst v0;
	v0 =	vld [tilespmem:s19+$0x1E20];
	_ =	sdelay $0x4  }
0x2d0: {  	[tilespmem:$0x1BDF0] =	vst v0;
	v0 =	vld [tilespmem:s19+$0x1E10];
	_ =	sdelay $0x4  }
0x2d1: {  	[tilespmem:$0x1BE00] =	vst v0;
	v0 =	vld [tilespmem:s19+$0x1E00];
	_ =	sdelay $0x4  }
0x2d2: {  	[tilespmem:$0x1BE10] =	vst v0;
	v0 =	vld [tilespmem:s19+$0x1DF0];
	_ =	sdelay $0x4  }
0x2d3: {  	[tilespmem:$0x1BE20] =	vst v0;
	v0 =	vld [tilespmem:s19+$0x1DE0];
	_ =	sdelay $0x4  }
0x2d4: {  	[tilespmem:$0x1BE30] =	vst v0;
	v0 =	vld [tilespmem:s19+$0x1DD0];
	_ =	sdelay $0x4  }
0x2d5: {  	[tilespmem:$0x1BE40] =	vst v0;
	v0 =	vld [tilespmem:s19+$0x1DC0];
	_ =	sdelay $0x4  }
0x2d6: {  	[tilespmem:$0x1BE50] =	vst v0;
	v0 =	vld [tilespmem:s19+$0x1DB0];
	_ =	sdelay $0x4  }
0x2d7: {  	[tilespmem:$0x1BE60] =	vst v0;
	v0 =	vld [tilespmem:s19+$0x1DA0];
	_ =	sdelay $0x4  }
0x2d8: {  	[tilespmem:$0x1BE70] =	vst v0;
	v0 =	vld [tilespmem:s19+$0x1D90];
	_ =	sdelay $0x4  }
0x2d9: {  	[tilespmem:$0x1BE80] =	vst v0;
	v0 =	vld [tilespmem:s19+$0x1D80];
	_ =	sdelay $0x4  }
0x2da: {  	[tilespmem:$0x1BE90] =	vst v0;
	v0 =	vld [tilespmem:s19+$0x1D70];
	_ =	sdelay $0x4  }
0x2db: {  	[tilespmem:$0x1BEA0] =	vst v0;
	v0 =	vld [tilespmem:s19+$0x1D60];
	_ =	sdelay $0x4  }
0x2dc: {  	[tilespmem:$0x1BEB0] =	vst v0;
	v0 =	vld [tilespmem:s19+$0x1D50];
	_ =	sdelay $0x4  }
0x2dd: {  	[tilespmem:$0x1BEC0] =	vst v0;
	v0 =	vld [tilespmem:s19+$0x1D40];
	_ =	sdelay $0x4  }
0x2de: {  	[tilespmem:$0x1BED0] =	vst v0;
	v0 =	vld [tilespmem:s19+$0x1D30];
	_ =	sdelay $0x4  }
0x2df: {  	[tilespmem:$0x1BEE0] =	vst v0;
	v0 =	vld [tilespmem:s19+$0x1D20];
	_ =	sdelay $0x4  }
0x2e0: {  	[tilespmem:$0x1BEF0] =	vst v0;
	v0 =	vld [tilespmem:s19+$0x1D10];
	_ =	sdelay $0x4  }
0x2e1: {  	[tilespmem:$0x1BF00] =	vst v0;
	v0 =	vld [tilespmem:s19+$0x1D00];
	_ =	sdelay $0x4  }
0x2e2: {  	[tilespmem:$0x1BF10] =	vst v0;
	v0 =	vld [tilespmem:s19+$0x1CF0];
	_ =	sdelay $0x4  }
0x2e3: {  	[tilespmem:$0x1BF20] =	vst v0;
	v0 =	vld [tilespmem:s19+$0x1CE0];
	_ =	sdelay $0x4  }
0x2e4: {  	[tilespmem:$0x1BF30] =	vst v0;
	v0 =	vld [tilespmem:s19+$0x1CD0];
	_ =	sdelay $0x4  }
0x2e5: {  	[tilespmem:$0x1BF40] =	vst v0;
	v0 =	vld [tilespmem:s19+$0x1CC0];
	_ =	sdelay $0x4  }
0x2e6: {  	[tilespmem:$0x1BF50] =	vst v0;
	v0 =	vld [tilespmem:s19+$0x2BF0];
	_ =	sdelay $0x4  }
0x2e7: {  	[tilespmem:$0x1CBE0] =	vst v0;
	v0 =	vld [tilespmem:s19+$0x2C00];
	_ =	sdelay $0x4  }
0x2e8: {  	[tilespmem:$0x1CBF0] =	vst v0;
	v0 =	vld [tilespmem:s19+$0x2C10];
	_ =	sdelay $0x4  }
0x2e9: {  	[tilespmem:$0x1CC00] =	vst v0;
	v0 =	vld [tilespmem:s19+$0x2C20];
	_ =	sdelay $0x4  }
0x2ea: {  	[tilespmem:$0x1CC10] =	vst v0;
	v0 =	vld [tilespmem:s19+$0x2C30];
	_ =	sdelay $0x4  }
0x2eb: {  	[tilespmem:$0x1CC20] =	vst v0;
	v0 =	vld [tilespmem:s19+$0x2C40];
	_ =	sdelay $0x4  }
0x2ec: {  	[tilespmem:$0x1CC30] =	vst v0;
	v0 =	vld [tilespmem:s19+$0x2C50];
	_ =	sdelay $0x4  }
0x2ed: {  	[tilespmem:$0x1CC40] =	vst v0;
	v0 =	vld [tilespmem:s19+$0x2C60];
	_ =	sdelay $0x4  }
0x2ee: {  	[tilespmem:$0x1CC50] =	vst v0;
	v0 =	vld [tilespmem:s19+$0x2C70];
	_ =	sdelay $0x4  }
0x2ef: {  	[tilespmem:$0x1CC60] =	vst v0;
	v0 =	vld [tilespmem:s19+$0x2C80];
	_ =	sdelay $0x4  }
0x2f0: {  	[tilespmem:$0x1CC70] =	vst v0;
	v0 =	vld [tilespmem:s19+$0x2C90];
	_ =	sdelay $0x4  }
0x2f1: {  	[tilespmem:$0x1CC80] =	vst v0;
	v0 =	vld [tilespmem:s19+$0x2CA0];
	_ =	sdelay $0x4  }
0x2f2: {  	[tilespmem:$0x1CC90] =	vst v0;
	v0 =	vld [tilespmem:s19+$0x2CB0];
	_ =	sdelay $0x4  }
0x2f3: {  	[tilespmem:$0x1CCA0] =	vst v0;
	v0 =	vld [tilespmem:s19+$0x2CC0];
	_ =	sdelay $0x4  }
0x2f4: {  	[tilespmem:$0x1CCB0] =	vst v0;
	v0 =	vld [tilespmem:s19+$0x2CD0];
	_ =	sdelay $0x4  }
0x2f5: {  	[tilespmem:$0x1CCC0] =	vst v0;
	v0 =	vld [tilespmem:s19+$0x2CE0];
	_ =	sdelay $0x4  }
0x2f6: {  	[tilespmem:$0x1CCD0] =	vst v0;
	v0 =	vld [tilespmem:s19+$0x2CF0];
	_ =	sdelay $0x4  }
0x2f7: {  	[tilespmem:$0x1CCE0] =	vst v0;
	v0 =	vld [tilespmem:s19+$0x2D00];
	_ =	sdelay $0x4  }
0x2f8: {  	[tilespmem:$0x1CCF0] =	vst v0;
	v0 =	vld [tilespmem:s19+$0x2D10];
	_ =	sdelay $0x4  }
0x2f9: {  	[tilespmem:$0x1CD00] =	vst v0;
	v0 =	vld [tilespmem:s19+$0x2D20];
	_ =	sdelay $0x4  }
0x2fa: {  	[tilespmem:$0x1CD10] =	vst v0;
	v0 =	vld [tilespmem:s19+$0x2D30];
	_ =	sdelay $0x4  }
0x2fb: {  	[tilespmem:$0x1CD20] =	vst v0;
	v0 =	vld [tilespmem:s19+$0x2D40];
	_ =	sdelay $0x4  }
0x2fc: {  	[tilespmem:$0x1CD30] =	vst v0;
	v0 =	vld [tilespmem:s19+$0x2D50];
	_ =	sdelay $0x4  }
0x2fd: {  	[tilespmem:$0x1CD40] =	vst v0;
	v0 =	vld [tilespmem:s19+$0x2D60];
	_ =	sdelay $0x4  }
0x2fe: {  	[tilespmem:$0x1CD50] =	vst v0;
	v0 =	vld [tilespmem:s19+$0x2D70];
	_ =	sdelay $0x4  }
0x2ff: {  	[tilespmem:$0x1CD60] =	vst v0;
	v0 =	vld [tilespmem:s19+$0x2D80];
	_ =	sdelay $0x4  }
0x300: {  	[tilespmem:$0x1CD70] =	vst v0;
	v0 =	vld [tilespmem:s19+$0x2D90];
	_ =	sdelay $0x4  }
0x301: {  	[tilespmem:$0x1CD80] =	vst v0;
	v0 =	vld [tilespmem:s19+$0x2DA0];
	_ =	sdelay $0x4  }
0x302: {  	[tilespmem:$0x1CD90] =	vst v0;
	v0 =	vld [tilespmem:s19+$0x2DB0];
	_ =	sdelay $0x4  }
0x303: {  	[tilespmem:$0x1CDA0] =	vst v0;
	v0 =	vld [tilespmem:s19+$0x2DC0];
	_ =	sdelay $0x4  }
0x304: {  	[tilespmem:$0x1CDB0] =	vst v0;
	v0 =	vld [tilespmem:s19+$0x2DD0];
	_ =	sdelay $0x4  }
0x305: {  	[tilespmem:$0x1CDC0] =	vst v0;
	v0 =	vld [tilespmem:s19+$0x2DE0];
	_ =	sdelay $0x4  }
0x306: {  	[tilespmem:$0x1CDD0] =	vst v0;
	v0 =	vld [tilespmem:s19+$0x2DF0];
	_ =	sdelay $0x4  }
0x307: {  	[tilespmem:$0x1CDE0] =	vst v0;
	v0 =	vld [tilespmem:s19+$0x2E00];
	_ =	sdelay $0x4  }
0x308: {  	[tilespmem:$0x1CDF0] =	vst v0;
	v0 =	vld [tilespmem:s19+$0x2E10];
	_ =	sdelay $0x4  }
0x309: {  	[tilespmem:$0x1CE00] =	vst v0;
	v0 =	vld [tilespmem:s19+$0x2E20];
	_ =	sdelay $0x4  }
0x30a: {  	[tilespmem:$0x1CE10] =	vst v0;
	v0 =	vld [tilespmem:s19+$0x2E30];
	_ =	sdelay $0x4  }
0x30b: {  	[tilespmem:$0x1CE20] =	vst v0;
	v0 =	vld [tilespmem:s19+$0x2E40];
	_ =	sdelay $0x4  }
0x30c: {  	[tilespmem:$0x1CE30] =	vst v0;
	v0 =	vld [tilespmem:s19+$0x2E50];
	_ =	sdelay $0x4  }
0x30d: {  	[tilespmem:$0x1CE40] =	vst v0;
	v0 =	vld [tilespmem:s19+$0x2E60];
	_ =	sdelay $0x4  }
0x30e: {  	[tilespmem:$0x1CE50] =	vst v0;
	v0 =	vld [tilespmem:s19+$0x2E70];
	_ =	sdelay $0x4  }
0x30f: {  	[tilespmem:$0x1CE60] =	vst v0;
	v0 =	vld [tilespmem:s19+$0x2E80];
	_ =	sdelay $0x4  }
0x310: {  	[tilespmem:$0x1CE70] =	vst v0;
	v0 =	vld [tilespmem:s19+$0x2E90];
	_ =	sdelay $0x4  }
0x311: {  	[tilespmem:$0x1CE80] =	vst v0;
	v0 =	vld [tilespmem:s19+$0x2EA0];
	_ =	sdelay $0x4  }
0x312: {  	[tilespmem:$0x1CE90] =	vst v0;
	v0 =	vld [tilespmem:s19+$0x2EB0];
	_ =	sdelay $0x4  }
0x313: {  	[tilespmem:$0x1CEA0] =	vst v0;
	v0 =	vld [tilespmem:s19+$0x2EC0];
	_ =	sdelay $0x4  }
0x314: {  	[tilespmem:$0x1CEB0] =	vst v0;
	v0 =	vld [tilespmem:s19+$0x2ED0];
	_ =	sdelay $0x4  }
0x315: {  	[tilespmem:$0x1CEC0] =	vst v0;
	v0 =	vld [tilespmem:s19+$0x2EE0];
	_ =	sdelay $0x4  }
0x316: {  	[tilespmem:$0x1CED0] =	vst v0;
	v0 =	vld [tilespmem:s19+$0x2EF0];
	_ =	sdelay $0x4  }
0x317: {  	[tilespmem:$0x1CEE0] =	vst v0;
	v0 =	vld [tilespmem:s19+$0x2F00];
	_ =	sdelay $0x4  }
0x318: {  	[tilespmem:$0x1CEF0] =	vst v0;
	v0 =	vld [tilespmem:s19+$0x2F10];
	_ =	sdelay $0x4  }
0x319: {  	[tilespmem:$0x1CF00] =	vst v0;
	v0 =	vld [tilespmem:s19+$0x2F20];
	_ =	sdelay $0x4  }
0x31a: {  	[tilespmem:$0x1CF10] =	vst v0;
	v0 =	vld [tilespmem:s19+$0x2F30];
	_ =	sdelay $0x4  }
0x31b: {  	[tilespmem:$0x1CF20] =	vst v0;
	v0 =	vld [tilespmem:s19+$0x2F40];
	_ =	sdelay $0x4  }
0x31c: {  	[tilespmem:$0x1CF30] =	vst v0;
	v0 =	vld [tilespmem:s19+$0x2F50];
	_ =	sdelay $0x4  }
0x31d: {  	[tilespmem:$0x1CF40] =	vst v0;
	v0 =	vld [tilespmem:s19+$0x2F60];
	_ =	sdelay $0x4  }
0x31e: {  	[tilespmem:$0x1CF50] =	vst v0;
	v0 =	vld [tilespmem:s19+$0x2F70];
	_ =	sdelay $0x4  }
0x31f: {  	[tilespmem:$0x1CF60] =	vst v0;
	v0 =	vld [tilespmem:s19+$0x2F80];
	_ =	sdelay $0x4  }
0x320: {  	[tilespmem:$0x1CF70] =	vst v0;
	v0 =	vld [tilespmem:s19+$0x2F90];
	_ =	sdelay $0x4  }
0x321: {  	[tilespmem:$0x1CF80] =	vst v0;
	v0 =	vld [tilespmem:s19+$0x2FA0];
	_ =	sdelay $0x4  }
0x322: {  	[tilespmem:$0x1CF90] =	vst v0;
	v0 =	vld [tilespmem:s19+$0x2FB0];
	_ =	sdelay $0x4  }
0x323: {  	[tilespmem:$0x1CFA0] =	vst v0;
	v0 =	vld [tilespmem:s19+$0x2FC0];
	_ =	sdelay $0x4  }
0x324: {  	[tilespmem:$0x1CFB0] =	vst v0;
	v0 =	vld [tilespmem:s19+$0x2FD0];
	_ =	sdelay $0x4  }
0x325: {  	[tilespmem:$0x1CFC0] =	vst v0;
	v0 =	vld [tilespmem:s19+$0x2FE0];
	_ =	sdelay $0x4  }
0x326: {  	[tilespmem:$0x1CFD0] =	vst v0;
	v0 =	vld [tilespmem:s19+$0x2FF0];
	_ =	sdelay $0x4  }
0x327: {  	[tilespmem:$0x1CFE0] =	vst v0;
	v0 =	vld [tilespmem:s19+$0x3000];
	_ =	sdelay $0x4  }
0x328: {  	[tilespmem:$0x1CFF0] =	vst v0;
	v0 =	vld [tilespmem:s19+$0x3010];
	_ =	sdelay $0x4  }
0x329: {  	[tilespmem:$0x1D000] =	vst v0;
	v0 =	vld [tilespmem:s19+$0x3020];
	_ =	sdelay $0x4  }
0x32a: {  	[tilespmem:$0x1D010] =	vst v0;
	v0 =	vld [tilespmem:s19+$0x3030];
	_ =	sdelay $0x4  }
0x32b: {  	[tilespmem:$0x1D020] =	vst v0;
	v0 =	vld [tilespmem:s19+$0x3040];
	_ =	sdelay $0x4  }
0x32c: {  	[tilespmem:$0x1D030] =	vst v0;
	v0 =	vld [tilespmem:s19+$0x3050];
	_ =	sdelay $0x4  }
0x32d: {  	[tilespmem:$0x1D040] =	vst v0;
	v0 =	vld [tilespmem:s19+$0x3060];
	_ =	sdelay $0x4  }
0x32e: {  	[tilespmem:$0x1D050] =	vst v0;
	v0 =	vld [tilespmem:s19+$0x3070];
	_ =	sdelay $0x4  }
0x32f: {  	[tilespmem:$0x1D060] =	vst v0;
	v0 =	vld [tilespmem:s19+$0x3080];
	_ =	sdelay $0x4  }
0x330: {  	[tilespmem:$0x1D070] =	vst v0;
	v0 =	vld [tilespmem:s19+$0x3090];
	_ =	sdelay $0x4  }
0x331: {  	[tilespmem:$0x1D080] =	vst v0;
	v0 =	vld [tilespmem:s19+$0x30A0];
	_ =	sdelay $0x4  }
0x332: {  	[tilespmem:$0x1D090] =	vst v0;
	v0 =	vld [tilespmem:s19+$0x30B0];
	_ =	sdelay $0x4  }
0x333: {  	[tilespmem:$0x1D0A0] =	vst v0;
	v0 =	vld [tilespmem:s19+$0x30C0];
	_ =	sdelay $0x4  }
0x334: {  	[tilespmem:$0x1D0B0] =	vst v0;
	v0 =	vld [tilespmem:s19+$0x30D0];
	_ =	sdelay $0x4  }
0x335: {  	[tilespmem:$0x1D0C0] =	vst v0;
	v0 =	vld [tilespmem:s19+$0x30E0];
	_ =	sdelay $0x4  }
0x336: {  	[tilespmem:$0x1D0D0] =	vst v0;
	v0 =	vld [tilespmem:s19+$0x30F0];
	_ =	sdelay $0x4  }
0x337: {  	[tilespmem:$0x1D0E0] =	vst v0;
	v0 =	vld [tilespmem:s19+$0x3100];
	_ =	sdelay $0x4  }
0x338: {  	[tilespmem:$0x1D0F0] =	vst v0;
	v0 =	vld [tilespmem:s19+$0x3110];
	_ =	sdelay $0x4  }
0x339: {  	[tilespmem:$0x1D100] =	vst v0;
	v0 =	vld [tilespmem:s19+$0x3120];
	_ =	sdelay $0x4  }
0x33a: {  	[tilespmem:$0x1D110] =	vst v0;
	v0 =	vld [tilespmem:s19+$0x3130];
	_ =	sdelay $0x4  }
0x33b: {  	[tilespmem:$0x1D120] =	vst v0;
	v0 =	vld [tilespmem:s19+$0x3140];
	_ =	sdelay $0x4  }
0x33c: {  	[tilespmem:$0x1D130] =	vst v0;
	v0 =	vld [tilespmem:s19+$0x3150];
	_ =	sdelay $0x4  }
0x33d: {  	[tilespmem:$0x1D140] =	vst v0;
	v0 =	vld [tilespmem:s19+$0x3160];
	_ =	sdelay $0x4  }
0x33e: {  	[tilespmem:$0x1D150] =	vst v0;
	v0 =	vld [tilespmem:s19+$0x3170];
	_ =	sdelay $0x4  }
0x33f: {  	[tilespmem:$0x1D160] =	vst v0;
	v0 =	vld [tilespmem:s19+$0x3180];
	_ =	sdelay $0x4  }
0x340: {  	[tilespmem:$0x1D170] =	vst v0;
	v0 =	vld [tilespmem:s19+$0x3190];
	_ =	sdelay $0x4  }
0x341: {  	[tilespmem:$0x1D180] =	vst v0;
	v0 =	vld [tilespmem:s19+$0x31A0];
	_ =	sdelay $0x4  }
0x342: {  	[tilespmem:$0x1D190] =	vst v0;
	v0 =	vld [tilespmem:s19+$0x31B0];
	_ =	sdelay $0x4  }
0x343: {  	[tilespmem:$0x1D1A0] =	vst v0;
	v0 =	vld [tilespmem:s19+$0x31C0];
	_ =	sdelay $0x4  }
0x344: {  	[tilespmem:$0x1D1B0] =	vst v0;
	v0 =	vld [tilespmem:s19+$0x31D0];
	_ =	sdelay $0x4  }
0x345: {  	[tilespmem:$0x1D1C0] =	vst v0;
	v0 =	vld [tilespmem:s19+$0x31E0];
	_ =	sdelay $0x4  }
0x346: {  	[tilespmem:$0x1D1D0] =	vst v0;
	v0 =	vld [tilespmem:s19+$0x31F0];
	_ =	sdelay $0x4  }
0x347: {  	[tilespmem:$0x1D1E0] =	vst v0;
	v0 =	vld [tilespmem:s19+$0x3200];
	_ =	sdelay $0x4  }
0x348: {  	[tilespmem:$0x1D1F0] =	vst v0;
	v0 =	vld [tilespmem:s19+$0x3210];
	_ =	sdelay $0x4  }
0x349: {  	[tilespmem:$0x1D200] =	vst v0;
	v0 =	vld [tilespmem:s19+$0x3220];
	_ =	sdelay $0x4  }
0x34a: {  	[tilespmem:$0x1D210] =	vst v0;
	v0 =	vld [tilespmem:s19+$0x3230];
	_ =	sdelay $0x4  }
0x34b: {  	[tilespmem:$0x1D220] =	vst v0;
	v0 =	vld [tilespmem:s19+$0x3240];
	_ =	sdelay $0x4  }
0x34c: {  	[tilespmem:$0x1D230] =	vst v0;
	v0 =	vld [tilespmem:s19+$0x3250];
	_ =	sdelay $0x4  }
0x34d: {  	[tilespmem:$0x1D240] =	vst v0;
	v0 =	vld [tilespmem:s19+$0x3260];
	_ =	sdelay $0x4  }
0x34e: {  	[tilespmem:$0x1D250] =	vst v0;
	v0 =	vld [tilespmem:s19+$0x3270];
	_ =	sdelay $0x4  }
0x34f: {  	[tilespmem:$0x1D260] =	vst v0;
	v0 =	vld [tilespmem:s19+$0x3280];
	_ =	sdelay $0x4  }
0x350: {  	[tilespmem:$0x1D270] =	vst v0;
	v0 =	vld [tilespmem:s19+$0x3290];
	_ =	sdelay $0x4  }
0x351: {  	[tilespmem:$0x1D280] =	vst v0;
	v0 =	vld [tilespmem:s19+$0x32A0];
	_ =	sdelay $0x4  }
0x352: {  	[tilespmem:$0x1D290] =	vst v0;
	v0 =	vld [tilespmem:s19+$0x32B0];
	_ =	sdelay $0x4  }
0x353: {  	[tilespmem:$0x1D2A0] =	vst v0;
	v0 =	vld [tilespmem:s19+$0x32C0];
	_ =	sdelay $0x4  }
0x354: {  	[tilespmem:$0x1D2B0] =	vst v0;
	v0 =	vld [tilespmem:s19+$0x32D0];
	_ =	sdelay $0x4  }
0x355: {  	[tilespmem:$0x1D2C0] =	vst v0;
	v0 =	vld [tilespmem:s19+$0x32E0];
	_ =	sdelay $0x4  }
0x356: {  	[tilespmem:$0x1D2D0] =	vst v0;
	v0 =	vld [tilespmem:s19+$0x32F0];
	_ =	sdelay $0x4  }
0x357: {  	[tilespmem:$0x1D2E0] =	vst v0;
	v0 =	vld [tilespmem:s19+$0x3300];
	_ =	sdelay $0x4  }
0x358: {  	[tilespmem:$0x1D2F0] =	vst v0;
	v0 =	vld [tilespmem:s19+$0x3310];
	_ =	sdelay $0x4  }
0x359: {  	[tilespmem:$0x1D300] =	vst v0;
	v0 =	vld [tilespmem:s19+$0x3320];
	_ =	sdelay $0x4  }
0x35a: {  	[tilespmem:$0x1D310] =	vst v0;
	v0 =	vld [tilespmem:s19+$0x3330];
	_ =	sdelay $0x4  }
0x35b: {  	[tilespmem:$0x1D320] =	vst v0;
	v0 =	vld [tilespmem:s19+$0x3340];
	_ =	sdelay $0x4  }
0x35c: {  	[tilespmem:$0x1D330] =	vst v0;
	v0 =	vld [tilespmem:s19+$0x3350];
	_ =	sdelay $0x4  }
0x35d: {  	[tilespmem:$0x1D340] =	vst v0;
	v0 =	vld [tilespmem:s19+$0x3360];
	_ =	sdelay $0x4  }
0x35e: {  	[tilespmem:$0x1D350] =	vst v0;
	v0 =	vld [tilespmem:s19+$0x3370];
	_ =	sdelay $0x4  }
0x35f: {  	[tilespmem:$0x1D360] =	vst v0;
	v0 =	vld [tilespmem:s19+$0x3380];
	_ =	sdelay $0x4  }
0x360: {  	[tilespmem:$0x1D370] =	vst v0;
	v0 =	vld [tilespmem:s19+$0x3390];
	_ =	sdelay $0x4  }
0x361: {  	[tilespmem:$0x1D380] =	vst v0;
	v0 =	vld [tilespmem:s19+$0x33A0];
	_ =	sdelay $0x4  }
0x362: {  	[tilespmem:$0x1D390] =	vst v0;
	v0 =	vld [tilespmem:s19+$0x33B0];
	_ =	sdelay $0x4  }
0x363: {  	[tilespmem:$0x1D3A0] =	vst v0;
	v0 =	vld [tilespmem:s19+$0x33C0];
	_ =	sdelay $0x4  }
0x364: {  	[tilespmem:$0x1D3B0] =	vst v0;
	v0 =	vld [tilespmem:s19+$0x33D0];
	_ =	sdelay $0x4  }
0x365: {  	[tilespmem:$0x1D3C0] =	vst v0;
	v0 =	vld [tilespmem:s19+$0x33E0];
	_ =	sdelay $0x4  }
0x366: {  	[tilespmem:$0x1D3D0] =	vst v0;
	v0 =	vld [tilespmem:s19+$0x33F0];
	_ =	sdelay $0x4  }
0x367: {  	[tilespmem:$0x1D3E0] =	vst v0;
	v0 =	vld [tilespmem:s19+$0x3400];
	_ =	sdelay $0x4  }
0x368: {  	[tilespmem:$0x1D3F0] =	vst v0;
	v0 =	vld [tilespmem:s19+$0x3410];
	_ =	sdelay $0x4  }
0x369: {  	[tilespmem:$0x1D400] =	vst v0;
	v0 =	vld [tilespmem:s19+$0x3420];
	_ =	sdelay $0x4  }
0x36a: {  	[tilespmem:$0x1D410] =	vst v0;
	v0 =	vld [tilespmem:s19+$0x3430];
	_ =	sdelay $0x4  }
0x36b: {  	[tilespmem:$0x1D420] =	vst v0;
	v0 =	vld [tilespmem:s19+$0x3440];
	_ =	sdelay $0x4  }
0x36c: {  	[tilespmem:$0x1D430] =	vst v0;
	v0 =	vld [tilespmem:s19+$0x3450];
	_ =	sdelay $0x4  }
0x36d: {  	[tilespmem:$0x1D440] =	vst v0;
	v0 =	vld [tilespmem:s19+$0x3460];
	_ =	sdelay $0x4  }
0x36e: {  	[tilespmem:$0x1D450] =	vst v0;
	v0 =	vld [tilespmem:s19+$0x3470];
	_ =	sdelay $0x4  }
0x36f: {  	[tilespmem:$0x1D460] =	vst v0;
	v0 =	vld [tilespmem:s19+$0x3480];
	_ =	sdelay $0x4  }
0x370: {  	[tilespmem:$0x1D470] =	vst v0;
	v0 =	vld [tilespmem:s19+$0x3490];
	_ =	sdelay $0x4  }
0x371: {  	[tilespmem:$0x1D480] =	vst v0;
	v0 =	vld [tilespmem:s19+$0x34A0];
	_ =	sdelay $0x4  }
0x372: {  	[tilespmem:$0x1D490] =	vst v0;
	v0 =	vld [tilespmem:s19+$0x34B0];
	_ =	sdelay $0x4  }
0x373: {  	[tilespmem:$0x1D4A0] =	vst v0;
	v0 =	vld [tilespmem:s19+$0x34C0];
	_ =	sdelay $0x4  }
0x374: {  	[tilespmem:$0x1D4B0] =	vst v0;
	v0 =	vld [tilespmem:s19+$0x34D0];
	_ =	sdelay $0x4  }
0x375: {  	[tilespmem:$0x1D4C0] =	vst v0;
	v0 =	vld [tilespmem:s19+$0x34E0];
	_ =	sdelay $0x4  }
0x376: {  	[tilespmem:$0x1D4D0] =	vst v0;
	v0 =	vld [tilespmem:s19+$0x34F0];
	_ =	sdelay $0x4  }
0x377: {  	[tilespmem:$0x1D4E0] =	vst v0;
	v0 =	vld [tilespmem:s19+$0x3500];
	_ =	sdelay $0x4  }
0x378: {  	[tilespmem:$0x1D4F0] =	vst v0;
	v0 =	vld [tilespmem:s19+$0x3510];
	_ =	sdelay $0x4  }
0x379: {  	[tilespmem:$0x1D500] =	vst v0;
	v0 =	vld [tilespmem:s19+$0x3520];
	_ =	sdelay $0x4  }
0x37a: {  	[tilespmem:$0x1D510] =	vst v0;
	v0 =	vld [tilespmem:s19+$0x3530];
	_ =	sdelay $0x4  }
0x37b: {  	[tilespmem:$0x1D520] =	vst v0;
	v0 =	vld [tilespmem:s19+$0x3540];
	_ =	sdelay $0x4  }
0x37c: {  	[tilespmem:$0x1D530] =	vst v0;
	v0 =	vld [tilespmem:s19+$0x3550];
	_ =	sdelay $0x4  }
0x37d: {  	[tilespmem:$0x1D540] =	vst v0;
	v0 =	vld [tilespmem:s19+$0x3560];
	_ =	sdelay $0x4  }
0x37e: {  	[tilespmem:$0x1D550] =	vst v0;
	v0 =	vld [tilespmem:s19+$0x3570];
	_ =	sdelay $0x4  }
0x37f: {  	[tilespmem:$0x1D560] =	vst v0;
	v0 =	vld [tilespmem:s19+$0x3580];
	_ =	sdelay $0x4  }
0x380: {  	[tilespmem:$0x1D570] =	vst v0;
	v0 =	vld [tilespmem:s19+$0x3590];
	_ =	sdelay $0x4  }
0x381: {  	[tilespmem:$0x1D580] =	vst v0  }
0x382: {  	v0 =	vld [tilespmem:s19+$0x35A0];
	_ =	sdelay $0x4  }
0x383: {  	[tilespmem:$0x1D590] =	vst v0;
	v0 =	vld [tilespmem:s19+$0x35B0];
	_ =	sdelay $0x4  }
0x384: {  	[tilespmem:$0x1D5A0] =	vst v0;
	v0 =	vld [tilespmem:s19+$0x35C0];
	_ =	sdelay $0x4  }
0x385: {  	[tilespmem:$0x1E4D0] =	vst v0;
	v0 =	vld [tilespmem:s19+$0x35D0];
	_ =	sdelay $0x4  }
0x386: {  	[tilespmem:$0x1E4C0] =	vst v0;
	v0 =	vld [tilespmem:s19+$0x35E0];
	_ =	sdelay $0x4  }
0x387: {  	[tilespmem:$0x1E4B0] =	vst v0;
	v0 =	vld [tilespmem:s19+$0x35F0];
	_ =	sdelay $0x4  }
0x388: {  	[tilespmem:$0x1E4A0] =	vst v0;
	v0 =	vld [tilespmem:s19+$0x3600];
	_ =	sdelay $0x4  }
0x389: {  	[tilespmem:$0x1E490] =	vst v0;
	v0 =	vld [tilespmem:s19+$0x3610];
	_ =	sdelay $0x4  }
0x38a: {  	[tilespmem:$0x1E480] =	vst v0;
	v0 =	vld [tilespmem:s19+$0x3620];
	_ =	sdelay $0x4  }
0x38b: {  	[tilespmem:$0x1E470] =	vst v0;
	v0 =	vld [tilespmem:s19+$0x3630];
	_ =	sdelay $0x4  }
0x38c: {  	[tilespmem:$0x1E460] =	vst v0;
	v0 =	vld [tilespmem:s19+$0x3640];
	_ =	sdelay $0x4  }
0x38d: {  	[tilespmem:$0x1E450] =	vst v0;
	v0 =	vld [tilespmem:s19+$0x3650];
	_ =	sdelay $0x4  }
0x38e: {  	[tilespmem:$0x1E440] =	vst v0;
	v0 =	vld [tilespmem:s19+$0x3660];
	_ =	sdelay $0x4  }
0x38f: {  	[tilespmem:$0x1E430] =	vst v0;
	v0 =	vld [tilespmem:s19+$0x3670];
	_ =	sdelay $0x4  }
0x390: {  	[tilespmem:$0x1E420] =	vst v0;
	v0 =	vld [tilespmem:s19+$0x3680];
	_ =	sdelay $0x4  }
0x391: {  	[tilespmem:$0x1E410] =	vst v0;
	v0 =	vld [tilespmem:s19+$0x3690];
	_ =	sdelay $0x4  }
0x392: {  	[tilespmem:$0x1E400] =	vst v0;
	v0 =	vld [tilespmem:s19+$0x36A0];
	_ =	sdelay $0x4  }
0x393: {  	[tilespmem:$0x1E3F0] =	vst v0;
	v0 =	vld [tilespmem:s19+$0x36B0];
	_ =	sdelay $0x4  }
0x394: {  	[tilespmem:$0x1E3E0] =	vst v0;
	v0 =	vld [tilespmem:s19+$0x36C0];
	_ =	sdelay $0x4  }
0x395: {  	[tilespmem:$0x1E3D0] =	vst v0;
	v0 =	vld [tilespmem:s19+$0x36D0];
	_ =	sdelay $0x4  }
0x396: {  	[tilespmem:$0x1E3C0] =	vst v0;
	v0 =	vld [tilespmem:s19+$0x36E0];
	_ =	sdelay $0x4  }
0x397: {  	[tilespmem:$0x1E3B0] =	vst v0;
	v0 =	vld [tilespmem:s19+$0x36F0];
	_ =	sdelay $0x4  }
0x398: {  	[tilespmem:$0x1E3A0] =	vst v0;
	v0 =	vld [tilespmem:s19+$0x3700];
	_ =	sdelay $0x4  }
0x399: {  	[tilespmem:$0x1E390] =	vst v0;
	v0 =	vld [tilespmem:s19+$0x3710];
	_ =	sdelay $0x4  }
0x39a: {  	[tilespmem:$0x1E380] =	vst v0;
	v0 =	vld [tilespmem:s19+$0x3720];
	_ =	sdelay $0x4  }
0x39b: {  	[tilespmem:$0x1E370] =	vst v0;
	v0 =	vld [tilespmem:s19+$0x3730];
	_ =	sdelay $0x4  }
0x39c: {  	[tilespmem:$0x1E360] =	vst v0;
	v0 =	vld [tilespmem:s19+$0x3740];
	_ =	sdelay $0x4  }
0x39d: {  	[tilespmem:$0x1E350] =	vst v0;
	v0 =	vld [tilespmem:s19+$0x3750];
	_ =	sdelay $0x4  }
0x39e: {  	[tilespmem:$0x1E340] =	vst v0;
	v0 =	vld [tilespmem:s19+$0x3760];
	_ =	sdelay $0x4  }
0x39f: {  	[tilespmem:$0x1E330] =	vst v0;
	v0 =	vld [tilespmem:s19+$0x3770];
	_ =	sdelay $0x4  }
0x3a0: {  	[tilespmem:$0x1E320] =	vst v0;
	v0 =	vld [tilespmem:s19+$0x3780];
	_ =	sdelay $0x4  }
0x3a1: {  	[tilespmem:$0x1E310] =	vst v0;
	v0 =	vld [tilespmem:s19+$0x3790];
	_ =	sdelay $0x4  }
0x3a2: {  	[tilespmem:$0x1E300] =	vst v0;
	v0 =	vld [tilespmem:s19+$0x37A0];
	_ =	sdelay $0x4  }
0x3a3: {  	[tilespmem:$0x1E2F0] =	vst v0;
	v0 =	vld [tilespmem:s19+$0x37B0];
	_ =	sdelay $0x4  }
0x3a4: {  	[tilespmem:$0x1E2E0] =	vst v0;
	v0 =	vld [tilespmem:s19+$0x37C0];
	_ =	sdelay $0x4  }
0x3a5: {  	[tilespmem:$0x1E2D0] =	vst v0;
	v0 =	vld [tilespmem:s19+$0x37D0];
	_ =	sdelay $0x4  }
0x3a6: {  	[tilespmem:$0x1E2C0] =	vst v0;
	v0 =	vld [tilespmem:s19+$0x37E0];
	_ =	sdelay $0x4  }
0x3a7: {  	[tilespmem:$0x1E2B0] =	vst v0;
	v0 =	vld [tilespmem:s19+$0x37F0];
	_ =	sdelay $0x4  }
0x3a8: {  	[tilespmem:$0x1E2A0] =	vst v0;
	v0 =	vld [tilespmem:s19+$0x3800];
	_ =	sdelay $0x4  }
0x3a9: {  	[tilespmem:$0x1E290] =	vst v0;
	v0 =	vld [tilespmem:s19+$0x3810];
	_ =	sdelay $0x4  }
0x3aa: {  	[tilespmem:$0x1E280] =	vst v0;
	v0 =	vld [tilespmem:s19+$0x3820];
	_ =	sdelay $0x4  }
0x3ab: {  	[tilespmem:$0x1E270] =	vst v0;
	v0 =	vld [tilespmem:s19+$0x3830];
	_ =	sdelay $0x4  }
0x3ac: {  	[tilespmem:$0x1E260] =	vst v0;
	v0 =	vld [tilespmem:s19+$0x3840];
	_ =	sdelay $0x4  }
0x3ad: {  	[tilespmem:$0x1E250] =	vst v0;
	v0 =	vld [tilespmem:s19+$0x3850];
	_ =	sdelay $0x4  }
0x3ae: {  	[tilespmem:$0x1E240] =	vst v0;
	v0 =	vld [tilespmem:s19+$0x3860];
	_ =	sdelay $0x4  }
0x3af: {  	[tilespmem:$0x1E230] =	vst v0;
	v0 =	vld [tilespmem:s19+$0x3870];
	_ =	sdelay $0x4  }
0x3b0: {  	[tilespmem:$0x1E220] =	vst v0;
	v0 =	vld [tilespmem:s19+$0x3880];
	_ =	sdelay $0x4  }
0x3b1: {  	[tilespmem:$0x1E210] =	vst v0;
	v0 =	vld [tilespmem:s19+$0x3890];
	_ =	sdelay $0x4  }
0x3b2: {  	[tilespmem:$0x1E200] =	vst v0;
	v0 =	vld [tilespmem:s19+$0x38A0];
	_ =	sdelay $0x4  }
0x3b3: {  	[tilespmem:$0x1E1F0] =	vst v0;
	v0 =	vld [tilespmem:s19+$0x38B0];
	_ =	sdelay $0x4  }
0x3b4: {  	[tilespmem:$0x1E1E0] =	vst v0;
	v0 =	vld [tilespmem:s19+$0x38C0];
	_ =	sdelay $0x4  }
0x3b5: {  	[tilespmem:$0x1E1D0] =	vst v0;
	v0 =	vld [tilespmem:s19+$0x38D0];
	_ =	sdelay $0x4  }
0x3b6: {  	[tilespmem:$0x1E1C0] =	vst v0;
	v0 =	vld [tilespmem:s19+$0x38E0];
	_ =	sdelay $0x4  }
0x3b7: {  	[tilespmem:$0x1E1B0] =	vst v0;
	v0 =	vld [tilespmem:s19+$0x38F0];
	_ =	sdelay $0x4  }
0x3b8: {  	[tilespmem:$0x1E1A0] =	vst v0;
	v0 =	vld [tilespmem:s19+$0x3900];
	_ =	sdelay $0x4  }
0x3b9: {  	[tilespmem:$0x1E190] =	vst v0;
	v0 =	vld [tilespmem:s19+$0x3910];
	_ =	sdelay $0x4  }
0x3ba: {  	[tilespmem:$0x1E180] =	vst v0;
	v0 =	vld [tilespmem:s19+$0x3920];
	_ =	sdelay $0x4  }
0x3bb: {  	[tilespmem:$0x1E170] =	vst v0;
	v0 =	vld [tilespmem:s19+$0x3930];
	_ =	sdelay $0x4  }
0x3bc: {  	[tilespmem:$0x1E160] =	vst v0;
	v0 =	vld [tilespmem:s19+$0x3940];
	_ =	sdelay $0x4  }
0x3bd: {  	[tilespmem:$0x1E150] =	vst v0;
	v0 =	vld [tilespmem:s19+$0x3950];
	_ =	sdelay $0x4  }
0x3be: {  	[tilespmem:$0x1E140] =	vst v0;
	v0 =	vld [tilespmem:s19+$0x3960];
	_ =	sdelay $0x4  }
0x3bf: {  	[tilespmem:$0x1E130] =	vst v0;
	v0 =	vld [tilespmem:s19+$0x3970];
	_ =	sdelay $0x4  }
0x3c0: {  	[tilespmem:$0x1E120] =	vst v0;
	v0 =	vld [tilespmem:s19+$0x3980];
	_ =	sdelay $0x4  }
0x3c1: {  	[tilespmem:$0x1E110] =	vst v0;
	v0 =	vld [tilespmem:s19+$0x3990];
	_ =	sdelay $0x4  }
0x3c2: {  	[tilespmem:$0x1E100] =	vst v0;
	v0 =	vld [tilespmem:s19+$0x39A0];
	_ =	sdelay $0x4  }
0x3c3: {  	[tilespmem:$0x1E0F0] =	vst v0;
	v0 =	vld [tilespmem:s19+$0x39B0];
	_ =	sdelay $0x4  }
0x3c4: {  	[tilespmem:$0x1E0E0] =	vst v0;
	v0 =	vld [tilespmem:s19+$0x39C0];
	_ =	sdelay $0x4  }
0x3c5: {  	[tilespmem:$0x1E0D0] =	vst v0;
	v0 =	vld [tilespmem:s19+$0x39D0];
	_ =	sdelay $0x4  }
0x3c6: {  	[tilespmem:$0x1E0C0] =	vst v0;
	v0 =	vld [tilespmem:s19+$0x39E0];
	_ =	sdelay $0x4  }
0x3c7: {  	[tilespmem:$0x1E0B0] =	vst v0;
	v0 =	vld [tilespmem:s19+$0x39F0];
	_ =	sdelay $0x4  }
0x3c8: {  	[tilespmem:$0x1E0A0] =	vst v0;
	v0 =	vld [tilespmem:s19+$0x3A00];
	_ =	sdelay $0x4  }
0x3c9: {  	[tilespmem:$0x1E090] =	vst v0;
	v0 =	vld [tilespmem:s19+$0x3A10];
	_ =	sdelay $0x4  }
0x3ca: {  	[tilespmem:$0x1E080] =	vst v0;
	v0 =	vld [tilespmem:s19+$0x3A20];
	_ =	sdelay $0x4  }
0x3cb: {  	[tilespmem:$0x1E070] =	vst v0;
	v0 =	vld [tilespmem:s19+$0x3A30];
	_ =	sdelay $0x4  }
0x3cc: {  	[tilespmem:$0x1E060] =	vst v0;
	v0 =	vld [tilespmem:s19+$0x3A40];
	_ =	sdelay $0x4  }
0x3cd: {  	[tilespmem:$0x1E050] =	vst v0;
	v0 =	vld [tilespmem:s19+$0x3A50];
	_ =	sdelay $0x4  }
0x3ce: {  	[tilespmem:$0x1E040] =	vst v0;
	v0 =	vld [tilespmem:s19+$0x3A60];
	_ =	sdelay $0x4  }
0x3cf: {  	[tilespmem:$0x1E030] =	vst v0;
	v0 =	vld [tilespmem:s19+$0x3A70];
	_ =	sdelay $0x4  }
0x3d0: {  	[tilespmem:$0x1E020] =	vst v0;
	v0 =	vld [tilespmem:s19+$0x3A80];
	_ =	sdelay $0x4  }
0x3d1: {  	[tilespmem:$0x1E010] =	vst v0;
	v0 =	vld [tilespmem:s19+$0x3A90];
	_ =	sdelay $0x4  }
0x3d2: {  	[tilespmem:$0x1E000] =	vst v0;
	v0 =	vld [tilespmem:s19+$0x3AA0];
	_ =	sdelay $0x4  }
0x3d3: {  	[tilespmem:$0x1DFF0] =	vst v0;
	v0 =	vld [tilespmem:s19+$0x3AB0];
	_ =	sdelay $0x4  }
0x3d4: {  	[tilespmem:$0x1DFE0] =	vst v0;
	v0 =	vld [tilespmem:s19+$0x3AC0];
	_ =	sdelay $0x4  }
0x3d5: {  	[tilespmem:$0x1DFD0] =	vst v0;
	v0 =	vld [tilespmem:s19+$0x3AD0];
	_ =	sdelay $0x4  }
0x3d6: {  	[tilespmem:$0x1DFC0] =	vst v0;
	v0 =	vld [tilespmem:s19+$0x3AE0];
	_ =	sdelay $0x4  }
0x3d7: {  	[tilespmem:$0x1DFB0] =	vst v0;
	v0 =	vld [tilespmem:s19+$0x3AF0];
	_ =	sdelay $0x4  }
0x3d8: {  	[tilespmem:$0x1DFA0] =	vst v0;
	v0 =	vld [tilespmem:s19+$0x3B00];
	_ =	sdelay $0x4  }
0x3d9: {  	[tilespmem:$0x1DF90] =	vst v0;
	v0 =	vld [tilespmem:s19+$0x3B10];
	_ =	sdelay $0x4  }
0x3da: {  	[tilespmem:$0x1DF80] =	vst v0;
	v0 =	vld [tilespmem:s19+$0x3B20];
	_ =	sdelay $0x4  }
0x3db: {  	[tilespmem:$0x1DF70] =	vst v0;
	v0 =	vld [tilespmem:s19+$0x3B30];
	_ =	sdelay $0x4  }
0x3dc: {  	[tilespmem:$0x1DF60] =	vst v0;
	v0 =	vld [tilespmem:s19+$0x3B40];
	_ =	sdelay $0x4  }
0x3dd: {  	[tilespmem:$0x1DF50] =	vst v0;
	v0 =	vld [tilespmem:s19+$0x3B50];
	_ =	sdelay $0x4  }
0x3de: {  	[tilespmem:$0x1DF40] =	vst v0;
	v0 =	vld [tilespmem:s19+$0x3B60];
	_ =	sdelay $0x4  }
0x3df: {  	[tilespmem:$0x1DF30] =	vst v0;
	v0 =	vld [tilespmem:s19+$0x3B70];
	_ =	sdelay $0x4  }
0x3e0: {  	[tilespmem:$0x1DF20] =	vst v0;
	v0 =	vld [tilespmem:s19+$0x3B80];
	_ =	sdelay $0x4  }
0x3e1: {  	[tilespmem:$0x1DF10] =	vst v0;
	v0 =	vld [tilespmem:s19+$0x3B90];
	_ =	sdelay $0x4  }
0x3e2: {  	[tilespmem:$0x1DF00] =	vst v0;
	v0 =	vld [tilespmem:s19+$0x3BA0];
	_ =	sdelay $0x4  }
0x3e3: {  	[tilespmem:$0x1DEF0] =	vst v0;
	v0 =	vld [tilespmem:s19+$0x3BB0];
	_ =	sdelay $0x4  }
0x3e4: {  	[tilespmem:$0x1DEE0] =	vst v0;
	v0 =	vld [tilespmem:s19+$0x3BC0];
	_ =	sdelay $0x4  }
0x3e5: {  	[tilespmem:$0x1DED0] =	vst v0;
	v0 =	vld [tilespmem:s19+$0x3BD0];
	_ =	sdelay $0x4  }
0x3e6: {  	[tilespmem:$0x1DEC0] =	vst v0;
	v0 =	vld [tilespmem:s19+$0x3BE0];
	_ =	sdelay $0x4  }
0x3e7: {  	[tilespmem:$0x1DEB0] =	vst v0;
	v0 =	vld [tilespmem:s19+$0x3BF0];
	_ =	sdelay $0x4  }
0x3e8: {  	[tilespmem:$0x1DEA0] =	vst v0;
	v0 =	vld [tilespmem:s19+$0x4B20];
	_ =	sdelay $0x4  }
0x3e9: {  	[tilespmem:$0x1EB10] =	vst v0;
	v0 =	vld [tilespmem:s19+$0x4B10];
	_ =	sdelay $0x4  }
0x3ea: {  	[tilespmem:$0x1EB00] =	vst v0;
	v0 =	vld [tilespmem:s19+$0x4B00];
	_ =	sdelay $0x4  }
0x3eb: {  	[tilespmem:$0x1EAF0] =	vst v0;
	v0 =	vld [tilespmem:s19+$0x4AF0];
	_ =	sdelay $0x4  }
0x3ec: {  	[tilespmem:$0x1EAE0] =	vst v0;
	v0 =	vld [tilespmem:s19+$0x4AE0];
	_ =	sdelay $0x4  }
0x3ed: {  	[tilespmem:$0x1EAD0] =	vst v0;
	v0 =	vld [tilespmem:s19+$0x4AD0];
	_ =	sdelay $0x4  }
0x3ee: {  	[tilespmem:$0x1EAC0] =	vst v0;
	v0 =	vld [tilespmem:s19+$0x4AC0];
	_ =	sdelay $0x4  }
0x3ef: {  	[tilespmem:$0x1EAB0] =	vst v0;
	v0 =	vld [tilespmem:s19+$0x4AB0];
	_ =	sdelay $0x4  }
0x3f0: {  	[tilespmem:$0x1EAA0] =	vst v0;
	v0 =	vld [tilespmem:s19+$0x4AA0];
	_ =	sdelay $0x4  }
0x3f1: {  	[tilespmem:$0x1EA90] =	vst v0;
	v0 =	vld [tilespmem:s19+$0x4A90];
	_ =	sdelay $0x4  }
0x3f2: {  	[tilespmem:$0x1EA80] =	vst v0;
	v0 =	vld [tilespmem:s19+$0x4A80];
	_ =	sdelay $0x4  }
0x3f3: {  	[tilespmem:$0x1EA70] =	vst v0;
	v0 =	vld [tilespmem:s19+$0x4A70];
	_ =	sdelay $0x4  }
0x3f4: {  	[tilespmem:$0x1EA60] =	vst v0;
	v0 =	vld [tilespmem:s19+$0x4A60];
	_ =	sdelay $0x4  }
0x3f5: {  	[tilespmem:$0x1EA50] =	vst v0;
	v0 =	vld [tilespmem:s19+$0x4A50];
	_ =	sdelay $0x4  }
0x3f6: {  	[tilespmem:$0x1EA40] =	vst v0;
	v0 =	vld [tilespmem:s19+$0x4A40];
	_ =	sdelay $0x4  }
0x3f7: {  	[tilespmem:$0x1EA30] =	vst v0;
	v0 =	vld [tilespmem:s19+$0x4A30];
	_ =	sdelay $0x4  }
0x3f8: {  	[tilespmem:$0x1EA20] =	vst v0;
	v0 =	vld [tilespmem:s19+$0x4A20];
	_ =	sdelay $0x4  }
0x3f9: {  	[tilespmem:$0x1EA10] =	vst v0;
	v0 =	vld [tilespmem:s19+$0x4A10];
	_ =	sdelay $0x4  }
0x3fa: {  	[tilespmem:$0x1EA00] =	vst v0;
	v0 =	vld [tilespmem:s19+$0x4A00];
	_ =	sdelay $0x4  }
0x3fb: {  	[tilespmem:$0x1E9F0] =	vst v0;
	v0 =	vld [tilespmem:s19+$0x49F0];
	_ =	sdelay $0x4  }
0x3fc: {  	[tilespmem:$0x1E9E0] =	vst v0;
	v0 =	vld [tilespmem:s19+$0x49E0];
	_ =	sdelay $0x4  }
0x3fd: {  	[tilespmem:$0x1E9D0] =	vst v0;
	v0 =	vld [tilespmem:s19+$0x49D0];
	_ =	sdelay $0x4  }
0x3fe: {  	[tilespmem:$0x1E9C0] =	vst v0;
	v0 =	vld [tilespmem:s19+$0x49C0];
	_ =	sdelay $0x4  }
0x3ff: {  	[tilespmem:$0x1E9B0] =	vst v0;
	v0 =	vld [tilespmem:s19+$0x49B0];
	_ =	sdelay $0x4  }
0x400: {  	[tilespmem:$0x1E9A0] =	vst v0;
	v0 =	vld [tilespmem:s19+$0x49A0];
	_ =	sdelay $0x4  }
0x401: {  	[tilespmem:$0x1E990] =	vst v0;
	v0 =	vld [tilespmem:s19+$0x4990];
	_ =	sdelay $0x4  }
0x402: {  	[tilespmem:$0x1E980] =	vst v0;
	v0 =	vld [tilespmem:s19+$0x4980];
	_ =	sdelay $0x4  }
0x403: {  	[tilespmem:$0x1E970] =	vst v0;
	v0 =	vld [tilespmem:s19+$0x4970];
	_ =	sdelay $0x4  }
0x404: {  	[tilespmem:$0x1E960] =	vst v0;
	v0 =	vld [tilespmem:s19+$0x4960];
	_ =	sdelay $0x4  }
0x405: {  	[tilespmem:$0x1E950] =	vst v0;
	v0 =	vld [tilespmem:s19+$0x4950];
	_ =	sdelay $0x4  }
0x406: {  	[tilespmem:$0x1E940] =	vst v0;
	v0 =	vld [tilespmem:s19+$0x4940];
	_ =	sdelay $0x4  }
0x407: {  	[tilespmem:$0x1E930] =	vst v0;
	v0 =	vld [tilespmem:s19+$0x4930];
	_ =	sdelay $0x4  }
0x408: {  	[tilespmem:$0x1E920] =	vst v0;
	v0 =	vld [tilespmem:s19+$0x4920];
	_ =	sdelay $0x4  }
0x409: {  	[tilespmem:$0x1E910] =	vst v0;
	v0 =	vld [tilespmem:s19+$0x4910];
	_ =	sdelay $0x4  }
0x40a: {  	[tilespmem:$0x1E900] =	vst v0;
	v0 =	vld [tilespmem:s19+$0x4900];
	_ =	sdelay $0x4  }
0x40b: {  	[tilespmem:$0x1E8F0] =	vst v0;
	v0 =	vld [tilespmem:s19+$0x48F0];
	_ =	sdelay $0x4  }
0x40c: {  	[tilespmem:$0x1E8E0] =	vst v0;
	v0 =	vld [tilespmem:s19+$0x48E0];
	_ =	sdelay $0x4  }
0x40d: {  	[tilespmem:$0x1E8D0] =	vst v0;
	v0 =	vld [tilespmem:s19+$0x48D0];
	_ =	sdelay $0x4  }
0x40e: {  	[tilespmem:$0x1E8C0] =	vst v0;
	v0 =	vld [tilespmem:s19+$0x48C0];
	_ =	sdelay $0x4  }
0x40f: {  	[tilespmem:$0x1E8B0] =	vst v0;
	v0 =	vld [tilespmem:s19+$0x48B0];
	_ =	sdelay $0x4  }
0x410: {  	[tilespmem:$0x1E8A0] =	vst v0;
	v0 =	vld [tilespmem:s19+$0x48A0];
	_ =	sdelay $0x4  }
0x411: {  	[tilespmem:$0x1E890] =	vst v0;
	v0 =	vld [tilespmem:s19+$0x4890];
	_ =	sdelay $0x4  }
0x412: {  	[tilespmem:$0x1E880] =	vst v0;
	v0 =	vld [tilespmem:s19+$0x4880];
	_ =	sdelay $0x4  }
0x413: {  	[tilespmem:$0x1E870] =	vst v0;
	v0 =	vld [tilespmem:s19+$0x4870];
	_ =	sdelay $0x4  }
0x414: {  	[tilespmem:$0x1E860] =	vst v0;
	v0 =	vld [tilespmem:s19+$0x4860];
	_ =	sdelay $0x4  }
0x415: {  	[tilespmem:$0x1E850] =	vst v0;
	v0 =	vld [tilespmem:s19+$0x4850];
	_ =	sdelay $0x4  }
0x416: {  	[tilespmem:$0x1E840] =	vst v0;
	v0 =	vld [tilespmem:s19+$0x4840];
	_ =	sdelay $0x4  }
0x417: {  	[tilespmem:$0x1E830] =	vst v0;
	v0 =	vld [tilespmem:s19+$0x4830];
	_ =	sdelay $0x4  }
0x418: {  	[tilespmem:$0x1E820] =	vst v0;
	v0 =	vld [tilespmem:s19+$0x4820];
	_ =	sdelay $0x4  }
0x419: {  	[tilespmem:$0x1E810] =	vst v0;
	v0 =	vld [tilespmem:s19+$0x4810];
	_ =	sdelay $0x4  }
0x41a: {  	[tilespmem:$0x1E800] =	vst v0;
	v0 =	vld [tilespmem:s19+$0x4800];
	_ =	sdelay $0x4  }
0x41b: {  	[tilespmem:$0x1E7F0] =	vst v0;
	v0 =	vld [tilespmem:s19+$0x47F0];
	_ =	sdelay $0x4  }
0x41c: {  	[tilespmem:$0x1E7E0] =	vst v0;
	v0 =	vld [tilespmem:s19+$0x47E0];
	_ =	sdelay $0x4  }
0x41d: {  	[tilespmem:$0x1E7D0] =	vst v0;
	v0 =	vld [tilespmem:s19+$0x47D0];
	_ =	sdelay $0x4  }
0x41e: {  	[tilespmem:$0x1E7C0] =	vst v0;
	v0 =	vld [tilespmem:s19+$0x47C0];
	_ =	sdelay $0x4  }
0x41f: {  	[tilespmem:$0x1E7B0] =	vst v0;
	v0 =	vld [tilespmem:s19+$0x47B0];
	_ =	sdelay $0x4  }
0x420: {  	[tilespmem:$0x1E7A0] =	vst v0;
	v0 =	vld [tilespmem:s19+$0x47A0];
	_ =	sdelay $0x4  }
0x421: {  	[tilespmem:$0x1E790] =	vst v0;
	v0 =	vld [tilespmem:s19+$0x4790];
	_ =	sdelay $0x4  }
0x422: {  	[tilespmem:$0x1E780] =	vst v0;
	v0 =	vld [tilespmem:s19+$0x4780];
	_ =	sdelay $0x4  }
0x423: {  	[tilespmem:$0x1E770] =	vst v0;
	v0 =	vld [tilespmem:s19+$0x4770];
	_ =	sdelay $0x4  }
0x424: {  	[tilespmem:$0x1E760] =	vst v0;
	v0 =	vld [tilespmem:s19+$0x4760];
	_ =	sdelay $0x4  }
0x425: {  	[tilespmem:$0x1E750] =	vst v0;
	v0 =	vld [tilespmem:s19+$0x4750];
	_ =	sdelay $0x4  }
0x426: {  	[tilespmem:$0x1E740] =	vst v0;
	v0 =	vld [tilespmem:s19+$0x4740];
	_ =	sdelay $0x4  }
0x427: {  	[tilespmem:$0x1E730] =	vst v0;
	v0 =	vld [tilespmem:s19+$0x4730];
	_ =	sdelay $0x4  }
0x428: {  	[tilespmem:$0x1E720] =	vst v0;
	v0 =	vld [tilespmem:s19+$0x4720];
	_ =	sdelay $0x4  }
0x429: {  	[tilespmem:$0x1E710] =	vst v0;
	v0 =	vld [tilespmem:s19+$0x4710];
	_ =	sdelay $0x4  }
0x42a: {  	[tilespmem:$0x1E700] =	vst v0;
	v0 =	vld [tilespmem:s19+$0x4700];
	_ =	sdelay $0x4  }
0x42b: {  	[tilespmem:$0x1E6F0] =	vst v0;
	v0 =	vld [tilespmem:s19+$0x46F0];
	_ =	sdelay $0x4  }
0x42c: {  	[tilespmem:$0x1E6E0] =	vst v0;
	v0 =	vld [tilespmem:s19+$0x46E0];
	_ =	sdelay $0x4  }
0x42d: {  	[tilespmem:$0x1E6D0] =	vst v0;
	v0 =	vld [tilespmem:s19+$0x46D0];
	_ =	sdelay $0x4  }
0x42e: {  	[tilespmem:$0x1E6C0] =	vst v0;
	v0 =	vld [tilespmem:s19+$0x46C0];
	_ =	sdelay $0x4  }
0x42f: {  	[tilespmem:$0x1E6B0] =	vst v0;
	v0 =	vld [tilespmem:s19+$0x46B0];
	_ =	sdelay $0x4  }
0x430: {  	[tilespmem:$0x1E6A0] =	vst v0;
	v0 =	vld [tilespmem:s19+$0x46A0];
	_ =	sdelay $0x4  }
0x431: {  	[tilespmem:$0x1E690] =	vst v0;
	v0 =	vld [tilespmem:s19+$0x4690];
	_ =	sdelay $0x4  }
0x432: {  	[tilespmem:$0x1E680] =	vst v0;
	v0 =	vld [tilespmem:s19+$0x4680];
	_ =	sdelay $0x4  }
0x433: {  	[tilespmem:$0x1E670] =	vst v0;
	v0 =	vld [tilespmem:s19+$0x4670];
	_ =	sdelay $0x4  }
0x434: {  	[tilespmem:$0x1E660] =	vst v0;
	v0 =	vld [tilespmem:s19+$0x4660];
	_ =	sdelay $0x4  }
0x435: {  	[tilespmem:$0x1E650] =	vst v0;
	v0 =	vld [tilespmem:s19+$0x4650];
	_ =	sdelay $0x4  }
0x436: {  	[tilespmem:$0x1E640] =	vst v0;
	v0 =	vld [tilespmem:s19+$0x4640];
	_ =	sdelay $0x4  }
0x437: {  	[tilespmem:$0x1E630] =	vst v0;
	v0 =	vld [tilespmem:s19+$0x4630];
	_ =	sdelay $0x4  }
0x438: {  	[tilespmem:$0x1E620] =	vst v0;
	v0 =	vld [tilespmem:s19+$0x4620];
	_ =	sdelay $0x4  }
0x439: {  	[tilespmem:$0x1E610] =	vst v0;
	v0 =	vld [tilespmem:s19+$0x4610];
	_ =	sdelay $0x4  }
0x43a: {  	[tilespmem:$0x1E600] =	vst v0;
	v0 =	vld [tilespmem:s19+$0x4600];
	_ =	sdelay $0x4  }
0x43b: {  	[tilespmem:$0x1E5F0] =	vst v0;
	v0 =	vld [tilespmem:s19+$0x45F0];
	_ =	sdelay $0x4  }
0x43c: {  	[tilespmem:$0x1E5E0] =	vst v0;
	v0 =	vld [tilespmem:s19+$0x45E0];
	_ =	sdelay $0x4  }
0x43d: {  	[tilespmem:$0x1E5D0] =	vst v0;
	v0 =	vld [tilespmem:s19+$0x45D0];
	_ =	sdelay $0x4  }
0x43e: {  	[tilespmem:$0x1E5C0] =	vst v0;
	v0 =	vld [tilespmem:s19+$0x45C0];
	_ =	sdelay $0x4  }
0x43f: {  	[tilespmem:$0x1E5B0] =	vst v0;
	v0 =	vld [tilespmem:s19+$0x45B0];
	_ =	sdelay $0x4  }
0x440: {  	[tilespmem:$0x1E5A0] =	vst v0;
	v0 =	vld [tilespmem:s19+$0x45A0];
	_ =	sdelay $0x4  }
0x441: {  	[tilespmem:$0x1E590] =	vst v0;
	v0 =	vld [tilespmem:s19+$0x4590];
	_ =	sdelay $0x4  }
0x442: {  	[tilespmem:$0x1E580] =	vst v0;
	v0 =	vld [tilespmem:s19+$0x4580];
	_ =	sdelay $0x4  }
0x443: {  	[tilespmem:$0x1E570] =	vst v0;
	v0 =	vld [tilespmem:s19+$0x4570];
	_ =	sdelay $0x4  }
0x444: {  	[tilespmem:$0x1E560] =	vst v0;
	v0 =	vld [tilespmem:s19+$0x4560];
	_ =	sdelay $0x4  }
0x445: {  	[tilespmem:$0x1E550] =	vst v0;
	v0 =	vld [tilespmem:s19+$0x4550];
	_ =	sdelay $0x4  }
0x446: {  	[tilespmem:$0x1E540] =	vst v0;
	v0 =	vld [tilespmem:s19+$0x4540];
	_ =	sdelay $0x4  }
0x447: {  	[tilespmem:$0x1E530] =	vst v0;
	v0 =	vld [tilespmem:s19+$0x4530];
	_ =	sdelay $0x4  }
0x448: {  	[tilespmem:$0x1E520] =	vst v0;
	v0 =	vld [tilespmem:s19+$0x4520];
	_ =	sdelay $0x4  }
0x449: {  	[tilespmem:$0x1E510] =	vst v0;
	v0 =	vld [tilespmem:s19+$0x4510];
	_ =	sdelay $0x4  }
0x44a: {  	[tilespmem:$0x1E500] =	vst v0;
	v0 =	vld [tilespmem:s19+$0x4500];
	_ =	sdelay $0x4  }
0x44b: {  	[tilespmem:$0x1E4F0] =	vst v0;
	v0 =	vld [tilespmem:s19+$0x44F0];
	_ =	sdelay $0x4  }
0x44c: {  	[tilespmem:$0x1E4E0] =	vst v0;
	v0 =	vld [tilespmem:s19+$0x44E0];
	_ =	sdelay $0x4  }
0x44d: {  	[tilespmem:$0x1D5B0] =	vst v0;
	v0 =	vld [tilespmem:s19+$0x44D0];
	_ =	sdelay $0x4  }
0x44e: {  	[tilespmem:$0x1D5C0] =	vst v0;
	v0 =	vld [tilespmem:s19+$0x44C0];
	_ =	sdelay $0x4  }
0x44f: {  	[tilespmem:$0x1D5D0] =	vst v0;
	v0 =	vld [tilespmem:s19+$0x44B0];
	_ =	sdelay $0x4  }
0x450: {  	[tilespmem:$0x1D5E0] =	vst v0;
	v0 =	vld [tilespmem:s19+$0x44A0];
	_ =	sdelay $0x4  }
0x451: {  	[tilespmem:$0x1D5F0] =	vst v0;
	v0 =	vld [tilespmem:s19+$0x4490];
	_ =	sdelay $0x4  }
0x452: {  	[tilespmem:$0x1D600] =	vst v0;
	v0 =	vld [tilespmem:s19+$0x4480];
	_ =	sdelay $0x4  }
0x453: {  	[tilespmem:$0x1D610] =	vst v0;
	v0 =	vld [tilespmem:s19+$0x4470];
	_ =	sdelay $0x4  }
0x454: {  	[tilespmem:$0x1D620] =	vst v0;
	v0 =	vld [tilespmem:s19+$0x4460];
	_ =	sdelay $0x4  }
0x455: {  	[tilespmem:$0x1D630] =	vst v0;
	v0 =	vld [tilespmem:s19+$0x4450];
	_ =	sdelay $0x4  }
0x456: {  	[tilespmem:$0x1D640] =	vst v0;
	v0 =	vld [tilespmem:s19+$0x4440];
	_ =	sdelay $0x4  }
0x457: {  	[tilespmem:$0x1D650] =	vst v0;
	v0 =	vld [tilespmem:s19+$0x4430];
	_ =	sdelay $0x4  }
0x458: {  	[tilespmem:$0x1D660] =	vst v0;
	v0 =	vld [tilespmem:s19+$0x4420];
	_ =	sdelay $0x4  }
0x459: {  	[tilespmem:$0x1D670] =	vst v0;
	v0 =	vld [tilespmem:s19+$0x4410];
	_ =	sdelay $0x4  }
0x45a: {  	[tilespmem:$0x1D680] =	vst v0;
	v0 =	vld [tilespmem:s19+$0x4400];
	_ =	sdelay $0x4  }
0x45b: {  	[tilespmem:$0x1D690] =	vst v0;
	v0 =	vld [tilespmem:s19+$0x43F0];
	_ =	sdelay $0x4  }
0x45c: {  	[tilespmem:$0x1D6A0] =	vst v0;
	v0 =	vld [tilespmem:s19+$0x43E0];
	_ =	sdelay $0x4  }
0x45d: {  	[tilespmem:$0x1D6B0] =	vst v0;
	v0 =	vld [tilespmem:s19+$0x43D0];
	_ =	sdelay $0x4  }
0x45e: {  	[tilespmem:$0x1D6C0] =	vst v0;
	v0 =	vld [tilespmem:s19+$0x43C0];
	_ =	sdelay $0x4  }
0x45f: {  	[tilespmem:$0x1D6D0] =	vst v0;
	v0 =	vld [tilespmem:s19+$0x43B0];
	_ =	sdelay $0x4  }
0x460: {  	[tilespmem:$0x1D6E0] =	vst v0;
	v0 =	vld [tilespmem:s19+$0x43A0];
	_ =	sdelay $0x4  }
0x461: {  	[tilespmem:$0x1D6F0] =	vst v0;
	v0 =	vld [tilespmem:s19+$0x4390];
	_ =	sdelay $0x4  }
0x462: {  	[tilespmem:$0x1D700] =	vst v0;
	v0 =	vld [tilespmem:s19+$0x4380];
	_ =	sdelay $0x4  }
0x463: {  	[tilespmem:$0x1D710] =	vst v0;
	v0 =	vld [tilespmem:s19+$0x4370];
	_ =	sdelay $0x4  }
0x464: {  	[tilespmem:$0x1D720] =	vst v0;
	v0 =	vld [tilespmem:s19+$0x4360];
	_ =	sdelay $0x4  }
0x465: {  	[tilespmem:$0x1D730] =	vst v0;
	v0 =	vld [tilespmem:s19+$0x4350];
	_ =	sdelay $0x4  }
0x466: {  	[tilespmem:$0x1D740] =	vst v0;
	v0 =	vld [tilespmem:s19+$0x4340];
	_ =	sdelay $0x4  }
0x467: {  	[tilespmem:$0x1D750] =	vst v0;
	v0 =	vld [tilespmem:s19+$0x4330];
	_ =	sdelay $0x4  }
0x468: {  	[tilespmem:$0x1D760] =	vst v0;
	v0 =	vld [tilespmem:s19+$0x4320];
	_ =	sdelay $0x4  }
0x469: {  	[tilespmem:$0x1D770] =	vst v0;
	v0 =	vld [tilespmem:s19+$0x4310];
	_ =	sdelay $0x4  }
0x46a: {  	[tilespmem:$0x1D780] =	vst v0;
	v0 =	vld [tilespmem:s19+$0x4300];
	_ =	sdelay $0x4  }
0x46b: {  	[tilespmem:$0x1D790] =	vst v0;
	v0 =	vld [tilespmem:s19+$0x42F0];
	_ =	sdelay $0x4  }
0x46c: {  	[tilespmem:$0x1D7A0] =	vst v0;
	v0 =	vld [tilespmem:s19+$0x42E0];
	_ =	sdelay $0x4  }
0x46d: {  	[tilespmem:$0x1D7B0] =	vst v0;
	v0 =	vld [tilespmem:s19+$0x42D0];
	_ =	sdelay $0x4  }
0x46e: {  	[tilespmem:$0x1D7C0] =	vst v0;
	v0 =	vld [tilespmem:s19+$0x42C0];
	_ =	sdelay $0x4  }
0x46f: {  	[tilespmem:$0x1D7D0] =	vst v0;
	v0 =	vld [tilespmem:s19+$0x42B0];
	_ =	sdelay $0x4  }
0x470: {  	[tilespmem:$0x1D7E0] =	vst v0;
	v0 =	vld [tilespmem:s19+$0x42A0];
	_ =	sdelay $0x4  }
0x471: {  	[tilespmem:$0x1D7F0] =	vst v0;
	v0 =	vld [tilespmem:s19+$0x4290];
	_ =	sdelay $0x4  }
0x472: {  	[tilespmem:$0x1D800] =	vst v0;
	v0 =	vld [tilespmem:s19+$0x4280];
	_ =	sdelay $0x4  }
0x473: {  	[tilespmem:$0x1D810] =	vst v0;
	v0 =	vld [tilespmem:s19+$0x4270];
	_ =	sdelay $0x4  }
0x474: {  	[tilespmem:$0x1D820] =	vst v0;
	v0 =	vld [tilespmem:s19+$0x4260];
	_ =	sdelay $0x4  }
0x475: {  	[tilespmem:$0x1D830] =	vst v0;
	v0 =	vld [tilespmem:s19+$0x4250];
	_ =	sdelay $0x4  }
0x476: {  	[tilespmem:$0x1D840] =	vst v0;
	v0 =	vld [tilespmem:s19+$0x4240];
	_ =	sdelay $0x4  }
0x477: {  	[tilespmem:$0x1D850] =	vst v0;
	v0 =	vld [tilespmem:s19+$0x4230];
	_ =	sdelay $0x4  }
0x478: {  	[tilespmem:$0x1D860] =	vst v0;
	v0 =	vld [tilespmem:s19+$0x4220];
	_ =	sdelay $0x4  }
0x479: {  	[tilespmem:$0x1D870] =	vst v0;
	v0 =	vld [tilespmem:s19+$0x4210];
	_ =	sdelay $0x4  }
0x47a: {  	[tilespmem:$0x1D880] =	vst v0;
	v0 =	vld [tilespmem:s19+$0x4200];
	_ =	sdelay $0x4  }
0x47b: {  	[tilespmem:$0x1D890] =	vst v0;
	v0 =	vld [tilespmem:s19+$0x41F0];
	_ =	sdelay $0x4  }
0x47c: {  	[tilespmem:$0x1D8A0] =	vst v0  }
0x47d: {  	v0 =	vld [tilespmem:s19+$0x41E0];
	_ =	sdelay $0x4  }
0x47e: {  	[tilespmem:$0x1D8B0] =	vst v0;
	v0 =	vld [tilespmem:s19+$0x41D0];
	_ =	sdelay $0x4  }
0x47f: {  	[tilespmem:$0x1D8C0] =	vst v0;
	v0 =	vld [tilespmem:s19+$0x41C0];
	_ =	sdelay $0x4  }
0x480: {  	[tilespmem:$0x1D8D0] =	vst v0;
	v0 =	vld [tilespmem:s19+$0x41B0];
	_ =	sdelay $0x4  }
0x481: {  	[tilespmem:$0x1D8E0] =	vst v0;
	v0 =	vld [tilespmem:s19+$0x41A0];
	_ =	sdelay $0x4  }
0x482: {  	[tilespmem:$0x1D8F0] =	vst v0;
	v0 =	vld [tilespmem:s19+$0x4190];
	_ =	sdelay $0x4  }
0x483: {  	[tilespmem:$0x1D900] =	vst v0;
	v0 =	vld [tilespmem:s19+$0x4180];
	_ =	sdelay $0x4  }
0x484: {  	[tilespmem:$0x1D910] =	vst v0;
	v0 =	vld [tilespmem:s19+$0x4170];
	_ =	sdelay $0x4  }
0x485: {  	[tilespmem:$0x1D920] =	vst v0;
	v0 =	vld [tilespmem:s19+$0x4160];
	_ =	sdelay $0x4  }
0x486: {  	[tilespmem:$0x1D930] =	vst v0;
	v0 =	vld [tilespmem:s19+$0x4150];
	_ =	sdelay $0x4  }
0x487: {  	[tilespmem:$0x1D940] =	vst v0;
	v0 =	vld [tilespmem:s19+$0x4140];
	_ =	sdelay $0x4  }
0x488: {  	[tilespmem:$0x1D950] =	vst v0;
	v0 =	vld [tilespmem:s19+$0x4130];
	_ =	sdelay $0x4  }
0x489: {  	[tilespmem:$0x1D960] =	vst v0;
	v0 =	vld [tilespmem:s19+$0x4120];
	_ =	sdelay $0x4  }
0x48a: {  	[tilespmem:$0x1D970] =	vst v0;
	v0 =	vld [tilespmem:s19+$0x4110];
	_ =	sdelay $0x4  }
0x48b: {  	[tilespmem:$0x1D980] =	vst v0;
	v0 =	vld [tilespmem:s19+$0x4100];
	_ =	sdelay $0x4  }
0x48c: {  	[tilespmem:$0x1D990] =	vst v0;
	v0 =	vld [tilespmem:s19+$0x40F0];
	_ =	sdelay $0x4  }
0x48d: {  	[tilespmem:$0x1D9A0] =	vst v0;
	v0 =	vld [tilespmem:s19+$0x40E0];
	_ =	sdelay $0x4  }
0x48e: {  	[tilespmem:$0x1D9B0] =	vst v0;
	v0 =	vld [tilespmem:s19+$0x40D0];
	_ =	sdelay $0x4  }
0x48f: {  	[tilespmem:$0x1D9C0] =	vst v0;
	v0 =	vld [tilespmem:s19+$0x40C0];
	_ =	sdelay $0x4  }
0x490: {  	[tilespmem:$0x1D9D0] =	vst v0;
	v0 =	vld [tilespmem:s19+$0x40B0];
	_ =	sdelay $0x4  }
0x491: {  	[tilespmem:$0x1D9E0] =	vst v0;
	v0 =	vld [tilespmem:s19+$0x40A0];
	_ =	sdelay $0x4  }
0x492: {  	[tilespmem:$0x1D9F0] =	vst v0;
	v0 =	vld [tilespmem:s19+$0x4090];
	_ =	sdelay $0x4  }
0x493: {  	[tilespmem:$0x1DA00] =	vst v0;
	v0 =	vld [tilespmem:s19+$0x4080];
	_ =	sdelay $0x4  }
0x494: {  	[tilespmem:$0x1DA10] =	vst v0;
	v0 =	vld [tilespmem:s19+$0x4070];
	_ =	sdelay $0x4  }
0x495: {  	[tilespmem:$0x1DA20] =	vst v0;
	v0 =	vld [tilespmem:s19+$0x4060];
	_ =	sdelay $0x4  }
0x496: {  	[tilespmem:$0x1DA30] =	vst v0;
	v0 =	vld [tilespmem:s19+$0x4050];
	_ =	sdelay $0x4  }
0x497: {  	[tilespmem:$0x1DA40] =	vst v0;
	v0 =	vld [tilespmem:s19+$0x4040];
	_ =	sdelay $0x4  }
0x498: {  	[tilespmem:$0x1DA50] =	vst v0;
	v0 =	vld [tilespmem:s19+$0x4030];
	_ =	sdelay $0x4  }
0x499: {  	[tilespmem:$0x1DA60] =	vst v0;
	v0 =	vld [tilespmem:s19+$0x4020];
	_ =	sdelay $0x4  }
0x49a: {  	[tilespmem:$0x1DA70] =	vst v0;
	v0 =	vld [tilespmem:s19+$0x4010];
	_ =	sdelay $0x4  }
0x49b: {  	[tilespmem:$0x1DA80] =	vst v0;
	v0 =	vld [tilespmem:s19+$0x4000];
	_ =	sdelay $0x4  }
0x49c: {  	[tilespmem:$0x1DA90] =	vst v0;
	v0 =	vld [tilespmem:s19+$0x3FF0];
	_ =	sdelay $0x4  }
0x49d: {  	[tilespmem:$0x1DAA0] =	vst v0;
	v0 =	vld [tilespmem:s19+$0x3FE0];
	_ =	sdelay $0x4  }
0x49e: {  	[tilespmem:$0x1DAB0] =	vst v0;
	v0 =	vld [tilespmem:s19+$0x3FD0];
	_ =	sdelay $0x4  }
0x49f: {  	[tilespmem:$0x1DAC0] =	vst v0;
	v0 =	vld [tilespmem:s19+$0x3FC0];
	_ =	sdelay $0x4  }
0x4a0: {  	[tilespmem:$0x1DAD0] =	vst v0;
	v0 =	vld [tilespmem:s19+$0x3FB0];
	_ =	sdelay $0x4  }
0x4a1: {  	[tilespmem:$0x1DAE0] =	vst v0;
	v0 =	vld [tilespmem:s19+$0x3FA0];
	_ =	sdelay $0x4  }
0x4a2: {  	[tilespmem:$0x1DAF0] =	vst v0;
	v0 =	vld [tilespmem:s19+$0x3F90];
	_ =	sdelay $0x4  }
0x4a3: {  	[tilespmem:$0x1DB00] =	vst v0;
	v0 =	vld [tilespmem:s19+$0x3F80];
	_ =	sdelay $0x4  }
0x4a4: {  	[tilespmem:$0x1DB10] =	vst v0;
	v0 =	vld [tilespmem:s19+$0x3F70];
	_ =	sdelay $0x4  }
0x4a5: {  	[tilespmem:$0x1DB20] =	vst v0;
	v0 =	vld [tilespmem:s19+$0x3F60];
	_ =	sdelay $0x4  }
0x4a6: {  	[tilespmem:$0x1DB30] =	vst v0;
	v0 =	vld [tilespmem:s19+$0x3F50];
	_ =	sdelay $0x4  }
0x4a7: {  	[tilespmem:$0x1DB40] =	vst v0;
	v0 =	vld [tilespmem:s19+$0x3F40];
	_ =	sdelay $0x4  }
0x4a8: {  	[tilespmem:$0x1DB50] =	vst v0;
	v0 =	vld [tilespmem:s19+$0x3F30];
	_ =	sdelay $0x4  }
0x4a9: {  	[tilespmem:$0x1DB60] =	vst v0;
	v0 =	vld [tilespmem:s19+$0x3F20];
	_ =	sdelay $0x4  }
0x4aa: {  	[tilespmem:$0x1DB70] =	vst v0;
	v0 =	vld [tilespmem:s19+$0x3F10];
	_ =	sdelay $0x4  }
0x4ab: {  	[tilespmem:$0x1DB80] =	vst v0;
	v0 =	vld [tilespmem:s19+$0x3F00];
	_ =	sdelay $0x4  }
0x4ac: {  	[tilespmem:$0x1DB90] =	vst v0;
	v0 =	vld [tilespmem:s19+$0x3EF0];
	_ =	sdelay $0x4  }
0x4ad: {  	[tilespmem:$0x1DBA0] =	vst v0;
	v0 =	vld [tilespmem:s19+$0x3EE0];
	_ =	sdelay $0x4  }
0x4ae: {  	[tilespmem:$0x1DBB0] =	vst v0;
	v0 =	vld [tilespmem:s19+$0x3ED0];
	_ =	sdelay $0x4  }
0x4af: {  	[tilespmem:$0x1DBC0] =	vst v0;
	v0 =	vld [tilespmem:s19+$0x3EC0];
	_ =	sdelay $0x4  }
0x4b0: {  	[tilespmem:$0x1DBD0] =	vst v0;
	v0 =	vld [tilespmem:s19+$0x3EB0];
	_ =	sdelay $0x4  }
0x4b1: {  	[tilespmem:$0x1DBE0] =	vst v0;
	v0 =	vld [tilespmem:s19+$0x3EA0];
	_ =	sdelay $0x4  }
0x4b2: {  	[tilespmem:$0x1DBF0] =	vst v0;
	v0 =	vld [tilespmem:s19+$0x3E90];
	_ =	sdelay $0x4  }
0x4b3: {  	[tilespmem:$0x1DC00] =	vst v0;
	v0 =	vld [tilespmem:s19+$0x3E80];
	_ =	sdelay $0x4  }
0x4b4: {  	[tilespmem:$0x1DC10] =	vst v0;
	v0 =	vld [tilespmem:s19+$0x3E70];
	_ =	sdelay $0x4  }
0x4b5: {  	[tilespmem:$0x1DC20] =	vst v0;
	v0 =	vld [tilespmem:s19+$0x3E60];
	_ =	sdelay $0x4  }
0x4b6: {  	[tilespmem:$0x1DC30] =	vst v0;
	v0 =	vld [tilespmem:s19+$0x3E50];
	_ =	sdelay $0x4  }
0x4b7: {  	[tilespmem:$0x1DC40] =	vst v0;
	v0 =	vld [tilespmem:s19+$0x3E40];
	_ =	sdelay $0x4  }
0x4b8: {  	[tilespmem:$0x1DC50] =	vst v0;
	v0 =	vld [tilespmem:s19+$0x3E30];
	_ =	sdelay $0x4  }
0x4b9: {  	[tilespmem:$0x1DC60] =	vst v0;
	v0 =	vld [tilespmem:s19+$0x3E20];
	_ =	sdelay $0x4  }
0x4ba: {  	[tilespmem:$0x1DC70] =	vst v0;
	v0 =	vld [tilespmem:s19+$0x3E10];
	_ =	sdelay $0x4  }
0x4bb: {  	[tilespmem:$0x1DC80] =	vst v0;
	v0 =	vld [tilespmem:s19+$0x3E00];
	_ =	sdelay $0x4  }
0x4bc: {  	[tilespmem:$0x1DC90] =	vst v0;
	v0 =	vld [tilespmem:s19+$0x3DF0];
	_ =	sdelay $0x4  }
0x4bd: {  	[tilespmem:$0x1DCA0] =	vst v0;
	v0 =	vld [tilespmem:s19+$0x3DE0];
	_ =	sdelay $0x4  }
0x4be: {  	[tilespmem:$0x1DCB0] =	vst v0;
	v0 =	vld [tilespmem:s19+$0x3DD0];
	_ =	sdelay $0x4  }
0x4bf: {  	[tilespmem:$0x1DCC0] =	vst v0;
	v0 =	vld [tilespmem:s19+$0x3DC0];
	_ =	sdelay $0x4  }
0x4c0: {  	[tilespmem:$0x1DCD0] =	vst v0;
	v0 =	vld [tilespmem:s19+$0x3DB0];
	_ =	sdelay $0x4  }
0x4c1: {  	[tilespmem:$0x1DCE0] =	vst v0;
	v0 =	vld [tilespmem:s19+$0x3DA0];
	_ =	sdelay $0x4  }
0x4c2: {  	[tilespmem:$0x1DCF0] =	vst v0;
	v0 =	vld [tilespmem:s19+$0x3D90];
	_ =	sdelay $0x4  }
0x4c3: {  	[tilespmem:$0x1DD00] =	vst v0;
	v0 =	vld [tilespmem:s19+$0x3D80];
	_ =	sdelay $0x4  }
0x4c4: {  	[tilespmem:$0x1DD10] =	vst v0;
	v0 =	vld [tilespmem:s19+$0x3D70];
	_ =	sdelay $0x4  }
0x4c5: {  	[tilespmem:$0x1DD20] =	vst v0;
	v0 =	vld [tilespmem:s19+$0x3D60];
	_ =	sdelay $0x4  }
0x4c6: {  	[tilespmem:$0x1DD30] =	vst v0;
	v0 =	vld [tilespmem:s19+$0x3D50];
	_ =	sdelay $0x4  }
0x4c7: {  	[tilespmem:$0x1DD40] =	vst v0;
	v0 =	vld [tilespmem:s19+$0x3D40];
	_ =	sdelay $0x4  }
0x4c8: {  	[tilespmem:$0x1DD50] =	vst v0;
	v0 =	vld [tilespmem:s19+$0x3D30];
	_ =	sdelay $0x4  }
0x4c9: {  	[tilespmem:$0x1DD60] =	vst v0;
	v0 =	vld [tilespmem:s19+$0x3D20];
	_ =	sdelay $0x4  }
0x4ca: {  	[tilespmem:$0x1DD70] =	vst v0;
	v0 =	vld [tilespmem:s19+$0x3D10];
	_ =	sdelay $0x4  }
0x4cb: {  	[tilespmem:$0x1DD80] =	vst v0;
	v0 =	vld [tilespmem:s19+$0x3D00];
	_ =	sdelay $0x4  }
0x4cc: {  	[tilespmem:$0x1DD90] =	vst v0;
	v0 =	vld [tilespmem:s19+$0x3CF0];
	_ =	sdelay $0x4  }
0x4cd: {  	[tilespmem:$0x1DDA0] =	vst v0;
	v0 =	vld [tilespmem:s19+$0x3CE0];
	_ =	sdelay $0x4  }
0x4ce: {  	[tilespmem:$0x1DDB0] =	vst v0;
	v0 =	vld [tilespmem:s19+$0x3CD0];
	_ =	sdelay $0x4  }
0x4cf: {  	[tilespmem:$0x1DDC0] =	vst v0;
	v0 =	vld [tilespmem:s19+$0x3CC0];
	_ =	sdelay $0x4  }
0x4d0: {  	[tilespmem:$0x1DDD0] =	vst v0;
	v0 =	vld [tilespmem:s19+$0x3CB0];
	_ =	sdelay $0x4  }
0x4d1: {  	[tilespmem:$0x1DDE0] =	vst v0;
	v0 =	vld [tilespmem:s19+$0x3CA0];
	_ =	sdelay $0x4  }
0x4d2: {  	[tilespmem:$0x1DDF0] =	vst v0;
	v0 =	vld [tilespmem:s19+$0x3C90];
	_ =	sdelay $0x4  }
0x4d3: {  	[tilespmem:$0x1DE00] =	vst v0;
	v0 =	vld [tilespmem:s19+$0x3C80];
	_ =	sdelay $0x4  }
0x4d4: {  	[tilespmem:$0x1DE10] =	vst v0;
	v0 =	vld [tilespmem:s19+$0x3C70];
	_ =	sdelay $0x4  }
0x4d5: {  	[tilespmem:$0x1DE20] =	vst v0;
	v0 =	vld [tilespmem:s19+$0x3C60];
	_ =	sdelay $0x4  }
0x4d6: {  	[tilespmem:$0x1DE30] =	vst v0;
	v0 =	vld [tilespmem:s19+$0x3C50];
	_ =	sdelay $0x4  }
0x4d7: {  	[tilespmem:$0x1DE40] =	vst v0;
	v0 =	vld [tilespmem:s19+$0x3C40];
	_ =	sdelay $0x4  }
0x4d8: {  	[tilespmem:$0x1DE50] =	vst v0;
	v0 =	vld [tilespmem:s19+$0x3C30];
	_ =	sdelay $0x4  }
0x4d9: {  	[tilespmem:$0x1DE60] =	vst v0;
	v0 =	vld [tilespmem:s19+$0x3C20];
	_ =	sdelay $0x4  }
0x4da: {  	[tilespmem:$0x1DE70] =	vst v0;
	v0 =	vld [tilespmem:s19+$0x3C10];
	_ =	sdelay $0x4  }
0x4db: {  	[tilespmem:$0x1DE80] =	vst v0;
	v0 =	vld [tilespmem:s19+$0x3C00];
	_ =	sdelay $0x4  }
0x4dc: {  	[tilespmem:$0x1DE90] =	vst v0;
	v0 =	vld [tilespmem:s19+$0x4B30];
	_ =	sdelay $0x4  }
0x4dd: {  	[tilespmem:$0x1EB20] =	vst v0;
	v0 =	vld [tilespmem:s19+$0x4B40];
	_ =	sdelay $0x4  }
0x4de: {  	[tilespmem:$0x1EB30] =	vst v0;
	v0 =	vld [tilespmem:s19+$0x4B50];
	_ =	sdelay $0x4  }
0x4df: {  	[tilespmem:$0x1EB40] =	vst v0;
	v0 =	vld [tilespmem:s19+$0x4B60];
	_ =	sdelay $0x4  }
0x4e0: {  	[tilespmem:$0x1EB50] =	vst v0;
	v0 =	vld [tilespmem:s19+$0x4B70];
	_ =	sdelay $0x4  }
0x4e1: {  	[tilespmem:$0x1EB60] =	vst v0;
	v0 =	vld [tilespmem:s19+$0x4B80];
	_ =	sdelay $0x4  }
0x4e2: {  	[tilespmem:$0x1EB70] =	vst v0;
	v0 =	vld [tilespmem:s19+$0x4B90];
	_ =	sdelay $0x4  }
0x4e3: {  	[tilespmem:$0x1EB80] =	vst v0;
	v0 =	vld [tilespmem:s19+$0x4BA0];
	_ =	sdelay $0x4  }
0x4e4: {  	[tilespmem:$0x1EB90] =	vst v0;
	v0 =	vld [tilespmem:s19+$0x4BB0];
	_ =	sdelay $0x4  }
0x4e5: {  	[tilespmem:$0x1EBA0] =	vst v0;
	v0 =	vld [tilespmem:s19+$0x4BC0];
	_ =	sdelay $0x4  }
0x4e6: {  	[tilespmem:$0x1EBB0] =	vst v0;
	v0 =	vld [tilespmem:s19+$0x4BD0];
	_ =	sdelay $0x4  }
0x4e7: {  	[tilespmem:$0x1EBC0] =	vst v0;
	v0 =	vld [tilespmem:s19+$0x4BE0];
	_ =	sdelay $0x4  }
0x4e8: {  	[tilespmem:$0x1EBD0] =	vst v0;
	v0 =	vld [tilespmem:s19+$0x4BF0];
	_ =	sdelay $0x4  }
0x4e9: {  	[tilespmem:$0x1EBE0] =	vst v0;
	v0 =	vld [tilespmem:s19+$0x4C00];
	_ =	sdelay $0x4  }
0x4ea: {  	[tilespmem:$0x1EBF0] =	vst v0;
	v0 =	vld [tilespmem:s19+$0x4C10];
	_ =	sdelay $0x4  }
0x4eb: {  	[tilespmem:$0x1EC00] =	vst v0;
	v0 =	vld [tilespmem:s19+$0x4C20];
	_ =	sdelay $0x4  }
0x4ec: {  	[tilespmem:$0x1EC10] =	vst v0;
	v0 =	vld [tilespmem:s19+$0x4C30];
	_ =	sdelay $0x4  }
0x4ed: {  	[tilespmem:$0x1EC20] =	vst v0;
	v0 =	vld [tilespmem:s19+$0x4C40];
	_ =	sdelay $0x4  }
0x4ee: {  	[tilespmem:$0x1EC30] =	vst v0;
	v0 =	vld [tilespmem:s19+$0x4C50];
	_ =	sdelay $0x4  }
0x4ef: {  	[tilespmem:$0x1EC40] =	vst v0;
	v0 =	vld [tilespmem:s19+$0x4C60];
	_ =	sdelay $0x4  }
0x4f0: {  	[tilespmem:$0x1EC50] =	vst v0;
	v0 =	vld [tilespmem:s19+$0x4C70];
	_ =	sdelay $0x4  }
0x4f1: {  	[tilespmem:$0x1EC60] =	vst v0;
	v0 =	vld [tilespmem:s19+$0x4C80];
	_ =	sdelay $0x4  }
0x4f2: {  	[tilespmem:$0x1EC70] =	vst v0;
	v0 =	vld [tilespmem:s19+$0x4C90];
	_ =	sdelay $0x4  }
0x4f3: {  	[tilespmem:$0x1EC80] =	vst v0;
	v0 =	vld [tilespmem:s19+$0x4CA0];
	_ =	sdelay $0x4  }
0x4f4: {  	[tilespmem:$0x1EC90] =	vst v0;
	v0 =	vld [tilespmem:s19+$0x4CB0];
	_ =	sdelay $0x4  }
0x4f5: {  	[tilespmem:$0x1ECA0] =	vst v0;
	v0 =	vld [tilespmem:s19+$0x4CC0];
	_ =	sdelay $0x4  }
0x4f6: {  	[tilespmem:$0x1ECB0] =	vst v0;
	v0 =	vld [tilespmem:s19+$0x4CD0];
	_ =	sdelay $0x4  }
0x4f7: {  	[tilespmem:$0x1ECC0] =	vst v0;
	v0 =	vld [tilespmem:s19+$0x4CE0];
	_ =	sdelay $0x4  }
0x4f8: {  	[tilespmem:$0x1ECD0] =	vst v0;
	v0 =	vld [tilespmem:s19+$0x4CF0];
	_ =	sdelay $0x4  }
0x4f9: {  	[tilespmem:$0x1ECE0] =	vst v0;
	v0 =	vld [tilespmem:s19+$0x4D00];
	_ =	sdelay $0x4  }
0x4fa: {  	[tilespmem:$0x1ECF0] =	vst v0;
	v0 =	vld [tilespmem:s19+$0x4D10];
	_ =	sdelay $0x4  }
0x4fb: {  	[tilespmem:$0x1ED00] =	vst v0;
	v0 =	vld [tilespmem:s19+$0x4D20];
	_ =	sdelay $0x4  }
0x4fc: {  	[tilespmem:$0x1ED10] =	vst v0;
	v0 =	vld [tilespmem:s19+$0x4D30];
	_ =	sdelay $0x4  }
0x4fd: {  	[tilespmem:$0x1ED20] =	vst v0;
	v0 =	vld [tilespmem:s19+$0x4D40];
	_ =	sdelay $0x4  }
0x4fe: {  	[tilespmem:$0x1ED30] =	vst v0;
	v0 =	vld [tilespmem:s19+$0x4D50];
	_ =	sdelay $0x4  }
0x4ff: {  	[tilespmem:$0x1ED40] =	vst v0;
	v0 =	vld [tilespmem:s19+$0x4D60];
	_ =	sdelay $0x4  }
0x500: {  	[tilespmem:$0x1ED50] =	vst v0;
	v0 =	vld [tilespmem:s19+$0x4D70];
	_ =	sdelay $0x4  }
0x501: {  	[tilespmem:$0x1ED60] =	vst v0;
	v0 =	vld [tilespmem:s19+$0x4D80];
	_ =	sdelay $0x4  }
0x502: {  	[tilespmem:$0x1ED70] =	vst v0;
	v0 =	vld [tilespmem:s19+$0x4D90];
	_ =	sdelay $0x4  }
0x503: {  	[tilespmem:$0x1ED80] =	vst v0;
	v0 =	vld [tilespmem:s19+$0x4DA0];
	_ =	sdelay $0x4  }
0x504: {  	[tilespmem:$0x1ED90] =	vst v0;
	v0 =	vld [tilespmem:s19+$0x4DB0];
	_ =	sdelay $0x4  }
0x505: {  	[tilespmem:$0x1EDA0] =	vst v0;
	v0 =	vld [tilespmem:s19+$0x4DC0];
	_ =	sdelay $0x4  }
0x506: {  	[tilespmem:$0x1EDB0] =	vst v0;
	v0 =	vld [tilespmem:s19+$0x4DD0];
	_ =	sdelay $0x4  }
0x507: {  	[tilespmem:$0x1EDC0] =	vst v0;
	v0 =	vld [tilespmem:s19+$0x4DE0];
	_ =	sdelay $0x4  }
0x508: {  	[tilespmem:$0x1EDD0] =	vst v0;
	v0 =	vld [tilespmem:s19+$0x4DF0];
	_ =	sdelay $0x4  }
0x509: {  	[tilespmem:$0x1EDE0] =	vst v0;
	v0 =	vld [tilespmem:s19+$0x4E00];
	_ =	sdelay $0x4  }
0x50a: {  	[tilespmem:$0x1EDF0] =	vst v0;
	v0 =	vld [tilespmem:s19+$0x4E10];
	_ =	sdelay $0x4  }
0x50b: {  	[tilespmem:$0x1EE00] =	vst v0;
	v0 =	vld [tilespmem:s19+$0x4E20];
	_ =	sdelay $0x4  }
0x50c: {  	[tilespmem:$0x1EE10] =	vst v0;
	v0 =	vld [tilespmem:s19+$0x4E30];
	_ =	sdelay $0x4  }
0x50d: {  	[tilespmem:$0x1EE20] =	vst v0;
	v0 =	vld [tilespmem:s19+$0x4E40];
	_ =	sdelay $0x4  }
0x50e: {  	[tilespmem:$0x1EE30] =	vst v0;
	v0 =	vld [tilespmem:s19+$0x4E50];
	_ =	sdelay $0x4  }
0x50f: {  	[tilespmem:$0x1EE40] =	vst v0;
	v0 =	vld [tilespmem:s19+$0x4E60];
	_ =	sdelay $0x4  }
0x510: {  	[tilespmem:$0x1EE50] =	vst v0;
	v0 =	vld [tilespmem:s19+$0x4E70];
	_ =	sdelay $0x4  }
0x511: {  	[tilespmem:$0x1EE60] =	vst v0;
	v0 =	vld [tilespmem:s19+$0x4E80];
	_ =	sdelay $0x4  }
0x512: {  	[tilespmem:$0x1EE70] =	vst v0;
	v0 =	vld [tilespmem:s19+$0x4E90];
	_ =	sdelay $0x4  }
0x513: {  	[tilespmem:$0x1EE80] =	vst v0;
	v0 =	vld [tilespmem:s19+$0x4EA0];
	_ =	sdelay $0x4  }
0x514: {  	[tilespmem:$0x1EE90] =	vst v0;
	v0 =	vld [tilespmem:s19+$0x4EB0];
	_ =	sdelay $0x4  }
0x515: {  	[tilespmem:$0x1EEA0] =	vst v0;
	v0 =	vld [tilespmem:s19+$0x4EC0];
	_ =	sdelay $0x4  }
0x516: {  	[tilespmem:$0x1EEB0] =	vst v0;
	v0 =	vld [tilespmem:s19+$0x4ED0];
	_ =	sdelay $0x4  }
0x517: {  	[tilespmem:$0x1EEC0] =	vst v0;
	v0 =	vld [tilespmem:s19+$0x4EE0];
	_ =	sdelay $0x4  }
0x518: {  	[tilespmem:$0x1EED0] =	vst v0;
	v0 =	vld [tilespmem:s19+$0x4EF0];
	_ =	sdelay $0x4  }
0x519: {  	[tilespmem:$0x1EEE0] =	vst v0;
	v0 =	vld [tilespmem:s19+$0x4F00];
	_ =	sdelay $0x4  }
0x51a: {  	[tilespmem:$0x1EEF0] =	vst v0;
	v0 =	vld [tilespmem:s19+$0x4F10];
	_ =	sdelay $0x4  }
0x51b: {  	[tilespmem:$0x1EF00] =	vst v0;
	v0 =	vld [tilespmem:s19+$0x4F20];
	_ =	sdelay $0x4  }
0x51c: {  	[tilespmem:$0x1EF10] =	vst v0;
	v0 =	vld [tilespmem:s19+$0x4F30];
	_ =	sdelay $0x4  }
0x51d: {  	[tilespmem:$0x1EF20] =	vst v0;
	v0 =	vld [tilespmem:s19+$0x4F40];
	_ =	sdelay $0x4  }
0x51e: {  	[tilespmem:$0x1EF30] =	vst v0;
	v0 =	vld [tilespmem:s19+$0x4F50];
	_ =	sdelay $0x4  }
0x51f: {  	[tilespmem:$0x1EF40] =	vst v0;
	v0 =	vld [tilespmem:s19+$0x4F60];
	_ =	sdelay $0x4  }
0x520: {  	[tilespmem:$0x1EF50] =	vst v0;
	v0 =	vld [tilespmem:s19+$0x4F70];
	_ =	sdelay $0x4  }
0x521: {  	[tilespmem:$0x1EF60] =	vst v0;
	v0 =	vld [tilespmem:s19+$0x4F80];
	_ =	sdelay $0x4  }
0x522: {  	[tilespmem:$0x1EF70] =	vst v0;
	v0 =	vld [tilespmem:s19+$0x4F90];
	_ =	sdelay $0x4  }
0x523: {  	[tilespmem:$0x1EF80] =	vst v0;
	v0 =	vld [tilespmem:s19+$0x4FA0];
	_ =	sdelay $0x4  }
0x524: {  	[tilespmem:$0x1EF90] =	vst v0;
	v0 =	vld [tilespmem:s19+$0x4FB0];
	_ =	sdelay $0x4  }
0x525: {  	[tilespmem:$0x1EFA0] =	vst v0;
	v0 =	vld [tilespmem:s19+$0x4FC0];
	_ =	sdelay $0x4  }
0x526: {  	[tilespmem:$0x1EFB0] =	vst v0;
	v0 =	vld [tilespmem:s19+$0x4FD0];
	_ =	sdelay $0x4  }
0x527: {  	[tilespmem:$0x1EFC0] =	vst v0;
	v0 =	vld [tilespmem:s19+$0x4FE0];
	_ =	sdelay $0x4  }
0x528: {  	[tilespmem:$0x1EFD0] =	vst v0;
	v0 =	vld [tilespmem:s19+$0x4FF0];
	_ =	sdelay $0x4  }
0x529: {  	[tilespmem:$0x1EFE0] =	vst v0;
	v0 =	vld [tilespmem:s19+$0x5000];
	_ =	sdelay $0x4  }
0x52a: {  	[tilespmem:$0x1EFF0] =	vst v0;
	v0 =	vld [tilespmem:s19+$0x5010];
	_ =	sdelay $0x4  }
0x52b: {  	[tilespmem:$0x1F000] =	vst v0;
	v0 =	vld [tilespmem:s19+$0x5020];
	_ =	sdelay $0x4  }
0x52c: {  	[tilespmem:$0x1F010] =	vst v0;
	v0 =	vld [tilespmem:s19+$0x5030];
	_ =	sdelay $0x4  }
0x52d: {  	[tilespmem:$0x1F020] =	vst v0;
	v0 =	vld [tilespmem:s19+$0x5040];
	_ =	sdelay $0x4  }
0x52e: {  	[tilespmem:$0x1F030] =	vst v0;
	v0 =	vld [tilespmem:s19+$0x5050];
	_ =	sdelay $0x4  }
0x52f: {  	[tilespmem:$0x1F040] =	vst v0;
	v0 =	vld [tilespmem:s19+$0x5060];
	_ =	sdelay $0x4  }
0x530: {  	[tilespmem:$0x1F050] =	vst v0;
	v0 =	vld [tilespmem:s19+$0x5070];
	_ =	sdelay $0x4  }
0x531: {  	[tilespmem:$0x1F060] =	vst v0;
	v0 =	vld [tilespmem:s19+$0x5080];
	_ =	sdelay $0x4  }
0x532: {  	[tilespmem:$0x1F070] =	vst v0;
	v0 =	vld [tilespmem:s19+$0x5090];
	_ =	sdelay $0x4  }
0x533: {  	[tilespmem:$0x1F080] =	vst v0;
	v0 =	vld [tilespmem:s19+$0x50A0];
	_ =	sdelay $0x4  }
0x534: {  	[tilespmem:$0x1F090] =	vst v0;
	v0 =	vld [tilespmem:s19+$0x50B0];
	_ =	sdelay $0x4  }
0x535: {  	[tilespmem:$0x1F0A0] =	vst v0;
	v0 =	vld [tilespmem:s19+$0x50C0];
	_ =	sdelay $0x4  }
0x536: {  	[tilespmem:$0x1F0B0] =	vst v0;
	v0 =	vld [tilespmem:s19+$0x50D0];
	_ =	sdelay $0x4  }
0x537: {  	[tilespmem:$0x1F0C0] =	vst v0;
	v0 =	vld [tilespmem:s19+$0x50E0];
	_ =	sdelay $0x4  }
0x538: {  	[tilespmem:$0x1F0D0] =	vst v0;
	v0 =	vld [tilespmem:s19+$0x50F0];
	_ =	sdelay $0x4  }
0x539: {  	[tilespmem:$0x1F0E0] =	vst v0;
	v0 =	vld [tilespmem:s19+$0x5100];
	_ =	sdelay $0x4  }
0x53a: {  	[tilespmem:$0x1F0F0] =	vst v0;
	v0 =	vld [tilespmem:s19+$0x5110];
	_ =	sdelay $0x4  }
0x53b: {  	[tilespmem:$0x1F100] =	vst v0;
	v0 =	vld [tilespmem:s19+$0x5120];
	_ =	sdelay $0x4  }
0x53c: {  	[tilespmem:$0x1F110] =	vst v0;
	v0 =	vld [tilespmem:s19+$0x5130];
	_ =	sdelay $0x4  }
0x53d: {  	[tilespmem:$0x1F120] =	vst v0;
	v0 =	vld [tilespmem:s19+$0x5140];
	_ =	sdelay $0x4  }
0x53e: {  	[tilespmem:$0x1F130] =	vst v0;
	v0 =	vld [tilespmem:s19+$0x5150];
	_ =	sdelay $0x4  }
0x53f: {  	[tilespmem:$0x1F140] =	vst v0;
	v0 =	vld [tilespmem:s19+$0x5160];
	_ =	sdelay $0x4  }
0x540: {  	[tilespmem:$0x1F150] =	vst v0;
	v0 =	vld [tilespmem:s19+$0x5170];
	_ =	sdelay $0x4  }
0x541: {  	[tilespmem:$0x1F160] =	vst v0;
	v0 =	vld [tilespmem:s19+$0x5180];
	_ =	sdelay $0x4  }
0x542: {  	[tilespmem:$0x1F170] =	vst v0;
	v0 =	vld [tilespmem:s19+$0x5190];
	_ =	sdelay $0x4  }
0x543: {  	[tilespmem:$0x1F180] =	vst v0;
	v0 =	vld [tilespmem:s19+$0x51A0];
	_ =	sdelay $0x4  }
0x544: {  	[tilespmem:$0x1F190] =	vst v0;
	v0 =	vld [tilespmem:s19+$0x51B0];
	_ =	sdelay $0x4  }
0x545: {  	[tilespmem:$0x1F1A0] =	vst v0;
	v0 =	vld [tilespmem:s19+$0x51C0];
	_ =	sdelay $0x4  }
0x546: {  	[tilespmem:$0x1F1B0] =	vst v0;
	v0 =	vld [tilespmem:s19+$0x51D0];
	_ =	sdelay $0x4  }
0x547: {  	[tilespmem:$0x1F1C0] =	vst v0;
	v0 =	vld [tilespmem:s19+$0x51E0];
	_ =	sdelay $0x4  }
0x548: {  	[tilespmem:$0x1F1D0] =	vst v0;
	v0 =	vld [tilespmem:s19+$0x51F0];
	_ =	sdelay $0x4  }
0x549: {  	[tilespmem:$0x1F1E0] =	vst v0;
	v0 =	vld [tilespmem:s19+$0x5200];
	_ =	sdelay $0x4  }
0x54a: {  	[tilespmem:$0x1F1F0] =	vst v0;
	v0 =	vld [tilespmem:s19+$0x5210];
	_ =	sdelay $0x4  }
0x54b: {  	[tilespmem:$0x1F200] =	vst v0;
	v0 =	vld [tilespmem:s19+$0x5220];
	_ =	sdelay $0x4  }
0x54c: {  	[tilespmem:$0x1F210] =	vst v0;
	v0 =	vld [tilespmem:s19+$0x5230];
	_ =	sdelay $0x4  }
0x54d: {  	[tilespmem:$0x1F220] =	vst v0;
	v0 =	vld [tilespmem:s19+$0x5240];
	_ =	sdelay $0x4  }
0x54e: {  	[tilespmem:$0x1F230] =	vst v0;
	v0 =	vld [tilespmem:s19+$0x5250];
	_ =	sdelay $0x4  }
0x54f: {  	[tilespmem:$0x1F240] =	vst v0;
	v0 =	vld [tilespmem:s19+$0x5260];
	_ =	sdelay $0x4  }
0x550: {  	[tilespmem:$0x1F250] =	vst v0;
	v0 =	vld [tilespmem:s19+$0x5270];
	_ =	sdelay $0x4  }
0x551: {  	[tilespmem:$0x1F260] =	vst v0;
	v0 =	vld [tilespmem:s19+$0x5280];
	_ =	sdelay $0x4  }
0x552: {  	[tilespmem:$0x1F270] =	vst v0;
	v0 =	vld [tilespmem:s19+$0x5290];
	_ =	sdelay $0x4  }
0x553: {  	[tilespmem:$0x1F280] =	vst v0;
	v0 =	vld [tilespmem:s19+$0x52A0];
	_ =	sdelay $0x4  }
0x554: {  	[tilespmem:$0x1F290] =	vst v0;
	v0 =	vld [tilespmem:s19+$0x52B0];
	_ =	sdelay $0x4  }
0x555: {  	[tilespmem:$0x1F2A0] =	vst v0;
	v0 =	vld [tilespmem:s19+$0x52C0];
	_ =	sdelay $0x4  }
0x556: {  	[tilespmem:$0x1F2B0] =	vst v0;
	v0 =	vld [tilespmem:s19+$0x52D0];
	_ =	sdelay $0x4  }
0x557: {  	[tilespmem:$0x1F2C0] =	vst v0;
	v0 =	vld [tilespmem:s19+$0x52E0];
	_ =	sdelay $0x4  }
0x558: {  	[tilespmem:$0x1F2D0] =	vst v0;
	v0 =	vld [tilespmem:s19+$0x52F0];
	_ =	sdelay $0x4  }
0x559: {  	[tilespmem:$0x1F2E0] =	vst v0;
	v0 =	vld [tilespmem:s19+$0x5300];
	_ =	sdelay $0x4  }
0x55a: {  	[tilespmem:$0x1F2F0] =	vst v0;
	v0 =	vld [tilespmem:s19+$0x5310];
	_ =	sdelay $0x4  }
0x55b: {  	[tilespmem:$0x1F300] =	vst v0;
	v0 =	vld [tilespmem:s19+$0x5320];
	_ =	sdelay $0x4  }
0x55c: {  	[tilespmem:$0x1F310] =	vst v0;
	v0 =	vld [tilespmem:s19+$0x5330];
	_ =	sdelay $0x4  }
0x55d: {  	[tilespmem:$0x1F320] =	vst v0;
	v0 =	vld [tilespmem:s19+$0x5340];
	_ =	sdelay $0x4  }
0x55e: {  	[tilespmem:$0x1F330] =	vst v0;
	v0 =	vld [tilespmem:s19+$0x5350];
	_ =	sdelay $0x4  }
0x55f: {  	[tilespmem:$0x1F340] =	vst v0;
	v0 =	vld [tilespmem:s19+$0x5360];
	_ =	sdelay $0x4  }
0x560: {  	[tilespmem:$0x1F350] =	vst v0;
	v0 =	vld [tilespmem:s19+$0x5370];
	_ =	sdelay $0x4  }
0x561: {  	[tilespmem:$0x1F360] =	vst v0;
	v0 =	vld [tilespmem:s19+$0x5380];
	_ =	sdelay $0x4  }
0x562: {  	[tilespmem:$0x1F370] =	vst v0;
	v0 =	vld [tilespmem:s19+$0x5390];
	_ =	sdelay $0x4  }
0x563: {  	[tilespmem:$0x1F380] =	vst v0;
	v0 =	vld [tilespmem:s19+$0x53A0];
	_ =	sdelay $0x4  }
0x564: {  	[tilespmem:$0x1F390] =	vst v0;
	v0 =	vld [tilespmem:s19+$0x53B0];
	_ =	sdelay $0x4  }
0x565: {  	[tilespmem:$0x1F3A0] =	vst v0;
	v0 =	vld [tilespmem:s19+$0x53C0];
	_ =	sdelay $0x4  }
0x566: {  	[tilespmem:$0x1F3B0] =	vst v0;
	v0 =	vld [tilespmem:s19+$0x53D0];
	_ =	sdelay $0x4  }
0x567: {  	[tilespmem:$0x1F3C0] =	vst v0;
	v0 =	vld [tilespmem:s19+$0x53E0];
	_ =	sdelay $0x4  }
0x568: {  	[tilespmem:$0x1F3D0] =	vst v0;
	v0 =	vld [tilespmem:s19+$0x53F0];
	_ =	sdelay $0x4  }
0x569: {  	[tilespmem:$0x1F3E0] =	vst v0;
	v0 =	vld [tilespmem:s19+$0x5400];
	_ =	sdelay $0x4  }
0x56a: {  	[tilespmem:$0x1F3F0] =	vst v0;
	v0 =	vld [tilespmem:s19+$0x5410];
	_ =	sdelay $0x4  }
0x56b: {  	[tilespmem:$0x1F400] =	vst v0;
	v0 =	vld [tilespmem:s19+$0x5420];
	_ =	sdelay $0x4  }
0x56c: {  	[tilespmem:$0x1F410] =	vst v0;
	v0 =	vld [tilespmem:s19+$0x5430];
	_ =	sdelay $0x4  }
0x56d: {  	[tilespmem:$0x1F420] =	vst v0;
	v0 =	vld [tilespmem:s19+$0x5440];
	_ =	sdelay $0x4  }
0x56e: {  	[tilespmem:$0x1F430] =	vst v0;
	v0 =	vld [tilespmem:s19+$0x5450];
	_ =	sdelay $0x4  }
0x56f: {  	[tilespmem:$0x1F440] =	vst v0;
	v0 =	vld [tilespmem:s19+$0x5460];
	_ =	sdelay $0x4  }
0x570: {  	[tilespmem:$0x1F450] =	vst v0;
	v0 =	vld [tilespmem:s19+$0x5470];
	_ =	sdelay $0x4  }
0x571: {  	[tilespmem:$0x1F460] =	vst v0;
	v0 =	vld [tilespmem:s19+$0x5480];
	_ =	sdelay $0x4  }
0x572: {  	[tilespmem:$0x1F470] =	vst v0;
	v0 =	vld [tilespmem:s19+$0x5490];
	_ =	sdelay $0x4  }
0x573: {  	[tilespmem:$0x1F480] =	vst v0;
	v0 =	vld [tilespmem:s19+$0x54A0];
	_ =	sdelay $0x4  }
0x574: {  	[tilespmem:$0x1F490] =	vst v0;
	v0 =	vld [tilespmem:s19+$0x54B0];
	_ =	sdelay $0x4  }
0x575: {  	[tilespmem:$0x1F4A0] =	vst v0;
	v0 =	vld [tilespmem:s19+$0x54C0];
	_ =	sdelay $0x4  }
0x576: {  	[tilespmem:$0x1F4B0] =	vst v0;
	v0 =	vld [tilespmem:s19+$0x54D0];
	_ =	sdelay $0x4  }
0x577: {  	[tilespmem:$0x1F4C0] =	vst v0  }
0x578: {  	v0 =	vld [tilespmem:s19+$0x54E0];
	_ =	sdelay $0x4  }
0x579: {  	[tilespmem:$0x1F4D0] =	vst v0;
	v0 =	vld [tilespmem:s19+$0x54F0];
	_ =	sdelay $0x4  }
0x57a: {  	[tilespmem:$0x1F4E0] =	vst v0;
	v0 =	vld [tilespmem:s19+$0x5500];
	_ =	sdelay $0x4  }
0x57b: {  	[tilespmem:$0x1FFF0] =	vst v0;
	v0 =	vld [tilespmem:s19+$0x5510];
	_ =	sdelay $0x4  }
0x57c: {  	[tilespmem:$0x1FFE0] =	vst v0;
	v0 =	vld [tilespmem:s19+$0x5520];
	_ =	sdelay $0x4  }
0x57d: {  	[tilespmem:$0x1FFD0] =	vst v0;
	v0 =	vld [tilespmem:s19+$0x5530];
	_ =	sdelay $0x4  }
0x57e: {  	[tilespmem:$0x1FFC0] =	vst v0;
	v0 =	vld [tilespmem:s19+$0x5540];
	_ =	sdelay $0x4  }
0x57f: {  	[tilespmem:$0x1FFB0] =	vst v0;
	v0 =	vld [tilespmem:s19+$0x5550];
	_ =	sdelay $0x4  }
0x580: {  	[tilespmem:$0x1FFA0] =	vst v0;
	v0 =	vld [tilespmem:s19+$0x5560];
	_ =	sdelay $0x4  }
0x581: {  	[tilespmem:$0x1FF90] =	vst v0;
	v0 =	vld [tilespmem:s19+$0x5570];
	_ =	sdelay $0x4  }
0x582: {  	[tilespmem:$0x1FF80] =	vst v0;
	v0 =	vld [tilespmem:s19+$0x5580];
	_ =	sdelay $0x4  }
0x583: {  	[tilespmem:$0x1FF70] =	vst v0;
	v0 =	vld [tilespmem:s19+$0x5590];
	_ =	sdelay $0x4  }
0x584: {  	[tilespmem:$0x1FF60] =	vst v0;
	v0 =	vld [tilespmem:s19+$0x55A0];
	_ =	sdelay $0x4  }
0x585: {  	[tilespmem:$0x1FF50] =	vst v0;
	v0 =	vld [tilespmem:s19+$0x55B0];
	_ =	sdelay $0x4  }
0x586: {  	[tilespmem:$0x1FF40] =	vst v0;
	v0 =	vld [tilespmem:s19+$0x55C0];
	_ =	sdelay $0x4  }
0x587: {  	[tilespmem:$0x1FF30] =	vst v0;
	v0 =	vld [tilespmem:s19+$0x55D0];
	_ =	sdelay $0x4  }
0x588: {  	[tilespmem:$0x1FF20] =	vst v0;
	v0 =	vld [tilespmem:s19+$0x55E0];
	_ =	sdelay $0x4  }
0x589: {  	[tilespmem:$0x1FF10] =	vst v0;
	v0 =	vld [tilespmem:s19+$0x55F0];
	_ =	sdelay $0x4  }
0x58a: {  	[tilespmem:$0x1FF00] =	vst v0;
	v0 =	vld [tilespmem:s19+$0x5600];
	_ =	sdelay $0x4  }
0x58b: {  	[tilespmem:$0x1FEF0] =	vst v0;
	v0 =	vld [tilespmem:s19+$0x5610];
	_ =	sdelay $0x4  }
0x58c: {  	[tilespmem:$0x1FEE0] =	vst v0;
	v0 =	vld [tilespmem:s19+$0x5620];
	_ =	sdelay $0x4  }
0x58d: {  	[tilespmem:$0x1FED0] =	vst v0;
	v0 =	vld [tilespmem:s19+$0x5630];
	_ =	sdelay $0x4  }
0x58e: {  	[tilespmem:$0x1FEC0] =	vst v0;
	v0 =	vld [tilespmem:s19+$0x5640];
	_ =	sdelay $0x4  }
0x58f: {  	[tilespmem:$0x1FEB0] =	vst v0;
	v0 =	vld [tilespmem:s19+$0x5650];
	_ =	sdelay $0x4  }
0x590: {  	[tilespmem:$0x1FEA0] =	vst v0;
	v0 =	vld [tilespmem:s19+$0x5660];
	_ =	sdelay $0x4  }
0x591: {  	[tilespmem:$0x1FE90] =	vst v0;
	v0 =	vld [tilespmem:s19+$0x5670];
	_ =	sdelay $0x4  }
0x592: {  	[tilespmem:$0x1FE80] =	vst v0;
	v0 =	vld [tilespmem:s19+$0x5680];
	_ =	sdelay $0x4  }
0x593: {  	[tilespmem:$0x1FE70] =	vst v0;
	v0 =	vld [tilespmem:s19+$0x5690];
	_ =	sdelay $0x4  }
0x594: {  	[tilespmem:$0x1FE60] =	vst v0;
	v0 =	vld [tilespmem:s19+$0x56A0];
	_ =	sdelay $0x4  }
0x595: {  	[tilespmem:$0x1FE50] =	vst v0;
	v0 =	vld [tilespmem:s19+$0x56B0];
	_ =	sdelay $0x4  }
0x596: {  	[tilespmem:$0x1FE40] =	vst v0;
	v0 =	vld [tilespmem:s19+$0x56C0];
	_ =	sdelay $0x4  }
0x597: {  	[tilespmem:$0x1FE30] =	vst v0;
	v0 =	vld [tilespmem:s19+$0x56D0];
	_ =	sdelay $0x4  }
0x598: {  	[tilespmem:$0x1FE20] =	vst v0;
	v0 =	vld [tilespmem:s19+$0x56E0];
	_ =	sdelay $0x4  }
0x599: {  	[tilespmem:$0x1FE10] =	vst v0;
	v0 =	vld [tilespmem:s19+$0x56F0];
	_ =	sdelay $0x4  }
0x59a: {  	[tilespmem:$0x1FE00] =	vst v0;
	v0 =	vld [tilespmem:s19+$0x5700];
	_ =	sdelay $0x4  }
0x59b: {  	[tilespmem:$0x1FDF0] =	vst v0;
	v0 =	vld [tilespmem:s19+$0x5710];
	_ =	sdelay $0x4  }
0x59c: {  	[tilespmem:$0x1FDE0] =	vst v0;
	v0 =	vld [tilespmem:s19+$0x5720];
	_ =	sdelay $0x4  }
0x59d: {  	[tilespmem:$0x1FDD0] =	vst v0;
	v0 =	vld [tilespmem:s19+$0x5730];
	_ =	sdelay $0x4  }
0x59e: {  	[tilespmem:$0x1FDC0] =	vst v0;
	v0 =	vld [tilespmem:s19+$0x5740];
	_ =	sdelay $0x4  }
0x59f: {  	[tilespmem:$0x1FDB0] =	vst v0;
	v0 =	vld [tilespmem:s19+$0x5750];
	_ =	sdelay $0x4  }
0x5a0: {  	[tilespmem:$0x1FDA0] =	vst v0;
	v0 =	vld [tilespmem:s19+$0x5760];
	_ =	sdelay $0x4  }
0x5a1: {  	[tilespmem:$0x1FD90] =	vst v0;
	v0 =	vld [tilespmem:s19+$0x5770];
	_ =	sdelay $0x4  }
0x5a2: {  	[tilespmem:$0x1FD80] =	vst v0;
	v0 =	vld [tilespmem:s19+$0x5780];
	_ =	sdelay $0x4  }
0x5a3: {  	[tilespmem:$0x1FD70] =	vst v0;
	v0 =	vld [tilespmem:s19+$0x5790];
	_ =	sdelay $0x4  }
0x5a4: {  	[tilespmem:$0x1FD60] =	vst v0;
	v0 =	vld [tilespmem:s19+$0x57A0];
	_ =	sdelay $0x4  }
0x5a5: {  	[tilespmem:$0x1FD50] =	vst v0;
	v0 =	vld [tilespmem:s19+$0x57B0];
	_ =	sdelay $0x4  }
0x5a6: {  	[tilespmem:$0x1FD40] =	vst v0;
	v0 =	vld [tilespmem:s19+$0x57C0];
	_ =	sdelay $0x4  }
0x5a7: {  	[tilespmem:$0x1FD30] =	vst v0;
	v0 =	vld [tilespmem:s19+$0x57D0];
	_ =	sdelay $0x4  }
0x5a8: {  	[tilespmem:$0x1FD20] =	vst v0;
	v0 =	vld [tilespmem:s19+$0x57E0];
	_ =	sdelay $0x4  }
0x5a9: {  	[tilespmem:$0x1FD10] =	vst v0;
	v0 =	vld [tilespmem:s19+$0x57F0];
	_ =	sdelay $0x4  }
0x5aa: {  	[tilespmem:$0x1FD00] =	vst v0;
	v0 =	vld [tilespmem:s19+$0x5800];
	_ =	sdelay $0x4  }
0x5ab: {  	[tilespmem:$0x1FCF0] =	vst v0;
	v0 =	vld [tilespmem:s19+$0x5810];
	_ =	sdelay $0x4  }
0x5ac: {  	[tilespmem:$0x1FCE0] =	vst v0;
	v0 =	vld [tilespmem:s19+$0x5820];
	_ =	sdelay $0x4  }
0x5ad: {  	[tilespmem:$0x1FCD0] =	vst v0;
	v0 =	vld [tilespmem:s19+$0x5830];
	_ =	sdelay $0x4  }
0x5ae: {  	[tilespmem:$0x1FCC0] =	vst v0;
	v0 =	vld [tilespmem:s19+$0x5840];
	_ =	sdelay $0x4  }
0x5af: {  	[tilespmem:$0x1FCB0] =	vst v0;
	v0 =	vld [tilespmem:s19+$0x5850];
	_ =	sdelay $0x4  }
0x5b0: {  	[tilespmem:$0x1FCA0] =	vst v0;
	v0 =	vld [tilespmem:s19+$0x5860];
	_ =	sdelay $0x4  }
0x5b1: {  	[tilespmem:$0x1FC90] =	vst v0;
	v0 =	vld [tilespmem:s19+$0x5870];
	_ =	sdelay $0x4  }
0x5b2: {  	[tilespmem:$0x1FC80] =	vst v0;
	v0 =	vld [tilespmem:s19+$0x5880];
	_ =	sdelay $0x4  }
0x5b3: {  	[tilespmem:$0x1FC70] =	vst v0;
	v0 =	vld [tilespmem:s19+$0x5890];
	_ =	sdelay $0x4  }
0x5b4: {  	[tilespmem:$0x1FC60] =	vst v0;
	v0 =	vld [tilespmem:s19+$0x58A0];
	_ =	sdelay $0x4  }
0x5b5: {  	[tilespmem:$0x1FC50] =	vst v0;
	v0 =	vld [tilespmem:s19+$0x58B0];
	_ =	sdelay $0x4  }
0x5b6: {  	[tilespmem:$0x1FC40] =	vst v0;
	v0 =	vld [tilespmem:s19+$0x58C0];
	_ =	sdelay $0x4  }
0x5b7: {  	[tilespmem:$0x1FC30] =	vst v0;
	v0 =	vld [tilespmem:s19+$0x58D0];
	_ =	sdelay $0x4  }
0x5b8: {  	[tilespmem:$0x1FC20] =	vst v0;
	v0 =	vld [tilespmem:s19+$0x58E0];
	_ =	sdelay $0x4  }
0x5b9: {  	[tilespmem:$0x1FC10] =	vst v0;
	v0 =	vld [tilespmem:s19+$0x58F0];
	_ =	sdelay $0x4  }
0x5ba: {  	[tilespmem:$0x1FC00] =	vst v0;
	v0 =	vld [tilespmem:s19+$0x5900];
	_ =	sdelay $0x4  }
0x5bb: {  	[tilespmem:$0x1FBF0] =	vst v0;
	v0 =	vld [tilespmem:s19+$0x5910];
	_ =	sdelay $0x4  }
0x5bc: {  	[tilespmem:$0x1FBE0] =	vst v0;
	v0 =	vld [tilespmem:s19+$0x5920];
	_ =	sdelay $0x4  }
0x5bd: {  	[tilespmem:$0x1FBD0] =	vst v0;
	v0 =	vld [tilespmem:s19+$0x5930];
	_ =	sdelay $0x4  }
0x5be: {  	[tilespmem:$0x1FBC0] =	vst v0;
	v0 =	vld [tilespmem:s19+$0x5940];
	_ =	sdelay $0x4  }
0x5bf: {  	[tilespmem:$0x1FBB0] =	vst v0;
	v0 =	vld [tilespmem:s19+$0x5950];
	_ =	sdelay $0x4  }
0x5c0: {  	[tilespmem:$0x1FBA0] =	vst v0;
	v0 =	vld [tilespmem:s19+$0x5960];
	_ =	sdelay $0x4  }
0x5c1: {  	[tilespmem:$0x1FB90] =	vst v0;
	v0 =	vld [tilespmem:s19+$0x5970];
	_ =	sdelay $0x4  }
0x5c2: {  	[tilespmem:$0x1FB80] =	vst v0;
	v0 =	vld [tilespmem:s19+$0x5980];
	_ =	sdelay $0x4  }
0x5c3: {  	[tilespmem:$0x1FB70] =	vst v0;
	v0 =	vld [tilespmem:s19+$0x5990];
	_ =	sdelay $0x4  }
0x5c4: {  	[tilespmem:$0x1FB60] =	vst v0;
	v0 =	vld [tilespmem:s19+$0x59A0];
	_ =	sdelay $0x4  }
0x5c5: {  	[tilespmem:$0x1FB50] =	vst v0;
	v0 =	vld [tilespmem:s19+$0x59B0];
	_ =	sdelay $0x4  }
0x5c6: {  	[tilespmem:$0x1FB40] =	vst v0;
	v0 =	vld [tilespmem:s19+$0x59C0];
	_ =	sdelay $0x4  }
0x5c7: {  	[tilespmem:$0x1FB30] =	vst v0;
	v0 =	vld [tilespmem:s19+$0x59D0];
	_ =	sdelay $0x4  }
0x5c8: {  	[tilespmem:$0x1FB20] =	vst v0;
	v0 =	vld [tilespmem:s19+$0x59E0];
	_ =	sdelay $0x4  }
0x5c9: {  	[tilespmem:$0x1FB10] =	vst v0;
	v0 =	vld [tilespmem:s19+$0x59F0];
	_ =	sdelay $0x4  }
0x5ca: {  	[tilespmem:$0x1FB00] =	vst v0;
	v0 =	vld [tilespmem:s19+$0x5A00];
	_ =	sdelay $0x4  }
0x5cb: {  	[tilespmem:$0x1FAF0] =	vst v0;
	v0 =	vld [tilespmem:s19+$0x5A10];
	_ =	sdelay $0x4  }
0x5cc: {  	[tilespmem:$0x1FAE0] =	vst v0;
	v0 =	vld [tilespmem:s19+$0x5A20];
	_ =	sdelay $0x4  }
0x5cd: {  	[tilespmem:$0x1FAD0] =	vst v0;
	v0 =	vld [tilespmem:s19+$0x5B50];
	_ =	sdelay $0x4  }
0x5ce: {  	[tilespmem:$0x1F9B0] =	vst v0;
	v0 =	vld [tilespmem:s19+$0x5B70];
	_ =	sdelay $0x4  }
0x5cf: {  	[tilespmem:$0x1F990] =	vst v0;
	v0 =	vld [tilespmem:s19+$0x5B90];
	_ =	sdelay $0x4  }
0x5d0: {  	[tilespmem:$0x1F980] =	vst v0;
	v0 =	vld [tilespmem:s19+$0x5BB0];
	_ =	sdelay $0x4  }
0x5d1: {  	[tilespmem:$0x1F970] =	vst v0;
	v0 =	vld [tilespmem:s19+$0x5BD0];
	_ =	sdelay $0x4  }
0x5d2: {  	[tilespmem:$0x1F960] =	vst v0;
	v0 =	vld [tilespmem:s19+$0x5BF0];
	_ =	sdelay $0x4  }
0x5d3: {  	[tilespmem:$0x1F950] =	vst v0;
	v0 =	vld [tilespmem:s19+$0x5C10];
	_ =	sdelay $0x4  }
0x5d4: {  	[tilespmem:$0x1F940] =	vst v0;
	v0 =	vld [tilespmem:s19+$0x5C30];
	_ =	sdelay $0x4  }
0x5d5: {  	[tilespmem:$0x1F930] =	vst v0;
	v0 =	vld [tilespmem:s19+$0x5C50];
	_ =	sdelay $0x4  }
0x5d6: {  	[tilespmem:$0x1F920] =	vst v0;
	v0 =	vld [tilespmem:s19+$0x5C70];
	_ =	sdelay $0x4  }
0x5d7: {  	[tilespmem:$0x1F910] =	vst v0;
	v0 =	vld [tilespmem:s19+$0x5C90];
	_ =	sdelay $0x4  }
0x5d8: {  	[tilespmem:$0x1F900] =	vst v0;
	v0 =	vld [tilespmem:s19+$0x5CB0];
	_ =	sdelay $0x4  }
0x5d9: {  	[tilespmem:$0x1F8F0] =	vst v0;
	v0 =	vld [tilespmem:s19+$0x5CD0];
	_ =	sdelay $0x4  }
0x5da: {  	[tilespmem:$0x1F8E0] =	vst v0;
	v0 =	vld [tilespmem:s19+$0x5CF0];
	_ =	sdelay $0x4  }
0x5db: {  	[tilespmem:$0x1F8D0] =	vst v0;
	v0 =	vld [tilespmem:s19+$0x5D10];
	_ =	sdelay $0x4  }
0x5dc: {  	[tilespmem:$0x1F8C0] =	vst v0;
	v0 =	vld [tilespmem:s19+$0x5D30];
	_ =	sdelay $0x4  }
0x5dd: {  	[tilespmem:$0x1F8B0] =	vst v0;
	v0 =	vld [tilespmem:s19+$0x5D50];
	_ =	sdelay $0x4  }
0x5de: {  	[tilespmem:$0x1F8A0] =	vst v0;
	v0 =	vld [tilespmem:s19+$0x5F90];
	_ =	sdelay $0x4  }
0x5df: {  	[tilespmem:$0x1F780] =	vst v0;
	v0 =	vld [tilespmem:s19+$0x5D70];
	_ =	sdelay $0x4  }
0x5e0: {  	[tilespmem:$0x1F890] =	vst v0;
	v0 =	vld [tilespmem:s19+$0x5D90];
	_ =	sdelay $0x4  }
0x5e1: {  	[tilespmem:$0x1F880] =	vst v0;
	v0 =	vld [tilespmem:s19+$0x5DB0];
	_ =	sdelay $0x4  }
0x5e2: {  	[tilespmem:$0x1F870] =	vst v0;
	v0 =	vld [tilespmem:s19+$0x5DD0];
	_ =	sdelay $0x4  }
0x5e3: {  	[tilespmem:$0x1F860] =	vst v0;
	v0 =	vld [tilespmem:s19+$0x5DF0];
	_ =	sdelay $0x4  }
0x5e4: {  	[tilespmem:$0x1F850] =	vst v0;
	v0 =	vld [tilespmem:s19+$0x5E10];
	_ =	sdelay $0x4  }
0x5e5: {  	[tilespmem:$0x1F840] =	vst v0;
	v0 =	vld [tilespmem:s19+$0x5E30];
	_ =	sdelay $0x4  }
0x5e6: {  	[tilespmem:$0x1F830] =	vst v0;
	v0 =	vld [tilespmem:s19+$0x5E50];
	_ =	sdelay $0x4  }
0x5e7: {  	[tilespmem:$0x1F820] =	vst v0;
	v0 =	vld [tilespmem:s19+$0x5E70];
	_ =	sdelay $0x4  }
0x5e8: {  	[tilespmem:$0x1F810] =	vst v0;
	v0 =	vld [tilespmem:s19+$0x5E90];
	_ =	sdelay $0x4  }
0x5e9: {  	[tilespmem:$0x1F800] =	vst v0;
	v0 =	vld [tilespmem:s19+$0x5EB0];
	_ =	sdelay $0x4  }
0x5ea: {  	[tilespmem:$0x1F7F0] =	vst v0;
	v0 =	vld [tilespmem:s19+$0x5ED0];
	_ =	sdelay $0x4  }
0x5eb: {  	[tilespmem:$0x1F7E0] =	vst v0;
	v0 =	vld [tilespmem:s19+$0x5EF0];
	_ =	sdelay $0x4  }
0x5ec: {  	[tilespmem:$0x1F7D0] =	vst v0;
	v0 =	vld [tilespmem:s19+$0x5F10];
	_ =	sdelay $0x4  }
0x5ed: {  	[tilespmem:$0x1F7C0] =	vst v0;
	v0 =	vld [tilespmem:s19+$0x5F30];
	_ =	sdelay $0x4  }
0x5ee: {  	[tilespmem:$0x1F7B0] =	vst v0;
	v0 =	vld [tilespmem:s19+$0x5F50];
	_ =	sdelay $0x4  }
0x5ef: {  	[tilespmem:$0x1F7A0] =	vst v0;
	v0 =	vld [tilespmem:s19+$0x5F70];
	_ =	sdelay $0x4  }
0x5f0: {  	[tilespmem:$0x1F790] =	vst v0;
	v0 =	vld [tilespmem:s19+$0x5FB0];
	_ =	sdelay $0x4  }
0x5f1: {  	[tilespmem:$0x1F770] =	vst v0;
	v0 =	vld [tilespmem:s19+$0x5FD0];
	_ =	sdelay $0x4  }
0x5f2: {  	[tilespmem:$0x1F760] =	vst v0;
	v0 =	vld [tilespmem:s19+$0x5FF0];
	_ =	sdelay $0x4  }
0x5f3: {  	[tilespmem:$0x1F750] =	vst v0;
	v0 =	vld [tilespmem:s19+$0x6010];
	_ =	sdelay $0x4  }
0x5f4: {  	[tilespmem:$0x1F740] =	vst v0;
	v0 =	vld [tilespmem:s19+$0x6030];
	_ =	sdelay $0x4  }
0x5f5: {  	[tilespmem:$0x1F730] =	vst v0;
	v0 =	vld [tilespmem:s19+$0x6050];
	_ =	sdelay $0x4  }
0x5f6: {  	[tilespmem:$0x1F720] =	vst v0;
	v0 =	vld [tilespmem:s19+$0x6070];
	_ =	sdelay $0x4  }
0x5f7: {  	[tilespmem:$0x1F710] =	vst v0;
	v0 =	vld [tilespmem:s19+$0x6090];
	_ =	sdelay $0x4  }
0x5f8: {  	[tilespmem:$0x1F700] =	vst v0;
	v0 =	vld [tilespmem:s19+$0x60B0];
	_ =	sdelay $0x4  }
0x5f9: {  	[tilespmem:$0x1F6F0] =	vst v0;
	v0 =	vld [tilespmem:s19+$0x60D0];
	_ =	sdelay $0x4  }
0x5fa: {  	[tilespmem:$0x1F6E0] =	vst v0;
	v0 =	vld [tilespmem:s19+$0x60F0];
	_ =	sdelay $0x4  }
0x5fb: {  	[tilespmem:$0x1F6D0] =	vst v0;
	v0 =	vld [tilespmem:s19+$0x6110];
	_ =	sdelay $0x4  }
0x5fc: {  	[tilespmem:$0x1F6C0] =	vst v0;
	v0 =	vld [tilespmem:s19+$0x6130];
	_ =	sdelay $0x4  }
0x5fd: {  	[tilespmem:$0x1F6B0] =	vst v0;
	v0 =	vld [tilespmem:s19+$0x6150];
	_ =	sdelay $0x4  }
0x5fe: {  	[tilespmem:$0x1F6A0] =	vst v0;
	v0 =	vld [tilespmem:s19+$0x6170];
	_ =	sdelay $0x4  }
0x5ff: {  	[tilespmem:$0x1F690] =	vst v0;
	v0 =	vld [tilespmem:s19+$0x6190];
	_ =	sdelay $0x4  }
0x600: {  	[tilespmem:$0x1F680] =	vst v0;
	v0 =	vld [tilespmem:s19+$0x61B0];
	_ =	sdelay $0x4  }
0x601: {  	[tilespmem:$0x1F670] =	vst v0;
	v0 =	vld [tilespmem:s19+$0x61D0];
	_ =	sdelay $0x4  }
0x602: {  	[tilespmem:$0x1F660] =	vst v0;
	v0 =	vld [tilespmem:$0x1A3E0]  }
0x603: {  	s17 =	sand.u32 $0x1, s12  }
0x604: {  	s31 =	smul.u32 $0x19000, s17;
	_ =	sdelay $0x1  }
0x605: {  	s18 =	sshrl.u32 s31, $0x2  }
0x606: {  	[tilespmem:s18+$0xC800] =	vst v0;
	v0 =	vld [tilespmem:s19+$0x61F0];
	_ =	sdelay $0x4  }
0x607: {  	[tilespmem:$0x1F650] =	vst v0;
	v0 =	vld [tilespmem:$0x1A3F0];
	_ =	sdelay $0x4  }
0x608: {  	[tilespmem:s18+$0xC810] =	vst v0;
	v0 =	vld [tilespmem:s19+$0x6210];
	_ =	sdelay $0x4  }
0x609: {  	[tilespmem:$0x1F640] =	vst v0;
	v0 =	vld [tilespmem:$0x1A400];
	_ =	sdelay $0x4  }
0x60a: {  	[tilespmem:s18+$0xC830] =	vst v0;
	v0 =	vld [tilespmem:s19+$0x6230];
	_ =	sdelay $0x4  }
0x60b: {  	[tilespmem:$0x1F630] =	vst v0;
	v0 =	vld [tilespmem:$0x1A410];
	_ =	sdelay $0x4  }
0x60c: {  	[tilespmem:s18+$0xC850] =	vst v0;
	v0 =	vld [tilespmem:s19+$0x6250];
	_ =	sdelay $0x4  }
0x60d: {  	[tilespmem:$0x1F620] =	vst v0;
	v0 =	vld [tilespmem:$0x1A420];
	_ =	sdelay $0x4  }
0x60e: {  	[tilespmem:s18+$0xC870] =	vst v0;
	v0 =	vld [tilespmem:s19+$0x6270];
	_ =	sdelay $0x4  }
0x60f: {  	[tilespmem:$0x1F610] =	vst v0;
	v0 =	vld [tilespmem:$0x1A430];
	_ =	sdelay $0x4  }
0x610: {  	[tilespmem:s18+$0xC890] =	vst v0;
	v0 =	vld [tilespmem:s19+$0x6290];
	_ =	sdelay $0x4  }
0x611: {  	[tilespmem:$0x1F600] =	vst v0;
	v0 =	vld [tilespmem:$0x1A440];
	_ =	sdelay $0x4  }
0x612: {  	[tilespmem:s18+$0xC8B0] =	vst v0;
	v0 =	vld [tilespmem:s19+$0x62B0];
	_ =	sdelay $0x4  }
0x613: {  	[tilespmem:$0x1F5F0] =	vst v0;
	v0 =	vld [tilespmem:$0x1A450];
	_ =	sdelay $0x4  }
0x614: {  	[tilespmem:s18+$0xC8D0] =	vst v0;
	v0 =	vld [tilespmem:s19+$0x62D0];
	_ =	sdelay $0x4  }
0x615: {  	[tilespmem:$0x1F5E0] =	vst v0;
	v0 =	vld [tilespmem:$0x1A460];
	_ =	sdelay $0x4  }
0x616: {  	[tilespmem:s18+$0xC8F0] =	vst v0;
	v0 =	vld [tilespmem:s19+$0x62F0];
	_ =	sdelay $0x4  }
0x617: {  	[tilespmem:$0x1F5D0] =	vst v0;
	v0 =	vld [tilespmem:$0x1A470];
	_ =	sdelay $0x4  }
0x618: {  	[tilespmem:s18+$0xC910] =	vst v0;
	v0 =	vld [tilespmem:s19+$0x6310];
	_ =	sdelay $0x4  }
0x619: {  	[tilespmem:$0x1F5C0] =	vst v0;
	v0 =	vld [tilespmem:$0x1A480];
	_ =	sdelay $0x4  }
0x61a: {  	[tilespmem:s18+$0xC930] =	vst v0;
	v0 =	vld [tilespmem:s19+$0x6330];
	_ =	sdelay $0x4  }
0x61b: {  	[tilespmem:$0x1F5B0] =	vst v0;
	v0 =	vld [tilespmem:$0x1A490];
	_ =	sdelay $0x4  }
0x61c: {  	[tilespmem:s18+$0xC950] =	vst v0;
	v0 =	vld [tilespmem:s19+$0x6350];
	_ =	sdelay $0x4  }
0x61d: {  	[tilespmem:$0x1F590] =	vst v0;
	v0 =	vld [tilespmem:$0x1A4A0];
	_ =	sdelay $0x4  }
0x61e: {  	[tilespmem:s18+$0xC970] =	vst v0;
	v0 =	vld [tilespmem:s19+$0x6370];
	_ =	sdelay $0x4  }
0x61f: {  	[tilespmem:$0x1F570] =	vst v0;
	v0 =	vld [tilespmem:$0x1A4B0];
	_ =	sdelay $0x4  }
0x620: {  	[tilespmem:s18+$0xC990] =	vst v0;
	v0 =	vld [tilespmem:s19+$0x6390];
	_ =	sdelay $0x4  }
0x621: {  	[tilespmem:$0x1F550] =	vst v0;
	v0 =	vld [tilespmem:$0x1A4C0];
	_ =	sdelay $0x4  }
0x622: {  	[tilespmem:s18+$0xC9B0] =	vst v0;
	v0 =	vld [tilespmem:s19+$0x63B0];
	_ =	sdelay $0x4  }
0x623: {  	[tilespmem:$0x1F530] =	vst v0;
	v0 =	vld [tilespmem:$0x1A4D0];
	_ =	sdelay $0x4  }
0x624: {  	[tilespmem:s18+$0xC9D0] =	vst v0;
	v0 =	vld [tilespmem:s19+$0x63D0];
	_ =	sdelay $0x4  }
0x625: {  	[tilespmem:$0x1F510] =	vst v0;
	v0 =	vld [tilespmem:$0x1A4E0];
	_ =	sdelay $0x4  }
0x626: {  	[tilespmem:s18+$0xC9F0] =	vst v0;
	v0 =	vld [tilespmem:s19+$0x63F0];
	_ =	sdelay $0x4  }
0x627: {  	[tilespmem:$0x1F4F0] =	vst v0;
	v0 =	vld [tilespmem:$0x1A4F0];
	_ =	sdelay $0x4  }
0x628: {  	[tilespmem:s18+$0xCA00] =	vst v0;
	v0 =	vld [tilespmem:s19+$0x5A30];
	_ =	sdelay $0x4  }
0x629: {  	[tilespmem:$0x1FAC0] =	vst v0;
	v0 =	vld [tilespmem:$0x1A500];
	_ =	sdelay $0x4  }
0x62a: {  	[tilespmem:s18+$0xC9E0] =	vst v0;
	v0 =	vld [tilespmem:s19+$0x5A40];
	_ =	sdelay $0x4  }
0x62b: {  	[tilespmem:$0x1FAB0] =	vst v0;
	v0 =	vld [tilespmem:$0x1A510];
	_ =	sdelay $0x4  }
0x62c: {  	[tilespmem:s18+$0xC9C0] =	vst v0;
	v0 =	vld [tilespmem:s19+$0x5A50];
	_ =	sdelay $0x2  }
0x62d: {  	[tilespmem:s18+$0xC8C0] =	vst v60  }
0x62e: {  	[tilespmem:s18+$0xC8A0] =	vst v56  }
0x62f: {  	[tilespmem:$0x1FAA0] =	vst v0;
	v0 =	vld [tilespmem:$0x1A520]  }
0x630: {  	[tilespmem:s18+$0xC880] =	vst v52;
	v60 =	vld [tilespmem:s19+$0x5AD0]  }
0x631: {  	[tilespmem:s18+$0xC860] =	vst v48;
	v52 =	vld [tilespmem:s19+$0x5AF0]  }
0x632: {  	[tilespmem:s18+$0xC840] =	vst v44;
	v56 =	vld [tilespmem:s19+$0x5B00]  }
0x633: {  	[tilespmem:s18+$0xC820] =	vst v40;
	v40 =	vld [tilespmem:s19+$0x5B20]  }
0x634: {  	[tilespmem:s18+$0xC9A0] =	vst v0;
	v0 =	vld [tilespmem:s19+$0x5A60]  }
0x635: {  	[tilespmem:s18+$0xCA70] =	vst v63;
	v44 =	vld [tilespmem:$0x1A590]  }
0x636: {  	[tilespmem:s18+$0xCA80] =	vst v62;
	v48 =	vld [tilespmem:s19+$0x63E0]  }
0x637: {  	[tilespmem:s18+$0xCA90] =	vst v61;
	v63 =	vld [tilespmem:s19+$0x6320]  }
0x638: {  	[tilespmem:s18+$0xCAB0] =	vst v59;
	v62 =	vld [tilespmem:s19+$0x6300]  }
0x639: {  	[tilespmem:$0x1FA90] =	vst v0;
	v0 =	vld [tilespmem:$0x1A530]  }
0x63a: {  	[tilespmem:s18+$0xCAC0] =	vst v58;
	v61 =	vld [tilespmem:s19+$0x62E0]  }
0x63b: {  	[tilespmem:s18+$0xCAD0] =	vst v57;
	v59 =	vld [tilespmem:s19+$0x62A0]  }
0x63c: {  	[tilespmem:s18+$0xCAF0] =	vst v55;
	v58 =	vld [tilespmem:s19+$0x6280]  }
0x63d: {  	[tilespmem:s18+$0xCB00] =	vst v54;
	v57 =	vld [tilespmem:s19+$0x6260]  }
0x63e: {  	[tilespmem:s18+$0xC980] =	vst v0;
	v0 =	vld [tilespmem:s19+$0x5A70]  }
0x63f: {  	[tilespmem:s18+$0xCB10] =	vst v53;
	v55 =	vld [tilespmem:s19+$0x6220]  }
0x640: {  	[tilespmem:s18+$0xCB30] =	vst v51;
	v54 =	vld [tilespmem:s19+$0x6200]  }
0x641: {  	[tilespmem:s18+$0xCB40] =	vst v50;
	v53 =	vld [tilespmem:s19+$0x61E0]  }
0x642: {  	[tilespmem:s18+$0xCB50] =	vst v49;
	v51 =	vld [tilespmem:s19+$0x61A0]  }
0x643: {  	[tilespmem:$0x1FA80] =	vst v0;
	v0 =	vld [tilespmem:$0x1A540]  }
0x644: {  	[tilespmem:s18+$0xCB70] =	vst v47;
	v50 =	vld [tilespmem:s19+$0x6180]  }
0x645: {  	[tilespmem:s18+$0xCB80] =	vst v46;
	v49 =	vld [tilespmem:s19+$0x6160]  }
0x646: {  	[tilespmem:s18+$0xCB90] =	vst v45;
	v47 =	vld [tilespmem:s19+$0x6120]  }
0x647: {  	[tilespmem:s18+$0xCBB0] =	vst v43;
	v46 =	vld [tilespmem:s19+$0x6100]  }
0x648: {  	[tilespmem:s18+$0xC960] =	vst v0;
	v0 =	vld [tilespmem:s19+$0x5A80]  }
0x649: {  	[tilespmem:s18+$0xCBC0] =	vst v42;
	v45 =	vld [tilespmem:s19+$0x60E0]  }
0x64a: {  	[tilespmem:s18+$0xCBD0] =	vst v41;
	v43 =	vld [tilespmem:s19+$0x60A0]  }
0x64b: {  	[tilespmem:s18+$0xCBF0] =	vst v39;
	v42 =	vld [tilespmem:s19+$0x6080]  }
0x64c: {  	[tilespmem:s18+$0xCC00] =	vst v38;
	v41 =	vld [tilespmem:s19+$0x6060]  }
0x64d: {  	[tilespmem:$0x1FA70] =	vst v0;
	v0 =	vld [tilespmem:$0x1A550]  }
0x64e: {  	[tilespmem:s18+$0xCC10] =	vst v37;
	v39 =	vld [tilespmem:s19+$0x6020]  }
0x64f: {  	[tilespmem:s18+$0xCC20] =	vst v36;
	v38 =	vld [tilespmem:s19+$0x6000]  }
0x650: {  	[tilespmem:s18+$0xCC30] =	vst v35;
	v37 =	vld [tilespmem:s19+$0x5FE0]  }
0x651: {  	[tilespmem:s18+$0xCC40] =	vst v34;
	v36 =	vld [tilespmem:s19+$0x5FC0]  }
0x652: {  	[tilespmem:s18+$0xC940] =	vst v0;
	v0 =	vld [tilespmem:s19+$0x5A90]  }
0x653: {  	[tilespmem:s18+$0xCC50] =	vst v33;
	v35 =	vld [tilespmem:s19+$0x5FA0]  }
0x654: {  	[tilespmem:s18+$0xCC60] =	vst v32;
	v34 =	vld [tilespmem:s19+$0x5F80]  }
0x655: {  	[tilespmem:s18+$0xCC70] =	vst v31;
	v33 =	vld [tilespmem:s19+$0x5F60]  }
0x656: {  	[tilespmem:s18+$0xCC80] =	vst v30;
	v32 =	vld [tilespmem:s19+$0x5F40]  }
0x657: {  	[tilespmem:$0x1FA60] =	vst v0;
	v0 =	vld [tilespmem:$0x1A560]  }
0x658: {  	v31 =	vld [tilespmem:s19+$0x5F20];
	[tilespmem:$0x1FA20] =	vst v60  }
0x659: {  	v60 =	vld [tilespmem:s19+$0x5AE0];
	[tilespmem:$0x1FA00] =	vst v52  }
0x65a: {  	[tilespmem:$0x1F9F0] =	vst v56;
	v52 =	vld [tilespmem:$0x1A5A0]  }
0x65b: {  	[tilespmem:$0x1F9D0] =	vst v40;
	v56 =	vld [tilespmem:s19+$0x63C0]  }
0x65c: {  	[tilespmem:s18+$0xC920] =	vst v0;
	v0 =	vld [tilespmem:s19+$0x5AA0]  }
0x65d: {  	[tilespmem:s18+$0xCA10] =	vst v44;
	v40 =	vld [tilespmem:s19+$0x63A0]  }
0x65e: {  	[tilespmem:$0x1F500] =	vst v48;
	v44 =	vld [tilespmem:$0x1A5C0]  }
0x65f: {  	v48 =	vld [tilespmem:s19+$0x6380];
	[tilespmem:$0x1FA10] =	vst v60  }
0x660: {  	v60 =	vld [tilespmem:s19+$0x5B10];
	[tilespmem:s18+$0xCA20] =	vst v52  }
0x661: {  	[tilespmem:$0x1FA50] =	vst v0;
	v0 =	vld [tilespmem:$0x1A570]  }
0x662: {  	[tilespmem:$0x1F520] =	vst v56;
	v52 =	vld [tilespmem:$0x1A5D0]  }
0x663: {  	[tilespmem:$0x1F540] =	vst v40;
	v56 =	vld [tilespmem:s19+$0x6360]  }
0x664: {  	[tilespmem:s18+$0xCA40] =	vst v44;
	v40 =	vld [tilespmem:s19+$0x6340]  }
0x665: {  	[tilespmem:$0x1F560] =	vst v48;
	v44 =	vld [tilespmem:$0x1A5F0]  }
0x666: {  	[tilespmem:s18+$0xC900] =	vst v0;
	v0 =	vld [tilespmem:s19+$0x5AB0]  }
0x667: {  	v48 =	vld [tilespmem:$0x1A600];
	[tilespmem:$0x1F9E0] =	vst v60  }
0x668: {  	v60 =	vld [tilespmem:$0x1A5B0];
	[tilespmem:s18+$0xCA50] =	vst v52  }
0x669: {  	[tilespmem:$0x1F580] =	vst v56;
	v56 =	vld [tilespmem:s19+$0x6240]  }
0x66a: {  	[tilespmem:$0x1F5A0] =	vst v40;
	v40 =	vld [tilespmem:$0x1A620]  }
0x66b: {  	[tilespmem:$0x1FA40] =	vst v0;
	v0 =	vld [tilespmem:$0x1A580]  }
0x66c: {  	[tilespmem:s18+$0xCAA0] =	vst v44;
	v52 =	vld [tilespmem:$0x1A610]  }
0x66d: {  	[tilespmem:s18+$0xCAE0] =	vst v48;
	v44 =	vld [tilespmem:$0x1A630]  }
0x66e: {  	[tilespmem:s18+$0xCA30] =	vst v60;
	v60 =	vld [tilespmem:$0x1A5E0]  }
0x66f: {  	[tilespmem:s18+$0xCB60] =	vst v40;
	v40 =	vld [tilespmem:$0x1A640]  }
0x670: {  	[tilespmem:s18+$0xC8E0] =	vst v0;
	v0 =	vld [tilespmem:s19+$0x5AC0]  }
0x671: {  	v48 =	vld [tilespmem:s19+$0x6140];
	[tilespmem:s18+$0xCB20] =	vst v52  }
0x672: {  	v52 =	vld [tilespmem:s19+$0x61C0];
	[tilespmem:s18+$0xCBA0] =	vst v44  }
0x673: {  	v44 =	vld [tilespmem:s19+$0x60C0];
	[tilespmem:s18+$0xCA60] =	vst v60  }
0x674: {  	v60 =	vld [tilespmem:s19+$0x62C0];
	[tilespmem:s18+$0xCBE0] =	vst v40  }
0x675: {  	v40 =	vld [tilespmem:s19+$0x6040];
	[tilespmem:$0x1FA30] =	vst v0  }
0x676: {  	v30 =	vld [tilespmem:s19+$0x5F00]  }
0x677: {  	[tilespmem:s18+$0xCE70] =	vst v1;
	v1 =	vld [tilespmem:$0x1A670];
	_ =	sdelay $0x4  }
0x678: {  	[tilespmem:s18+$0xCE80] =	vst v1;
	v1 =	vld [tilespmem:$0x1A680];
	_ =	sdelay $0x4  }
0x679: {  	[tilespmem:s18+$0xCE90] =	vst v1;
	v1 =	vld [tilespmem:$0x1A690];
	_ =	sdelay $0x4  }
0x67a: {  	[tilespmem:s18+$0xCEA0] =	vst v1;
	v1 =	vld [tilespmem:$0x1A6A0];
	_ =	sdelay $0x4  }
0x67b: {  	[tilespmem:s18+$0xCEB0] =	vst v1;
	v1 =	vld [tilespmem:$0x1A6B0];
	_ =	sdelay $0x4  }
0x67c: {  	[tilespmem:s18+$0xCEC0] =	vst v1;
	v1 =	vld [tilespmem:$0x1A6C0];
	_ =	sdelay $0x4  }
0x67d: {  	[tilespmem:s18+$0xCED0] =	vst v1;
	v1 =	vld [tilespmem:$0x1A6D0];
	_ =	sdelay $0x4  }
0x67e: {  	[tilespmem:s18+$0xCEE0] =	vst v1;
	v1 =	vld [tilespmem:$0x1A6E0];
	_ =	sdelay $0x4  }
0x67f: {  	[tilespmem:s18+$0xCEF0] =	vst v1;
	v1 =	vld [tilespmem:$0x1A6F0];
	_ =	sdelay $0x4  }
0x680: {  	[tilespmem:s18+$0xCF00] =	vst v1;
	v1 =	vld [tilespmem:$0x1A700];
	_ =	sdelay $0x4  }
0x681: {  	[tilespmem:s18+$0xCF10] =	vst v1;
	v1 =	vld [tilespmem:$0x1A710];
	_ =	sdelay $0x4  }
0x682: {  	[tilespmem:s18+$0xCF20] =	vst v1;
	v1 =	vld [tilespmem:$0x1A720];
	_ =	sdelay $0x4  }
0x683: {  	[tilespmem:s18+$0xCF30] =	vst v1;
	v1 =	vld [tilespmem:$0x1A730];
	_ =	sdelay $0x4  }
0x684: {  	[tilespmem:s18+$0xCF40] =	vst v1;
	v1 =	vld [tilespmem:$0x1A740];
	_ =	sdelay $0x4  }
0x685: {  	[tilespmem:s18+$0xCF50] =	vst v1;
	v1 =	vld [tilespmem:$0x1A750];
	_ =	sdelay $0x4  }
0x686: {  	[tilespmem:s18+$0xCF60] =	vst v1;
	v1 =	vld [tilespmem:$0x1A760];
	_ =	sdelay $0x4  }
0x687: {  	[tilespmem:s18+$0xCF70] =	vst v1;
	v1 =	vld [tilespmem:$0x1A770];
	_ =	sdelay $0x4  }
0x688: {  	[tilespmem:s18+$0xCF80] =	vst v1;
	v1 =	vld [tilespmem:$0x1A780];
	_ =	sdelay $0x4  }
0x689: {  	[tilespmem:s18+$0xCF90] =	vst v1;
	v1 =	vld [tilespmem:$0x1A790];
	_ =	sdelay $0x4  }
0x68a: {  	[tilespmem:s18+$0xCFA0] =	vst v1;
	v1 =	vld [tilespmem:$0x1A7A0];
	_ =	sdelay $0x4  }
0x68b: {  	[tilespmem:s18+$0xCFB0] =	vst v1;
	v1 =	vld [tilespmem:$0x1A7B0];
	_ =	sdelay $0x4  }
0x68c: {  	[tilespmem:s18+$0xCFC0] =	vst v1;
	v1 =	vld [tilespmem:$0x1A7C0];
	_ =	sdelay $0x4  }
0x68d: {  	[tilespmem:s18+$0xCFD0] =	vst v1;
	v1 =	vld [tilespmem:$0x1A7D0];
	_ =	sdelay $0x4  }
0x68e: {  	[tilespmem:s18+$0xCFE0] =	vst v1;
	v1 =	vld [tilespmem:$0x1A7E0];
	_ =	sdelay $0x4  }
0x68f: {  	[tilespmem:s18+$0xCFF0] =	vst v1;
	v1 =	vld [tilespmem:$0x1A7F0];
	_ =	sdelay $0x4  }
0x690: {  	[tilespmem:s18+$0xD000] =	vst v1;
	v1 =	vld [tilespmem:$0x1A800];
	_ =	sdelay $0x4  }
0x691: {  	[tilespmem:s18+$0xD010] =	vst v1;
	v1 =	vld [tilespmem:$0x1A810];
	_ =	sdelay $0x4  }
0x692: {  	[tilespmem:s18+$0xD020] =	vst v1;
	v1 =	vld [tilespmem:$0x1A820];
	_ =	sdelay $0x4  }
0x693: {  	[tilespmem:s18+$0xD030] =	vst v1;
	v1 =	vld [tilespmem:$0x1A830];
	_ =	sdelay $0x4  }
0x694: {  	[tilespmem:s18+$0xD040] =	vst v1;
	v1 =	vld [tilespmem:$0x1A840];
	_ =	sdelay $0x4  }
0x695: {  	[tilespmem:s18+$0xD050] =	vst v1;
	v1 =	vld [tilespmem:$0x1A850];
	_ =	sdelay $0x4  }
0x696: {  	[tilespmem:s18+$0xD060] =	vst v1;
	v1 =	vld [tilespmem:$0x1A860];
	_ =	sdelay $0x4  }
0x697: {  	[tilespmem:s18+$0xD070] =	vst v1;
	v1 =	vld [tilespmem:$0x1A870];
	_ =	sdelay $0x4  }
0x698: {  	[tilespmem:s18+$0xD080] =	vst v1;
	v1 =	vld [tilespmem:$0x1A880];
	_ =	sdelay $0x4  }
0x699: {  	[tilespmem:s18+$0xD090] =	vst v1;
	v1 =	vld [tilespmem:$0x1A890];
	_ =	sdelay $0x4  }
0x69a: {  	[tilespmem:s18+$0xD0A0] =	vst v1;
	v1 =	vld [tilespmem:$0x1A8A0];
	_ =	sdelay $0x4  }
0x69b: {  	[tilespmem:s18+$0xD0B0] =	vst v1;
	v1 =	vld [tilespmem:$0x1A8B0];
	_ =	sdelay $0x4  }
0x69c: {  	[tilespmem:s18+$0xD0C0] =	vst v1;
	v1 =	vld [tilespmem:$0x1A8C0];
	_ =	sdelay $0x4  }
0x69d: {  	[tilespmem:s18+$0xD0D0] =	vst v1;
	v1 =	vld [tilespmem:$0x1A8D0];
	_ =	sdelay $0x4  }
0x69e: {  	[tilespmem:s18+$0xD0E0] =	vst v1;
	v1 =	vld [tilespmem:$0x1A8E0];
	_ =	sdelay $0x4  }
0x69f: {  	[tilespmem:s18+$0xD0F0] =	vst v1;
	v1 =	vld [tilespmem:$0x1A8F0];
	_ =	sdelay $0x4  }
0x6a0: {  	[tilespmem:s18+$0xD100] =	vst v1;
	v1 =	vld [tilespmem:$0x1A900];
	_ =	sdelay $0x4  }
0x6a1: {  	[tilespmem:s18+$0xD110] =	vst v1;
	v1 =	vld [tilespmem:$0x1A910];
	_ =	sdelay $0x4  }
0x6a2: {  	[tilespmem:s18+$0xD120] =	vst v1;
	v1 =	vld [tilespmem:$0x1A920];
	_ =	sdelay $0x4  }
0x6a3: {  	[tilespmem:s18+$0xD130] =	vst v1;
	v1 =	vld [tilespmem:$0x1A930];
	_ =	sdelay $0x4  }
0x6a4: {  	[tilespmem:s18+$0xD140] =	vst v1;
	v1 =	vld [tilespmem:$0x1A940];
	_ =	sdelay $0x4  }
0x6a5: {  	[tilespmem:s18+$0xD150] =	vst v1;
	v1 =	vld [tilespmem:$0x1A950];
	_ =	sdelay $0x4  }
0x6a6: {  	[tilespmem:s18+$0xD160] =	vst v1;
	v1 =	vld [tilespmem:$0x1A960];
	_ =	sdelay $0x4  }
0x6a7: {  	[tilespmem:s18+$0xD170] =	vst v1;
	v1 =	vld [tilespmem:$0x1A970];
	_ =	sdelay $0x4  }
0x6a8: {  	[tilespmem:s18+$0xD180] =	vst v1;
	v1 =	vld [tilespmem:$0x1A980];
	_ =	sdelay $0x4  }
0x6a9: {  	[tilespmem:s18+$0xD190] =	vst v1;
	v1 =	vld [tilespmem:$0x1A990];
	_ =	sdelay $0x4  }
0x6aa: {  	[tilespmem:s18+$0xD1A0] =	vst v1;
	v1 =	vld [tilespmem:$0x1A9A0];
	_ =	sdelay $0x4  }
0x6ab: {  	[tilespmem:s18+$0xD1B0] =	vst v1;
	v1 =	vld [tilespmem:$0x1A9B0];
	_ =	sdelay $0x4  }
0x6ac: {  	[tilespmem:s18+$0xD1C0] =	vst v1;
	v1 =	vld [tilespmem:$0x1A9C0];
	_ =	sdelay $0x4  }
0x6ad: {  	[tilespmem:s18+$0xD1D0] =	vst v1;
	v1 =	vld [tilespmem:$0x1A9D0];
	_ =	sdelay $0x4  }
0x6ae: {  	[tilespmem:s18+$0xD1E0] =	vst v1;
	v1 =	vld [tilespmem:$0x1A9E0];
	_ =	sdelay $0x4  }
0x6af: {  	[tilespmem:s18+$0xD1F0] =	vst v1;
	v1 =	vld [tilespmem:$0x1A9F0];
	_ =	sdelay $0x4  }
0x6b0: {  	[tilespmem:s18+$0xD200] =	vst v1;
	v1 =	vld [tilespmem:$0x1AA00];
	_ =	sdelay $0x4  }
0x6b1: {  	[tilespmem:s18+$0xD210] =	vst v1;
	v1 =	vld [tilespmem:$0x1AA10];
	_ =	sdelay $0x4  }
0x6b2: {  	[tilespmem:s18+$0xD220] =	vst v1;
	v1 =	vld [tilespmem:$0x1AA20];
	_ =	sdelay $0x4  }
0x6b3: {  	[tilespmem:s18+$0xD230] =	vst v1;
	v1 =	vld [tilespmem:$0x1AA30];
	_ =	sdelay $0x4  }
0x6b4: {  	[tilespmem:s18+$0xD240] =	vst v1;
	v1 =	vld [tilespmem:$0x1AA40];
	_ =	sdelay $0x4  }
0x6b5: {  	[tilespmem:s18+$0xD250] =	vst v1;
	v1 =	vld [tilespmem:$0x1AA50];
	_ =	sdelay $0x4  }
0x6b6: {  	[tilespmem:s18+$0xD260] =	vst v1;
	v1 =	vld [tilespmem:$0x1AA60];
	_ =	sdelay $0x4  }
0x6b7: {  	[tilespmem:s18+$0xD270] =	vst v1;
	v1 =	vld [tilespmem:$0x1AA70];
	_ =	sdelay $0x4  }
0x6b8: {  	[tilespmem:s18+$0xD280] =	vst v1;
	v1 =	vld [tilespmem:$0x1AA80];
	_ =	sdelay $0x4  }
0x6b9: {  	[tilespmem:s18+$0xD290] =	vst v1;
	v1 =	vld [tilespmem:$0x1AA90];
	_ =	sdelay $0x4  }
0x6ba: {  	[tilespmem:s18+$0xD2A0] =	vst v1;
	v1 =	vld [tilespmem:$0x1AAA0];
	_ =	sdelay $0x4  }
0x6bb: {  	[tilespmem:s18+$0xD2B0] =	vst v1;
	v1 =	vld [tilespmem:$0x1AAB0];
	_ =	sdelay $0x4  }
0x6bc: {  	[tilespmem:s18+$0xD2C0] =	vst v1;
	v1 =	vld [tilespmem:$0x1AAC0];
	_ =	sdelay $0x4  }
0x6bd: {  	[tilespmem:s18+$0xD2D0] =	vst v1;
	v1 =	vld [tilespmem:$0x1AAD0];
	_ =	sdelay $0x4  }
0x6be: {  	[tilespmem:s18+$0xD2E0] =	vst v1;
	v1 =	vld [tilespmem:$0x1AAE0];
	_ =	sdelay $0x4  }
0x6bf: {  	[tilespmem:s18+$0xD2F0] =	vst v1;
	v1 =	vld [tilespmem:$0x1AAF0];
	_ =	sdelay $0x4  }
0x6c0: {  	[tilespmem:s18+$0xD300] =	vst v1;
	v1 =	vld [tilespmem:$0x1AB00];
	_ =	sdelay $0x4  }
0x6c1: {  	[tilespmem:s18+$0xD310] =	vst v1;
	v1 =	vld [tilespmem:$0x1AB10];
	_ =	sdelay $0x4  }
0x6c2: {  	[tilespmem:s18+$0xD320] =	vst v1;
	v1 =	vld [tilespmem:$0x1AB20];
	_ =	sdelay $0x4  }
0x6c3: {  	[tilespmem:s18+$0xD330] =	vst v1;
	v1 =	vld [tilespmem:$0x1AB30];
	_ =	sdelay $0x4  }
0x6c4: {  	[tilespmem:s18+$0xD340] =	vst v1;
	v1 =	vld [tilespmem:$0x1AB40];
	_ =	sdelay $0x4  }
0x6c5: {  	[tilespmem:s18+$0xD350] =	vst v1;
	v1 =	vld [tilespmem:$0x1AB50];
	_ =	sdelay $0x4  }
0x6c6: {  	[tilespmem:s18+$0xD360] =	vst v1;
	v1 =	vld [tilespmem:$0x1AB60];
	_ =	sdelay $0x4  }
0x6c7: {  	[tilespmem:s18+$0xD370] =	vst v1;
	v1 =	vld [tilespmem:$0x1AB70];
	_ =	sdelay $0x4  }
0x6c8: {  	[tilespmem:s18+$0xD380] =	vst v1;
	v1 =	vld [tilespmem:$0x1AB80];
	_ =	sdelay $0x4  }
0x6c9: {  	[tilespmem:s18+$0xD390] =	vst v1;
	v1 =	vld [tilespmem:$0x1AB90];
	_ =	sdelay $0x4  }
0x6ca: {  	[tilespmem:s18+$0xD3A0] =	vst v1;
	v1 =	vld [tilespmem:$0x1ABA0];
	_ =	sdelay $0x4  }
0x6cb: {  	[tilespmem:s18+$0xD3B0] =	vst v1;
	v1 =	vld [tilespmem:$0x1ABB0];
	_ =	sdelay $0x4  }
0x6cc: {  	[tilespmem:s18+$0xD3C0] =	vst v1;
	v1 =	vld [tilespmem:$0x1ABC0];
	_ =	sdelay $0x4  }
0x6cd: {  	[tilespmem:s18+$0xD3D0] =	vst v1;
	v1 =	vld [tilespmem:$0x1ABD0];
	_ =	sdelay $0x4  }
0x6ce: {  	[tilespmem:s18+$0xD3E0] =	vst v1;
	v1 =	vld [tilespmem:$0x1ABE0];
	_ =	sdelay $0x4  }
0x6cf: {  	[tilespmem:s18+$0xD3F0] =	vst v1;
	v1 =	vld [tilespmem:$0x1ABF0];
	_ =	sdelay $0x4  }
0x6d0: {  	[tilespmem:s18+$0xD400] =	vst v1;
	v1 =	vld [tilespmem:$0x1AC00];
	_ =	sdelay $0x4  }
0x6d1: {  	[tilespmem:s18+$0xD410] =	vst v1;
	v1 =	vld [tilespmem:$0x1AC10];
	_ =	sdelay $0x4  }
0x6d2: {  	[tilespmem:s18+$0xD420] =	vst v1;
	v1 =	vld [tilespmem:$0x1AC20];
	_ =	sdelay $0x4  }
0x6d3: {  	[tilespmem:s18+$0xD430] =	vst v1;
	v1 =	vld [tilespmem:$0x1AC30];
	_ =	sdelay $0x4  }
0x6d4: {  	[tilespmem:s18+$0xD440] =	vst v1;
	v1 =	vld [tilespmem:$0x1AC40];
	_ =	sdelay $0x4  }
0x6d5: {  	[tilespmem:s18+$0xD450] =	vst v1;
	v1 =	vld [tilespmem:$0x1AC50];
	_ =	sdelay $0x4  }
0x6d6: {  	[tilespmem:s18+$0xD460] =	vst v1;
	v1 =	vld [tilespmem:$0x1AC60];
	_ =	sdelay $0x3  }
0x6d7: {  	[tilespmem:s18+$0xCC90] =	vst v29  }
0x6d8: {  	[tilespmem:s18+$0xD470] =	vst v1;
	v1 =	vld [tilespmem:$0x1AC70];
	_ =	sdelay $0x3  }
0x6d9: {  	[tilespmem:s18+$0xCCA0] =	vst v28  }
0x6da: {  	[tilespmem:s18+$0xD480] =	vst v1;
	v1 =	vld [tilespmem:$0x1AC80];
	_ =	sdelay $0x3  }
0x6db: {  	[tilespmem:s18+$0xCCB0] =	vst v27  }
0x6dc: {  	[tilespmem:s18+$0xD490] =	vst v1;
	v1 =	vld [tilespmem:$0x1AC90];
	_ =	sdelay $0x3  }
0x6dd: {  	[tilespmem:s18+$0xCCC0] =	vst v26  }
0x6de: {  	[tilespmem:s18+$0xD4A0] =	vst v1;
	v1 =	vld [tilespmem:$0x1ACA0];
	_ =	sdelay $0x3  }
0x6df: {  	[tilespmem:s18+$0xCCD0] =	vst v25  }
0x6e0: {  	[tilespmem:s18+$0xD4B0] =	vst v1;
	v1 =	vld [tilespmem:$0x1ACB0];
	_ =	sdelay $0x3  }
0x6e1: {  	[tilespmem:s18+$0xCCE0] =	vst v24  }
0x6e2: {  	[tilespmem:s18+$0xD4C0] =	vst v1;
	v1 =	vld [tilespmem:$0x1ACC0];
	_ =	sdelay $0x3  }
0x6e3: {  	[tilespmem:s18+$0xCCF0] =	vst v23  }
0x6e4: {  	[tilespmem:s18+$0xD4D0] =	vst v1;
	v1 =	vld [tilespmem:$0x1ACD0];
	_ =	sdelay $0x3  }
0x6e5: {  	[tilespmem:s18+$0xCD00] =	vst v22  }
0x6e6: {  	[tilespmem:s18+$0xD4E0] =	vst v1;
	v1 =	vld [tilespmem:$0x1ACE0];
	_ =	sdelay $0x3  }
0x6e7: {  	[tilespmem:s18+$0xCD10] =	vst v21  }
0x6e8: {  	[tilespmem:s18+$0xD4F0] =	vst v1;
	v1 =	vld [tilespmem:$0x1ACF0];
	_ =	sdelay $0x3  }
0x6e9: {  	[tilespmem:s18+$0xCD20] =	vst v20  }
0x6ea: {  	[tilespmem:s18+$0xD500] =	vst v1;
	v1 =	vld [tilespmem:$0x1AD00];
	_ =	sdelay $0x3  }
0x6eb: {  	[tilespmem:s18+$0xCD30] =	vst v19  }
0x6ec: {  	[tilespmem:s18+$0xD510] =	vst v1;
	v1 =	vld [tilespmem:$0x1AD10];
	_ =	sdelay $0x3  }
0x6ed: {  	[tilespmem:s18+$0xCD40] =	vst v18  }
0x6ee: {  	[tilespmem:s18+$0xD520] =	vst v1;
	v1 =	vld [tilespmem:$0x1AD20];
	_ =	sdelay $0x3  }
0x6ef: {  	[tilespmem:s18+$0xCD50] =	vst v17  }
0x6f0: {  	[tilespmem:s18+$0xD530] =	vst v1;
	v1 =	vld [tilespmem:$0x1AD30];
	_ =	sdelay $0x3  }
0x6f1: {  	[tilespmem:s18+$0xCD60] =	vst v16  }
0x6f2: {  	[tilespmem:s18+$0xD540] =	vst v1;
	v1 =	vld [tilespmem:$0x1AD40];
	_ =	sdelay $0x3  }
0x6f3: {  	[tilespmem:s18+$0xCD70] =	vst v15  }
0x6f4: {  	[tilespmem:s18+$0xD550] =	vst v1;
	v1 =	vld [tilespmem:$0x1AD50];
	_ =	sdelay $0x3  }
0x6f5: {  	[tilespmem:s18+$0xCD80] =	vst v14  }
0x6f6: {  	[tilespmem:s18+$0xD560] =	vst v1;
	v1 =	vld [tilespmem:$0x1AD60];
	_ =	sdelay $0x3  }
0x6f7: {  	[tilespmem:s18+$0xCD90] =	vst v13  }
0x6f8: {  	[tilespmem:s18+$0xD570] =	vst v1;
	v1 =	vld [tilespmem:$0x1AD70];
	_ =	sdelay $0x3  }
0x6f9: {  	[tilespmem:s18+$0xCDA0] =	vst v12  }
0x6fa: {  	[tilespmem:s18+$0xD580] =	vst v1;
	v1 =	vld [tilespmem:$0x1AD80];
	_ =	sdelay $0x3  }
0x6fb: {  	[tilespmem:s18+$0xCDB0] =	vst v11  }
0x6fc: {  	[tilespmem:s18+$0xD590] =	vst v1;
	v1 =	vld [tilespmem:$0x1AD90];
	_ =	sdelay $0x3  }
0x6fd: {  	[tilespmem:s18+$0xCDC0] =	vst v10  }
0x6fe: {  	[tilespmem:s18+$0xD5A0] =	vst v1;
	v1 =	vld [tilespmem:$0x1ADA0];
	_ =	sdelay $0x3  }
0x6ff: {  	[tilespmem:s18+$0xCDD0] =	vst v9  }
0x700: {  	[tilespmem:s18+$0xD5B0] =	vst v1;
	v1 =	vld [tilespmem:$0x1ADB0];
	_ =	sdelay $0x3  }
0x701: {  	[tilespmem:s18+$0xCDE0] =	vst v8  }
0x702: {  	[tilespmem:s18+$0xD5C0] =	vst v1;
	v1 =	vld [tilespmem:$0x1ADC0];
	_ =	sdelay $0x3  }
0x703: {  	[tilespmem:s18+$0xCDF0] =	vst v7  }
0x704: {  	[tilespmem:s18+$0xD5D0] =	vst v1;
	v1 =	vld [tilespmem:$0x1ADD0];
	_ =	sdelay $0x3  }
0x705: {  	[tilespmem:s18+$0xCE00] =	vst v6  }
0x706: {  	[tilespmem:s18+$0xD5E0] =	vst v1;
	v1 =	vld [tilespmem:$0x1ADE0];
	_ =	sdelay $0x3  }
0x707: {  	[tilespmem:s18+$0xCE10] =	vst v5  }
0x708: {  	[tilespmem:s18+$0xD5F0] =	vst v1;
	v1 =	vld [tilespmem:$0x1ADF0];
	_ =	sdelay $0x3  }
0x709: {  	[tilespmem:s18+$0xCE20] =	vst v4  }
0x70a: {  	[tilespmem:s18+$0xD600] =	vst v1;
	v1 =	vld [tilespmem:$0x1AE00];
	_ =	sdelay $0x3  }
0x70b: {  	[tilespmem:s18+$0xCE30] =	vst v3  }
0x70c: {  	[tilespmem:s18+$0xD610] =	vst v1;
	v1 =	vld [tilespmem:$0x1AE10];
	_ =	sdelay $0x3  }
0x70d: {  	[tilespmem:s18+$0xCE40] =	vst v2  }
0x70e: {  	[tilespmem:s18+$0xD620] =	vst v1;
	v1 =	vld [tilespmem:$0x1AE20];
	_ =	sdelay $0x3  }
0x70f: {  	v0 =	vld [tilespmem:$0x1A650]  }
0x710: {  	[tilespmem:s18+$0xD630] =	vst v1;
	v1 =	vld [tilespmem:$0x1AE30];
	_ =	sdelay $0x3  }
0x711: {  	[tilespmem:s18+$0xCE50] =	vst v0;
	v0 =	vld [tilespmem:s19+$0x5B60]  }
0x712: {  	[tilespmem:s18+$0xD640] =	vst v1;
	v1 =	vld [tilespmem:$0x1AE40];
	_ =	sdelay $0x3  }
0x713: {  	[tilespmem:$0x1F9A0] =	vst v0;
	v0 =	vld [tilespmem:$0x1A660]  }
0x714: {  	[tilespmem:s18+$0xD650] =	vst v1;
	v1 =	vld [tilespmem:$0x1AE50];
	_ =	sdelay $0x3  }
0x715: {  	[tilespmem:s18+$0xCE60] =	vst v0  }
0x716: {  	[tilespmem:s18+$0xD660] =	vst v1;
	v1 =	vld [tilespmem:$0x1AE60];
	_ =	sdelay $0x4  }
0x717: {  	[tilespmem:s18+$0xD670] =	vst v1;
	v1 =	vld [tilespmem:$0x1AE70];
	_ =	sdelay $0x4  }
0x718: {  	[tilespmem:s18+$0xD680] =	vst v1;
	v1 =	vld [tilespmem:$0x1AE80];
	_ =	sdelay $0x4  }
0x719: {  	[tilespmem:s18+$0xD690] =	vst v1;
	v1 =	vld [tilespmem:$0x1AE90];
	_ =	sdelay $0x4  }
0x71a: {  	[tilespmem:s18+$0xD6A0] =	vst v1;
	v1 =	vld [tilespmem:$0x1AEA0];
	_ =	sdelay $0x4  }
0x71b: {  	[tilespmem:s18+$0xD6B0] =	vst v1;
	v1 =	vld [tilespmem:$0x1AEB0];
	_ =	sdelay $0x4  }
0x71c: {  	[tilespmem:s18+$0xD6C0] =	vst v1;
	v1 =	vld [tilespmem:$0x1AEC0];
	_ =	sdelay $0x4  }
0x71d: {  	[tilespmem:s18+$0xD6D0] =	vst v1;
	v1 =	vld [tilespmem:$0x1AED0];
	_ =	sdelay $0x4  }
0x71e: {  	[tilespmem:s18+$0xD6E0] =	vst v1;
	v1 =	vld [tilespmem:$0x1AEE0];
	_ =	sdelay $0x4  }
0x71f: {  	[tilespmem:s18+$0xD6F0] =	vst v1;
	v1 =	vld [tilespmem:$0x1AEF0];
	_ =	sdelay $0x4  }
0x720: {  	[tilespmem:s18+$0xD700] =	vst v1;
	v1 =	vld [tilespmem:$0x1AF00];
	_ =	sdelay $0x4  }
0x721: {  	[tilespmem:s18+$0xD710] =	vst v1;
	v1 =	vld [tilespmem:$0x1AF10];
	_ =	sdelay $0x4  }
0x722: {  	[tilespmem:s18+$0xD720] =	vst v1;
	v1 =	vld [tilespmem:$0x1AF20];
	_ =	sdelay $0x4  }
0x723: {  	[tilespmem:s18+$0xD730] =	vst v1;
	v1 =	vld [tilespmem:$0x1AF30];
	_ =	sdelay $0x4  }
0x724: {  	[tilespmem:s18+$0xD740] =	vst v1;
	v1 =	vld [tilespmem:$0x1AF40];
	_ =	sdelay $0x4  }
0x725: {  	[tilespmem:s18+$0xD750] =	vst v1;
	v1 =	vld [tilespmem:$0x1AF50];
	_ =	sdelay $0x4  }
0x726: {  	[tilespmem:s18+$0xD760] =	vst v1;
	v1 =	vld [tilespmem:$0x1AF60];
	_ =	sdelay $0x4  }
0x727: {  	[tilespmem:s18+$0xD770] =	vst v1;
	v1 =	vld [tilespmem:$0x1AF70];
	_ =	sdelay $0x4  }
0x728: {  	[tilespmem:s18+$0xD780] =	vst v1;
	v1 =	vld [tilespmem:$0x1AF80];
	_ =	sdelay $0x4  }
0x729: {  	[tilespmem:s18+$0xD790] =	vst v1;
	v1 =	vld [tilespmem:$0x1AF90];
	_ =	sdelay $0x4  }
0x72a: {  	[tilespmem:s18+$0xD7A0] =	vst v1;
	v1 =	vld [tilespmem:$0x1AFA0];
	_ =	sdelay $0x4  }
0x72b: {  	[tilespmem:s18+$0xD7B0] =	vst v1;
	v1 =	vld [tilespmem:$0x1AFB0];
	_ =	sdelay $0x4  }
0x72c: {  	[tilespmem:s18+$0xD7C0] =	vst v1;
	v1 =	vld [tilespmem:$0x1AFC0];
	_ =	sdelay $0x4  }
0x72d: {  	[tilespmem:s18+$0xD7D0] =	vst v1;
	v1 =	vld [tilespmem:$0x1AFD0];
	_ =	sdelay $0x4  }
0x72e: {  	[tilespmem:s18+$0xD7E0] =	vst v1;
	v1 =	vld [tilespmem:$0x1AFE0];
	_ =	sdelay $0x4  }
0x72f: {  	[tilespmem:s18+$0xD7F0] =	vst v1;
	v1 =	vld [tilespmem:$0x1AFF0];
	_ =	sdelay $0x4  }
0x730: {  	[tilespmem:s18+$0xD800] =	vst v1;
	v1 =	vld [tilespmem:$0x1B000];
	_ =	sdelay $0x4  }
0x731: {  	[tilespmem:s18+$0xD810] =	vst v1;
	v1 =	vld [tilespmem:$0x1B010];
	_ =	sdelay $0x4  }
0x732: {  	[tilespmem:s18+$0xD820] =	vst v1;
	v1 =	vld [tilespmem:$0x1B020];
	_ =	sdelay $0x4  }
0x733: {  	[tilespmem:s18+$0xD830] =	vst v1;
	v1 =	vld [tilespmem:$0x1B030];
	_ =	sdelay $0x4  }
0x734: {  	[tilespmem:s18+$0xD840] =	vst v1;
	v1 =	vld [tilespmem:$0x1B040];
	_ =	sdelay $0x4  }
0x735: {  	[tilespmem:s18+$0xD850] =	vst v1;
	v1 =	vld [tilespmem:$0x1B050];
	_ =	sdelay $0x4  }
0x736: {  	[tilespmem:s18+$0xD860] =	vst v1;
	v1 =	vld [tilespmem:$0x1B060];
	_ =	sdelay $0x4  }
0x737: {  	[tilespmem:s18+$0xD870] =	vst v1;
	v1 =	vld [tilespmem:$0x1B070];
	_ =	sdelay $0x4  }
0x738: {  	[tilespmem:s18+$0xD880] =	vst v1;
	v1 =	vld [tilespmem:$0x1B080];
	_ =	sdelay $0x4  }
0x739: {  	[tilespmem:s18+$0xD890] =	vst v1;
	v1 =	vld [tilespmem:$0x1B090];
	_ =	sdelay $0x4  }
0x73a: {  	[tilespmem:s18+$0xD8A0] =	vst v1;
	v1 =	vld [tilespmem:$0x1B0A0];
	_ =	sdelay $0x4  }
0x73b: {  	[tilespmem:s18+$0xD8B0] =	vst v1;
	v1 =	vld [tilespmem:$0x1B0B0];
	_ =	sdelay $0x4  }
0x73c: {  	[tilespmem:s18+$0xD8C0] =	vst v1;
	v1 =	vld [tilespmem:$0x1B0C0];
	_ =	sdelay $0x4  }
0x73d: {  	[tilespmem:s18+$0xD8D0] =	vst v1;
	v1 =	vld [tilespmem:$0x1B0D0];
	_ =	sdelay $0x4  }
0x73e: {  	[tilespmem:s18+$0xD8E0] =	vst v1;
	v1 =	vld [tilespmem:$0x1B0E0];
	_ =	sdelay $0x4  }
0x73f: {  	[tilespmem:s18+$0xD8F0] =	vst v1;
	v1 =	vld [tilespmem:$0x1B0F0];
	_ =	sdelay $0x4  }
0x740: {  	[tilespmem:s18+$0xD900] =	vst v1;
	v1 =	vld [tilespmem:$0x1B100];
	_ =	sdelay $0x4  }
0x741: {  	[tilespmem:s18+$0xD910] =	vst v1;
	v1 =	vld [tilespmem:$0x1B110];
	_ =	sdelay $0x4  }
0x742: {  	[tilespmem:s18+$0xD920] =	vst v1;
	v1 =	vld [tilespmem:$0x1B120];
	_ =	sdelay $0x4  }
0x743: {  	[tilespmem:s18+$0xD930] =	vst v1;
	v1 =	vld [tilespmem:$0x1B130];
	_ =	sdelay $0x4  }
0x744: {  	[tilespmem:s18+$0xD940] =	vst v1;
	v1 =	vld [tilespmem:$0x1B140];
	_ =	sdelay $0x4  }
0x745: {  	[tilespmem:s18+$0xD950] =	vst v1;
	v1 =	vld [tilespmem:$0x1B150];
	_ =	sdelay $0x4  }
0x746: {  	[tilespmem:s18+$0xD960] =	vst v1;
	v1 =	vld [tilespmem:$0x1B160];
	_ =	sdelay $0x4  }
0x747: {  	[tilespmem:s18+$0xD970] =	vst v1;
	v1 =	vld [tilespmem:$0x1B170];
	_ =	sdelay $0x4  }
0x748: {  	[tilespmem:s18+$0xD980] =	vst v1;
	v1 =	vld [tilespmem:$0x1B180];
	_ =	sdelay $0x4  }
0x749: {  	[tilespmem:s18+$0xD990] =	vst v1;
	v1 =	vld [tilespmem:$0x1B190];
	_ =	sdelay $0x4  }
0x74a: {  	[tilespmem:s18+$0xD9A0] =	vst v1;
	v1 =	vld [tilespmem:$0x1B1A0];
	_ =	sdelay $0x4  }
0x74b: {  	[tilespmem:s18+$0xD9B0] =	vst v1;
	v1 =	vld [tilespmem:$0x1B1B0];
	_ =	sdelay $0x4  }
0x74c: {  	[tilespmem:s18+$0xD9C0] =	vst v1;
	v1 =	vld [tilespmem:$0x1B1C0];
	_ =	sdelay $0x4  }
0x74d: {  	[tilespmem:s18+$0xD9D0] =	vst v1;
	v1 =	vld [tilespmem:$0x1B1D0];
	_ =	sdelay $0x4  }
0x74e: {  	[tilespmem:s18+$0xD9E0] =	vst v1;
	v1 =	vld [tilespmem:$0x1B1E0];
	_ =	sdelay $0x4  }
0x74f: {  	[tilespmem:s18+$0xD9F0] =	vst v1;
	v1 =	vld [tilespmem:$0x1B1F0];
	_ =	sdelay $0x4  }
0x750: {  	[tilespmem:s18+$0xDA00] =	vst v1;
	v1 =	vld [tilespmem:$0x1B200];
	_ =	sdelay $0x4  }
0x751: {  	[tilespmem:s18+$0xDA10] =	vst v1;
	v1 =	vld [tilespmem:$0x1B210];
	_ =	sdelay $0x4  }
0x752: {  	[tilespmem:s18+$0xDA20] =	vst v1;
	v1 =	vld [tilespmem:$0x1B220];
	_ =	sdelay $0x4  }
0x753: {  	[tilespmem:s18+$0xDA30] =	vst v1;
	v1 =	vld [tilespmem:$0x1B230];
	_ =	sdelay $0x4  }
0x754: {  	[tilespmem:s18+$0xDA40] =	vst v1;
	v1 =	vld [tilespmem:$0x1B240];
	_ =	sdelay $0x4  }
0x755: {  	[tilespmem:s18+$0xDA50] =	vst v1;
	v1 =	vld [tilespmem:$0x1B250];
	_ =	sdelay $0x4  }
0x756: {  	[tilespmem:s18+$0xDA60] =	vst v1;
	v1 =	vld [tilespmem:$0x1B260];
	_ =	sdelay $0x4  }
0x757: {  	[tilespmem:s18+$0xDA70] =	vst v1;
	v1 =	vld [tilespmem:$0x1B270];
	_ =	sdelay $0x4  }
0x758: {  	[tilespmem:s18+$0xDA80] =	vst v1;
	v1 =	vld [tilespmem:$0x1B280];
	_ =	sdelay $0x4  }
0x759: {  	[tilespmem:s18+$0xDA90] =	vst v1;
	v1 =	vld [tilespmem:$0x1B290];
	_ =	sdelay $0x4  }
0x75a: {  	[tilespmem:s18+$0xDAA0] =	vst v1;
	v1 =	vld [tilespmem:$0x1B2A0];
	_ =	sdelay $0x4  }
0x75b: {  	[tilespmem:s18+$0xDAB0] =	vst v1;
	v1 =	vld [tilespmem:$0x1B2B0];
	_ =	sdelay $0x4  }
0x75c: {  	[tilespmem:s18+$0xDAC0] =	vst v1;
	v1 =	vld [tilespmem:$0x1B2C0];
	_ =	sdelay $0x4  }
0x75d: {  	[tilespmem:s18+$0xDAD0] =	vst v1;
	v1 =	vld [tilespmem:$0x1B2D0];
	_ =	sdelay $0x4  }
0x75e: {  	[tilespmem:s18+$0xDAE0] =	vst v1;
	v1 =	vld [tilespmem:$0x1B2E0];
	_ =	sdelay $0x4  }
0x75f: {  	[tilespmem:s18+$0xDAF0] =	vst v1;
	v1 =	vld [tilespmem:$0x1B2F0];
	_ =	sdelay $0x4  }
0x760: {  	[tilespmem:s18+$0xDB00] =	vst v1;
	v1 =	vld [tilespmem:$0x1B300];
	_ =	sdelay $0x4  }
0x761: {  	[tilespmem:s18+$0xDB10] =	vst v1;
	v1 =	vld [tilespmem:$0x1B310];
	_ =	sdelay $0x4  }
0x762: {  	[tilespmem:s18+$0xDB20] =	vst v1;
	v1 =	vld [tilespmem:$0x1B320];
	_ =	sdelay $0x4  }
0x763: {  	[tilespmem:s18+$0xDB30] =	vst v1;
	v1 =	vld [tilespmem:$0x1B330];
	_ =	sdelay $0x4  }
0x764: {  	[tilespmem:s18+$0xDB40] =	vst v1;
	v1 =	vld [tilespmem:$0x1B340];
	_ =	sdelay $0x4  }
0x765: {  	[tilespmem:s18+$0xDB50] =	vst v1;
	v1 =	vld [tilespmem:$0x1B350];
	_ =	sdelay $0x4  }
0x766: {  	[tilespmem:s18+$0xDB60] =	vst v1;
	v1 =	vld [tilespmem:$0x1B360];
	_ =	sdelay $0x4  }
0x767: {  	[tilespmem:s18+$0xDB70] =	vst v1;
	v1 =	vld [tilespmem:$0x1B370];
	_ =	sdelay $0x4  }
0x768: {  	[tilespmem:s18+$0xDB80] =	vst v1;
	v1 =	vld [tilespmem:$0x1B380];
	_ =	sdelay $0x3  }
0x769: {  	v29 =	vld [tilespmem:s19+$0x5EE0]  }
0x76a: {  	[tilespmem:s18+$0xDB90] =	vst v1;
	v1 =	vld [tilespmem:$0x1B390]  }
0x76b: {  	v28 =	vld [tilespmem:s19+$0x5EC0]  }
0x76c: {  	v27 =	vld [tilespmem:s19+$0x5EA0]  }
0x76d: {  	v26 =	vld [tilespmem:s19+$0x5E80]  }
0x76e: {  	v25 =	vld [tilespmem:s19+$0x5E60]  }
0x76f: {  	[tilespmem:s18+$0xDBA0] =	vst v1;
	v1 =	vld [tilespmem:$0x1B3A0]  }
0x770: {  	v24 =	vld [tilespmem:s19+$0x5E40]  }
0x771: {  	v23 =	vld [tilespmem:s19+$0x5E20]  }
0x772: {  	v22 =	vld [tilespmem:s19+$0x5E00]  }
0x773: {  	v21 =	vld [tilespmem:s19+$0x5DE0]  }
0x774: {  	[tilespmem:s18+$0xDBB0] =	vst v1;
	v1 =	vld [tilespmem:$0x1B3B0]  }
0x775: {  	v20 =	vld [tilespmem:s19+$0x5DC0]  }
0x776: {  	v19 =	vld [tilespmem:s19+$0x5DA0]  }
0x777: {  	v18 =	vld [tilespmem:s19+$0x5D80]  }
0x778: {  	v17 =	vld [tilespmem:s19+$0x5D60]  }
0x779: {  	[tilespmem:s18+$0xDBC0] =	vst v1;
	v1 =	vld [tilespmem:$0x1B3C0]  }
0x77a: {  	v16 =	vld [tilespmem:s19+$0x5D40]  }
0x77b: {  	v15 =	vld [tilespmem:s19+$0x5D20]  }
0x77c: {  	v14 =	vld [tilespmem:s19+$0x5D00]  }
0x77d: {  	v13 =	vld [tilespmem:s19+$0x5CE0]  }
0x77e: {  	[tilespmem:s18+$0xDBD0] =	vst v1;
	v1 =	vld [tilespmem:$0x1B3D0]  }
0x77f: {  	v12 =	vld [tilespmem:s19+$0x5CC0]  }
0x780: {  	v11 =	vld [tilespmem:s19+$0x5CA0]  }
0x781: {  	v10 =	vld [tilespmem:s19+$0x5C80]  }
0x782: {  	v9 =	vld [tilespmem:s19+$0x5C60]  }
0x783: {  	[tilespmem:s18+$0xDBE0] =	vst v1;
	v1 =	vld [tilespmem:$0x1B3E0]  }
0x784: {  	v8 =	vld [tilespmem:s19+$0x5C40]  }
0x785: {  	v7 =	vld [tilespmem:s19+$0x5C20]  }
0x786: {  	v6 =	vld [tilespmem:s19+$0x5C00]  }
0x787: {  	v0 =	vld [tilespmem:s19+$0x5B40]  }
0x788: {  	[tilespmem:s18+$0xDBF0] =	vst v1;
	v1 =	vld [tilespmem:$0x1B3F0]  }
0x789: {  	v5 =	vld [tilespmem:s19+$0x5BE0]  }
0x78a: {  	v4 =	vld [tilespmem:s19+$0x5BC0]  }
0x78b: {  	v3 =	vld [tilespmem:s19+$0x5BA0]  }
0x78c: {  	v2 =	vld [tilespmem:s19+$0x5B80];
	[tilespmem:$0x1F9C0] =	vst v0  }
0x78d: {  	v0 =	vld [tilespmem:s19+$0x5B30];
	[tilespmem:s18+$0xDC00] =	vst v1  }
0x78e: {  	v1 =	vld [tilespmem:$0x1B400];
	_ =	sdelay $0x4  }
0x78f: {  	[tilespmem:s18+$0xDC10] =	vst v1;
	v1 =	vld [tilespmem:$0x1B410];
	_ =	sdelay $0x4  }
0x790: {  	[tilespmem:s18+$0xDC20] =	vst v1;
	v1 =	vld [tilespmem:$0x1B420];
	_ =	sdelay $0x4  }
0x791: {  	[tilespmem:s18+$0xDC30] =	vst v1;
	v1 =	vld [tilespmem:$0x1B430];
	_ =	sdelay $0x4  }
0x792: {  	[tilespmem:s18+$0xDC40] =	vst v1;
	v1 =	vld [tilespmem:$0x1B440];
	_ =	sdelay $0x4  }
0x793: {  	[tilespmem:s18+$0xDC50] =	vst v1;
	v1 =	vld [tilespmem:$0x1B450];
	_ =	sdelay $0x4  }
0x794: {  	[tilespmem:s18+$0xDC60] =	vst v1;
	v1 =	vld [tilespmem:$0x1B460];
	_ =	sdelay $0x4  }
0x795: {  	[tilespmem:s18+$0xDC70] =	vst v1;
	v1 =	vld [tilespmem:$0x1B470];
	_ =	sdelay $0x4  }
0x796: {  	[tilespmem:s18+$0xDC80] =	vst v1;
	v1 =	vld [tilespmem:$0x1B480];
	_ =	sdelay $0x4  }
0x797: {  	[tilespmem:s18+$0xDC90] =	vst v1;
	v1 =	vld [tilespmem:$0x1B490];
	_ =	sdelay $0x4  }
0x798: {  	[tilespmem:s18+$0xDCA0] =	vst v1;
	v1 =	vld [tilespmem:$0x1B4A0];
	_ =	sdelay $0x4  }
0x799: {  	[tilespmem:s18+$0xDCB0] =	vst v1;
	v1 =	vld [tilespmem:$0x1B4B0];
	_ =	sdelay $0x4  }
0x79a: {  	[tilespmem:s18+$0xDCC0] =	vst v1;
	v1 =	vld [tilespmem:$0x1B4C0];
	_ =	sdelay $0x4  }
0x79b: {  	[tilespmem:s18+$0xDCD0] =	vst v1;
	v1 =	vld [tilespmem:$0x1B4D0];
	_ =	sdelay $0x4  }
0x79c: {  	[tilespmem:s18+$0xDCE0] =	vst v1;
	v1 =	vld [tilespmem:$0x1B4E0];
	_ =	sdelay $0x4  }
0x79d: {  	[tilespmem:s18+$0xDCF0] =	vst v1;
	v1 =	vld [tilespmem:$0x1B4F0];
	_ =	sdelay $0x4  }
0x79e: {  	[tilespmem:s18+$0xDD00] =	vst v1;
	v1 =	vld [tilespmem:$0x1B500];
	_ =	sdelay $0x4  }
0x79f: {  	[tilespmem:s18+$0xDD10] =	vst v1;
	v1 =	vld [tilespmem:$0x1B510];
	_ =	sdelay $0x4  }
0x7a0: {  	[tilespmem:s18+$0xDD20] =	vst v1;
	v1 =	vld [tilespmem:$0x1B520];
	_ =	sdelay $0x4  }
0x7a1: {  	[tilespmem:s18+$0xDD30] =	vst v1;
	v1 =	vld [tilespmem:$0x1B530];
	_ =	sdelay $0x4  }
0x7a2: {  	[tilespmem:s18+$0xDD40] =	vst v1;
	v1 =	vld [tilespmem:$0x1B540];
	_ =	sdelay $0x4  }
0x7a3: {  	[tilespmem:s18+$0xDD50] =	vst v1;
	v1 =	vld [tilespmem:$0x1B550];
	_ =	sdelay $0x4  }
0x7a4: {  	[tilespmem:s18+$0xDD60] =	vst v1;
	v1 =	vld [tilespmem:$0x1B560];
	_ =	sdelay $0x4  }
0x7a5: {  	[tilespmem:s18+$0xDD70] =	vst v1;
	v1 =	vld [tilespmem:$0x1B570];
	_ =	sdelay $0x4  }
0x7a6: {  	[tilespmem:s18+$0xDD80] =	vst v1;
	v1 =	vld [tilespmem:$0x1B580];
	_ =	sdelay $0x4  }
0x7a7: {  	[tilespmem:s18+$0xDD90] =	vst v1;
	v1 =	vld [tilespmem:$0x1B590];
	_ =	sdelay $0x4  }
0x7a8: {  	[tilespmem:s18+$0xDDA0] =	vst v1;
	v1 =	vld [tilespmem:$0x1B5A0];
	_ =	sdelay $0x4  }
0x7a9: {  	[tilespmem:s18+$0xDDB0] =	vst v1;
	v1 =	vld [tilespmem:$0x1B5B0];
	_ =	sdelay $0x4  }
0x7aa: {  	[tilespmem:s18+$0xDDC0] =	vst v1;
	v1 =	vld [tilespmem:$0x1B5C0];
	_ =	sdelay $0x4  }
0x7ab: {  	[tilespmem:s18+$0xDDD0] =	vst v1;
	v1 =	vld [tilespmem:$0x1B5D0];
	_ =	sdelay $0x4  }
0x7ac: {  	[tilespmem:s18+$0xDDE0] =	vst v1;
	v1 =	vld [tilespmem:$0x1B5E0];
	_ =	sdelay $0x4  }
0x7ad: {  	[tilespmem:s18+$0xDDF0] =	vst v1;
	v1 =	vld [tilespmem:$0x1B5F0];
	_ =	sdelay $0x4  }
0x7ae: {  	[tilespmem:s18+$0xDE00] =	vst v1;
	v1 =	vld [tilespmem:$0x1B600];
	_ =	sdelay $0x4  }
0x7af: {  	[tilespmem:s18+$0xDE10] =	vst v1;
	v1 =	vld [tilespmem:$0x1B610];
	_ =	sdelay $0x4  }
0x7b0: {  	[tilespmem:s18+$0xDE20] =	vst v1;
	v1 =	vld [tilespmem:$0x1B620];
	_ =	sdelay $0x4  }
0x7b1: {  	[tilespmem:s18+$0xDE30] =	vst v1;
	v1 =	vld [tilespmem:$0x1B630];
	_ =	sdelay $0x4  }
0x7b2: {  	[tilespmem:s18+$0xDE40] =	vst v1;
	v1 =	vld [tilespmem:$0x1B640];
	_ =	sdelay $0x4  }
0x7b3: {  	[tilespmem:s18+$0xDE50] =	vst v1;
	v1 =	vld [tilespmem:$0x1B650];
	_ =	sdelay $0x4  }
0x7b4: {  	[tilespmem:s18+$0xDE60] =	vst v1;
	v1 =	vld [tilespmem:$0x1B660];
	_ =	sdelay $0x4  }
0x7b5: {  	[tilespmem:s18+$0xDE70] =	vst v1;
	v1 =	vld [tilespmem:$0x1B670];
	_ =	sdelay $0x4  }
0x7b6: {  	[tilespmem:s18+$0xEDA0] =	vst v1;
	v1 =	vld [tilespmem:$0x1B680];
	_ =	sdelay $0x4  }
0x7b7: {  	[tilespmem:s18+$0xED90] =	vst v1;
	v1 =	vld [tilespmem:$0x1B690];
	_ =	sdelay $0x4  }
0x7b8: {  	[tilespmem:s18+$0xED80] =	vst v1;
	v1 =	vld [tilespmem:$0x1B6A0];
	_ =	sdelay $0x4  }
0x7b9: {  	[tilespmem:s18+$0xED70] =	vst v1;
	v1 =	vld [tilespmem:$0x1B6B0];
	_ =	sdelay $0x4  }
0x7ba: {  	[tilespmem:s18+$0xED60] =	vst v1;
	v1 =	vld [tilespmem:$0x1B6C0];
	_ =	sdelay $0x4  }
0x7bb: {  	[tilespmem:s18+$0xED50] =	vst v1;
	v1 =	vld [tilespmem:$0x1B6D0];
	_ =	sdelay $0x4  }
0x7bc: {  	[tilespmem:s18+$0xED40] =	vst v1;
	v1 =	vld [tilespmem:$0x1B6E0];
	_ =	sdelay $0x4  }
0x7bd: {  	[tilespmem:s18+$0xED30] =	vst v1;
	v1 =	vld [tilespmem:$0x1B6F0];
	_ =	sdelay $0x4  }
0x7be: {  	[tilespmem:s18+$0xED20] =	vst v1;
	v1 =	vld [tilespmem:$0x1B700];
	_ =	sdelay $0x4  }
0x7bf: {  	[tilespmem:s18+$0xED10] =	vst v1;
	v1 =	vld [tilespmem:$0x1B710];
	_ =	sdelay $0x4  }
0x7c0: {  	[tilespmem:s18+$0xED00] =	vst v1;
	v1 =	vld [tilespmem:$0x1B720];
	_ =	sdelay $0x4  }
0x7c1: {  	[tilespmem:s18+$0xECF0] =	vst v1;
	v1 =	vld [tilespmem:$0x1B730];
	_ =	sdelay $0x4  }
0x7c2: {  	[tilespmem:s18+$0xECE0] =	vst v1;
	v1 =	vld [tilespmem:$0x1B740];
	_ =	sdelay $0x4  }
0x7c3: {  	[tilespmem:s18+$0xECD0] =	vst v1;
	v1 =	vld [tilespmem:$0x1B750];
	_ =	sdelay $0x4  }
0x7c4: {  	[tilespmem:s18+$0xECC0] =	vst v1;
	v1 =	vld [tilespmem:$0x1B760];
	_ =	sdelay $0x4  }
0x7c5: {  	[tilespmem:s18+$0xECB0] =	vst v1;
	v1 =	vld [tilespmem:$0x1B770];
	_ =	sdelay $0x4  }
0x7c6: {  	[tilespmem:s18+$0xECA0] =	vst v1;
	v1 =	vld [tilespmem:$0x1B780];
	_ =	sdelay $0x4  }
0x7c7: {  	[tilespmem:s18+$0xEC90] =	vst v1;
	v1 =	vld [tilespmem:$0x1B790];
	_ =	sdelay $0x4  }
0x7c8: {  	[tilespmem:s18+$0xEC80] =	vst v1;
	v1 =	vld [tilespmem:$0x1B7A0];
	_ =	sdelay $0x4  }
0x7c9: {  	[tilespmem:s18+$0xEC70] =	vst v1;
	v1 =	vld [tilespmem:$0x1B7B0];
	_ =	sdelay $0x4  }
0x7ca: {  	[tilespmem:s18+$0xEC60] =	vst v1;
	v1 =	vld [tilespmem:$0x1B7C0];
	_ =	sdelay $0x4  }
0x7cb: {  	[tilespmem:s18+$0xEC50] =	vst v1;
	v1 =	vld [tilespmem:$0x1B7D0];
	_ =	sdelay $0x4  }
0x7cc: {  	[tilespmem:s18+$0xEC40] =	vst v1;
	v1 =	vld [tilespmem:$0x1B7E0];
	_ =	sdelay $0x4  }
0x7cd: {  	[tilespmem:s18+$0xEC30] =	vst v1;
	v1 =	vld [tilespmem:$0x1B7F0];
	_ =	sdelay $0x4  }
0x7ce: {  	[tilespmem:s18+$0xEC20] =	vst v1;
	v1 =	vld [tilespmem:$0x1B800];
	_ =	sdelay $0x4  }
0x7cf: {  	[tilespmem:s18+$0xEC10] =	vst v1;
	v1 =	vld [tilespmem:$0x1B810];
	_ =	sdelay $0x4  }
0x7d0: {  	[tilespmem:s18+$0xEC00] =	vst v1;
	v1 =	vld [tilespmem:$0x1B820];
	_ =	sdelay $0x4  }
0x7d1: {  	[tilespmem:s18+$0xEBF0] =	vst v1;
	v1 =	vld [tilespmem:$0x1B830];
	_ =	sdelay $0x4  }
0x7d2: {  	[tilespmem:s18+$0xEBE0] =	vst v1;
	v1 =	vld [tilespmem:$0x1B840];
	_ =	sdelay $0x4  }
0x7d3: {  	[tilespmem:s18+$0xEBD0] =	vst v1;
	v1 =	vld [tilespmem:$0x1B850];
	_ =	sdelay $0x4  }
0x7d4: {  	[tilespmem:s18+$0xEBC0] =	vst v1;
	v1 =	vld [tilespmem:$0x1B860];
	_ =	sdelay $0x4  }
0x7d5: {  	[tilespmem:s18+$0xEBB0] =	vst v1;
	v1 =	vld [tilespmem:$0x1B870];
	_ =	sdelay $0x4  }
0x7d6: {  	[tilespmem:s18+$0xEBA0] =	vst v1;
	v1 =	vld [tilespmem:$0x1B880];
	_ =	sdelay $0x4  }
0x7d7: {  	[tilespmem:s18+$0xEB90] =	vst v1;
	v1 =	vld [tilespmem:$0x1B890];
	_ =	sdelay $0x4  }
0x7d8: {  	[tilespmem:s18+$0xEB80] =	vst v1;
	v1 =	vld [tilespmem:$0x1B8A0];
	_ =	sdelay $0x4  }
0x7d9: {  	[tilespmem:s18+$0xEB70] =	vst v1;
	v1 =	vld [tilespmem:$0x1B8B0];
	_ =	sdelay $0x4  }
0x7da: {  	[tilespmem:s18+$0xEB60] =	vst v1;
	v1 =	vld [tilespmem:$0x1B8C0];
	_ =	sdelay $0x4  }
0x7db: {  	[tilespmem:s18+$0xEB50] =	vst v1;
	v1 =	vld [tilespmem:$0x1B8D0];
	_ =	sdelay $0x4  }
0x7dc: {  	[tilespmem:s18+$0xEB40] =	vst v1;
	v1 =	vld [tilespmem:$0x1B8E0];
	_ =	sdelay $0x4  }
0x7dd: {  	[tilespmem:s18+$0xEB30] =	vst v1;
	v1 =	vld [tilespmem:$0x1B8F0];
	_ =	sdelay $0x4  }
0x7de: {  	[tilespmem:s18+$0xEB20] =	vst v1;
	v1 =	vld [tilespmem:$0x1B900];
	_ =	sdelay $0x4  }
0x7df: {  	[tilespmem:s18+$0xEB10] =	vst v1;
	v1 =	vld [tilespmem:$0x1B910];
	_ =	sdelay $0x4  }
0x7e0: {  	[tilespmem:s18+$0xEB00] =	vst v1;
	v1 =	vld [tilespmem:$0x1B920];
	_ =	sdelay $0x4  }
0x7e1: {  	[tilespmem:s18+$0xEAF0] =	vst v1;
	v1 =	vld [tilespmem:$0x1B930];
	_ =	sdelay $0x4  }
0x7e2: {  	[tilespmem:s18+$0xEAE0] =	vst v1;
	v1 =	vld [tilespmem:$0x1B940];
	_ =	sdelay $0x4  }
0x7e3: {  	[tilespmem:s18+$0xEAD0] =	vst v1;
	v1 =	vld [tilespmem:$0x1B950];
	_ =	sdelay $0x4  }
0x7e4: {  	[tilespmem:s18+$0xEAC0] =	vst v1;
	v1 =	vld [tilespmem:$0x1B960];
	_ =	sdelay $0x4  }
0x7e5: {  	[tilespmem:s18+$0xEAB0] =	vst v1;
	v1 =	vld [tilespmem:$0x1B970];
	_ =	sdelay $0x4  }
0x7e6: {  	[tilespmem:s18+$0xEAA0] =	vst v1;
	v1 =	vld [tilespmem:$0x1B980];
	_ =	sdelay $0x4  }
0x7e7: {  	[tilespmem:s18+$0xEA90] =	vst v1;
	v1 =	vld [tilespmem:$0x1B990];
	_ =	sdelay $0x4  }
0x7e8: {  	[tilespmem:s18+$0xEA80] =	vst v1;
	v1 =	vld [tilespmem:$0x1B9A0];
	_ =	sdelay $0x4  }
0x7e9: {  	[tilespmem:s18+$0xEA70] =	vst v1;
	v1 =	vld [tilespmem:$0x1B9B0];
	_ =	sdelay $0x4  }
0x7ea: {  	[tilespmem:s18+$0xEA60] =	vst v1;
	v1 =	vld [tilespmem:$0x1B9C0];
	_ =	sdelay $0x4  }
0x7eb: {  	[tilespmem:s18+$0xEA50] =	vst v1;
	v1 =	vld [tilespmem:$0x1B9D0];
	_ =	sdelay $0x4  }
0x7ec: {  	[tilespmem:s18+$0xEA40] =	vst v1;
	v1 =	vld [tilespmem:$0x1B9E0];
	_ =	sdelay $0x4  }
0x7ed: {  	[tilespmem:s18+$0xEA30] =	vst v1;
	v1 =	vld [tilespmem:$0x1B9F0];
	_ =	sdelay $0x4  }
0x7ee: {  	[tilespmem:s18+$0xEA20] =	vst v1;
	v1 =	vld [tilespmem:$0x1BA00];
	_ =	sdelay $0x4  }
0x7ef: {  	[tilespmem:s18+$0xEA10] =	vst v1;
	v1 =	vld [tilespmem:$0x1BA10];
	_ =	sdelay $0x4  }
0x7f0: {  	[tilespmem:s18+$0xEA00] =	vst v1;
	v1 =	vld [tilespmem:$0x1BA20];
	_ =	sdelay $0x4  }
0x7f1: {  	[tilespmem:s18+$0xE9F0] =	vst v1;
	v1 =	vld [tilespmem:$0x1BA30];
	_ =	sdelay $0x4  }
0x7f2: {  	[tilespmem:s18+$0xE9E0] =	vst v1;
	v1 =	vld [tilespmem:$0x1BA40];
	_ =	sdelay $0x4  }
0x7f3: {  	[tilespmem:s18+$0xE9D0] =	vst v1;
	v1 =	vld [tilespmem:$0x1BA50];
	_ =	sdelay $0x4  }
0x7f4: {  	[tilespmem:s18+$0xE9C0] =	vst v1;
	v1 =	vld [tilespmem:$0x1BA60];
	_ =	sdelay $0x4  }
0x7f5: {  	[tilespmem:s18+$0xE9B0] =	vst v1;
	v1 =	vld [tilespmem:$0x1BA70];
	_ =	sdelay $0x4  }
0x7f6: {  	[tilespmem:s18+$0xE9A0] =	vst v1;
	v1 =	vld [tilespmem:$0x1BA80];
	_ =	sdelay $0x4  }
0x7f7: {  	[tilespmem:s18+$0xE990] =	vst v1;
	v1 =	vld [tilespmem:$0x1BA90];
	_ =	sdelay $0x4  }
0x7f8: {  	[tilespmem:s18+$0xE980] =	vst v1;
	v1 =	vld [tilespmem:$0x1BAA0];
	_ =	sdelay $0x4  }
0x7f9: {  	[tilespmem:s18+$0xE970] =	vst v1;
	v1 =	vld [tilespmem:$0x1BAB0];
	_ =	sdelay $0x4  }
0x7fa: {  	[tilespmem:s18+$0xE960] =	vst v1;
	v1 =	vld [tilespmem:$0x1BAC0];
	_ =	sdelay $0x4  }
0x7fb: {  	[tilespmem:s18+$0xE950] =	vst v1;
	v1 =	vld [tilespmem:$0x1BAD0];
	_ =	sdelay $0x4  }
0x7fc: {  	[tilespmem:s18+$0xE940] =	vst v1;
	v1 =	vld [tilespmem:$0x1BAE0];
	_ =	sdelay $0x4  }
0x7fd: {  	[tilespmem:s18+$0xE930] =	vst v1;
	v1 =	vld [tilespmem:$0x1BAF0];
	_ =	sdelay $0x4  }
0x7fe: {  	[tilespmem:s18+$0xE920] =	vst v1;
	v1 =	vld [tilespmem:$0x1BB00];
	_ =	sdelay $0x4  }
0x7ff: {  	[tilespmem:s18+$0xE910] =	vst v1;
	v1 =	vld [tilespmem:$0x1BB10];
	_ =	sdelay $0x4  }
0x800: {  	[tilespmem:s18+$0xE900] =	vst v1;
	v1 =	vld [tilespmem:$0x1BB20];
	_ =	sdelay $0x4  }
0x801: {  	[tilespmem:s18+$0xE8F0] =	vst v1;
	v1 =	vld [tilespmem:$0x1BB30];
	_ =	sdelay $0x4  }
0x802: {  	[tilespmem:s18+$0xE8E0] =	vst v1;
	v1 =	vld [tilespmem:$0x1BB40];
	_ =	sdelay $0x4  }
0x803: {  	[tilespmem:s18+$0xE8D0] =	vst v1;
	v1 =	vld [tilespmem:$0x1BB50];
	_ =	sdelay $0x4  }
0x804: {  	[tilespmem:s18+$0xE8C0] =	vst v1;
	v1 =	vld [tilespmem:$0x1BB60];
	_ =	sdelay $0x4  }
0x805: {  	[tilespmem:s18+$0xE8B0] =	vst v1;
	v1 =	vld [tilespmem:$0x1BB70];
	_ =	sdelay $0x4  }
0x806: {  	[tilespmem:s18+$0xE8A0] =	vst v1;
	v1 =	vld [tilespmem:$0x1BB80];
	_ =	sdelay $0x4  }
0x807: {  	[tilespmem:s18+$0xE890] =	vst v1;
	v1 =	vld [tilespmem:$0x1BB90];
	_ =	sdelay $0x4  }
0x808: {  	[tilespmem:s18+$0xE880] =	vst v1;
	v1 =	vld [tilespmem:$0x1BBA0];
	_ =	sdelay $0x4  }
0x809: {  	[tilespmem:s18+$0xE870] =	vst v1;
	v1 =	vld [tilespmem:$0x1BBB0];
	_ =	sdelay $0x4  }
0x80a: {  	[tilespmem:s18+$0xE860] =	vst v1;
	v1 =	vld [tilespmem:$0x1BBC0];
	_ =	sdelay $0x4  }
0x80b: {  	[tilespmem:s18+$0xE850] =	vst v1;
	v1 =	vld [tilespmem:$0x1BBD0];
	_ =	sdelay $0x4  }
0x80c: {  	[tilespmem:s18+$0xE840] =	vst v1;
	v1 =	vld [tilespmem:$0x1BBE0];
	_ =	sdelay $0x4  }
0x80d: {  	[tilespmem:s18+$0xE830] =	vst v1;
	v1 =	vld [tilespmem:$0x1BBF0];
	_ =	sdelay $0x4  }
0x80e: {  	[tilespmem:s18+$0xE820] =	vst v1;
	v1 =	vld [tilespmem:$0x1BC00];
	_ =	sdelay $0x4  }
0x80f: {  	[tilespmem:s18+$0xE810] =	vst v1;
	v1 =	vld [tilespmem:$0x1BC10];
	_ =	sdelay $0x4  }
0x810: {  	[tilespmem:s18+$0xE800] =	vst v1;
	v1 =	vld [tilespmem:$0x1BC20];
	_ =	sdelay $0x4  }
0x811: {  	[tilespmem:s18+$0xE7F0] =	vst v1;
	v1 =	vld [tilespmem:$0x1BC30];
	_ =	sdelay $0x4  }
0x812: {  	[tilespmem:s18+$0xE7E0] =	vst v1;
	v1 =	vld [tilespmem:$0x1BC40];
	_ =	sdelay $0x4  }
0x813: {  	[tilespmem:s18+$0xE7D0] =	vst v1;
	v1 =	vld [tilespmem:$0x1BC50];
	_ =	sdelay $0x4  }
0x814: {  	[tilespmem:s18+$0xE7C0] =	vst v1;
	v1 =	vld [tilespmem:$0x1BC60];
	_ =	sdelay $0x4  }
0x815: {  	[tilespmem:s18+$0xE7B0] =	vst v1;
	v1 =	vld [tilespmem:$0x1BC70];
	_ =	sdelay $0x4  }
0x816: {  	[tilespmem:s18+$0xE7A0] =	vst v1;
	v1 =	vld [tilespmem:$0x1BC80];
	_ =	sdelay $0x4  }
0x817: {  	[tilespmem:s18+$0xE790] =	vst v1;
	v1 =	vld [tilespmem:$0x1BC90];
	_ =	sdelay $0x4  }
0x818: {  	[tilespmem:s18+$0xE780] =	vst v1;
	v1 =	vld [tilespmem:$0x1BCA0];
	_ =	sdelay $0x4  }
0x819: {  	[tilespmem:s18+$0xE770] =	vst v1;
	v1 =	vld [tilespmem:$0x1BCB0];
	_ =	sdelay $0x4  }
0x81a: {  	[tilespmem:s18+$0xE760] =	vst v1;
	v1 =	vld [tilespmem:$0x1BCC0];
	_ =	sdelay $0x4  }
0x81b: {  	[tilespmem:s18+$0xE750] =	vst v1;
	v1 =	vld [tilespmem:$0x1BCD0];
	_ =	sdelay $0x4  }
0x81c: {  	[tilespmem:s18+$0xE740] =	vst v1;
	v1 =	vld [tilespmem:$0x1BCE0];
	_ =	sdelay $0x4  }
0x81d: {  	[tilespmem:s18+$0xE730] =	vst v1;
	v1 =	vld [tilespmem:$0x1BCF0];
	_ =	sdelay $0x4  }
0x81e: {  	[tilespmem:s18+$0xE720] =	vst v1;
	v1 =	vld [tilespmem:$0x1BD00];
	_ =	sdelay $0x4  }
0x81f: {  	[tilespmem:s18+$0xE710] =	vst v1;
	v1 =	vld [tilespmem:$0x1BD10];
	_ =	sdelay $0x4  }
0x820: {  	[tilespmem:s18+$0xE700] =	vst v1;
	v1 =	vld [tilespmem:$0x1BD20];
	_ =	sdelay $0x4  }
0x821: {  	[tilespmem:s18+$0xE6F0] =	vst v1;
	v1 =	vld [tilespmem:$0x1BD30];
	_ =	sdelay $0x4  }
0x822: {  	[tilespmem:s18+$0xE6E0] =	vst v1;
	v1 =	vld [tilespmem:$0x1BD40];
	_ =	sdelay $0x4  }
0x823: {  	[tilespmem:s18+$0xE6D0] =	vst v1;
	v1 =	vld [tilespmem:$0x1BD50];
	_ =	sdelay $0x4  }
0x824: {  	[tilespmem:s18+$0xE6C0] =	vst v1;
	v1 =	vld [tilespmem:$0x1BD60];
	_ =	sdelay $0x4  }
0x825: {  	[tilespmem:s18+$0xE6B0] =	vst v1;
	v1 =	vld [tilespmem:$0x1BD70];
	_ =	sdelay $0x4  }
0x826: {  	[tilespmem:s18+$0xE6A0] =	vst v1;
	v1 =	vld [tilespmem:$0x1BD80];
	_ =	sdelay $0x4  }
0x827: {  	[tilespmem:s18+$0xE690] =	vst v1;
	v1 =	vld [tilespmem:$0x1BD90];
	_ =	sdelay $0x4  }
0x828: {  	[tilespmem:s18+$0xE680] =	vst v1;
	v1 =	vld [tilespmem:$0x1BDA0];
	_ =	sdelay $0x4  }
0x829: {  	[tilespmem:s18+$0xE670] =	vst v1;
	v1 =	vld [tilespmem:$0x1BDB0];
	_ =	sdelay $0x4  }
0x82a: {  	[tilespmem:s18+$0xE660] =	vst v1;
	v1 =	vld [tilespmem:$0x1BDC0];
	_ =	sdelay $0x4  }
0x82b: {  	[tilespmem:s18+$0xE650] =	vst v1;
	v1 =	vld [tilespmem:$0x1BDD0];
	_ =	sdelay $0x4  }
0x82c: {  	[tilespmem:s18+$0xE640] =	vst v1;
	v1 =	vld [tilespmem:$0x1BDE0];
	_ =	sdelay $0x4  }
0x82d: {  	[tilespmem:s18+$0xE630] =	vst v1;
	v1 =	vld [tilespmem:$0x1BDF0];
	_ =	sdelay $0x4  }
0x82e: {  	[tilespmem:s18+$0xE620] =	vst v1;
	v1 =	vld [tilespmem:$0x1BE00];
	_ =	sdelay $0x4  }
0x82f: {  	[tilespmem:s18+$0xE610] =	vst v1;
	v1 =	vld [tilespmem:$0x1BE10];
	_ =	sdelay $0x4  }
0x830: {  	[tilespmem:s18+$0xE600] =	vst v1;
	v1 =	vld [tilespmem:$0x1BE20];
	_ =	sdelay $0x4  }
0x831: {  	[tilespmem:s18+$0xE5F0] =	vst v1;
	v1 =	vld [tilespmem:$0x1BE30];
	_ =	sdelay $0x4  }
0x832: {  	[tilespmem:s18+$0xE5E0] =	vst v1;
	v1 =	vld [tilespmem:$0x1BE40];
	_ =	sdelay $0x4  }
0x833: {  	[tilespmem:s18+$0xE5D0] =	vst v1;
	v1 =	vld [tilespmem:$0x1BE50];
	_ =	sdelay $0x4  }
0x834: {  	[tilespmem:s18+$0xE5C0] =	vst v1;
	v1 =	vld [tilespmem:$0x1BE60];
	_ =	sdelay $0x4  }
0x835: {  	[tilespmem:s18+$0xE5B0] =	vst v1;
	v1 =	vld [tilespmem:$0x1BE70];
	_ =	sdelay $0x4  }
0x836: {  	[tilespmem:s18+$0xE5A0] =	vst v1;
	v1 =	vld [tilespmem:$0x1BE80];
	_ =	sdelay $0x4  }
0x837: {  	[tilespmem:s18+$0xE590] =	vst v1;
	v1 =	vld [tilespmem:$0x1BE90];
	_ =	sdelay $0x4  }
0x838: {  	[tilespmem:s18+$0xE580] =	vst v1;
	v1 =	vld [tilespmem:$0x1BEA0];
	_ =	sdelay $0x4  }
0x839: {  	[tilespmem:s18+$0xE570] =	vst v1;
	v1 =	vld [tilespmem:$0x1BEB0];
	_ =	sdelay $0x4  }
0x83a: {  	[tilespmem:s18+$0xE560] =	vst v1;
	v1 =	vld [tilespmem:$0x1BEC0];
	_ =	sdelay $0x4  }
0x83b: {  	[tilespmem:s18+$0xE550] =	vst v1;
	v1 =	vld [tilespmem:$0x1BED0];
	_ =	sdelay $0x4  }
0x83c: {  	[tilespmem:s18+$0xE540] =	vst v1;
	v1 =	vld [tilespmem:$0x1BEE0];
	_ =	sdelay $0x4  }
0x83d: {  	[tilespmem:s18+$0xE530] =	vst v1;
	v1 =	vld [tilespmem:$0x1BEF0];
	_ =	sdelay $0x4  }
0x83e: {  	[tilespmem:s18+$0xE520] =	vst v1;
	v1 =	vld [tilespmem:$0x1BF00];
	_ =	sdelay $0x4  }
0x83f: {  	[tilespmem:s18+$0xE510] =	vst v1;
	v1 =	vld [tilespmem:$0x1BF10];
	_ =	sdelay $0x4  }
0x840: {  	[tilespmem:s18+$0xE500] =	vst v1;
	v1 =	vld [tilespmem:$0x1BF20];
	_ =	sdelay $0x4  }
0x841: {  	[tilespmem:s18+$0xE4F0] =	vst v1;
	v1 =	vld [tilespmem:$0x1BF30];
	_ =	sdelay $0x4  }
0x842: {  	[tilespmem:s18+$0xE4E0] =	vst v1;
	v1 =	vld [tilespmem:$0x1BF40];
	_ =	sdelay $0x4  }
0x843: {  	[tilespmem:s18+$0xE4D0] =	vst v1;
	v1 =	vld [tilespmem:$0x1BF50];
	_ =	sdelay $0x4  }
0x844: {  	[tilespmem:s18+$0xE4C0] =	vst v1;
	v1 =	vld [tilespmem:$0x1BF60];
	_ =	sdelay $0x4  }
0x845: {  	[tilespmem:s18+$0xE4B0] =	vst v1;
	v1 =	vld [tilespmem:$0x1BF70];
	_ =	sdelay $0x4  }
0x846: {  	[tilespmem:s18+$0xE4A0] =	vst v1;
	v1 =	vld [tilespmem:$0x1BF80];
	_ =	sdelay $0x4  }
0x847: {  	[tilespmem:s18+$0xE490] =	vst v1;
	v1 =	vld [tilespmem:$0x1BF90];
	_ =	sdelay $0x4  }
0x848: {  	[tilespmem:s18+$0xE480] =	vst v1;
	v1 =	vld [tilespmem:$0x1BFA0];
	_ =	sdelay $0x4  }
0x849: {  	[tilespmem:s18+$0xE470] =	vst v1;
	v1 =	vld [tilespmem:$0x1BFB0];
	_ =	sdelay $0x4  }
0x84a: {  	[tilespmem:s18+$0xE460] =	vst v1;
	v1 =	vld [tilespmem:$0x1BFC0];
	_ =	sdelay $0x4  }
0x84b: {  	[tilespmem:s18+$0xE450] =	vst v1;
	v1 =	vld [tilespmem:$0x1BFD0];
	_ =	sdelay $0x4  }
0x84c: {  	[tilespmem:s18+$0xE440] =	vst v1;
	v1 =	vld [tilespmem:$0x1BFE0];
	_ =	sdelay $0x4  }
0x84d: {  	[tilespmem:s18+$0xE430] =	vst v1;
	v1 =	vld [tilespmem:$0x1BFF0];
	_ =	sdelay $0x4  }
0x84e: {  	[tilespmem:s18+$0xE420] =	vst v1;
	v1 =	vld [tilespmem:$0x1C000];
	_ =	sdelay $0x4  }
0x84f: {  	[tilespmem:s18+$0xE410] =	vst v1;
	v1 =	vld [tilespmem:$0x1C010];
	_ =	sdelay $0x4  }
0x850: {  	[tilespmem:s18+$0xE400] =	vst v1;
	v1 =	vld [tilespmem:$0x1C020];
	_ =	sdelay $0x4  }
0x851: {  	[tilespmem:s18+$0xE3F0] =	vst v1;
	v1 =	vld [tilespmem:$0x1C030];
	_ =	sdelay $0x4  }
0x852: {  	[tilespmem:s18+$0xE3E0] =	vst v1;
	v1 =	vld [tilespmem:$0x1C040];
	_ =	sdelay $0x4  }
0x853: {  	[tilespmem:s18+$0xE3D0] =	vst v1;
	v1 =	vld [tilespmem:$0x1C050];
	_ =	sdelay $0x4  }
0x854: {  	[tilespmem:s18+$0xE3C0] =	vst v1;
	v1 =	vld [tilespmem:$0x1C060];
	_ =	sdelay $0x4  }
0x855: {  	[tilespmem:s18+$0xE3B0] =	vst v1;
	v1 =	vld [tilespmem:$0x1C070];
	_ =	sdelay $0x4  }
0x856: {  	[tilespmem:s18+$0xE3A0] =	vst v1;
	v1 =	vld [tilespmem:$0x1C080];
	_ =	sdelay $0x4  }
0x857: {  	[tilespmem:s18+$0xE390] =	vst v1;
	v1 =	vld [tilespmem:$0x1C090];
	_ =	sdelay $0x4  }
0x858: {  	[tilespmem:s18+$0xE380] =	vst v1;
	v1 =	vld [tilespmem:$0x1C0A0];
	_ =	sdelay $0x4  }
0x859: {  	[tilespmem:s18+$0xE370] =	vst v1;
	v1 =	vld [tilespmem:$0x1C0B0];
	_ =	sdelay $0x4  }
0x85a: {  	[tilespmem:s18+$0xE360] =	vst v1;
	v1 =	vld [tilespmem:$0x1C0C0];
	_ =	sdelay $0x4  }
0x85b: {  	[tilespmem:s18+$0xE350] =	vst v1;
	v1 =	vld [tilespmem:$0x1C0D0];
	_ =	sdelay $0x4  }
0x85c: {  	[tilespmem:s18+$0xE340] =	vst v1;
	v1 =	vld [tilespmem:$0x1C0E0];
	_ =	sdelay $0x4  }
0x85d: {  	[tilespmem:s18+$0xE330] =	vst v1;
	v1 =	vld [tilespmem:$0x1C0F0];
	_ =	sdelay $0x4  }
0x85e: {  	[tilespmem:s18+$0xE320] =	vst v1;
	v1 =	vld [tilespmem:$0x1C100];
	_ =	sdelay $0x4  }
0x85f: {  	[tilespmem:s18+$0xE310] =	vst v1;
	v1 =	vld [tilespmem:$0x1C110];
	_ =	sdelay $0x4  }
0x860: {  	[tilespmem:s18+$0xE300] =	vst v1;
	v1 =	vld [tilespmem:$0x1C120];
	_ =	sdelay $0x4  }
0x861: {  	[tilespmem:s18+$0xE2F0] =	vst v1;
	v1 =	vld [tilespmem:$0x1C130];
	_ =	sdelay $0x4  }
0x862: {  	[tilespmem:s18+$0xE2E0] =	vst v1;
	v1 =	vld [tilespmem:$0x1C140];
	_ =	sdelay $0x4  }
0x863: {  	[tilespmem:s18+$0xE2D0] =	vst v1;
	v1 =	vld [tilespmem:$0x1C150];
	_ =	sdelay $0x4  }
0x864: {  	[tilespmem:s18+$0xE2C0] =	vst v1;
	v1 =	vld [tilespmem:$0x1C160];
	_ =	sdelay $0x4  }
0x865: {  	[tilespmem:s18+$0xE2B0] =	vst v1;
	v1 =	vld [tilespmem:$0x1C170];
	_ =	sdelay $0x4  }
0x866: {  	[tilespmem:s18+$0xE2A0] =	vst v1;
	v1 =	vld [tilespmem:$0x1C180];
	_ =	sdelay $0x4  }
0x867: {  	[tilespmem:s18+$0xE290] =	vst v1;
	v1 =	vld [tilespmem:$0x1C190];
	_ =	sdelay $0x4  }
0x868: {  	[tilespmem:s18+$0xE280] =	vst v1;
	v1 =	vld [tilespmem:$0x1C1A0];
	_ =	sdelay $0x4  }
0x869: {  	[tilespmem:s18+$0xE270] =	vst v1;
	v1 =	vld [tilespmem:$0x1C1B0];
	_ =	sdelay $0x4  }
0x86a: {  	[tilespmem:s18+$0xE260] =	vst v1;
	v1 =	vld [tilespmem:$0x1C1C0];
	_ =	sdelay $0x4  }
0x86b: {  	[tilespmem:s18+$0xE250] =	vst v1;
	v1 =	vld [tilespmem:$0x1C1D0];
	_ =	sdelay $0x4  }
0x86c: {  	[tilespmem:s18+$0xE240] =	vst v1;
	v1 =	vld [tilespmem:$0x1C1E0];
	_ =	sdelay $0x4  }
0x86d: {  	[tilespmem:s18+$0xE230] =	vst v1;
	v1 =	vld [tilespmem:$0x1C1F0];
	_ =	sdelay $0x4  }
0x86e: {  	[tilespmem:s18+$0xE220] =	vst v1;
	v1 =	vld [tilespmem:$0x1C200];
	_ =	sdelay $0x4  }
0x86f: {  	[tilespmem:s18+$0xE210] =	vst v1;
	v1 =	vld [tilespmem:$0x1C210];
	_ =	sdelay $0x4  }
0x870: {  	[tilespmem:s18+$0xE200] =	vst v1;
	v1 =	vld [tilespmem:$0x1C220];
	_ =	sdelay $0x4  }
0x871: {  	[tilespmem:s18+$0xE1F0] =	vst v1;
	v1 =	vld [tilespmem:$0x1C230];
	_ =	sdelay $0x4  }
0x872: {  	[tilespmem:s18+$0xE1E0] =	vst v1;
	v1 =	vld [tilespmem:$0x1C240];
	_ =	sdelay $0x4  }
0x873: {  	[tilespmem:s18+$0xE1D0] =	vst v1;
	v1 =	vld [tilespmem:$0x1C250];
	_ =	sdelay $0x4  }
0x874: {  	[tilespmem:s18+$0xE1C0] =	vst v1;
	v1 =	vld [tilespmem:$0x1C260];
	_ =	sdelay $0x4  }
0x875: {  	[tilespmem:s18+$0xE1B0] =	vst v1;
	v1 =	vld [tilespmem:$0x1C270];
	_ =	sdelay $0x4  }
0x876: {  	[tilespmem:s18+$0xE1A0] =	vst v1;
	v1 =	vld [tilespmem:$0x1C280];
	_ =	sdelay $0x4  }
0x877: {  	[tilespmem:s18+$0xE190] =	vst v1;
	v1 =	vld [tilespmem:$0x1C290];
	_ =	sdelay $0x4  }
0x878: {  	[tilespmem:s18+$0xE180] =	vst v1;
	v1 =	vld [tilespmem:$0x1C2A0];
	_ =	sdelay $0x4  }
0x879: {  	[tilespmem:s18+$0xE170] =	vst v1;
	v1 =	vld [tilespmem:$0x1C2B0];
	_ =	sdelay $0x4  }
0x87a: {  	[tilespmem:s18+$0xE160] =	vst v1;
	v1 =	vld [tilespmem:$0x1C2C0];
	_ =	sdelay $0x4  }
0x87b: {  	[tilespmem:s18+$0xE150] =	vst v1;
	v1 =	vld [tilespmem:$0x1C2D0];
	_ =	sdelay $0x4  }
0x87c: {  	[tilespmem:s18+$0xE140] =	vst v1;
	v1 =	vld [tilespmem:$0x1C2E0];
	_ =	sdelay $0x4  }
0x87d: {  	[tilespmem:s18+$0xE130] =	vst v1;
	v1 =	vld [tilespmem:$0x1C2F0];
	_ =	sdelay $0x4  }
0x87e: {  	[tilespmem:s18+$0xE120] =	vst v1;
	v1 =	vld [tilespmem:$0x1C300];
	_ =	sdelay $0x4  }
0x87f: {  	[tilespmem:s18+$0xE110] =	vst v1;
	v1 =	vld [tilespmem:$0x1C310];
	_ =	sdelay $0x4  }
0x880: {  	[tilespmem:s18+$0xE100] =	vst v1;
	v1 =	vld [tilespmem:$0x1C320];
	_ =	sdelay $0x4  }
0x881: {  	[tilespmem:s18+$0xE0F0] =	vst v1;
	v1 =	vld [tilespmem:$0x1C330];
	_ =	sdelay $0x4  }
0x882: {  	[tilespmem:s18+$0xE0E0] =	vst v1;
	v1 =	vld [tilespmem:$0x1C340];
	_ =	sdelay $0x4  }
0x883: {  	[tilespmem:s18+$0xE0D0] =	vst v1;
	v1 =	vld [tilespmem:$0x1C350];
	_ =	sdelay $0x4  }
0x884: {  	[tilespmem:s18+$0xE0C0] =	vst v1;
	v1 =	vld [tilespmem:$0x1C360];
	_ =	sdelay $0x4  }
0x885: {  	[tilespmem:s18+$0xE0B0] =	vst v1;
	v1 =	vld [tilespmem:$0x1C370];
	_ =	sdelay $0x4  }
0x886: {  	[tilespmem:s18+$0xE0A0] =	vst v1;
	v1 =	vld [tilespmem:$0x1C380];
	_ =	sdelay $0x4  }
0x887: {  	[tilespmem:s18+$0xE090] =	vst v1;
	v1 =	vld [tilespmem:$0x1C390];
	_ =	sdelay $0x4  }
0x888: {  	[tilespmem:s18+$0xE080] =	vst v1  }
0x889: {  	v1 =	vld [tilespmem:$0x1C3A0];
	_ =	sdelay $0x4  }
0x88a: {  	[tilespmem:s18+$0xE070] =	vst v1;
	v1 =	vld [tilespmem:$0x1C3B0];
	_ =	sdelay $0x4  }
0x88b: {  	[tilespmem:s18+$0xE060] =	vst v1;
	v1 =	vld [tilespmem:$0x1C3C0];
	_ =	sdelay $0x4  }
0x88c: {  	[tilespmem:s18+$0xE050] =	vst v1;
	v1 =	vld [tilespmem:$0x1C3D0];
	_ =	sdelay $0x4  }
0x88d: {  	[tilespmem:s18+$0xE040] =	vst v1;
	v1 =	vld [tilespmem:$0x1C3E0];
	_ =	sdelay $0x4  }
0x88e: {  	[tilespmem:s18+$0xE030] =	vst v1;
	v1 =	vld [tilespmem:$0x1C3F0];
	_ =	sdelay $0x4  }
0x88f: {  	[tilespmem:s18+$0xE020] =	vst v1;
	v1 =	vld [tilespmem:$0x1C400];
	_ =	sdelay $0x4  }
0x890: {  	[tilespmem:s18+$0xE010] =	vst v1;
	v1 =	vld [tilespmem:$0x1C410];
	_ =	sdelay $0x4  }
0x891: {  	[tilespmem:s18+$0xE000] =	vst v1;
	v1 =	vld [tilespmem:$0x1C420];
	_ =	sdelay $0x4  }
0x892: {  	[tilespmem:s18+$0xDFF0] =	vst v1;
	v1 =	vld [tilespmem:$0x1C430];
	_ =	sdelay $0x4  }
0x893: {  	[tilespmem:s18+$0xDFE0] =	vst v1;
	v1 =	vld [tilespmem:$0x1C440];
	_ =	sdelay $0x4  }
0x894: {  	[tilespmem:s18+$0xDFD0] =	vst v1;
	v1 =	vld [tilespmem:$0x1C450];
	_ =	sdelay $0x4  }
0x895: {  	[tilespmem:s18+$0xDFC0] =	vst v1;
	v1 =	vld [tilespmem:$0x1C460];
	_ =	sdelay $0x4  }
0x896: {  	[tilespmem:s18+$0xDFB0] =	vst v1;
	v1 =	vld [tilespmem:$0x1C470];
	_ =	sdelay $0x4  }
0x897: {  	[tilespmem:s18+$0xDFA0] =	vst v1;
	v1 =	vld [tilespmem:$0x1C480];
	_ =	sdelay $0x4  }
0x898: {  	[tilespmem:s18+$0xDF90] =	vst v1;
	v1 =	vld [tilespmem:$0x1C490];
	_ =	sdelay $0x4  }
0x899: {  	[tilespmem:s18+$0xDF80] =	vst v1;
	v1 =	vld [tilespmem:$0x1C4A0];
	_ =	sdelay $0x4  }
0x89a: {  	[tilespmem:s18+$0xDF70] =	vst v1;
	v1 =	vld [tilespmem:$0x1C4B0];
	_ =	sdelay $0x4  }
0x89b: {  	[tilespmem:s18+$0xDF60] =	vst v1;
	v1 =	vld [tilespmem:$0x1C4C0];
	_ =	sdelay $0x4  }
0x89c: {  	[tilespmem:s18+$0xDF50] =	vst v1;
	v1 =	vld [tilespmem:$0x1C4D0];
	_ =	sdelay $0x4  }
0x89d: {  	[tilespmem:s18+$0xDF40] =	vst v1;
	v1 =	vld [tilespmem:$0x1C4E0];
	_ =	sdelay $0x4  }
0x89e: {  	[tilespmem:s18+$0xDF30] =	vst v1;
	v1 =	vld [tilespmem:$0x1C4F0];
	_ =	sdelay $0x4  }
0x89f: {  	[tilespmem:s18+$0xDF20] =	vst v1;
	v1 =	vld [tilespmem:$0x1C500];
	_ =	sdelay $0x4  }
0x8a0: {  	[tilespmem:s18+$0xDF10] =	vst v1;
	v1 =	vld [tilespmem:$0x1C510];
	_ =	sdelay $0x4  }
0x8a1: {  	[tilespmem:s18+$0xDF00] =	vst v1;
	v1 =	vld [tilespmem:$0x1C520];
	_ =	sdelay $0x4  }
0x8a2: {  	[tilespmem:s18+$0xDEF0] =	vst v1;
	v1 =	vld [tilespmem:$0x1C530];
	_ =	sdelay $0x4  }
0x8a3: {  	[tilespmem:s18+$0xDEE0] =	vst v1;
	v1 =	vld [tilespmem:$0x1C540];
	_ =	sdelay $0x4  }
0x8a4: {  	[tilespmem:s18+$0xDED0] =	vst v1;
	v1 =	vld [tilespmem:$0x1C550];
	_ =	sdelay $0x4  }
0x8a5: {  	[tilespmem:s18+$0xDEC0] =	vst v1;
	v1 =	vld [tilespmem:$0x1C560];
	_ =	sdelay $0x4  }
0x8a6: {  	[tilespmem:s18+$0xDEB0] =	vst v1;
	v1 =	vld [tilespmem:$0x1C570];
	_ =	sdelay $0x4  }
0x8a7: {  	[tilespmem:s18+$0xDEA0] =	vst v1;
	v1 =	vld [tilespmem:$0x1C580];
	_ =	sdelay $0x4  }
0x8a8: {  	[tilespmem:s18+$0xDE90] =	vst v1;
	v1 =	vld [tilespmem:$0x1C590];
	_ =	sdelay $0x4  }
0x8a9: {  	[tilespmem:s18+$0xDE80] =	vst v1;
	v1 =	vld [tilespmem:$0x1C5A0];
	_ =	sdelay $0x4  }
0x8aa: {  	[tilespmem:s18+$0xEDB0] =	vst v1;
	v1 =	vld [tilespmem:$0x1C5B0];
	_ =	sdelay $0x4  }
0x8ab: {  	[tilespmem:s18+$0xEDC0] =	vst v1;
	v1 =	vld [tilespmem:$0x1C5C0];
	_ =	sdelay $0x4  }
0x8ac: {  	[tilespmem:s18+$0xEDD0] =	vst v1;
	v1 =	vld [tilespmem:$0x1C5D0];
	_ =	sdelay $0x4  }
0x8ad: {  	[tilespmem:s18+$0xEDE0] =	vst v1;
	v1 =	vld [tilespmem:$0x1C5E0];
	_ =	sdelay $0x4  }
0x8ae: {  	[tilespmem:s18+$0xEDF0] =	vst v1;
	v1 =	vld [tilespmem:$0x1C5F0];
	_ =	sdelay $0x4  }
0x8af: {  	[tilespmem:s18+$0xEE00] =	vst v1;
	v1 =	vld [tilespmem:$0x1C600];
	_ =	sdelay $0x4  }
0x8b0: {  	[tilespmem:s18+$0xEE10] =	vst v1;
	v1 =	vld [tilespmem:$0x1C610];
	_ =	sdelay $0x4  }
0x8b1: {  	[tilespmem:s18+$0xEE20] =	vst v1;
	v1 =	vld [tilespmem:$0x1C620];
	_ =	sdelay $0x4  }
0x8b2: {  	[tilespmem:s18+$0xEE30] =	vst v1;
	v1 =	vld [tilespmem:$0x1C630];
	_ =	sdelay $0x4  }
0x8b3: {  	[tilespmem:s18+$0xEE40] =	vst v1;
	v1 =	vld [tilespmem:$0x1C640];
	_ =	sdelay $0x4  }
0x8b4: {  	[tilespmem:s18+$0xEE50] =	vst v1;
	v1 =	vld [tilespmem:$0x1C650];
	_ =	sdelay $0x4  }
0x8b5: {  	[tilespmem:s18+$0xEE60] =	vst v1;
	v1 =	vld [tilespmem:$0x1C660];
	_ =	sdelay $0x4  }
0x8b6: {  	[tilespmem:s18+$0xEE70] =	vst v1;
	v1 =	vld [tilespmem:$0x1C670];
	_ =	sdelay $0x4  }
0x8b7: {  	[tilespmem:s18+$0xEE80] =	vst v1;
	v1 =	vld [tilespmem:$0x1C680];
	_ =	sdelay $0x4  }
0x8b8: {  	[tilespmem:s18+$0xEE90] =	vst v1;
	v1 =	vld [tilespmem:$0x1C690];
	_ =	sdelay $0x4  }
0x8b9: {  	[tilespmem:s18+$0xEEA0] =	vst v1;
	v1 =	vld [tilespmem:$0x1C6A0];
	_ =	sdelay $0x4  }
0x8ba: {  	[tilespmem:s18+$0xEEB0] =	vst v1;
	v1 =	vld [tilespmem:$0x1C6B0];
	_ =	sdelay $0x4  }
0x8bb: {  	[tilespmem:s18+$0xEEC0] =	vst v1;
	v1 =	vld [tilespmem:$0x1C6C0];
	_ =	sdelay $0x4  }
0x8bc: {  	[tilespmem:s18+$0xEED0] =	vst v1;
	v1 =	vld [tilespmem:$0x1C6D0];
	_ =	sdelay $0x4  }
0x8bd: {  	[tilespmem:s18+$0xEEE0] =	vst v1;
	v1 =	vld [tilespmem:$0x1C6E0];
	_ =	sdelay $0x4  }
0x8be: {  	[tilespmem:s18+$0xEEF0] =	vst v1;
	v1 =	vld [tilespmem:$0x1C6F0];
	_ =	sdelay $0x4  }
0x8bf: {  	[tilespmem:s18+$0xEF00] =	vst v1;
	v1 =	vld [tilespmem:$0x1C700];
	_ =	sdelay $0x4  }
0x8c0: {  	[tilespmem:s18+$0xEF10] =	vst v1;
	v1 =	vld [tilespmem:$0x1C710];
	_ =	sdelay $0x4  }
0x8c1: {  	[tilespmem:s18+$0xEF20] =	vst v1;
	v1 =	vld [tilespmem:$0x1C720];
	_ =	sdelay $0x4  }
0x8c2: {  	[tilespmem:s18+$0xEF30] =	vst v1;
	v1 =	vld [tilespmem:$0x1C730];
	_ =	sdelay $0x4  }
0x8c3: {  	[tilespmem:s18+$0xEF40] =	vst v1;
	v1 =	vld [tilespmem:$0x1C740];
	_ =	sdelay $0x4  }
0x8c4: {  	[tilespmem:s18+$0xEF50] =	vst v1;
	v1 =	vld [tilespmem:$0x1C750];
	_ =	sdelay $0x4  }
0x8c5: {  	[tilespmem:s18+$0xEF60] =	vst v1;
	v1 =	vld [tilespmem:$0x1C760];
	_ =	sdelay $0x4  }
0x8c6: {  	[tilespmem:s18+$0xEF70] =	vst v1;
	v1 =	vld [tilespmem:$0x1C770];
	_ =	sdelay $0x4  }
0x8c7: {  	[tilespmem:s18+$0xEF80] =	vst v1;
	v1 =	vld [tilespmem:$0x1C780];
	_ =	sdelay $0x4  }
0x8c8: {  	[tilespmem:s18+$0xEF90] =	vst v1;
	v1 =	vld [tilespmem:$0x1C790];
	_ =	sdelay $0x4  }
0x8c9: {  	[tilespmem:s18+$0xEFA0] =	vst v1;
	v1 =	vld [tilespmem:$0x1C7A0];
	_ =	sdelay $0x4  }
0x8ca: {  	[tilespmem:s18+$0xEFB0] =	vst v1;
	v1 =	vld [tilespmem:$0x1C7B0];
	_ =	sdelay $0x4  }
0x8cb: {  	[tilespmem:s18+$0xEFC0] =	vst v1;
	v1 =	vld [tilespmem:$0x1C7C0];
	_ =	sdelay $0x4  }
0x8cc: {  	[tilespmem:s18+$0xEFD0] =	vst v1;
	v1 =	vld [tilespmem:$0x1C7D0];
	_ =	sdelay $0x4  }
0x8cd: {  	[tilespmem:s18+$0xEFE0] =	vst v1;
	v1 =	vld [tilespmem:$0x1C7E0];
	_ =	sdelay $0x4  }
0x8ce: {  	[tilespmem:s18+$0xEFF0] =	vst v1;
	v1 =	vld [tilespmem:$0x1C7F0];
	_ =	sdelay $0x4  }
0x8cf: {  	[tilespmem:s18+$0xF000] =	vst v1;
	v1 =	vld [tilespmem:$0x1C800];
	_ =	sdelay $0x4  }
0x8d0: {  	[tilespmem:s18+$0xF010] =	vst v1;
	v1 =	vld [tilespmem:$0x1C810];
	_ =	sdelay $0x4  }
0x8d1: {  	[tilespmem:s18+$0xF020] =	vst v1;
	v1 =	vld [tilespmem:$0x1C820];
	_ =	sdelay $0x4  }
0x8d2: {  	[tilespmem:s18+$0xF030] =	vst v1;
	v1 =	vld [tilespmem:$0x1C830];
	_ =	sdelay $0x4  }
0x8d3: {  	[tilespmem:s18+$0xF040] =	vst v1;
	v1 =	vld [tilespmem:$0x1C840];
	_ =	sdelay $0x4  }
0x8d4: {  	[tilespmem:s18+$0xF050] =	vst v1;
	v1 =	vld [tilespmem:$0x1C850];
	_ =	sdelay $0x4  }
0x8d5: {  	[tilespmem:s18+$0xF060] =	vst v1;
	v1 =	vld [tilespmem:$0x1C860];
	_ =	sdelay $0x4  }
0x8d6: {  	[tilespmem:s18+$0xF070] =	vst v1;
	v1 =	vld [tilespmem:$0x1C870];
	_ =	sdelay $0x4  }
0x8d7: {  	[tilespmem:s18+$0xF080] =	vst v1;
	v1 =	vld [tilespmem:$0x1C880];
	_ =	sdelay $0x4  }
0x8d8: {  	[tilespmem:s18+$0xF090] =	vst v1;
	v1 =	vld [tilespmem:$0x1C890];
	_ =	sdelay $0x4  }
0x8d9: {  	[tilespmem:s18+$0xF0A0] =	vst v1;
	v1 =	vld [tilespmem:$0x1C8A0];
	_ =	sdelay $0x4  }
0x8da: {  	[tilespmem:s18+$0xF0B0] =	vst v1;
	v1 =	vld [tilespmem:$0x1C8B0];
	_ =	sdelay $0x4  }
0x8db: {  	[tilespmem:s18+$0xF0C0] =	vst v1;
	v1 =	vld [tilespmem:$0x1C8C0];
	_ =	sdelay $0x4  }
0x8dc: {  	[tilespmem:s18+$0xF0D0] =	vst v1;
	v1 =	vld [tilespmem:$0x1C8D0];
	_ =	sdelay $0x4  }
0x8dd: {  	[tilespmem:s18+$0xF0E0] =	vst v1;
	v1 =	vld [tilespmem:$0x1C8E0];
	_ =	sdelay $0x4  }
0x8de: {  	[tilespmem:s18+$0xF0F0] =	vst v1;
	v1 =	vld [tilespmem:$0x1C8F0];
	_ =	sdelay $0x4  }
0x8df: {  	[tilespmem:s18+$0xF100] =	vst v1;
	v1 =	vld [tilespmem:$0x1C900];
	_ =	sdelay $0x4  }
0x8e0: {  	[tilespmem:s18+$0xF110] =	vst v1;
	v1 =	vld [tilespmem:$0x1C910];
	_ =	sdelay $0x4  }
0x8e1: {  	[tilespmem:s18+$0xF120] =	vst v1;
	v1 =	vld [tilespmem:$0x1C920];
	_ =	sdelay $0x4  }
0x8e2: {  	[tilespmem:s18+$0xF130] =	vst v1;
	v1 =	vld [tilespmem:$0x1C930];
	_ =	sdelay $0x4  }
0x8e3: {  	[tilespmem:s18+$0xF140] =	vst v1;
	v1 =	vld [tilespmem:$0x1C940];
	_ =	sdelay $0x4  }
0x8e4: {  	[tilespmem:s18+$0xF150] =	vst v1;
	v1 =	vld [tilespmem:$0x1C950];
	_ =	sdelay $0x4  }
0x8e5: {  	[tilespmem:s18+$0xF160] =	vst v1;
	v1 =	vld [tilespmem:$0x1C960];
	_ =	sdelay $0x4  }
0x8e6: {  	[tilespmem:s18+$0xF170] =	vst v1;
	v1 =	vld [tilespmem:$0x1C970];
	_ =	sdelay $0x4  }
0x8e7: {  	[tilespmem:s18+$0xF180] =	vst v1;
	v1 =	vld [tilespmem:$0x1C980];
	_ =	sdelay $0x4  }
0x8e8: {  	[tilespmem:s18+$0xF190] =	vst v1;
	v1 =	vld [tilespmem:$0x1C990];
	_ =	sdelay $0x4  }
0x8e9: {  	[tilespmem:s18+$0xF1A0] =	vst v1;
	v1 =	vld [tilespmem:$0x1C9A0];
	_ =	sdelay $0x4  }
0x8ea: {  	[tilespmem:s18+$0xF1B0] =	vst v1;
	v1 =	vld [tilespmem:$0x1C9B0];
	_ =	sdelay $0x4  }
0x8eb: {  	[tilespmem:s18+$0xF1C0] =	vst v1;
	v1 =	vld [tilespmem:$0x1C9C0];
	_ =	sdelay $0x4  }
0x8ec: {  	[tilespmem:s18+$0xF1D0] =	vst v1;
	v1 =	vld [tilespmem:$0x1C9D0];
	_ =	sdelay $0x4  }
0x8ed: {  	[tilespmem:s18+$0xF1E0] =	vst v1;
	v1 =	vld [tilespmem:$0x1C9E0];
	_ =	sdelay $0x4  }
0x8ee: {  	[tilespmem:s18+$0xF1F0] =	vst v1;
	v1 =	vld [tilespmem:$0x1C9F0];
	_ =	sdelay $0x4  }
0x8ef: {  	[tilespmem:s18+$0xF200] =	vst v1;
	v1 =	vld [tilespmem:$0x1CA00];
	_ =	sdelay $0x4  }
0x8f0: {  	[tilespmem:s18+$0xF210] =	vst v1;
	v1 =	vld [tilespmem:$0x1CA10];
	_ =	sdelay $0x4  }
0x8f1: {  	[tilespmem:s18+$0xF220] =	vst v1;
	v1 =	vld [tilespmem:$0x1CA20];
	_ =	sdelay $0x4  }
0x8f2: {  	[tilespmem:s18+$0xF230] =	vst v1;
	v1 =	vld [tilespmem:$0x1CA30];
	_ =	sdelay $0x4  }
0x8f3: {  	[tilespmem:s18+$0xF240] =	vst v1;
	v1 =	vld [tilespmem:$0x1CA40];
	_ =	sdelay $0x4  }
0x8f4: {  	[tilespmem:s18+$0xF250] =	vst v1;
	v1 =	vld [tilespmem:$0x1CA50];
	_ =	sdelay $0x4  }
0x8f5: {  	[tilespmem:s18+$0xF260] =	vst v1;
	v1 =	vld [tilespmem:$0x1CA60];
	_ =	sdelay $0x4  }
0x8f6: {  	[tilespmem:s18+$0xF270] =	vst v1;
	v1 =	vld [tilespmem:$0x1CA70];
	_ =	sdelay $0x4  }
0x8f7: {  	[tilespmem:s18+$0xF280] =	vst v1;
	v1 =	vld [tilespmem:$0x1CA80];
	_ =	sdelay $0x4  }
0x8f8: {  	[tilespmem:s18+$0xF290] =	vst v1;
	v1 =	vld [tilespmem:$0x1CA90];
	_ =	sdelay $0x4  }
0x8f9: {  	[tilespmem:s18+$0xF2A0] =	vst v1;
	v1 =	vld [tilespmem:$0x1CAA0];
	_ =	sdelay $0x4  }
0x8fa: {  	[tilespmem:s18+$0xF2B0] =	vst v1;
	v1 =	vld [tilespmem:$0x1CAB0];
	_ =	sdelay $0x4  }
0x8fb: {  	[tilespmem:s18+$0xF2C0] =	vst v1;
	v1 =	vld [tilespmem:$0x1CAC0];
	_ =	sdelay $0x4  }
0x8fc: {  	[tilespmem:s18+$0xF2D0] =	vst v1;
	v1 =	vld [tilespmem:$0x1CAD0];
	_ =	sdelay $0x4  }
0x8fd: {  	[tilespmem:s18+$0xF2E0] =	vst v1;
	v1 =	vld [tilespmem:$0x1CAE0];
	_ =	sdelay $0x4  }
0x8fe: {  	[tilespmem:s18+$0xF2F0] =	vst v1;
	v1 =	vld [tilespmem:$0x1CAF0];
	_ =	sdelay $0x4  }
0x8ff: {  	[tilespmem:s18+$0xF300] =	vst v1;
	v1 =	vld [tilespmem:$0x1CB00];
	_ =	sdelay $0x4  }
0x900: {  	[tilespmem:s18+$0xF310] =	vst v1;
	v1 =	vld [tilespmem:$0x1CB10];
	_ =	sdelay $0x4  }
0x901: {  	[tilespmem:s18+$0xF320] =	vst v1;
	v1 =	vld [tilespmem:$0x1CB20];
	_ =	sdelay $0x4  }
0x902: {  	[tilespmem:s18+$0xF330] =	vst v1;
	v1 =	vld [tilespmem:$0x1CB30];
	_ =	sdelay $0x4  }
0x903: {  	[tilespmem:s18+$0xF340] =	vst v1;
	v1 =	vld [tilespmem:$0x1CB40];
	_ =	sdelay $0x4  }
0x904: {  	[tilespmem:s18+$0xF350] =	vst v1;
	v1 =	vld [tilespmem:$0x1CB50];
	_ =	sdelay $0x4  }
0x905: {  	[tilespmem:s18+$0xF360] =	vst v1;
	v1 =	vld [tilespmem:$0x1CB60];
	_ =	sdelay $0x4  }
0x906: {  	[tilespmem:s18+$0xF370] =	vst v1;
	v1 =	vld [tilespmem:$0x1CB70];
	_ =	sdelay $0x4  }
0x907: {  	[tilespmem:s18+$0xF380] =	vst v1;
	v1 =	vld [tilespmem:$0x1CB80];
	_ =	sdelay $0x4  }
0x908: {  	[tilespmem:s18+$0xF390] =	vst v1;
	v1 =	vld [tilespmem:$0x1CB90];
	_ =	sdelay $0x4  }
0x909: {  	[tilespmem:s18+$0xF3A0] =	vst v1;
	v1 =	vld [tilespmem:$0x1CBA0];
	_ =	sdelay $0x4  }
0x90a: {  	[tilespmem:s18+$0xF3B0] =	vst v1;
	v1 =	vld [tilespmem:$0x1CBB0];
	_ =	sdelay $0x4  }
0x90b: {  	[tilespmem:s18+$0xF3C0] =	vst v1;
	v1 =	vld [tilespmem:$0x1CBC0];
	_ =	sdelay $0x4  }
0x90c: {  	[tilespmem:s18+$0xF3D0] =	vst v1;
	v1 =	vld [tilespmem:$0x1CBD0];
	_ =	sdelay $0x4  }
0x90d: {  	[tilespmem:s18+$0xF3E0] =	vst v1;
	v1 =	vld [tilespmem:$0x1CBE0];
	_ =	sdelay $0x4  }
0x90e: {  	[tilespmem:s18+$0xF3F0] =	vst v1;
	v1 =	vld [tilespmem:$0x1CBF0];
	_ =	sdelay $0x4  }
0x90f: {  	[tilespmem:s18+$0xF400] =	vst v1;
	v1 =	vld [tilespmem:$0x1CC00];
	_ =	sdelay $0x4  }
0x910: {  	[tilespmem:s18+$0xF410] =	vst v1;
	v1 =	vld [tilespmem:$0x1CC10];
	_ =	sdelay $0x4  }
0x911: {  	[tilespmem:s18+$0xF420] =	vst v1;
	v1 =	vld [tilespmem:$0x1CC20];
	_ =	sdelay $0x4  }
0x912: {  	[tilespmem:s18+$0xF430] =	vst v1;
	v1 =	vld [tilespmem:$0x1CC30];
	_ =	sdelay $0x4  }
0x913: {  	[tilespmem:s18+$0xF440] =	vst v1;
	v1 =	vld [tilespmem:$0x1CC40];
	_ =	sdelay $0x4  }
0x914: {  	[tilespmem:s18+$0xF450] =	vst v1;
	v1 =	vld [tilespmem:$0x1CC50];
	_ =	sdelay $0x4  }
0x915: {  	[tilespmem:s18+$0xF460] =	vst v1;
	v1 =	vld [tilespmem:$0x1CC60];
	_ =	sdelay $0x4  }
0x916: {  	[tilespmem:s18+$0xF470] =	vst v1;
	v1 =	vld [tilespmem:$0x1CC70];
	_ =	sdelay $0x4  }
0x917: {  	[tilespmem:s18+$0xF480] =	vst v1;
	v1 =	vld [tilespmem:$0x1CC80];
	_ =	sdelay $0x4  }
0x918: {  	[tilespmem:s18+$0xF490] =	vst v1;
	v1 =	vld [tilespmem:$0x1CC90];
	_ =	sdelay $0x4  }
0x919: {  	[tilespmem:s18+$0xF4A0] =	vst v1;
	v1 =	vld [tilespmem:$0x1CCA0];
	_ =	sdelay $0x4  }
0x91a: {  	[tilespmem:s18+$0xF4B0] =	vst v1;
	v1 =	vld [tilespmem:$0x1CCB0];
	_ =	sdelay $0x4  }
0x91b: {  	[tilespmem:s18+$0xF4C0] =	vst v1;
	v1 =	vld [tilespmem:$0x1CCC0];
	_ =	sdelay $0x4  }
0x91c: {  	[tilespmem:s18+$0xF4D0] =	vst v1;
	v1 =	vld [tilespmem:$0x1CCD0];
	_ =	sdelay $0x4  }
0x91d: {  	[tilespmem:s18+$0xF4E0] =	vst v1;
	v1 =	vld [tilespmem:$0x1CCE0];
	_ =	sdelay $0x4  }
0x91e: {  	[tilespmem:s18+$0xF4F0] =	vst v1;
	v1 =	vld [tilespmem:$0x1CCF0];
	_ =	sdelay $0x4  }
0x91f: {  	[tilespmem:s18+$0xF500] =	vst v1;
	v1 =	vld [tilespmem:$0x1CD00];
	_ =	sdelay $0x4  }
0x920: {  	[tilespmem:s18+$0xF510] =	vst v1;
	v1 =	vld [tilespmem:$0x1CD10];
	_ =	sdelay $0x4  }
0x921: {  	[tilespmem:s18+$0xF520] =	vst v1;
	v1 =	vld [tilespmem:$0x1CD20];
	_ =	sdelay $0x4  }
0x922: {  	[tilespmem:s18+$0xF530] =	vst v1;
	v1 =	vld [tilespmem:$0x1CD30];
	_ =	sdelay $0x4  }
0x923: {  	[tilespmem:s18+$0xF540] =	vst v1;
	v1 =	vld [tilespmem:$0x1CD40];
	_ =	sdelay $0x4  }
0x924: {  	[tilespmem:s18+$0xF550] =	vst v1;
	v1 =	vld [tilespmem:$0x1CD50];
	_ =	sdelay $0x4  }
0x925: {  	[tilespmem:s18+$0xF560] =	vst v1;
	v1 =	vld [tilespmem:$0x1CD60];
	_ =	sdelay $0x4  }
0x926: {  	[tilespmem:s18+$0xF570] =	vst v1;
	v1 =	vld [tilespmem:$0x1CD70];
	_ =	sdelay $0x4  }
0x927: {  	[tilespmem:s18+$0xF580] =	vst v1;
	v1 =	vld [tilespmem:$0x1CD80];
	_ =	sdelay $0x4  }
0x928: {  	[tilespmem:s18+$0xF590] =	vst v1;
	v1 =	vld [tilespmem:$0x1CD90];
	_ =	sdelay $0x4  }
0x929: {  	[tilespmem:s18+$0xF5A0] =	vst v1;
	v1 =	vld [tilespmem:$0x1CDA0];
	_ =	sdelay $0x4  }
0x92a: {  	[tilespmem:s18+$0xF5B0] =	vst v1;
	v1 =	vld [tilespmem:$0x1CDB0];
	_ =	sdelay $0x4  }
0x92b: {  	[tilespmem:s18+$0xF5C0] =	vst v1;
	v1 =	vld [tilespmem:$0x1CDC0];
	_ =	sdelay $0x4  }
0x92c: {  	[tilespmem:s18+$0xF5D0] =	vst v1;
	v1 =	vld [tilespmem:$0x1CDD0];
	_ =	sdelay $0x4  }
0x92d: {  	[tilespmem:s18+$0xF5E0] =	vst v1;
	v1 =	vld [tilespmem:$0x1CDE0];
	_ =	sdelay $0x4  }
0x92e: {  	[tilespmem:s18+$0xF5F0] =	vst v1;
	v1 =	vld [tilespmem:$0x1CDF0];
	_ =	sdelay $0x4  }
0x92f: {  	[tilespmem:s18+$0xF600] =	vst v1;
	v1 =	vld [tilespmem:$0x1CE00];
	_ =	sdelay $0x4  }
0x930: {  	[tilespmem:s18+$0xF610] =	vst v1;
	v1 =	vld [tilespmem:$0x1CE10];
	_ =	sdelay $0x4  }
0x931: {  	[tilespmem:s18+$0xF620] =	vst v1;
	v1 =	vld [tilespmem:$0x1CE20];
	_ =	sdelay $0x4  }
0x932: {  	[tilespmem:s18+$0xF630] =	vst v1;
	v1 =	vld [tilespmem:$0x1CE30];
	_ =	sdelay $0x4  }
0x933: {  	[tilespmem:s18+$0xF640] =	vst v1;
	v1 =	vld [tilespmem:$0x1CE40];
	_ =	sdelay $0x4  }
0x934: {  	[tilespmem:s18+$0xF650] =	vst v1;
	v1 =	vld [tilespmem:$0x1CE50];
	_ =	sdelay $0x4  }
0x935: {  	[tilespmem:s18+$0xF660] =	vst v1;
	v1 =	vld [tilespmem:$0x1CE60];
	_ =	sdelay $0x4  }
0x936: {  	[tilespmem:s18+$0xF670] =	vst v1;
	v1 =	vld [tilespmem:$0x1CE70];
	_ =	sdelay $0x4  }
0x937: {  	[tilespmem:s18+$0xF680] =	vst v1;
	v1 =	vld [tilespmem:$0x1CE80];
	_ =	sdelay $0x4  }
0x938: {  	[tilespmem:s18+$0xF690] =	vst v1;
	v1 =	vld [tilespmem:$0x1CE90];
	_ =	sdelay $0x4  }
0x939: {  	[tilespmem:s18+$0xF6A0] =	vst v1;
	v1 =	vld [tilespmem:$0x1CEA0];
	_ =	sdelay $0x4  }
0x93a: {  	[tilespmem:s18+$0xF6B0] =	vst v1;
	v1 =	vld [tilespmem:$0x1CEB0];
	_ =	sdelay $0x4  }
0x93b: {  	[tilespmem:s18+$0xF6C0] =	vst v1;
	v1 =	vld [tilespmem:$0x1CEC0];
	_ =	sdelay $0x4  }
0x93c: {  	[tilespmem:s18+$0xF6D0] =	vst v1;
	v1 =	vld [tilespmem:$0x1CED0];
	_ =	sdelay $0x4  }
0x93d: {  	[tilespmem:s18+$0xF6E0] =	vst v1;
	v1 =	vld [tilespmem:$0x1CEE0];
	_ =	sdelay $0x4  }
0x93e: {  	[tilespmem:s18+$0xF6F0] =	vst v1;
	v1 =	vld [tilespmem:$0x1CEF0];
	_ =	sdelay $0x4  }
0x93f: {  	[tilespmem:s18+$0xF700] =	vst v1;
	v1 =	vld [tilespmem:$0x1CF00];
	_ =	sdelay $0x4  }
0x940: {  	[tilespmem:s18+$0xF710] =	vst v1;
	v1 =	vld [tilespmem:$0x1CF10];
	_ =	sdelay $0x4  }
0x941: {  	[tilespmem:s18+$0xF720] =	vst v1;
	v1 =	vld [tilespmem:$0x1CF20];
	_ =	sdelay $0x4  }
0x942: {  	[tilespmem:s18+$0xF730] =	vst v1;
	v1 =	vld [tilespmem:$0x1CF30];
	_ =	sdelay $0x4  }
0x943: {  	[tilespmem:s18+$0xF740] =	vst v1;
	v1 =	vld [tilespmem:$0x1CF40];
	_ =	sdelay $0x4  }
0x944: {  	[tilespmem:s18+$0xF750] =	vst v1;
	v1 =	vld [tilespmem:$0x1CF50];
	_ =	sdelay $0x4  }
0x945: {  	[tilespmem:s18+$0xF760] =	vst v1;
	v1 =	vld [tilespmem:$0x1CF60];
	_ =	sdelay $0x4  }
0x946: {  	[tilespmem:s18+$0xF770] =	vst v1;
	v1 =	vld [tilespmem:$0x1CF70];
	_ =	sdelay $0x4  }
0x947: {  	[tilespmem:s18+$0xF780] =	vst v1;
	v1 =	vld [tilespmem:$0x1CF80];
	_ =	sdelay $0x4  }
0x948: {  	[tilespmem:s18+$0xF790] =	vst v1;
	v1 =	vld [tilespmem:$0x1CF90];
	_ =	sdelay $0x4  }
0x949: {  	[tilespmem:s18+$0xF7A0] =	vst v1;
	v1 =	vld [tilespmem:$0x1CFA0];
	_ =	sdelay $0x4  }
0x94a: {  	[tilespmem:s18+$0xF7B0] =	vst v1;
	v1 =	vld [tilespmem:$0x1CFB0];
	_ =	sdelay $0x4  }
0x94b: {  	[tilespmem:s18+$0xF7C0] =	vst v1;
	v1 =	vld [tilespmem:$0x1CFC0];
	_ =	sdelay $0x4  }
0x94c: {  	[tilespmem:s18+$0xF7D0] =	vst v1;
	v1 =	vld [tilespmem:$0x1CFD0];
	_ =	sdelay $0x4  }
0x94d: {  	[tilespmem:s18+$0xF7E0] =	vst v1;
	v1 =	vld [tilespmem:$0x1CFE0];
	_ =	sdelay $0x4  }
0x94e: {  	[tilespmem:s18+$0xF7F0] =	vst v1;
	v1 =	vld [tilespmem:$0x1CFF0];
	_ =	sdelay $0x4  }
0x94f: {  	[tilespmem:s18+$0xF800] =	vst v1;
	v1 =	vld [tilespmem:$0x1D000];
	_ =	sdelay $0x4  }
0x950: {  	[tilespmem:s18+$0xF810] =	vst v1;
	v1 =	vld [tilespmem:$0x1D010];
	_ =	sdelay $0x4  }
0x951: {  	[tilespmem:s18+$0xF820] =	vst v1;
	v1 =	vld [tilespmem:$0x1D020];
	_ =	sdelay $0x4  }
0x952: {  	[tilespmem:s18+$0xF830] =	vst v1;
	v1 =	vld [tilespmem:$0x1D030];
	_ =	sdelay $0x4  }
0x953: {  	[tilespmem:s18+$0xF840] =	vst v1;
	v1 =	vld [tilespmem:$0x1D040];
	_ =	sdelay $0x4  }
0x954: {  	[tilespmem:s18+$0xF850] =	vst v1;
	v1 =	vld [tilespmem:$0x1D050];
	_ =	sdelay $0x4  }
0x955: {  	[tilespmem:s18+$0xF860] =	vst v1;
	v1 =	vld [tilespmem:$0x1D060];
	_ =	sdelay $0x4  }
0x956: {  	[tilespmem:s18+$0xF870] =	vst v1;
	v1 =	vld [tilespmem:$0x1D070];
	_ =	sdelay $0x4  }
0x957: {  	[tilespmem:s18+$0xF880] =	vst v1;
	v1 =	vld [tilespmem:$0x1D080];
	_ =	sdelay $0x4  }
0x958: {  	[tilespmem:s18+$0xF890] =	vst v1;
	v1 =	vld [tilespmem:$0x1D090];
	_ =	sdelay $0x4  }
0x959: {  	[tilespmem:s18+$0xF8A0] =	vst v1;
	v1 =	vld [tilespmem:$0x1D0A0];
	_ =	sdelay $0x4  }
0x95a: {  	[tilespmem:s18+$0xF8B0] =	vst v1;
	v1 =	vld [tilespmem:$0x1D0B0];
	_ =	sdelay $0x4  }
0x95b: {  	[tilespmem:s18+$0xF8C0] =	vst v1;
	v1 =	vld [tilespmem:$0x1D0C0];
	_ =	sdelay $0x4  }
0x95c: {  	[tilespmem:s18+$0xF8D0] =	vst v1;
	v1 =	vld [tilespmem:$0x1D0D0];
	_ =	sdelay $0x4  }
0x95d: {  	[tilespmem:s18+$0xF8E0] =	vst v1;
	v1 =	vld [tilespmem:$0x1D0E0];
	_ =	sdelay $0x4  }
0x95e: {  	[tilespmem:s18+$0xF8F0] =	vst v1;
	v1 =	vld [tilespmem:$0x1D0F0];
	_ =	sdelay $0x4  }
0x95f: {  	[tilespmem:s18+$0xF900] =	vst v1;
	v1 =	vld [tilespmem:$0x1D100];
	_ =	sdelay $0x4  }
0x960: {  	[tilespmem:s18+$0xF910] =	vst v1;
	v1 =	vld [tilespmem:$0x1D110];
	_ =	sdelay $0x4  }
0x961: {  	[tilespmem:s18+$0xF920] =	vst v1;
	v1 =	vld [tilespmem:$0x1D120];
	_ =	sdelay $0x4  }
0x962: {  	[tilespmem:s18+$0xF930] =	vst v1;
	v1 =	vld [tilespmem:$0x1D130];
	_ =	sdelay $0x4  }
0x963: {  	[tilespmem:s18+$0xF940] =	vst v1;
	v1 =	vld [tilespmem:$0x1D140];
	_ =	sdelay $0x4  }
0x964: {  	[tilespmem:s18+$0xF950] =	vst v1;
	v1 =	vld [tilespmem:$0x1D150];
	_ =	sdelay $0x4  }
0x965: {  	[tilespmem:s18+$0xF960] =	vst v1;
	v1 =	vld [tilespmem:$0x1D160];
	_ =	sdelay $0x4  }
0x966: {  	[tilespmem:s18+$0xF970] =	vst v1;
	v1 =	vld [tilespmem:$0x1D170];
	_ =	sdelay $0x4  }
0x967: {  	[tilespmem:s18+$0xF980] =	vst v1;
	v1 =	vld [tilespmem:$0x1D180];
	_ =	sdelay $0x4  }
0x968: {  	[tilespmem:s18+$0xF990] =	vst v1;
	v1 =	vld [tilespmem:$0x1D190];
	_ =	sdelay $0x4  }
0x969: {  	[tilespmem:s18+$0xF9A0] =	vst v1;
	v1 =	vld [tilespmem:$0x1D1A0];
	_ =	sdelay $0x4  }
0x96a: {  	[tilespmem:s18+$0xF9B0] =	vst v1;
	v1 =	vld [tilespmem:$0x1D1B0];
	_ =	sdelay $0x4  }
0x96b: {  	[tilespmem:s18+$0xF9C0] =	vst v1;
	v1 =	vld [tilespmem:$0x1D1C0];
	_ =	sdelay $0x4  }
0x96c: {  	[tilespmem:s18+$0xF9D0] =	vst v1;
	v1 =	vld [tilespmem:$0x1D1D0];
	_ =	sdelay $0x4  }
0x96d: {  	[tilespmem:s18+$0xF9E0] =	vst v1;
	v1 =	vld [tilespmem:$0x1D1E0];
	_ =	sdelay $0x4  }
0x96e: {  	[tilespmem:s18+$0xF9F0] =	vst v1;
	v1 =	vld [tilespmem:$0x1D1F0];
	_ =	sdelay $0x4  }
0x96f: {  	[tilespmem:s18+$0xFA00] =	vst v1;
	v1 =	vld [tilespmem:$0x1D200];
	_ =	sdelay $0x4  }
0x970: {  	[tilespmem:s18+$0xFA10] =	vst v1;
	v1 =	vld [tilespmem:$0x1D210];
	_ =	sdelay $0x4  }
0x971: {  	[tilespmem:s18+$0xFA20] =	vst v1;
	v1 =	vld [tilespmem:$0x1D220];
	_ =	sdelay $0x4  }
0x972: {  	[tilespmem:s18+$0xFA30] =	vst v1;
	v1 =	vld [tilespmem:$0x1D230];
	_ =	sdelay $0x4  }
0x973: {  	[tilespmem:s18+$0xFA40] =	vst v1;
	v1 =	vld [tilespmem:$0x1D240];
	_ =	sdelay $0x4  }
0x974: {  	[tilespmem:s18+$0xFA50] =	vst v1;
	v1 =	vld [tilespmem:$0x1D250];
	_ =	sdelay $0x4  }
0x975: {  	[tilespmem:s18+$0xFA60] =	vst v1;
	v1 =	vld [tilespmem:$0x1D260];
	_ =	sdelay $0x4  }
0x976: {  	[tilespmem:s18+$0xFA70] =	vst v1;
	v1 =	vld [tilespmem:$0x1D270];
	_ =	sdelay $0x4  }
0x977: {  	[tilespmem:s18+$0xFA80] =	vst v1;
	v1 =	vld [tilespmem:$0x1D280];
	_ =	sdelay $0x4  }
0x978: {  	[tilespmem:s18+$0xFA90] =	vst v1;
	v1 =	vld [tilespmem:$0x1D290];
	_ =	sdelay $0x4  }
0x979: {  	[tilespmem:s18+$0xFAA0] =	vst v1;
	v1 =	vld [tilespmem:$0x1D2A0];
	_ =	sdelay $0x4  }
0x97a: {  	[tilespmem:s18+$0xFAB0] =	vst v1;
	v1 =	vld [tilespmem:$0x1D2B0];
	_ =	sdelay $0x4  }
0x97b: {  	[tilespmem:s18+$0xFAC0] =	vst v1;
	v1 =	vld [tilespmem:$0x1D2C0];
	_ =	sdelay $0x4  }
0x97c: {  	[tilespmem:s18+$0xFAD0] =	vst v1;
	v1 =	vld [tilespmem:$0x1D2D0];
	_ =	sdelay $0x4  }
0x97d: {  	[tilespmem:s18+$0xFAE0] =	vst v1;
	v1 =	vld [tilespmem:$0x1D2E0];
	_ =	sdelay $0x4  }
0x97e: {  	[tilespmem:s18+$0xFAF0] =	vst v1;
	v1 =	vld [tilespmem:$0x1D2F0];
	_ =	sdelay $0x4  }
0x97f: {  	[tilespmem:s18+$0xFB00] =	vst v1;
	v1 =	vld [tilespmem:$0x1D300];
	_ =	sdelay $0x4  }
0x980: {  	[tilespmem:s18+$0xFB10] =	vst v1;
	v1 =	vld [tilespmem:$0x1D310];
	_ =	sdelay $0x4  }
0x981: {  	[tilespmem:s18+$0xFB20] =	vst v1;
	v1 =	vld [tilespmem:$0x1D320];
	_ =	sdelay $0x4  }
0x982: {  	[tilespmem:s18+$0xFB30] =	vst v1;
	v1 =	vld [tilespmem:$0x1D330];
	_ =	sdelay $0x4  }
0x983: {  	[tilespmem:s18+$0xFB40] =	vst v1  }
0x984: {  	v1 =	vld [tilespmem:$0x1D340];
	_ =	sdelay $0x4  }
0x985: {  	[tilespmem:s18+$0xFB50] =	vst v1;
	v1 =	vld [tilespmem:$0x1D350];
	_ =	sdelay $0x4  }
0x986: {  	[tilespmem:s18+$0xFB60] =	vst v1;
	v1 =	vld [tilespmem:$0x1D360];
	_ =	sdelay $0x4  }
0x987: {  	[tilespmem:s18+$0xFB70] =	vst v1;
	v1 =	vld [tilespmem:$0x1D370];
	_ =	sdelay $0x4  }
0x988: {  	[tilespmem:s18+$0xFB80] =	vst v1;
	v1 =	vld [tilespmem:$0x1D380];
	_ =	sdelay $0x4  }
0x989: {  	[tilespmem:s18+$0xFB90] =	vst v1;
	v1 =	vld [tilespmem:$0x1D390];
	_ =	sdelay $0x4  }
0x98a: {  	[tilespmem:s18+$0xFBA0] =	vst v1;
	v1 =	vld [tilespmem:$0x1D3A0];
	_ =	sdelay $0x4  }
0x98b: {  	[tilespmem:s18+$0xFBB0] =	vst v1;
	v1 =	vld [tilespmem:$0x1D3B0];
	_ =	sdelay $0x4  }
0x98c: {  	[tilespmem:s18+$0xFBC0] =	vst v1;
	v1 =	vld [tilespmem:$0x1D3C0];
	_ =	sdelay $0x4  }
0x98d: {  	[tilespmem:s18+$0xFBD0] =	vst v1;
	v1 =	vld [tilespmem:$0x1D3D0];
	_ =	sdelay $0x4  }
0x98e: {  	[tilespmem:s18+$0xFBE0] =	vst v1;
	v1 =	vld [tilespmem:$0x1D3E0];
	_ =	sdelay $0x4  }
0x98f: {  	[tilespmem:s18+$0xFBF0] =	vst v1;
	v1 =	vld [tilespmem:$0x1D3F0];
	_ =	sdelay $0x4  }
0x990: {  	[tilespmem:s18+$0xFC00] =	vst v1;
	v1 =	vld [tilespmem:$0x1D400];
	_ =	sdelay $0x4  }
0x991: {  	[tilespmem:s18+$0xFC10] =	vst v1;
	v1 =	vld [tilespmem:$0x1D410];
	_ =	sdelay $0x4  }
0x992: {  	[tilespmem:s18+$0xFC20] =	vst v1;
	v1 =	vld [tilespmem:$0x1D420];
	_ =	sdelay $0x4  }
0x993: {  	[tilespmem:s18+$0xFC30] =	vst v1;
	v1 =	vld [tilespmem:$0x1D430];
	_ =	sdelay $0x4  }
0x994: {  	[tilespmem:s18+$0xFC40] =	vst v1;
	v1 =	vld [tilespmem:$0x1D440];
	_ =	sdelay $0x4  }
0x995: {  	[tilespmem:s18+$0xFC50] =	vst v1;
	v1 =	vld [tilespmem:$0x1D450];
	_ =	sdelay $0x4  }
0x996: {  	[tilespmem:s18+$0xFC60] =	vst v1;
	v1 =	vld [tilespmem:$0x1D460];
	_ =	sdelay $0x4  }
0x997: {  	[tilespmem:s18+$0xFC70] =	vst v1;
	v1 =	vld [tilespmem:$0x1D470];
	_ =	sdelay $0x4  }
0x998: {  	[tilespmem:s18+$0xFC80] =	vst v1;
	v1 =	vld [tilespmem:$0x1D480];
	_ =	sdelay $0x4  }
0x999: {  	[tilespmem:s18+$0xFC90] =	vst v1;
	v1 =	vld [tilespmem:$0x1D490];
	_ =	sdelay $0x4  }
0x99a: {  	[tilespmem:s18+$0xFCA0] =	vst v1;
	v1 =	vld [tilespmem:$0x1D4A0];
	_ =	sdelay $0x4  }
0x99b: {  	[tilespmem:s18+$0xFCB0] =	vst v1;
	v1 =	vld [tilespmem:$0x1D4B0];
	_ =	sdelay $0x4  }
0x99c: {  	[tilespmem:s18+$0xFCC0] =	vst v1;
	v1 =	vld [tilespmem:$0x1D4C0];
	_ =	sdelay $0x4  }
0x99d: {  	[tilespmem:s18+$0xFCD0] =	vst v1;
	v1 =	vld [tilespmem:$0x1D4D0];
	_ =	sdelay $0x4  }
0x99e: {  	[tilespmem:s18+$0xFCE0] =	vst v1;
	v1 =	vld [tilespmem:$0x1D4E0];
	_ =	sdelay $0x4  }
0x99f: {  	[tilespmem:s18+$0xFCF0] =	vst v1;
	v1 =	vld [tilespmem:$0x1D4F0];
	_ =	sdelay $0x4  }
0x9a0: {  	[tilespmem:s18+$0xFD00] =	vst v1;
	v1 =	vld [tilespmem:$0x1D500];
	_ =	sdelay $0x4  }
0x9a1: {  	[tilespmem:s18+$0xFD10] =	vst v1;
	v1 =	vld [tilespmem:$0x1D510];
	_ =	sdelay $0x4  }
0x9a2: {  	[tilespmem:s18+$0xFD20] =	vst v1;
	v1 =	vld [tilespmem:$0x1D520];
	_ =	sdelay $0x4  }
0x9a3: {  	[tilespmem:s18+$0xFD30] =	vst v1;
	v1 =	vld [tilespmem:$0x1D530];
	_ =	sdelay $0x4  }
0x9a4: {  	[tilespmem:s18+$0xFD40] =	vst v1;
	v1 =	vld [tilespmem:$0x1D540];
	_ =	sdelay $0x4  }
0x9a5: {  	[tilespmem:s18+$0xFD50] =	vst v1;
	v1 =	vld [tilespmem:$0x1D550];
	_ =	sdelay $0x4  }
0x9a6: {  	[tilespmem:s18+$0xFD60] =	vst v1;
	v1 =	vld [tilespmem:$0x1D560];
	_ =	sdelay $0x4  }
0x9a7: {  	[tilespmem:s18+$0xFD70] =	vst v1;
	v1 =	vld [tilespmem:$0x1D570];
	_ =	sdelay $0x4  }
0x9a8: {  	[tilespmem:s18+$0xFD80] =	vst v1;
	v1 =	vld [tilespmem:$0x1D580];
	_ =	sdelay $0x4  }
0x9a9: {  	[tilespmem:s18+$0xFD90] =	vst v1;
	v1 =	vld [tilespmem:$0x1D590];
	_ =	sdelay $0x4  }
0x9aa: {  	[tilespmem:s18+$0xFDA0] =	vst v1;
	v1 =	vld [tilespmem:$0x1D5A0];
	_ =	sdelay $0x4  }
0x9ab: {  	[tilespmem:s18+$0xFDB0] =	vst v1;
	v1 =	vld [tilespmem:$0x1D5B0];
	_ =	sdelay $0x4  }
0x9ac: {  	[tilespmem:s18+$0x10CE0] =	vst v1;
	v1 =	vld [tilespmem:$0x1D5C0];
	_ =	sdelay $0x4  }
0x9ad: {  	[tilespmem:s18+$0x10CD0] =	vst v1;
	v1 =	vld [tilespmem:$0x1D5D0];
	_ =	sdelay $0x4  }
0x9ae: {  	[tilespmem:s18+$0x10CC0] =	vst v1;
	v1 =	vld [tilespmem:$0x1D5E0];
	_ =	sdelay $0x4  }
0x9af: {  	[tilespmem:s18+$0x10CB0] =	vst v1;
	v1 =	vld [tilespmem:$0x1D5F0];
	_ =	sdelay $0x4  }
0x9b0: {  	[tilespmem:s18+$0x10CA0] =	vst v1;
	v1 =	vld [tilespmem:$0x1D600];
	_ =	sdelay $0x4  }
0x9b1: {  	[tilespmem:s18+$0x10C90] =	vst v1;
	v1 =	vld [tilespmem:$0x1D610];
	_ =	sdelay $0x4  }
0x9b2: {  	[tilespmem:s18+$0x10C80] =	vst v1;
	v1 =	vld [tilespmem:$0x1D620];
	_ =	sdelay $0x4  }
0x9b3: {  	[tilespmem:s18+$0x10C70] =	vst v1;
	v1 =	vld [tilespmem:$0x1D630];
	_ =	sdelay $0x4  }
0x9b4: {  	[tilespmem:s18+$0x10C60] =	vst v1;
	v1 =	vld [tilespmem:$0x1D640];
	_ =	sdelay $0x4  }
0x9b5: {  	[tilespmem:s18+$0x10C50] =	vst v1;
	v1 =	vld [tilespmem:$0x1D650];
	_ =	sdelay $0x4  }
0x9b6: {  	[tilespmem:s18+$0x10C40] =	vst v1;
	v1 =	vld [tilespmem:$0x1D660];
	_ =	sdelay $0x4  }
0x9b7: {  	[tilespmem:s18+$0x10C30] =	vst v1;
	v1 =	vld [tilespmem:$0x1D670];
	_ =	sdelay $0x4  }
0x9b8: {  	[tilespmem:s18+$0x10C20] =	vst v1;
	v1 =	vld [tilespmem:$0x1D680];
	_ =	sdelay $0x4  }
0x9b9: {  	[tilespmem:s18+$0x10C10] =	vst v1;
	v1 =	vld [tilespmem:$0x1D690];
	_ =	sdelay $0x4  }
0x9ba: {  	[tilespmem:s18+$0x10C00] =	vst v1;
	v1 =	vld [tilespmem:$0x1D6A0];
	_ =	sdelay $0x4  }
0x9bb: {  	[tilespmem:s18+$0x10BF0] =	vst v1;
	v1 =	vld [tilespmem:$0x1D6B0];
	_ =	sdelay $0x4  }
0x9bc: {  	[tilespmem:s18+$0x10BE0] =	vst v1;
	v1 =	vld [tilespmem:$0x1D6C0];
	_ =	sdelay $0x4  }
0x9bd: {  	[tilespmem:s18+$0x10BD0] =	vst v1;
	v1 =	vld [tilespmem:$0x1D6D0];
	_ =	sdelay $0x4  }
0x9be: {  	[tilespmem:s18+$0x10BC0] =	vst v1;
	v1 =	vld [tilespmem:$0x1D6E0];
	_ =	sdelay $0x4  }
0x9bf: {  	[tilespmem:s18+$0x10BB0] =	vst v1;
	v1 =	vld [tilespmem:$0x1D6F0];
	_ =	sdelay $0x4  }
0x9c0: {  	[tilespmem:s18+$0x10BA0] =	vst v1;
	v1 =	vld [tilespmem:$0x1D700];
	_ =	sdelay $0x4  }
0x9c1: {  	[tilespmem:s18+$0x10B90] =	vst v1;
	v1 =	vld [tilespmem:$0x1D710];
	_ =	sdelay $0x4  }
0x9c2: {  	[tilespmem:s18+$0x10B80] =	vst v1;
	v1 =	vld [tilespmem:$0x1D720];
	_ =	sdelay $0x4  }
0x9c3: {  	[tilespmem:s18+$0x10B70] =	vst v1;
	v1 =	vld [tilespmem:$0x1D730];
	_ =	sdelay $0x4  }
0x9c4: {  	[tilespmem:s18+$0x10B60] =	vst v1;
	v1 =	vld [tilespmem:$0x1D740];
	_ =	sdelay $0x4  }
0x9c5: {  	[tilespmem:s18+$0x10B50] =	vst v1;
	v1 =	vld [tilespmem:$0x1D750];
	_ =	sdelay $0x4  }
0x9c6: {  	[tilespmem:s18+$0x10B40] =	vst v1;
	v1 =	vld [tilespmem:$0x1D760];
	_ =	sdelay $0x4  }
0x9c7: {  	[tilespmem:s18+$0x10B30] =	vst v1;
	v1 =	vld [tilespmem:$0x1D770];
	_ =	sdelay $0x4  }
0x9c8: {  	[tilespmem:s18+$0x10B20] =	vst v1;
	v1 =	vld [tilespmem:$0x1D780];
	_ =	sdelay $0x4  }
0x9c9: {  	[tilespmem:s18+$0x10B10] =	vst v1;
	v1 =	vld [tilespmem:$0x1D790];
	_ =	sdelay $0x4  }
0x9ca: {  	[tilespmem:s18+$0x10B00] =	vst v1;
	v1 =	vld [tilespmem:$0x1D7A0];
	_ =	sdelay $0x4  }
0x9cb: {  	[tilespmem:s18+$0x10AF0] =	vst v1;
	v1 =	vld [tilespmem:$0x1D7B0];
	_ =	sdelay $0x4  }
0x9cc: {  	[tilespmem:s18+$0x10AE0] =	vst v1;
	v1 =	vld [tilespmem:$0x1D7C0];
	_ =	sdelay $0x4  }
0x9cd: {  	[tilespmem:s18+$0x10AD0] =	vst v1;
	v1 =	vld [tilespmem:$0x1D7D0];
	_ =	sdelay $0x4  }
0x9ce: {  	[tilespmem:s18+$0x10AC0] =	vst v1;
	v1 =	vld [tilespmem:$0x1D7E0];
	_ =	sdelay $0x4  }
0x9cf: {  	[tilespmem:s18+$0x10AB0] =	vst v1;
	v1 =	vld [tilespmem:$0x1D7F0];
	_ =	sdelay $0x4  }
0x9d0: {  	[tilespmem:s18+$0x10AA0] =	vst v1;
	v1 =	vld [tilespmem:$0x1D800];
	_ =	sdelay $0x4  }
0x9d1: {  	[tilespmem:s18+$0x10A90] =	vst v1;
	v1 =	vld [tilespmem:$0x1D810];
	_ =	sdelay $0x4  }
0x9d2: {  	[tilespmem:s18+$0x10A80] =	vst v1;
	v1 =	vld [tilespmem:$0x1D820];
	_ =	sdelay $0x4  }
0x9d3: {  	[tilespmem:s18+$0x10A70] =	vst v1;
	v1 =	vld [tilespmem:$0x1D830];
	_ =	sdelay $0x4  }
0x9d4: {  	[tilespmem:s18+$0x10A60] =	vst v1;
	v1 =	vld [tilespmem:$0x1D840];
	_ =	sdelay $0x4  }
0x9d5: {  	[tilespmem:s18+$0x10A50] =	vst v1;
	v1 =	vld [tilespmem:$0x1D850];
	_ =	sdelay $0x4  }
0x9d6: {  	[tilespmem:s18+$0x10A40] =	vst v1;
	v1 =	vld [tilespmem:$0x1D860];
	_ =	sdelay $0x4  }
0x9d7: {  	[tilespmem:s18+$0x10A30] =	vst v1;
	v1 =	vld [tilespmem:$0x1D870];
	_ =	sdelay $0x4  }
0x9d8: {  	[tilespmem:s18+$0x10A20] =	vst v1;
	v1 =	vld [tilespmem:$0x1D880];
	_ =	sdelay $0x4  }
0x9d9: {  	[tilespmem:s18+$0x10A10] =	vst v1;
	v1 =	vld [tilespmem:$0x1D890];
	_ =	sdelay $0x4  }
0x9da: {  	[tilespmem:s18+$0x10A00] =	vst v1;
	v1 =	vld [tilespmem:$0x1D8A0];
	_ =	sdelay $0x4  }
0x9db: {  	[tilespmem:s18+$0x109F0] =	vst v1;
	v1 =	vld [tilespmem:$0x1D8B0];
	_ =	sdelay $0x4  }
0x9dc: {  	[tilespmem:s18+$0x109E0] =	vst v1;
	v1 =	vld [tilespmem:$0x1D8C0];
	_ =	sdelay $0x4  }
0x9dd: {  	[tilespmem:s18+$0x109D0] =	vst v1;
	v1 =	vld [tilespmem:$0x1D8D0];
	_ =	sdelay $0x4  }
0x9de: {  	[tilespmem:s18+$0x109C0] =	vst v1;
	v1 =	vld [tilespmem:$0x1D8E0];
	_ =	sdelay $0x4  }
0x9df: {  	[tilespmem:s18+$0x109B0] =	vst v1;
	v1 =	vld [tilespmem:$0x1D8F0];
	_ =	sdelay $0x4  }
0x9e0: {  	[tilespmem:s18+$0x109A0] =	vst v1;
	v1 =	vld [tilespmem:$0x1D900];
	_ =	sdelay $0x4  }
0x9e1: {  	[tilespmem:s18+$0x10990] =	vst v1;
	v1 =	vld [tilespmem:$0x1D910];
	_ =	sdelay $0x4  }
0x9e2: {  	[tilespmem:s18+$0x10980] =	vst v1;
	v1 =	vld [tilespmem:$0x1D920];
	_ =	sdelay $0x4  }
0x9e3: {  	[tilespmem:s18+$0x10970] =	vst v1;
	v1 =	vld [tilespmem:$0x1D930];
	_ =	sdelay $0x4  }
0x9e4: {  	[tilespmem:s18+$0x10960] =	vst v1;
	v1 =	vld [tilespmem:$0x1D940];
	_ =	sdelay $0x4  }
0x9e5: {  	[tilespmem:s18+$0x10950] =	vst v1;
	v1 =	vld [tilespmem:$0x1D950];
	_ =	sdelay $0x4  }
0x9e6: {  	[tilespmem:s18+$0x10940] =	vst v1;
	v1 =	vld [tilespmem:$0x1D960];
	_ =	sdelay $0x4  }
0x9e7: {  	[tilespmem:s18+$0x10930] =	vst v1;
	v1 =	vld [tilespmem:$0x1D970];
	_ =	sdelay $0x4  }
0x9e8: {  	[tilespmem:s18+$0x10920] =	vst v1;
	v1 =	vld [tilespmem:$0x1D980];
	_ =	sdelay $0x4  }
0x9e9: {  	[tilespmem:s18+$0x10910] =	vst v1;
	v1 =	vld [tilespmem:$0x1D990];
	_ =	sdelay $0x4  }
0x9ea: {  	[tilespmem:s18+$0x10900] =	vst v1;
	v1 =	vld [tilespmem:$0x1D9A0];
	_ =	sdelay $0x4  }
0x9eb: {  	[tilespmem:s18+$0x108F0] =	vst v1;
	v1 =	vld [tilespmem:$0x1D9B0];
	_ =	sdelay $0x4  }
0x9ec: {  	[tilespmem:s18+$0x108E0] =	vst v1;
	v1 =	vld [tilespmem:$0x1D9C0];
	_ =	sdelay $0x4  }
0x9ed: {  	[tilespmem:s18+$0x108D0] =	vst v1;
	v1 =	vld [tilespmem:$0x1D9D0];
	_ =	sdelay $0x4  }
0x9ee: {  	[tilespmem:s18+$0x108C0] =	vst v1;
	v1 =	vld [tilespmem:$0x1D9E0];
	_ =	sdelay $0x4  }
0x9ef: {  	[tilespmem:s18+$0x108B0] =	vst v1;
	v1 =	vld [tilespmem:$0x1D9F0];
	_ =	sdelay $0x4  }
0x9f0: {  	[tilespmem:s18+$0x108A0] =	vst v1;
	v1 =	vld [tilespmem:$0x1DA00];
	_ =	sdelay $0x4  }
0x9f1: {  	[tilespmem:s18+$0x10890] =	vst v1;
	v1 =	vld [tilespmem:$0x1DA10];
	_ =	sdelay $0x4  }
0x9f2: {  	[tilespmem:s18+$0x10880] =	vst v1;
	v1 =	vld [tilespmem:$0x1DA20];
	_ =	sdelay $0x4  }
0x9f3: {  	[tilespmem:s18+$0x10870] =	vst v1;
	v1 =	vld [tilespmem:$0x1DA30];
	_ =	sdelay $0x4  }
0x9f4: {  	[tilespmem:s18+$0x10860] =	vst v1;
	v1 =	vld [tilespmem:$0x1DA40];
	_ =	sdelay $0x4  }
0x9f5: {  	[tilespmem:s18+$0x10850] =	vst v1;
	v1 =	vld [tilespmem:$0x1DA50];
	_ =	sdelay $0x4  }
0x9f6: {  	[tilespmem:s18+$0x10840] =	vst v1;
	v1 =	vld [tilespmem:$0x1DA60];
	_ =	sdelay $0x4  }
0x9f7: {  	[tilespmem:s18+$0x10830] =	vst v1;
	v1 =	vld [tilespmem:$0x1DA70];
	_ =	sdelay $0x4  }
0x9f8: {  	[tilespmem:s18+$0x10820] =	vst v1;
	v1 =	vld [tilespmem:$0x1DA80];
	_ =	sdelay $0x4  }
0x9f9: {  	[tilespmem:s18+$0x10810] =	vst v1;
	v1 =	vld [tilespmem:$0x1DA90];
	_ =	sdelay $0x4  }
0x9fa: {  	[tilespmem:s18+$0x10800] =	vst v1;
	v1 =	vld [tilespmem:$0x1DAA0];
	_ =	sdelay $0x4  }
0x9fb: {  	[tilespmem:s18+$0x107F0] =	vst v1;
	v1 =	vld [tilespmem:$0x1DAB0];
	_ =	sdelay $0x4  }
0x9fc: {  	[tilespmem:s18+$0x107E0] =	vst v1;
	v1 =	vld [tilespmem:$0x1DAC0];
	_ =	sdelay $0x4  }
0x9fd: {  	[tilespmem:s18+$0x107D0] =	vst v1;
	v1 =	vld [tilespmem:$0x1DAD0];
	_ =	sdelay $0x4  }
0x9fe: {  	[tilespmem:s18+$0x107C0] =	vst v1;
	v1 =	vld [tilespmem:$0x1DAE0];
	_ =	sdelay $0x4  }
0x9ff: {  	[tilespmem:s18+$0x107B0] =	vst v1;
	v1 =	vld [tilespmem:$0x1DAF0];
	_ =	sdelay $0x4  }
0xa00: {  	[tilespmem:s18+$0x107A0] =	vst v1;
	v1 =	vld [tilespmem:$0x1DB00];
	_ =	sdelay $0x4  }
0xa01: {  	[tilespmem:s18+$0x10790] =	vst v1;
	v1 =	vld [tilespmem:$0x1DB10];
	_ =	sdelay $0x4  }
0xa02: {  	[tilespmem:s18+$0x10780] =	vst v1;
	v1 =	vld [tilespmem:$0x1DB20];
	_ =	sdelay $0x4  }
0xa03: {  	[tilespmem:s18+$0x10770] =	vst v1;
	v1 =	vld [tilespmem:$0x1DB30];
	_ =	sdelay $0x4  }
0xa04: {  	[tilespmem:s18+$0x10760] =	vst v1;
	v1 =	vld [tilespmem:$0x1DB40];
	_ =	sdelay $0x4  }
0xa05: {  	[tilespmem:s18+$0x10750] =	vst v1;
	v1 =	vld [tilespmem:$0x1DB50];
	_ =	sdelay $0x4  }
0xa06: {  	[tilespmem:s18+$0x10740] =	vst v1;
	v1 =	vld [tilespmem:$0x1DB60];
	_ =	sdelay $0x4  }
0xa07: {  	[tilespmem:s18+$0x10730] =	vst v1;
	v1 =	vld [tilespmem:$0x1DB70];
	_ =	sdelay $0x4  }
0xa08: {  	[tilespmem:s18+$0x10720] =	vst v1;
	v1 =	vld [tilespmem:$0x1DB80];
	_ =	sdelay $0x4  }
0xa09: {  	[tilespmem:s18+$0x10710] =	vst v1;
	v1 =	vld [tilespmem:$0x1DB90];
	_ =	sdelay $0x4  }
0xa0a: {  	[tilespmem:s18+$0x10700] =	vst v1;
	v1 =	vld [tilespmem:$0x1DBA0];
	_ =	sdelay $0x4  }
0xa0b: {  	[tilespmem:s18+$0x106F0] =	vst v1;
	v1 =	vld [tilespmem:$0x1DBB0];
	_ =	sdelay $0x4  }
0xa0c: {  	[tilespmem:s18+$0x106E0] =	vst v1;
	v1 =	vld [tilespmem:$0x1DBC0];
	_ =	sdelay $0x4  }
0xa0d: {  	[tilespmem:s18+$0x106D0] =	vst v1;
	v1 =	vld [tilespmem:$0x1DBD0];
	_ =	sdelay $0x4  }
0xa0e: {  	[tilespmem:s18+$0x106C0] =	vst v1;
	v1 =	vld [tilespmem:$0x1DBE0];
	_ =	sdelay $0x4  }
0xa0f: {  	[tilespmem:s18+$0x106B0] =	vst v1;
	v1 =	vld [tilespmem:$0x1DBF0];
	_ =	sdelay $0x4  }
0xa10: {  	[tilespmem:s18+$0x106A0] =	vst v1;
	v1 =	vld [tilespmem:$0x1DC00];
	_ =	sdelay $0x4  }
0xa11: {  	[tilespmem:s18+$0x10690] =	vst v1;
	v1 =	vld [tilespmem:$0x1DC10];
	_ =	sdelay $0x4  }
0xa12: {  	[tilespmem:s18+$0x10680] =	vst v1;
	v1 =	vld [tilespmem:$0x1DC20];
	_ =	sdelay $0x4  }
0xa13: {  	[tilespmem:s18+$0x10670] =	vst v1;
	v1 =	vld [tilespmem:$0x1DC30];
	_ =	sdelay $0x4  }
0xa14: {  	[tilespmem:s18+$0x10660] =	vst v1;
	v1 =	vld [tilespmem:$0x1DC40];
	_ =	sdelay $0x4  }
0xa15: {  	[tilespmem:s18+$0x10650] =	vst v1;
	v1 =	vld [tilespmem:$0x1DC50];
	_ =	sdelay $0x4  }
0xa16: {  	[tilespmem:s18+$0x10640] =	vst v1;
	v1 =	vld [tilespmem:$0x1DC60];
	_ =	sdelay $0x4  }
0xa17: {  	[tilespmem:s18+$0x10630] =	vst v1;
	v1 =	vld [tilespmem:$0x1DC70];
	_ =	sdelay $0x4  }
0xa18: {  	[tilespmem:s18+$0x10620] =	vst v1;
	v1 =	vld [tilespmem:$0x1DC80];
	_ =	sdelay $0x4  }
0xa19: {  	[tilespmem:s18+$0x10610] =	vst v1;
	v1 =	vld [tilespmem:$0x1DC90];
	_ =	sdelay $0x4  }
0xa1a: {  	[tilespmem:s18+$0x10600] =	vst v1;
	v1 =	vld [tilespmem:$0x1DCA0];
	_ =	sdelay $0x4  }
0xa1b: {  	[tilespmem:s18+$0x105F0] =	vst v1;
	v1 =	vld [tilespmem:$0x1DCB0];
	_ =	sdelay $0x4  }
0xa1c: {  	[tilespmem:s18+$0x105E0] =	vst v1;
	v1 =	vld [tilespmem:$0x1DCC0];
	_ =	sdelay $0x4  }
0xa1d: {  	[tilespmem:s18+$0x105D0] =	vst v1;
	v1 =	vld [tilespmem:$0x1DCD0];
	_ =	sdelay $0x4  }
0xa1e: {  	[tilespmem:s18+$0x105C0] =	vst v1;
	v1 =	vld [tilespmem:$0x1DCE0];
	_ =	sdelay $0x4  }
0xa1f: {  	[tilespmem:s18+$0x105B0] =	vst v1;
	v1 =	vld [tilespmem:$0x1DCF0];
	_ =	sdelay $0x4  }
0xa20: {  	[tilespmem:s18+$0x105A0] =	vst v1;
	v1 =	vld [tilespmem:$0x1DD00];
	_ =	sdelay $0x4  }
0xa21: {  	[tilespmem:s18+$0x10590] =	vst v1;
	v1 =	vld [tilespmem:$0x1DD10];
	_ =	sdelay $0x4  }
0xa22: {  	[tilespmem:s18+$0x10580] =	vst v1;
	v1 =	vld [tilespmem:$0x1DD20];
	_ =	sdelay $0x4  }
0xa23: {  	[tilespmem:s18+$0x10570] =	vst v1;
	v1 =	vld [tilespmem:$0x1DD30];
	_ =	sdelay $0x4  }
0xa24: {  	[tilespmem:s18+$0x10560] =	vst v1;
	v1 =	vld [tilespmem:$0x1DD40];
	_ =	sdelay $0x4  }
0xa25: {  	[tilespmem:s18+$0x10550] =	vst v1;
	v1 =	vld [tilespmem:$0x1DD50];
	_ =	sdelay $0x4  }
0xa26: {  	[tilespmem:s18+$0x10540] =	vst v1;
	v1 =	vld [tilespmem:$0x1DD60];
	_ =	sdelay $0x4  }
0xa27: {  	[tilespmem:s18+$0x10530] =	vst v1;
	v1 =	vld [tilespmem:$0x1DD70];
	_ =	sdelay $0x4  }
0xa28: {  	[tilespmem:s18+$0x10520] =	vst v1;
	v1 =	vld [tilespmem:$0x1DD80];
	_ =	sdelay $0x4  }
0xa29: {  	[tilespmem:s18+$0x10510] =	vst v1;
	v1 =	vld [tilespmem:$0x1DD90];
	_ =	sdelay $0x4  }
0xa2a: {  	[tilespmem:s18+$0x10500] =	vst v1;
	v1 =	vld [tilespmem:$0x1DDA0];
	_ =	sdelay $0x4  }
0xa2b: {  	[tilespmem:s18+$0x104F0] =	vst v1;
	v1 =	vld [tilespmem:$0x1DDB0];
	_ =	sdelay $0x4  }
0xa2c: {  	[tilespmem:s18+$0x104E0] =	vst v1;
	v1 =	vld [tilespmem:$0x1DDC0];
	_ =	sdelay $0x4  }
0xa2d: {  	[tilespmem:s18+$0x104D0] =	vst v1;
	v1 =	vld [tilespmem:$0x1DDD0];
	_ =	sdelay $0x4  }
0xa2e: {  	[tilespmem:s18+$0x104C0] =	vst v1;
	v1 =	vld [tilespmem:$0x1DDE0];
	_ =	sdelay $0x4  }
0xa2f: {  	[tilespmem:s18+$0x104B0] =	vst v1;
	v1 =	vld [tilespmem:$0x1DDF0];
	_ =	sdelay $0x4  }
0xa30: {  	[tilespmem:s18+$0x104A0] =	vst v1;
	v1 =	vld [tilespmem:$0x1DE00];
	_ =	sdelay $0x4  }
0xa31: {  	[tilespmem:s18+$0x10490] =	vst v1;
	v1 =	vld [tilespmem:$0x1DE10];
	_ =	sdelay $0x4  }
0xa32: {  	[tilespmem:s18+$0x10480] =	vst v1;
	v1 =	vld [tilespmem:$0x1DE20];
	_ =	sdelay $0x4  }
0xa33: {  	[tilespmem:s18+$0x10470] =	vst v1;
	v1 =	vld [tilespmem:$0x1DE30];
	_ =	sdelay $0x4  }
0xa34: {  	[tilespmem:s18+$0x10460] =	vst v1;
	v1 =	vld [tilespmem:$0x1DE40];
	_ =	sdelay $0x4  }
0xa35: {  	[tilespmem:s18+$0x10450] =	vst v1;
	v1 =	vld [tilespmem:$0x1DE50];
	_ =	sdelay $0x4  }
0xa36: {  	[tilespmem:s18+$0x10440] =	vst v1;
	v1 =	vld [tilespmem:$0x1DE60];
	_ =	sdelay $0x4  }
0xa37: {  	[tilespmem:s18+$0x10430] =	vst v1;
	v1 =	vld [tilespmem:$0x1DE70];
	_ =	sdelay $0x4  }
0xa38: {  	[tilespmem:s18+$0x10420] =	vst v1;
	v1 =	vld [tilespmem:$0x1DE80];
	_ =	sdelay $0x4  }
0xa39: {  	[tilespmem:s18+$0x10410] =	vst v1;
	v1 =	vld [tilespmem:$0x1DE90];
	_ =	sdelay $0x4  }
0xa3a: {  	[tilespmem:s18+$0x10400] =	vst v1;
	v1 =	vld [tilespmem:$0x1DEA0];
	_ =	sdelay $0x4  }
0xa3b: {  	[tilespmem:s18+$0x103F0] =	vst v1;
	v1 =	vld [tilespmem:$0x1DEB0];
	_ =	sdelay $0x4  }
0xa3c: {  	[tilespmem:s18+$0x103E0] =	vst v1;
	v1 =	vld [tilespmem:$0x1DEC0];
	_ =	sdelay $0x4  }
0xa3d: {  	[tilespmem:s18+$0x103D0] =	vst v1;
	v1 =	vld [tilespmem:$0x1DED0];
	_ =	sdelay $0x4  }
0xa3e: {  	[tilespmem:s18+$0x103C0] =	vst v1;
	v1 =	vld [tilespmem:$0x1DEE0];
	_ =	sdelay $0x4  }
0xa3f: {  	[tilespmem:s18+$0x103B0] =	vst v1;
	v1 =	vld [tilespmem:$0x1DEF0];
	_ =	sdelay $0x4  }
0xa40: {  	[tilespmem:s18+$0x103A0] =	vst v1;
	v1 =	vld [tilespmem:$0x1DF00];
	_ =	sdelay $0x4  }
0xa41: {  	[tilespmem:s18+$0x10390] =	vst v1;
	v1 =	vld [tilespmem:$0x1DF10];
	_ =	sdelay $0x4  }
0xa42: {  	[tilespmem:s18+$0x10380] =	vst v1;
	v1 =	vld [tilespmem:$0x1DF20];
	_ =	sdelay $0x4  }
0xa43: {  	[tilespmem:s18+$0x10370] =	vst v1;
	v1 =	vld [tilespmem:$0x1DF30];
	_ =	sdelay $0x4  }
0xa44: {  	[tilespmem:s18+$0x10360] =	vst v1;
	v1 =	vld [tilespmem:$0x1DF40];
	_ =	sdelay $0x4  }
0xa45: {  	[tilespmem:s18+$0x10350] =	vst v1;
	v1 =	vld [tilespmem:$0x1DF50];
	_ =	sdelay $0x4  }
0xa46: {  	[tilespmem:s18+$0x10340] =	vst v1;
	v1 =	vld [tilespmem:$0x1DF60];
	_ =	sdelay $0x4  }
0xa47: {  	[tilespmem:s18+$0x10330] =	vst v1;
	v1 =	vld [tilespmem:$0x1DF70];
	_ =	sdelay $0x4  }
0xa48: {  	[tilespmem:s18+$0x10320] =	vst v1;
	v1 =	vld [tilespmem:$0x1DF80];
	_ =	sdelay $0x4  }
0xa49: {  	[tilespmem:s18+$0x10310] =	vst v1;
	v1 =	vld [tilespmem:$0x1DF90];
	_ =	sdelay $0x4  }
0xa4a: {  	[tilespmem:s18+$0x10300] =	vst v1;
	v1 =	vld [tilespmem:$0x1DFA0];
	_ =	sdelay $0x4  }
0xa4b: {  	[tilespmem:s18+$0x102F0] =	vst v1;
	v1 =	vld [tilespmem:$0x1DFB0];
	_ =	sdelay $0x4  }
0xa4c: {  	[tilespmem:s18+$0x102E0] =	vst v1;
	v1 =	vld [tilespmem:$0x1DFC0];
	_ =	sdelay $0x4  }
0xa4d: {  	[tilespmem:s18+$0x102D0] =	vst v1;
	v1 =	vld [tilespmem:$0x1DFD0];
	_ =	sdelay $0x4  }
0xa4e: {  	[tilespmem:s18+$0x102C0] =	vst v1;
	v1 =	vld [tilespmem:$0x1DFE0];
	_ =	sdelay $0x4  }
0xa4f: {  	[tilespmem:s18+$0x102B0] =	vst v1;
	v1 =	vld [tilespmem:$0x1DFF0];
	_ =	sdelay $0x4  }
0xa50: {  	[tilespmem:s18+$0x102A0] =	vst v1;
	v1 =	vld [tilespmem:$0x1E000];
	_ =	sdelay $0x4  }
0xa51: {  	[tilespmem:s18+$0x10290] =	vst v1;
	v1 =	vld [tilespmem:$0x1E010];
	_ =	sdelay $0x4  }
0xa52: {  	[tilespmem:s18+$0x10280] =	vst v1;
	v1 =	vld [tilespmem:$0x1E020];
	_ =	sdelay $0x4  }
0xa53: {  	[tilespmem:s18+$0x10270] =	vst v1;
	v1 =	vld [tilespmem:$0x1E030];
	_ =	sdelay $0x4  }
0xa54: {  	[tilespmem:s18+$0x10260] =	vst v1;
	v1 =	vld [tilespmem:$0x1E040];
	_ =	sdelay $0x4  }
0xa55: {  	[tilespmem:s18+$0x10250] =	vst v1;
	v1 =	vld [tilespmem:$0x1E050];
	_ =	sdelay $0x4  }
0xa56: {  	[tilespmem:s18+$0x10240] =	vst v1;
	v1 =	vld [tilespmem:$0x1E060];
	_ =	sdelay $0x4  }
0xa57: {  	[tilespmem:s18+$0x10230] =	vst v1;
	v1 =	vld [tilespmem:$0x1E070];
	_ =	sdelay $0x4  }
0xa58: {  	[tilespmem:s18+$0x10220] =	vst v1;
	v1 =	vld [tilespmem:$0x1E080];
	_ =	sdelay $0x4  }
0xa59: {  	[tilespmem:s18+$0x10210] =	vst v1;
	v1 =	vld [tilespmem:$0x1E090];
	_ =	sdelay $0x4  }
0xa5a: {  	[tilespmem:s18+$0x10200] =	vst v1;
	v1 =	vld [tilespmem:$0x1E0A0];
	_ =	sdelay $0x4  }
0xa5b: {  	[tilespmem:s18+$0x101F0] =	vst v1;
	v1 =	vld [tilespmem:$0x1E0B0];
	_ =	sdelay $0x4  }
0xa5c: {  	[tilespmem:s18+$0x101E0] =	vst v1;
	v1 =	vld [tilespmem:$0x1E0C0];
	_ =	sdelay $0x4  }
0xa5d: {  	[tilespmem:s18+$0x101D0] =	vst v1;
	v1 =	vld [tilespmem:$0x1E0D0];
	_ =	sdelay $0x4  }
0xa5e: {  	[tilespmem:s18+$0x101C0] =	vst v1;
	v1 =	vld [tilespmem:$0x1E0E0];
	_ =	sdelay $0x4  }
0xa5f: {  	[tilespmem:s18+$0x101B0] =	vst v1;
	v1 =	vld [tilespmem:$0x1E0F0];
	_ =	sdelay $0x4  }
0xa60: {  	[tilespmem:s18+$0x101A0] =	vst v1;
	v1 =	vld [tilespmem:$0x1E100];
	_ =	sdelay $0x4  }
0xa61: {  	[tilespmem:s18+$0x10190] =	vst v1;
	v1 =	vld [tilespmem:$0x1E110];
	_ =	sdelay $0x4  }
0xa62: {  	[tilespmem:s18+$0x10180] =	vst v1;
	v1 =	vld [tilespmem:$0x1E120];
	_ =	sdelay $0x4  }
0xa63: {  	[tilespmem:s18+$0x10170] =	vst v1;
	v1 =	vld [tilespmem:$0x1E130];
	_ =	sdelay $0x4  }
0xa64: {  	[tilespmem:s18+$0x10160] =	vst v1;
	v1 =	vld [tilespmem:$0x1E140];
	_ =	sdelay $0x4  }
0xa65: {  	[tilespmem:s18+$0x10150] =	vst v1;
	v1 =	vld [tilespmem:$0x1E150];
	_ =	sdelay $0x4  }
0xa66: {  	[tilespmem:s18+$0x10140] =	vst v1;
	v1 =	vld [tilespmem:$0x1E160];
	_ =	sdelay $0x4  }
0xa67: {  	[tilespmem:s18+$0x10130] =	vst v1;
	v1 =	vld [tilespmem:$0x1E170];
	_ =	sdelay $0x4  }
0xa68: {  	[tilespmem:s18+$0x10120] =	vst v1;
	v1 =	vld [tilespmem:$0x1E180];
	_ =	sdelay $0x4  }
0xa69: {  	[tilespmem:s18+$0x10110] =	vst v1;
	v1 =	vld [tilespmem:$0x1E190];
	_ =	sdelay $0x4  }
0xa6a: {  	[tilespmem:s18+$0x10100] =	vst v1;
	v1 =	vld [tilespmem:$0x1E1A0];
	_ =	sdelay $0x4  }
0xa6b: {  	[tilespmem:s18+$0x100F0] =	vst v1;
	v1 =	vld [tilespmem:$0x1E1B0];
	_ =	sdelay $0x4  }
0xa6c: {  	[tilespmem:s18+$0x100E0] =	vst v1;
	v1 =	vld [tilespmem:$0x1E1C0];
	_ =	sdelay $0x4  }
0xa6d: {  	[tilespmem:s18+$0x100D0] =	vst v1;
	v1 =	vld [tilespmem:$0x1E1D0];
	_ =	sdelay $0x4  }
0xa6e: {  	[tilespmem:s18+$0x100C0] =	vst v1;
	v1 =	vld [tilespmem:$0x1E1E0];
	_ =	sdelay $0x4  }
0xa6f: {  	[tilespmem:s18+$0x100B0] =	vst v1;
	v1 =	vld [tilespmem:$0x1E1F0];
	_ =	sdelay $0x4  }
0xa70: {  	[tilespmem:s18+$0x100A0] =	vst v1;
	v1 =	vld [tilespmem:$0x1E200];
	_ =	sdelay $0x4  }
0xa71: {  	[tilespmem:s18+$0x10090] =	vst v1;
	v1 =	vld [tilespmem:$0x1E210];
	_ =	sdelay $0x4  }
0xa72: {  	[tilespmem:s18+$0x10080] =	vst v1;
	v1 =	vld [tilespmem:$0x1E220];
	_ =	sdelay $0x4  }
0xa73: {  	[tilespmem:s18+$0x10070] =	vst v1;
	v1 =	vld [tilespmem:$0x1E230];
	_ =	sdelay $0x4  }
0xa74: {  	[tilespmem:s18+$0x10060] =	vst v1;
	v1 =	vld [tilespmem:$0x1E240];
	_ =	sdelay $0x4  }
0xa75: {  	[tilespmem:s18+$0x10050] =	vst v1;
	v1 =	vld [tilespmem:$0x1E250];
	_ =	sdelay $0x4  }
0xa76: {  	[tilespmem:s18+$0x10040] =	vst v1;
	v1 =	vld [tilespmem:$0x1E260];
	_ =	sdelay $0x4  }
0xa77: {  	[tilespmem:s18+$0x10030] =	vst v1;
	v1 =	vld [tilespmem:$0x1E270];
	_ =	sdelay $0x4  }
0xa78: {  	[tilespmem:s18+$0x10020] =	vst v1;
	v1 =	vld [tilespmem:$0x1E280];
	_ =	sdelay $0x4  }
0xa79: {  	[tilespmem:s18+$0x10010] =	vst v1;
	v1 =	vld [tilespmem:$0x1E290];
	_ =	sdelay $0x4  }
0xa7a: {  	[tilespmem:s18+$0x10000] =	vst v1;
	v1 =	vld [tilespmem:$0x1E2A0];
	_ =	sdelay $0x4  }
0xa7b: {  	[tilespmem:s18+$0xFFF0] =	vst v1;
	v1 =	vld [tilespmem:$0x1E2B0];
	_ =	sdelay $0x4  }
0xa7c: {  	[tilespmem:s18+$0xFFE0] =	vst v1;
	v1 =	vld [tilespmem:$0x1E2C0];
	_ =	sdelay $0x4  }
0xa7d: {  	[tilespmem:s18+$0xFFD0] =	vst v1;
	v1 =	vld [tilespmem:$0x1E2D0];
	_ =	sdelay $0x4  }
0xa7e: {  	[tilespmem:s18+$0xFFC0] =	vst v1  }
0xa7f: {  	v1 =	vld [tilespmem:$0x1E2E0];
	_ =	sdelay $0x4  }
0xa80: {  	[tilespmem:s18+$0xFFB0] =	vst v1;
	v1 =	vld [tilespmem:$0x1E2F0];
	_ =	sdelay $0x4  }
0xa81: {  	[tilespmem:s18+$0xFFA0] =	vst v1;
	v1 =	vld [tilespmem:$0x1E300];
	_ =	sdelay $0x4  }
0xa82: {  	[tilespmem:s18+$0xFF90] =	vst v1;
	v1 =	vld [tilespmem:$0x1E310];
	_ =	sdelay $0x4  }
0xa83: {  	[tilespmem:s18+$0xFF80] =	vst v1;
	v1 =	vld [tilespmem:$0x1E320];
	_ =	sdelay $0x4  }
0xa84: {  	[tilespmem:s18+$0xFF70] =	vst v1;
	v1 =	vld [tilespmem:$0x1E330];
	_ =	sdelay $0x4  }
0xa85: {  	[tilespmem:s18+$0xFF60] =	vst v1;
	v1 =	vld [tilespmem:$0x1E340];
	_ =	sdelay $0x4  }
0xa86: {  	[tilespmem:s18+$0xFF50] =	vst v1;
	v1 =	vld [tilespmem:$0x1E350];
	_ =	sdelay $0x4  }
0xa87: {  	[tilespmem:s18+$0xFF40] =	vst v1;
	v1 =	vld [tilespmem:$0x1E360];
	_ =	sdelay $0x4  }
0xa88: {  	[tilespmem:s18+$0xFF30] =	vst v1;
	v1 =	vld [tilespmem:$0x1E370];
	_ =	sdelay $0x4  }
0xa89: {  	[tilespmem:s18+$0xFF20] =	vst v1;
	v1 =	vld [tilespmem:$0x1E380];
	_ =	sdelay $0x4  }
0xa8a: {  	[tilespmem:s18+$0xFF10] =	vst v1;
	v1 =	vld [tilespmem:$0x1E390];
	_ =	sdelay $0x4  }
0xa8b: {  	[tilespmem:s18+$0xFF00] =	vst v1;
	v1 =	vld [tilespmem:$0x1E3A0];
	_ =	sdelay $0x4  }
0xa8c: {  	[tilespmem:s18+$0xFEF0] =	vst v1;
	v1 =	vld [tilespmem:$0x1E3B0];
	_ =	sdelay $0x4  }
0xa8d: {  	[tilespmem:s18+$0xFEE0] =	vst v1;
	v1 =	vld [tilespmem:$0x1E3C0];
	_ =	sdelay $0x4  }
0xa8e: {  	[tilespmem:s18+$0xFED0] =	vst v1;
	v1 =	vld [tilespmem:$0x1E3D0];
	_ =	sdelay $0x4  }
0xa8f: {  	[tilespmem:s18+$0xFEC0] =	vst v1;
	v1 =	vld [tilespmem:$0x1E3E0];
	_ =	sdelay $0x4  }
0xa90: {  	[tilespmem:s18+$0xFEB0] =	vst v1;
	v1 =	vld [tilespmem:$0x1E3F0];
	_ =	sdelay $0x4  }
0xa91: {  	[tilespmem:s18+$0xFEA0] =	vst v1;
	v1 =	vld [tilespmem:$0x1E400];
	_ =	sdelay $0x4  }
0xa92: {  	[tilespmem:s18+$0xFE90] =	vst v1;
	v1 =	vld [tilespmem:$0x1E410];
	_ =	sdelay $0x4  }
0xa93: {  	[tilespmem:s18+$0xFE80] =	vst v1;
	v1 =	vld [tilespmem:$0x1E420];
	_ =	sdelay $0x4  }
0xa94: {  	[tilespmem:s18+$0xFE70] =	vst v1;
	v1 =	vld [tilespmem:$0x1E430];
	_ =	sdelay $0x4  }
0xa95: {  	[tilespmem:s18+$0xFE60] =	vst v1;
	v1 =	vld [tilespmem:$0x1E440];
	_ =	sdelay $0x4  }
0xa96: {  	[tilespmem:s18+$0xFE50] =	vst v1;
	v1 =	vld [tilespmem:$0x1E450];
	_ =	sdelay $0x4  }
0xa97: {  	[tilespmem:s18+$0xFE40] =	vst v1;
	v1 =	vld [tilespmem:$0x1E460];
	_ =	sdelay $0x4  }
0xa98: {  	[tilespmem:s18+$0xFE30] =	vst v1;
	v1 =	vld [tilespmem:$0x1E470];
	_ =	sdelay $0x4  }
0xa99: {  	[tilespmem:s18+$0xFE20] =	vst v1;
	v1 =	vld [tilespmem:$0x1E480];
	_ =	sdelay $0x4  }
0xa9a: {  	[tilespmem:s18+$0xFE10] =	vst v1;
	v1 =	vld [tilespmem:$0x1E490];
	_ =	sdelay $0x4  }
0xa9b: {  	[tilespmem:s18+$0xFE00] =	vst v1;
	v1 =	vld [tilespmem:$0x1E4A0];
	_ =	sdelay $0x4  }
0xa9c: {  	[tilespmem:s18+$0xFDF0] =	vst v1;
	v1 =	vld [tilespmem:$0x1E4B0];
	_ =	sdelay $0x4  }
0xa9d: {  	[tilespmem:s18+$0xFDE0] =	vst v1;
	v1 =	vld [tilespmem:$0x1E4C0];
	_ =	sdelay $0x4  }
0xa9e: {  	[tilespmem:s18+$0xFDD0] =	vst v1;
	v1 =	vld [tilespmem:$0x1E4D0];
	_ =	sdelay $0x4  }
0xa9f: {  	[tilespmem:s18+$0xFDC0] =	vst v1;
	v1 =	vld [tilespmem:$0x1E4E0];
	_ =	sdelay $0x4  }
0xaa0: {  	[tilespmem:s18+$0x10CF0] =	vst v1;
	v1 =	vld [tilespmem:$0x1E4F0];
	_ =	sdelay $0x4  }
0xaa1: {  	[tilespmem:s18+$0x10D00] =	vst v1;
	v1 =	vld [tilespmem:$0x1E500];
	_ =	sdelay $0x4  }
0xaa2: {  	[tilespmem:s18+$0x10D10] =	vst v1;
	v1 =	vld [tilespmem:$0x1E510];
	_ =	sdelay $0x4  }
0xaa3: {  	[tilespmem:s18+$0x10D20] =	vst v1;
	v1 =	vld [tilespmem:$0x1E520];
	_ =	sdelay $0x4  }
0xaa4: {  	[tilespmem:s18+$0x10D30] =	vst v1;
	v1 =	vld [tilespmem:$0x1E530];
	_ =	sdelay $0x4  }
0xaa5: {  	[tilespmem:s18+$0x10D40] =	vst v1;
	v1 =	vld [tilespmem:$0x1E540];
	_ =	sdelay $0x4  }
0xaa6: {  	[tilespmem:s18+$0x10D50] =	vst v1;
	v1 =	vld [tilespmem:$0x1E550];
	_ =	sdelay $0x4  }
0xaa7: {  	[tilespmem:s18+$0x10D60] =	vst v1;
	v1 =	vld [tilespmem:$0x1E560];
	_ =	sdelay $0x4  }
0xaa8: {  	[tilespmem:s18+$0x10D70] =	vst v1;
	v1 =	vld [tilespmem:$0x1E570];
	_ =	sdelay $0x4  }
0xaa9: {  	[tilespmem:s18+$0x10D80] =	vst v1;
	v1 =	vld [tilespmem:$0x1E580];
	_ =	sdelay $0x4  }
0xaaa: {  	[tilespmem:s18+$0x10D90] =	vst v1;
	v1 =	vld [tilespmem:$0x1E590];
	_ =	sdelay $0x4  }
0xaab: {  	[tilespmem:s18+$0x10DA0] =	vst v1;
	v1 =	vld [tilespmem:$0x1E5A0];
	_ =	sdelay $0x4  }
0xaac: {  	[tilespmem:s18+$0x10DB0] =	vst v1;
	v1 =	vld [tilespmem:$0x1E5B0];
	_ =	sdelay $0x4  }
0xaad: {  	[tilespmem:s18+$0x10DC0] =	vst v1;
	v1 =	vld [tilespmem:$0x1E5C0];
	_ =	sdelay $0x4  }
0xaae: {  	[tilespmem:s18+$0x10DD0] =	vst v1;
	v1 =	vld [tilespmem:$0x1E5D0];
	_ =	sdelay $0x4  }
0xaaf: {  	[tilespmem:s18+$0x10DE0] =	vst v1;
	v1 =	vld [tilespmem:$0x1E5E0];
	_ =	sdelay $0x4  }
0xab0: {  	[tilespmem:s18+$0x10DF0] =	vst v1;
	v1 =	vld [tilespmem:$0x1E5F0];
	_ =	sdelay $0x4  }
0xab1: {  	[tilespmem:s18+$0x10E00] =	vst v1;
	v1 =	vld [tilespmem:$0x1E600];
	_ =	sdelay $0x4  }
0xab2: {  	[tilespmem:s18+$0x10E10] =	vst v1;
	v1 =	vld [tilespmem:$0x1E610];
	_ =	sdelay $0x4  }
0xab3: {  	[tilespmem:s18+$0x10E20] =	vst v1;
	v1 =	vld [tilespmem:$0x1E620];
	_ =	sdelay $0x4  }
0xab4: {  	[tilespmem:s18+$0x10E30] =	vst v1;
	v1 =	vld [tilespmem:$0x1E630];
	_ =	sdelay $0x4  }
0xab5: {  	[tilespmem:s18+$0x10E40] =	vst v1;
	v1 =	vld [tilespmem:$0x1E640];
	_ =	sdelay $0x4  }
0xab6: {  	[tilespmem:s18+$0x10E50] =	vst v1;
	v1 =	vld [tilespmem:$0x1E650];
	_ =	sdelay $0x4  }
0xab7: {  	[tilespmem:s18+$0x10E60] =	vst v1;
	v1 =	vld [tilespmem:$0x1E660];
	_ =	sdelay $0x4  }
0xab8: {  	[tilespmem:s18+$0x10E70] =	vst v1;
	v1 =	vld [tilespmem:$0x1E670];
	_ =	sdelay $0x4  }
0xab9: {  	[tilespmem:s18+$0x10E80] =	vst v1;
	v1 =	vld [tilespmem:$0x1E680];
	_ =	sdelay $0x4  }
0xaba: {  	[tilespmem:s18+$0x10E90] =	vst v1;
	v1 =	vld [tilespmem:$0x1E690];
	_ =	sdelay $0x4  }
0xabb: {  	[tilespmem:s18+$0x10EA0] =	vst v1;
	v1 =	vld [tilespmem:$0x1E6A0];
	_ =	sdelay $0x4  }
0xabc: {  	[tilespmem:s18+$0x10EB0] =	vst v1;
	v1 =	vld [tilespmem:$0x1E6B0];
	_ =	sdelay $0x4  }
0xabd: {  	[tilespmem:s18+$0x10EC0] =	vst v1;
	v1 =	vld [tilespmem:$0x1E6C0];
	_ =	sdelay $0x4  }
0xabe: {  	[tilespmem:s18+$0x10ED0] =	vst v1;
	v1 =	vld [tilespmem:$0x1E6D0];
	_ =	sdelay $0x4  }
0xabf: {  	[tilespmem:s18+$0x10EE0] =	vst v1;
	v1 =	vld [tilespmem:$0x1E6E0];
	_ =	sdelay $0x4  }
0xac0: {  	[tilespmem:s18+$0x10EF0] =	vst v1;
	v1 =	vld [tilespmem:$0x1E6F0];
	_ =	sdelay $0x4  }
0xac1: {  	[tilespmem:s18+$0x10F00] =	vst v1;
	v1 =	vld [tilespmem:$0x1E700];
	_ =	sdelay $0x4  }
0xac2: {  	[tilespmem:s18+$0x10F10] =	vst v1;
	v1 =	vld [tilespmem:$0x1E710];
	_ =	sdelay $0x4  }
0xac3: {  	[tilespmem:s18+$0x10F20] =	vst v1;
	v1 =	vld [tilespmem:$0x1E720];
	_ =	sdelay $0x4  }
0xac4: {  	[tilespmem:s18+$0x10F30] =	vst v1;
	v1 =	vld [tilespmem:$0x1E730];
	_ =	sdelay $0x4  }
0xac5: {  	[tilespmem:s18+$0x10F40] =	vst v1;
	v1 =	vld [tilespmem:$0x1E740];
	_ =	sdelay $0x4  }
0xac6: {  	[tilespmem:s18+$0x10F50] =	vst v1;
	v1 =	vld [tilespmem:$0x1E750];
	_ =	sdelay $0x4  }
0xac7: {  	[tilespmem:s18+$0x10F60] =	vst v1;
	v1 =	vld [tilespmem:$0x1E760];
	_ =	sdelay $0x4  }
0xac8: {  	[tilespmem:s18+$0x10F70] =	vst v1;
	v1 =	vld [tilespmem:$0x1E770];
	_ =	sdelay $0x4  }
0xac9: {  	[tilespmem:s18+$0x10F80] =	vst v1;
	v1 =	vld [tilespmem:$0x1E780];
	_ =	sdelay $0x4  }
0xaca: {  	[tilespmem:s18+$0x10F90] =	vst v1;
	v1 =	vld [tilespmem:$0x1E790];
	_ =	sdelay $0x4  }
0xacb: {  	[tilespmem:s18+$0x10FA0] =	vst v1;
	v1 =	vld [tilespmem:$0x1E7A0];
	_ =	sdelay $0x4  }
0xacc: {  	[tilespmem:s18+$0x10FB0] =	vst v1;
	v1 =	vld [tilespmem:$0x1E7B0];
	_ =	sdelay $0x4  }
0xacd: {  	[tilespmem:s18+$0x10FC0] =	vst v1;
	v1 =	vld [tilespmem:$0x1E7C0];
	_ =	sdelay $0x4  }
0xace: {  	[tilespmem:s18+$0x10FD0] =	vst v1;
	v1 =	vld [tilespmem:$0x1E7D0];
	_ =	sdelay $0x4  }
0xacf: {  	[tilespmem:s18+$0x10FE0] =	vst v1;
	v1 =	vld [tilespmem:$0x1E7E0];
	_ =	sdelay $0x4  }
0xad0: {  	[tilespmem:s18+$0x10FF0] =	vst v1;
	v1 =	vld [tilespmem:$0x1E7F0];
	_ =	sdelay $0x4  }
0xad1: {  	[tilespmem:s18+$0x11000] =	vst v1;
	v1 =	vld [tilespmem:$0x1E800];
	_ =	sdelay $0x4  }
0xad2: {  	[tilespmem:s18+$0x11010] =	vst v1;
	v1 =	vld [tilespmem:$0x1E810];
	_ =	sdelay $0x4  }
0xad3: {  	[tilespmem:s18+$0x11020] =	vst v1;
	v1 =	vld [tilespmem:$0x1E820];
	_ =	sdelay $0x4  }
0xad4: {  	[tilespmem:s18+$0x11030] =	vst v1;
	v1 =	vld [tilespmem:$0x1E830];
	_ =	sdelay $0x4  }
0xad5: {  	[tilespmem:s18+$0x11040] =	vst v1;
	v1 =	vld [tilespmem:$0x1E840];
	_ =	sdelay $0x4  }
0xad6: {  	[tilespmem:s18+$0x11050] =	vst v1;
	v1 =	vld [tilespmem:$0x1E850];
	_ =	sdelay $0x4  }
0xad7: {  	[tilespmem:s18+$0x11060] =	vst v1;
	v1 =	vld [tilespmem:$0x1E860];
	_ =	sdelay $0x4  }
0xad8: {  	[tilespmem:s18+$0x11070] =	vst v1;
	v1 =	vld [tilespmem:$0x1E870];
	_ =	sdelay $0x4  }
0xad9: {  	[tilespmem:s18+$0x11080] =	vst v1;
	v1 =	vld [tilespmem:$0x1E880];
	_ =	sdelay $0x4  }
0xada: {  	[tilespmem:s18+$0x11090] =	vst v1;
	v1 =	vld [tilespmem:$0x1E890];
	_ =	sdelay $0x4  }
0xadb: {  	[tilespmem:s18+$0x110A0] =	vst v1;
	v1 =	vld [tilespmem:$0x1E8A0];
	_ =	sdelay $0x4  }
0xadc: {  	[tilespmem:s18+$0x110B0] =	vst v1;
	v1 =	vld [tilespmem:$0x1E8B0];
	_ =	sdelay $0x4  }
0xadd: {  	[tilespmem:s18+$0x110C0] =	vst v1;
	v1 =	vld [tilespmem:$0x1E8C0];
	_ =	sdelay $0x4  }
0xade: {  	[tilespmem:s18+$0x110D0] =	vst v1;
	v1 =	vld [tilespmem:$0x1E8D0];
	_ =	sdelay $0x4  }
0xadf: {  	[tilespmem:s18+$0x110E0] =	vst v1;
	v1 =	vld [tilespmem:$0x1E8E0];
	_ =	sdelay $0x4  }
0xae0: {  	[tilespmem:s18+$0x110F0] =	vst v1;
	v1 =	vld [tilespmem:$0x1E8F0];
	_ =	sdelay $0x4  }
0xae1: {  	[tilespmem:s18+$0x11100] =	vst v1;
	v1 =	vld [tilespmem:$0x1E900];
	_ =	sdelay $0x4  }
0xae2: {  	[tilespmem:s18+$0x11110] =	vst v1;
	v1 =	vld [tilespmem:$0x1E910];
	_ =	sdelay $0x4  }
0xae3: {  	[tilespmem:s18+$0x11120] =	vst v1;
	v1 =	vld [tilespmem:$0x1E920];
	_ =	sdelay $0x4  }
0xae4: {  	[tilespmem:s18+$0x11130] =	vst v1;
	v1 =	vld [tilespmem:$0x1E930];
	_ =	sdelay $0x4  }
0xae5: {  	[tilespmem:s18+$0x11140] =	vst v1;
	v1 =	vld [tilespmem:$0x1E940];
	_ =	sdelay $0x4  }
0xae6: {  	[tilespmem:s18+$0x11150] =	vst v1;
	v1 =	vld [tilespmem:$0x1E950];
	_ =	sdelay $0x4  }
0xae7: {  	[tilespmem:s18+$0x11160] =	vst v1;
	v1 =	vld [tilespmem:$0x1E960];
	_ =	sdelay $0x4  }
0xae8: {  	[tilespmem:s18+$0x11170] =	vst v1;
	v1 =	vld [tilespmem:$0x1E970];
	_ =	sdelay $0x4  }
0xae9: {  	[tilespmem:s18+$0x11180] =	vst v1;
	v1 =	vld [tilespmem:$0x1E980];
	_ =	sdelay $0x4  }
0xaea: {  	[tilespmem:s18+$0x11190] =	vst v1;
	v1 =	vld [tilespmem:$0x1E990];
	_ =	sdelay $0x4  }
0xaeb: {  	[tilespmem:s18+$0x111A0] =	vst v1;
	v1 =	vld [tilespmem:$0x1E9A0];
	_ =	sdelay $0x4  }
0xaec: {  	[tilespmem:s18+$0x111B0] =	vst v1;
	v1 =	vld [tilespmem:$0x1E9B0];
	_ =	sdelay $0x4  }
0xaed: {  	[tilespmem:s18+$0x111C0] =	vst v1;
	v1 =	vld [tilespmem:$0x1E9C0];
	_ =	sdelay $0x4  }
0xaee: {  	[tilespmem:s18+$0x111D0] =	vst v1;
	v1 =	vld [tilespmem:$0x1E9D0];
	_ =	sdelay $0x4  }
0xaef: {  	[tilespmem:s18+$0x111E0] =	vst v1;
	v1 =	vld [tilespmem:$0x1E9E0];
	_ =	sdelay $0x4  }
0xaf0: {  	[tilespmem:s18+$0x111F0] =	vst v1;
	v1 =	vld [tilespmem:$0x1E9F0];
	_ =	sdelay $0x4  }
0xaf1: {  	[tilespmem:s18+$0x11200] =	vst v1;
	v1 =	vld [tilespmem:$0x1EA00];
	_ =	sdelay $0x4  }
0xaf2: {  	[tilespmem:s18+$0x11210] =	vst v1;
	v1 =	vld [tilespmem:$0x1EA10];
	_ =	sdelay $0x4  }
0xaf3: {  	[tilespmem:s18+$0x11220] =	vst v1;
	v1 =	vld [tilespmem:$0x1EA20];
	_ =	sdelay $0x4  }
0xaf4: {  	[tilespmem:s18+$0x11230] =	vst v1;
	v1 =	vld [tilespmem:$0x1EA30];
	_ =	sdelay $0x4  }
0xaf5: {  	[tilespmem:s18+$0x11240] =	vst v1;
	v1 =	vld [tilespmem:$0x1EA40];
	_ =	sdelay $0x4  }
0xaf6: {  	[tilespmem:s18+$0x11250] =	vst v1;
	v1 =	vld [tilespmem:$0x1EA50];
	_ =	sdelay $0x4  }
0xaf7: {  	[tilespmem:s18+$0x11260] =	vst v1;
	v1 =	vld [tilespmem:$0x1EA60];
	_ =	sdelay $0x4  }
0xaf8: {  	[tilespmem:s18+$0x11270] =	vst v1;
	v1 =	vld [tilespmem:$0x1EA70];
	_ =	sdelay $0x4  }
0xaf9: {  	[tilespmem:s18+$0x11280] =	vst v1;
	v1 =	vld [tilespmem:$0x1EA80];
	_ =	sdelay $0x4  }
0xafa: {  	[tilespmem:s18+$0x11290] =	vst v1;
	v1 =	vld [tilespmem:$0x1EA90];
	_ =	sdelay $0x4  }
0xafb: {  	[tilespmem:s18+$0x112A0] =	vst v1;
	v1 =	vld [tilespmem:$0x1EAA0];
	_ =	sdelay $0x4  }
0xafc: {  	[tilespmem:s18+$0x112B0] =	vst v1;
	v1 =	vld [tilespmem:$0x1EAB0];
	_ =	sdelay $0x4  }
0xafd: {  	[tilespmem:s18+$0x112C0] =	vst v1;
	v1 =	vld [tilespmem:$0x1EAC0];
	_ =	sdelay $0x4  }
0xafe: {  	[tilespmem:s18+$0x112D0] =	vst v1;
	v1 =	vld [tilespmem:$0x1EAD0];
	_ =	sdelay $0x4  }
0xaff: {  	[tilespmem:s18+$0x112E0] =	vst v1;
	v1 =	vld [tilespmem:$0x1EAE0];
	_ =	sdelay $0x4  }
0xb00: {  	[tilespmem:s18+$0x112F0] =	vst v1;
	v1 =	vld [tilespmem:$0x1EAF0];
	_ =	sdelay $0x4  }
0xb01: {  	[tilespmem:s18+$0x11300] =	vst v1;
	v1 =	vld [tilespmem:$0x1EB00];
	_ =	sdelay $0x4  }
0xb02: {  	[tilespmem:s18+$0x11310] =	vst v1;
	v1 =	vld [tilespmem:$0x1EB10];
	_ =	sdelay $0x4  }
0xb03: {  	[tilespmem:s18+$0x11320] =	vst v1;
	v1 =	vld [tilespmem:$0x1EB20];
	_ =	sdelay $0x4  }
0xb04: {  	[tilespmem:s18+$0x11330] =	vst v1;
	v1 =	vld [tilespmem:$0x1EB30];
	_ =	sdelay $0x4  }
0xb05: {  	[tilespmem:s18+$0x11340] =	vst v1;
	v1 =	vld [tilespmem:$0x1EB40];
	_ =	sdelay $0x4  }
0xb06: {  	[tilespmem:s18+$0x11350] =	vst v1;
	v1 =	vld [tilespmem:$0x1EB50];
	_ =	sdelay $0x4  }
0xb07: {  	[tilespmem:s18+$0x11360] =	vst v1;
	v1 =	vld [tilespmem:$0x1EB60];
	_ =	sdelay $0x4  }
0xb08: {  	[tilespmem:s18+$0x11370] =	vst v1;
	v1 =	vld [tilespmem:$0x1EB70];
	_ =	sdelay $0x4  }
0xb09: {  	[tilespmem:s18+$0x11380] =	vst v1;
	v1 =	vld [tilespmem:$0x1EB80];
	_ =	sdelay $0x4  }
0xb0a: {  	[tilespmem:s18+$0x11390] =	vst v1;
	v1 =	vld [tilespmem:$0x1EB90];
	_ =	sdelay $0x4  }
0xb0b: {  	[tilespmem:s18+$0x113A0] =	vst v1;
	v1 =	vld [tilespmem:$0x1EBA0];
	_ =	sdelay $0x4  }
0xb0c: {  	[tilespmem:s18+$0x113B0] =	vst v1;
	v1 =	vld [tilespmem:$0x1EBB0];
	_ =	sdelay $0x4  }
0xb0d: {  	[tilespmem:s18+$0x113C0] =	vst v1;
	v1 =	vld [tilespmem:$0x1EBC0];
	_ =	sdelay $0x4  }
0xb0e: {  	[tilespmem:s18+$0x113D0] =	vst v1;
	v1 =	vld [tilespmem:$0x1EBD0];
	_ =	sdelay $0x4  }
0xb0f: {  	[tilespmem:s18+$0x113E0] =	vst v1;
	v1 =	vld [tilespmem:$0x1EBE0];
	_ =	sdelay $0x4  }
0xb10: {  	[tilespmem:s18+$0x113F0] =	vst v1;
	v1 =	vld [tilespmem:$0x1EBF0];
	_ =	sdelay $0x4  }
0xb11: {  	[tilespmem:s18+$0x11400] =	vst v1;
	v1 =	vld [tilespmem:$0x1EC00];
	_ =	sdelay $0x4  }
0xb12: {  	[tilespmem:s18+$0x11410] =	vst v1;
	v1 =	vld [tilespmem:$0x1EC10];
	_ =	sdelay $0x4  }
0xb13: {  	[tilespmem:s18+$0x11420] =	vst v1;
	v1 =	vld [tilespmem:$0x1EC20];
	_ =	sdelay $0x4  }
0xb14: {  	[tilespmem:s18+$0x11430] =	vst v1;
	v1 =	vld [tilespmem:$0x1EC30];
	_ =	sdelay $0x4  }
0xb15: {  	[tilespmem:s18+$0x11440] =	vst v1;
	v1 =	vld [tilespmem:$0x1EC40];
	_ =	sdelay $0x4  }
0xb16: {  	[tilespmem:s18+$0x11450] =	vst v1;
	v1 =	vld [tilespmem:$0x1EC50];
	_ =	sdelay $0x4  }
0xb17: {  	[tilespmem:s18+$0x11460] =	vst v1;
	v1 =	vld [tilespmem:$0x1EC60];
	_ =	sdelay $0x4  }
0xb18: {  	[tilespmem:s18+$0x11470] =	vst v1;
	v1 =	vld [tilespmem:$0x1EC70];
	_ =	sdelay $0x4  }
0xb19: {  	[tilespmem:s18+$0x11480] =	vst v1;
	v1 =	vld [tilespmem:$0x1EC80];
	_ =	sdelay $0x4  }
0xb1a: {  	[tilespmem:s18+$0x11490] =	vst v1;
	v1 =	vld [tilespmem:$0x1EC90];
	_ =	sdelay $0x4  }
0xb1b: {  	[tilespmem:s18+$0x114A0] =	vst v1;
	v1 =	vld [tilespmem:$0x1ECA0];
	_ =	sdelay $0x4  }
0xb1c: {  	[tilespmem:s18+$0x114B0] =	vst v1;
	v1 =	vld [tilespmem:$0x1ECB0];
	_ =	sdelay $0x4  }
0xb1d: {  	[tilespmem:s18+$0x114C0] =	vst v1;
	v1 =	vld [tilespmem:$0x1ECC0];
	_ =	sdelay $0x4  }
0xb1e: {  	[tilespmem:s18+$0x114D0] =	vst v1;
	v1 =	vld [tilespmem:$0x1ECD0];
	_ =	sdelay $0x4  }
0xb1f: {  	[tilespmem:s18+$0x114E0] =	vst v1;
	v1 =	vld [tilespmem:$0x1ECE0];
	_ =	sdelay $0x4  }
0xb20: {  	[tilespmem:s18+$0x114F0] =	vst v1;
	v1 =	vld [tilespmem:$0x1ECF0];
	_ =	sdelay $0x4  }
0xb21: {  	[tilespmem:s18+$0x11500] =	vst v1;
	v1 =	vld [tilespmem:$0x1ED00];
	_ =	sdelay $0x4  }
0xb22: {  	[tilespmem:s18+$0x11510] =	vst v1;
	v1 =	vld [tilespmem:$0x1ED10];
	_ =	sdelay $0x4  }
0xb23: {  	[tilespmem:s18+$0x11520] =	vst v1;
	v1 =	vld [tilespmem:$0x1ED20];
	_ =	sdelay $0x4  }
0xb24: {  	[tilespmem:s18+$0x11530] =	vst v1;
	v1 =	vld [tilespmem:$0x1ED30];
	_ =	sdelay $0x4  }
0xb25: {  	[tilespmem:s18+$0x11540] =	vst v1;
	v1 =	vld [tilespmem:$0x1ED40];
	_ =	sdelay $0x4  }
0xb26: {  	[tilespmem:s18+$0x11550] =	vst v1;
	v1 =	vld [tilespmem:$0x1ED50];
	_ =	sdelay $0x4  }
0xb27: {  	[tilespmem:s18+$0x11560] =	vst v1;
	v1 =	vld [tilespmem:$0x1ED60];
	_ =	sdelay $0x4  }
0xb28: {  	[tilespmem:s18+$0x11570] =	vst v1;
	v1 =	vld [tilespmem:$0x1ED70];
	_ =	sdelay $0x4  }
0xb29: {  	[tilespmem:s18+$0x11580] =	vst v1;
	v1 =	vld [tilespmem:$0x1ED80];
	_ =	sdelay $0x4  }
0xb2a: {  	[tilespmem:s18+$0x11590] =	vst v1;
	v1 =	vld [tilespmem:$0x1ED90];
	_ =	sdelay $0x4  }
0xb2b: {  	[tilespmem:s18+$0x115A0] =	vst v1;
	v1 =	vld [tilespmem:$0x1EDA0];
	_ =	sdelay $0x4  }
0xb2c: {  	[tilespmem:s18+$0x115B0] =	vst v1;
	v1 =	vld [tilespmem:$0x1EDB0];
	_ =	sdelay $0x4  }
0xb2d: {  	[tilespmem:s18+$0x115C0] =	vst v1;
	v1 =	vld [tilespmem:$0x1EDC0];
	_ =	sdelay $0x4  }
0xb2e: {  	[tilespmem:s18+$0x115D0] =	vst v1;
	v1 =	vld [tilespmem:$0x1EDD0];
	_ =	sdelay $0x4  }
0xb2f: {  	[tilespmem:s18+$0x115E0] =	vst v1;
	v1 =	vld [tilespmem:$0x1EDE0];
	_ =	sdelay $0x4  }
0xb30: {  	[tilespmem:s18+$0x115F0] =	vst v1;
	v1 =	vld [tilespmem:$0x1EDF0];
	_ =	sdelay $0x4  }
0xb31: {  	[tilespmem:s18+$0x11600] =	vst v1;
	v1 =	vld [tilespmem:$0x1EE00];
	_ =	sdelay $0x4  }
0xb32: {  	[tilespmem:s18+$0x11610] =	vst v1;
	v1 =	vld [tilespmem:$0x1EE10];
	_ =	sdelay $0x4  }
0xb33: {  	[tilespmem:s18+$0x11620] =	vst v1;
	v1 =	vld [tilespmem:$0x1EE20];
	_ =	sdelay $0x4  }
0xb34: {  	[tilespmem:s18+$0x11630] =	vst v1;
	v1 =	vld [tilespmem:$0x1EE30];
	_ =	sdelay $0x4  }
0xb35: {  	[tilespmem:s18+$0x11640] =	vst v1;
	v1 =	vld [tilespmem:$0x1EE40];
	_ =	sdelay $0x4  }
0xb36: {  	[tilespmem:s18+$0x11650] =	vst v1;
	v1 =	vld [tilespmem:$0x1EE50];
	_ =	sdelay $0x4  }
0xb37: {  	[tilespmem:s18+$0x11660] =	vst v1;
	v1 =	vld [tilespmem:$0x1EE60];
	_ =	sdelay $0x4  }
0xb38: {  	[tilespmem:s18+$0x11670] =	vst v1;
	v1 =	vld [tilespmem:$0x1EE70];
	_ =	sdelay $0x4  }
0xb39: {  	[tilespmem:s18+$0x11680] =	vst v1;
	v1 =	vld [tilespmem:$0x1EE80];
	_ =	sdelay $0x4  }
0xb3a: {  	[tilespmem:s18+$0x11690] =	vst v1;
	v1 =	vld [tilespmem:$0x1EE90];
	_ =	sdelay $0x4  }
0xb3b: {  	[tilespmem:s18+$0x116A0] =	vst v1;
	v1 =	vld [tilespmem:$0x1EEA0];
	_ =	sdelay $0x4  }
0xb3c: {  	[tilespmem:s18+$0x116B0] =	vst v1;
	v1 =	vld [tilespmem:$0x1EEB0];
	_ =	sdelay $0x4  }
0xb3d: {  	[tilespmem:s18+$0x116C0] =	vst v1;
	v1 =	vld [tilespmem:$0x1EEC0];
	_ =	sdelay $0x4  }
0xb3e: {  	[tilespmem:s18+$0x116D0] =	vst v1;
	v1 =	vld [tilespmem:$0x1EED0];
	_ =	sdelay $0x4  }
0xb3f: {  	[tilespmem:s18+$0x116E0] =	vst v1;
	v1 =	vld [tilespmem:$0x1EEE0];
	_ =	sdelay $0x4  }
0xb40: {  	[tilespmem:s18+$0x116F0] =	vst v1;
	v1 =	vld [tilespmem:$0x1EEF0];
	_ =	sdelay $0x4  }
0xb41: {  	[tilespmem:s18+$0x11700] =	vst v1;
	v1 =	vld [tilespmem:$0x1EF00];
	_ =	sdelay $0x4  }
0xb42: {  	[tilespmem:s18+$0x11710] =	vst v1;
	v1 =	vld [tilespmem:$0x1EF10];
	_ =	sdelay $0x4  }
0xb43: {  	[tilespmem:s18+$0x11720] =	vst v1;
	v1 =	vld [tilespmem:$0x1EF20];
	_ =	sdelay $0x4  }
0xb44: {  	[tilespmem:s18+$0x11730] =	vst v1;
	v1 =	vld [tilespmem:$0x1EF30];
	_ =	sdelay $0x4  }
0xb45: {  	[tilespmem:s18+$0x11740] =	vst v1;
	v1 =	vld [tilespmem:$0x1EF40];
	_ =	sdelay $0x4  }
0xb46: {  	[tilespmem:s18+$0x11750] =	vst v1;
	v1 =	vld [tilespmem:$0x1EF50];
	_ =	sdelay $0x4  }
0xb47: {  	[tilespmem:s18+$0x11760] =	vst v1;
	v1 =	vld [tilespmem:$0x1EF60];
	_ =	sdelay $0x4  }
0xb48: {  	[tilespmem:s18+$0x11770] =	vst v1;
	v1 =	vld [tilespmem:$0x1EF70];
	_ =	sdelay $0x4  }
0xb49: {  	[tilespmem:s18+$0x11780] =	vst v1;
	v1 =	vld [tilespmem:$0x1EF80];
	_ =	sdelay $0x4  }
0xb4a: {  	[tilespmem:s18+$0x11790] =	vst v1;
	v1 =	vld [tilespmem:$0x1EF90];
	_ =	sdelay $0x4  }
0xb4b: {  	[tilespmem:s18+$0x117A0] =	vst v1;
	v1 =	vld [tilespmem:$0x1EFA0];
	_ =	sdelay $0x4  }
0xb4c: {  	[tilespmem:s18+$0x117B0] =	vst v1;
	v1 =	vld [tilespmem:$0x1EFB0];
	_ =	sdelay $0x4  }
0xb4d: {  	[tilespmem:s18+$0x117C0] =	vst v1;
	v1 =	vld [tilespmem:$0x1EFC0];
	_ =	sdelay $0x4  }
0xb4e: {  	[tilespmem:s18+$0x117D0] =	vst v1;
	v1 =	vld [tilespmem:$0x1EFD0];
	_ =	sdelay $0x4  }
0xb4f: {  	[tilespmem:s18+$0x117E0] =	vst v1;
	v1 =	vld [tilespmem:$0x1EFE0];
	_ =	sdelay $0x4  }
0xb50: {  	[tilespmem:s18+$0x117F0] =	vst v1;
	v1 =	vld [tilespmem:$0x1EFF0];
	_ =	sdelay $0x4  }
0xb51: {  	[tilespmem:s18+$0x11800] =	vst v1;
	v1 =	vld [tilespmem:$0x1F000];
	_ =	sdelay $0x4  }
0xb52: {  	[tilespmem:s18+$0x11810] =	vst v1;
	v1 =	vld [tilespmem:$0x1F010];
	_ =	sdelay $0x4  }
0xb53: {  	[tilespmem:s18+$0x11820] =	vst v1;
	v1 =	vld [tilespmem:$0x1F020];
	_ =	sdelay $0x4  }
0xb54: {  	[tilespmem:s18+$0x11830] =	vst v1;
	v1 =	vld [tilespmem:$0x1F030];
	_ =	sdelay $0x4  }
0xb55: {  	[tilespmem:s18+$0x11840] =	vst v1;
	v1 =	vld [tilespmem:$0x1F040];
	_ =	sdelay $0x4  }
0xb56: {  	[tilespmem:s18+$0x11850] =	vst v1;
	v1 =	vld [tilespmem:$0x1F050];
	_ =	sdelay $0x4  }
0xb57: {  	[tilespmem:s18+$0x11860] =	vst v1;
	v1 =	vld [tilespmem:$0x1F060];
	_ =	sdelay $0x4  }
0xb58: {  	[tilespmem:s18+$0x11870] =	vst v1;
	v1 =	vld [tilespmem:$0x1F070];
	_ =	sdelay $0x4  }
0xb59: {  	[tilespmem:s18+$0x11880] =	vst v1;
	v1 =	vld [tilespmem:$0x1F080];
	_ =	sdelay $0x4  }
0xb5a: {  	[tilespmem:s18+$0x11890] =	vst v1;
	v1 =	vld [tilespmem:$0x1F090];
	_ =	sdelay $0x4  }
0xb5b: {  	[tilespmem:s18+$0x118A0] =	vst v1;
	v1 =	vld [tilespmem:$0x1F0A0];
	_ =	sdelay $0x4  }
0xb5c: {  	[tilespmem:s18+$0x118B0] =	vst v1;
	v1 =	vld [tilespmem:$0x1F0B0];
	_ =	sdelay $0x4  }
0xb5d: {  	[tilespmem:s18+$0x118C0] =	vst v1;
	v1 =	vld [tilespmem:$0x1F0C0];
	_ =	sdelay $0x4  }
0xb5e: {  	[tilespmem:s18+$0x118D0] =	vst v1;
	v1 =	vld [tilespmem:$0x1F0D0];
	_ =	sdelay $0x4  }
0xb5f: {  	[tilespmem:s18+$0x118E0] =	vst v1;
	v1 =	vld [tilespmem:$0x1F0E0];
	_ =	sdelay $0x4  }
0xb60: {  	[tilespmem:s18+$0x118F0] =	vst v1;
	v1 =	vld [tilespmem:$0x1F0F0];
	_ =	sdelay $0x4  }
0xb61: {  	[tilespmem:s18+$0x11900] =	vst v1;
	v1 =	vld [tilespmem:$0x1F100];
	_ =	sdelay $0x4  }
0xb62: {  	[tilespmem:s18+$0x11910] =	vst v1;
	v1 =	vld [tilespmem:$0x1F110];
	_ =	sdelay $0x4  }
0xb63: {  	[tilespmem:s18+$0x11920] =	vst v1;
	v1 =	vld [tilespmem:$0x1F120];
	_ =	sdelay $0x4  }
0xb64: {  	[tilespmem:s18+$0x11930] =	vst v1;
	v1 =	vld [tilespmem:$0x1F130];
	_ =	sdelay $0x4  }
0xb65: {  	[tilespmem:s18+$0x11940] =	vst v1;
	v1 =	vld [tilespmem:$0x1F140];
	_ =	sdelay $0x4  }
0xb66: {  	[tilespmem:s18+$0x11950] =	vst v1;
	v1 =	vld [tilespmem:$0x1F150];
	_ =	sdelay $0x4  }
0xb67: {  	[tilespmem:s18+$0x11960] =	vst v1;
	v1 =	vld [tilespmem:$0x1F160];
	_ =	sdelay $0x4  }
0xb68: {  	[tilespmem:s18+$0x11970] =	vst v1;
	v1 =	vld [tilespmem:$0x1F170];
	_ =	sdelay $0x4  }
0xb69: {  	[tilespmem:s18+$0x11980] =	vst v1;
	v1 =	vld [tilespmem:$0x1F180];
	_ =	sdelay $0x4  }
0xb6a: {  	[tilespmem:s18+$0x11990] =	vst v1;
	v1 =	vld [tilespmem:$0x1F190];
	_ =	sdelay $0x4  }
0xb6b: {  	[tilespmem:s18+$0x119A0] =	vst v1;
	v1 =	vld [tilespmem:$0x1F1A0];
	_ =	sdelay $0x4  }
0xb6c: {  	[tilespmem:s18+$0x119B0] =	vst v1;
	v1 =	vld [tilespmem:$0x1F1B0];
	_ =	sdelay $0x4  }
0xb6d: {  	[tilespmem:s18+$0x119C0] =	vst v1;
	v1 =	vld [tilespmem:$0x1F1C0];
	_ =	sdelay $0x4  }
0xb6e: {  	[tilespmem:s18+$0x119D0] =	vst v1;
	v1 =	vld [tilespmem:$0x1F1D0];
	_ =	sdelay $0x4  }
0xb6f: {  	[tilespmem:s18+$0x119E0] =	vst v1;
	v1 =	vld [tilespmem:$0x1F1E0];
	_ =	sdelay $0x4  }
0xb70: {  	[tilespmem:s18+$0x119F0] =	vst v1;
	v1 =	vld [tilespmem:$0x1F1F0];
	_ =	sdelay $0x4  }
0xb71: {  	[tilespmem:s18+$0x11A00] =	vst v1;
	v1 =	vld [tilespmem:$0x1F200];
	_ =	sdelay $0x4  }
0xb72: {  	[tilespmem:s18+$0x11A10] =	vst v1;
	v1 =	vld [tilespmem:$0x1F210];
	_ =	sdelay $0x4  }
0xb73: {  	[tilespmem:s18+$0x11A20] =	vst v1;
	v1 =	vld [tilespmem:$0x1F220];
	_ =	sdelay $0x4  }
0xb74: {  	[tilespmem:s18+$0x11A30] =	vst v1;
	v1 =	vld [tilespmem:$0x1F230];
	_ =	sdelay $0x4  }
0xb75: {  	[tilespmem:s18+$0x11A40] =	vst v1;
	v1 =	vld [tilespmem:$0x1F240];
	_ =	sdelay $0x4  }
0xb76: {  	[tilespmem:s18+$0x11A50] =	vst v1;
	v1 =	vld [tilespmem:$0x1F250];
	_ =	sdelay $0x4  }
0xb77: {  	[tilespmem:s18+$0x11A60] =	vst v1;
	v1 =	vld [tilespmem:$0x1F260];
	_ =	sdelay $0x4  }
0xb78: {  	[tilespmem:s18+$0x11A70] =	vst v1;
	v1 =	vld [tilespmem:$0x1F270];
	_ =	sdelay $0x4  }
0xb79: {  	[tilespmem:s18+$0x11A80] =	vst v1  }
0xb7a: {  	v1 =	vld [tilespmem:$0x1F280];
	_ =	sdelay $0x4  }
0xb7b: {  	[tilespmem:s18+$0x11A90] =	vst v1;
	v1 =	vld [tilespmem:$0x1F290];
	_ =	sdelay $0x4  }
0xb7c: {  	[tilespmem:s18+$0x11AA0] =	vst v1;
	v1 =	vld [tilespmem:$0x1F2A0];
	_ =	sdelay $0x4  }
0xb7d: {  	[tilespmem:s18+$0x11AB0] =	vst v1;
	v1 =	vld [tilespmem:$0x1F2B0];
	_ =	sdelay $0x4  }
0xb7e: {  	[tilespmem:s18+$0x11AC0] =	vst v1;
	v1 =	vld [tilespmem:$0x1F2C0];
	_ =	sdelay $0x4  }
0xb7f: {  	[tilespmem:s18+$0x11AD0] =	vst v1;
	v1 =	vld [tilespmem:$0x1F2D0];
	_ =	sdelay $0x4  }
0xb80: {  	[tilespmem:s18+$0x11AE0] =	vst v1;
	v1 =	vld [tilespmem:$0x1F2E0];
	_ =	sdelay $0x4  }
0xb81: {  	[tilespmem:s18+$0x11AF0] =	vst v1;
	v1 =	vld [tilespmem:$0x1F2F0];
	_ =	sdelay $0x4  }
0xb82: {  	[tilespmem:s18+$0x11B00] =	vst v1;
	v1 =	vld [tilespmem:$0x1F300];
	_ =	sdelay $0x4  }
0xb83: {  	[tilespmem:s18+$0x11B10] =	vst v1;
	v1 =	vld [tilespmem:$0x1F310];
	_ =	sdelay $0x4  }
0xb84: {  	[tilespmem:s18+$0x11B20] =	vst v1;
	v1 =	vld [tilespmem:$0x1F320];
	_ =	sdelay $0x4  }
0xb85: {  	[tilespmem:s18+$0x11B30] =	vst v1;
	v1 =	vld [tilespmem:$0x1F330];
	_ =	sdelay $0x4  }
0xb86: {  	[tilespmem:s18+$0x11B40] =	vst v1;
	v1 =	vld [tilespmem:$0x1F340];
	_ =	sdelay $0x1  }
0xb87: {  	[tilespmem:s18+$0x12B20] =	vst v63  }
0xb88: {  	[tilespmem:s18+$0x12B00] =	vst v62  }
0xb89: {  	[tilespmem:s18+$0x12AE0] =	vst v61  }
0xb8a: {  	[tilespmem:s18+$0x11B50] =	vst v1;
	v1 =	vld [tilespmem:$0x1F350]  }
0xb8b: {  	[tilespmem:s18+$0x12AC0] =	vst v60  }
0xb8c: {  	[tilespmem:s18+$0x12AA0] =	vst v59  }
0xb8d: {  	[tilespmem:s18+$0x12A80] =	vst v58  }
0xb8e: {  	[tilespmem:s18+$0x12A60] =	vst v57  }
0xb8f: {  	[tilespmem:s18+$0x11B60] =	vst v1;
	v1 =	vld [tilespmem:$0x1F360]  }
0xb90: {  	[tilespmem:s18+$0x12A40] =	vst v56  }
0xb91: {  	[tilespmem:s18+$0x12A20] =	vst v55  }
0xb92: {  	[tilespmem:s18+$0x12A00] =	vst v54  }
0xb93: {  	[tilespmem:s18+$0x129E0] =	vst v53  }
0xb94: {  	[tilespmem:s18+$0x11B70] =	vst v1;
	v1 =	vld [tilespmem:$0x1F370]  }
0xb95: {  	[tilespmem:s18+$0x129C0] =	vst v52  }
0xb96: {  	[tilespmem:s18+$0x129A0] =	vst v51  }
0xb97: {  	[tilespmem:s18+$0x12980] =	vst v50  }
0xb98: {  	[tilespmem:s18+$0x12960] =	vst v49  }
0xb99: {  	[tilespmem:s18+$0x11B80] =	vst v1;
	v1 =	vld [tilespmem:$0x1F380]  }
0xb9a: {  	[tilespmem:s18+$0x12940] =	vst v48  }
0xb9b: {  	[tilespmem:s18+$0x12920] =	vst v47  }
0xb9c: {  	[tilespmem:s18+$0x12900] =	vst v46  }
0xb9d: {  	[tilespmem:s18+$0x128E0] =	vst v45  }
0xb9e: {  	[tilespmem:s18+$0x11B90] =	vst v1;
	v1 =	vld [tilespmem:$0x1F390]  }
0xb9f: {  	[tilespmem:s18+$0x128C0] =	vst v44  }
0xba0: {  	[tilespmem:s18+$0x128A0] =	vst v43  }
0xba1: {  	[tilespmem:s18+$0x12880] =	vst v42  }
0xba2: {  	[tilespmem:s18+$0x12860] =	vst v41  }
0xba3: {  	[tilespmem:s18+$0x11BA0] =	vst v1;
	v1 =	vld [tilespmem:$0x1F3A0]  }
0xba4: {  	[tilespmem:s18+$0x12840] =	vst v40  }
0xba5: {  	[tilespmem:s18+$0x12820] =	vst v39  }
0xba6: {  	[tilespmem:s18+$0x12800] =	vst v38  }
0xba7: {  	[tilespmem:s18+$0x127E0] =	vst v37  }
0xba8: {  	[tilespmem:s18+$0x11BB0] =	vst v1;
	v1 =	vld [tilespmem:$0x1F3B0]  }
0xba9: {  	[tilespmem:s18+$0x127C0] =	vst v36  }
0xbaa: {  	[tilespmem:s18+$0x127A0] =	vst v35  }
0xbab: {  	[tilespmem:s18+$0x12780] =	vst v34  }
0xbac: {  	[tilespmem:s18+$0x12760] =	vst v33  }
0xbad: {  	[tilespmem:s18+$0x11BC0] =	vst v1;
	v1 =	vld [tilespmem:$0x1F3C0]  }
0xbae: {  	[tilespmem:s18+$0x12740] =	vst v32  }
0xbaf: {  	[tilespmem:s18+$0x12720] =	vst v31  }
0xbb0: {  	[tilespmem:s18+$0x12700] =	vst v30  }
0xbb1: {  	[tilespmem:s18+$0x126E0] =	vst v29  }
0xbb2: {  	[tilespmem:s18+$0x11BD0] =	vst v1;
	v1 =	vld [tilespmem:$0x1F3D0]  }
0xbb3: {  	[tilespmem:s18+$0x126C0] =	vst v28  }
0xbb4: {  	[tilespmem:s18+$0x126A0] =	vst v27  }
0xbb5: {  	[tilespmem:s18+$0x12680] =	vst v26  }
0xbb6: {  	[tilespmem:s18+$0x12660] =	vst v25  }
0xbb7: {  	[tilespmem:s18+$0x11BE0] =	vst v1;
	v1 =	vld [tilespmem:$0x1F3E0]  }
0xbb8: {  	[tilespmem:s18+$0x12640] =	vst v24  }
0xbb9: {  	[tilespmem:s18+$0x12620] =	vst v23  }
0xbba: {  	[tilespmem:s18+$0x12600] =	vst v22  }
0xbbb: {  	[tilespmem:s18+$0x125E0] =	vst v21  }
0xbbc: {  	[tilespmem:s18+$0x11BF0] =	vst v1;
	v1 =	vld [tilespmem:$0x1F3F0]  }
0xbbd: {  	[tilespmem:s18+$0x125C0] =	vst v20  }
0xbbe: {  	[tilespmem:s18+$0x125A0] =	vst v19  }
0xbbf: {  	[tilespmem:s18+$0x12580] =	vst v18  }
0xbc0: {  	[tilespmem:s18+$0x12560] =	vst v17  }
0xbc1: {  	[tilespmem:s18+$0x11C00] =	vst v1;
	v1 =	vld [tilespmem:$0x1F400]  }
0xbc2: {  	[tilespmem:s18+$0x12540] =	vst v16  }
0xbc3: {  	[tilespmem:s18+$0x12520] =	vst v15;
	v63 =	vld [tilespmem:$0x1F5C0]  }
0xbc4: {  	[tilespmem:s18+$0x12500] =	vst v14;
	v62 =	vld [tilespmem:$0x1F5D0]  }
0xbc5: {  	[tilespmem:s18+$0x124E0] =	vst v13;
	v61 =	vld [tilespmem:$0x1F5F0]  }
0xbc6: {  	[tilespmem:s18+$0x11C10] =	vst v1;
	v1 =	vld [tilespmem:$0x1F410]  }
0xbc7: {  	[tilespmem:s18+$0x124C0] =	vst v12;
	v57 =	vld [tilespmem:$0x1F620]  }
0xbc8: {  	v58 =	vld [tilespmem:$0x1F630];
	[tilespmem:s18+$0x12B10] =	vst v63  }
0xbc9: {  	v59 =	vld [tilespmem:$0x1F640];
	[tilespmem:s18+$0x12AF0] =	vst v62  }
0xbca: {  	v60 =	vld [tilespmem:$0x1F650];
	[tilespmem:s18+$0x12AB0] =	vst v61  }
0xbcb: {  	[tilespmem:s18+$0x11C20] =	vst v1;
	v1 =	vld [tilespmem:$0x1F420]  }
0xbcc: {  	v51 =	vld [tilespmem:$0x1F690];
	[tilespmem:s18+$0x12A50] =	vst v57  }
0xbcd: {  	v52 =	vld [tilespmem:$0x1F6A0];
	[tilespmem:s18+$0x12A30] =	vst v58  }
0xbce: {  	v53 =	vld [tilespmem:$0x1F6B0];
	[tilespmem:s18+$0x12A10] =	vst v59  }
0xbcf: {  	v54 =	vld [tilespmem:$0x1F6C0];
	[tilespmem:s18+$0x129F0] =	vst v60  }
0xbd0: {  	[tilespmem:s18+$0x11C30] =	vst v1;
	v1 =	vld [tilespmem:$0x1F430]  }
0xbd1: {  	v55 =	vld [tilespmem:$0x1F6D0];
	[tilespmem:s18+$0x12970] =	vst v51  }
0xbd2: {  	v56 =	vld [tilespmem:$0x1F6E0];
	[tilespmem:s18+$0x12950] =	vst v52  }
0xbd3: {  	v38 =	vld [tilespmem:$0x1F760];
	[tilespmem:s18+$0x12930] =	vst v53  }
0xbd4: {  	v39 =	vld [tilespmem:$0x1F770];
	[tilespmem:s18+$0x12910] =	vst v54  }
0xbd5: {  	[tilespmem:s18+$0x11C40] =	vst v1;
	v1 =	vld [tilespmem:$0x1F440]  }
0xbd6: {  	v40 =	vld [tilespmem:$0x1F780];
	[tilespmem:s18+$0x128F0] =	vst v55  }
0xbd7: {  	v41 =	vld [tilespmem:$0x1F790];
	[tilespmem:s18+$0x128D0] =	vst v56  }
0xbd8: {  	v42 =	vld [tilespmem:$0x1F7A0];
	[tilespmem:s18+$0x127D0] =	vst v38  }
0xbd9: {  	v43 =	vld [tilespmem:$0x1F7B0];
	[tilespmem:s18+$0x127B0] =	vst v39  }
0xbda: {  	[tilespmem:s18+$0x11C50] =	vst v1;
	v1 =	vld [tilespmem:$0x1F450]  }
0xbdb: {  	v44 =	vld [tilespmem:$0x1F7C0];
	[tilespmem:s18+$0x12790] =	vst v40  }
0xbdc: {  	v45 =	vld [tilespmem:$0x1F7D0];
	[tilespmem:s18+$0x12770] =	vst v41  }
0xbdd: {  	v46 =	vld [tilespmem:$0x1F7E0];
	[tilespmem:s18+$0x12750] =	vst v42  }
0xbde: {  	v47 =	vld [tilespmem:$0x1F7F0];
	[tilespmem:s18+$0x12730] =	vst v43  }
0xbdf: {  	[tilespmem:s18+$0x11C60] =	vst v1;
	v1 =	vld [tilespmem:$0x1F460]  }
0xbe0: {  	v48 =	vld [tilespmem:$0x1F800];
	[tilespmem:s18+$0x12710] =	vst v44  }
0xbe1: {  	v49 =	vld [tilespmem:$0x1F810];
	[tilespmem:s18+$0x126F0] =	vst v45  }
0xbe2: {  	v50 =	vld [tilespmem:$0x1F820];
	[tilespmem:s18+$0x126D0] =	vst v46  }
0xbe3: {  	v63 =	vld [tilespmem:$0x1F5E0];
	[tilespmem:s18+$0x126B0] =	vst v47  }
0xbe4: {  	[tilespmem:s18+$0x11C70] =	vst v1;
	v1 =	vld [tilespmem:$0x1F470]  }
0xbe5: {  	v62 =	vld [tilespmem:$0x1F600];
	[tilespmem:s18+$0x12690] =	vst v48  }
0xbe6: {  	v61 =	vld [tilespmem:$0x1F660];
	[tilespmem:s18+$0x12670] =	vst v49  }
0xbe7: {  	v57 =	vld [tilespmem:$0x1F6F0];
	[tilespmem:s18+$0x12650] =	vst v50  }
0xbe8: {  	v58 =	vld [tilespmem:$0x1F700];
	[tilespmem:s18+$0x12AD0] =	vst v63  }
0xbe9: {  	[tilespmem:s18+$0x11C80] =	vst v1;
	v1 =	vld [tilespmem:$0x1F480]  }
0xbea: {  	v59 =	vld [tilespmem:$0x1F710];
	[tilespmem:s18+$0x12A90] =	vst v62  }
0xbeb: {  	v60 =	vld [tilespmem:$0x1F720];
	[tilespmem:s18+$0x129D0] =	vst v61  }
0xbec: {  	v51 =	vld [tilespmem:$0x1F830];
	[tilespmem:s18+$0x128B0] =	vst v57  }
0xbed: {  	v52 =	vld [tilespmem:$0x1F840];
	[tilespmem:s18+$0x12890] =	vst v58  }
0xbee: {  	[tilespmem:s18+$0x11C90] =	vst v1;
	v1 =	vld [tilespmem:$0x1F490]  }
0xbef: {  	v53 =	vld [tilespmem:$0x1F850];
	[tilespmem:s18+$0x12870] =	vst v59  }
0xbf0: {  	v54 =	vld [tilespmem:$0x1F860];
	[tilespmem:s18+$0x12850] =	vst v60  }
0xbf1: {  	v55 =	vld [tilespmem:$0x1F870];
	[tilespmem:s18+$0x12630] =	vst v51  }
0xbf2: {  	v56 =	vld [tilespmem:$0x1F880];
	[tilespmem:s18+$0x12610] =	vst v52  }
0xbf3: {  	[tilespmem:s18+$0x11CA0] =	vst v1;
	v1 =	vld [tilespmem:$0x1F4A0]  }
0xbf4: {  	[tilespmem:s18+$0x125F0] =	vst v53  }
0xbf5: {  	v63 =	vld [tilespmem:$0x1F610];
	[tilespmem:s18+$0x125D0] =	vst v54  }
0xbf6: {  	v62 =	vld [tilespmem:$0x1F670];
	[tilespmem:s18+$0x125B0] =	vst v55  }
0xbf7: {  	v61 =	vld [tilespmem:$0x1F730];
	[tilespmem:s18+$0x12590] =	vst v56  }
0xbf8: {  	[tilespmem:s18+$0x11CB0] =	vst v1;
	v1 =	vld [tilespmem:$0x1F4B0]  }
0xbf9: {  	v57 =	vld [tilespmem:$0x1F890];
	[tilespmem:s18+$0x124A0] =	vst v11  }
0xbfa: {  	v58 =	vld [tilespmem:$0x1F8A0];
	[tilespmem:s18+$0x12A70] =	vst v63  }
0xbfb: {  	v59 =	vld [tilespmem:$0x1F8B0];
	[tilespmem:s18+$0x129B0] =	vst v62  }
0xbfc: {  	v60 =	vld [tilespmem:$0x1F8C0];
	[tilespmem:s18+$0x12830] =	vst v61  }
0xbfd: {  	[tilespmem:s18+$0x11CC0] =	vst v1;
	v1 =	vld [tilespmem:$0x1F4C0]  }
0xbfe: {  	v12 =	vld [tilespmem:$0x1F900];
	[tilespmem:s18+$0x12570] =	vst v57  }
0xbff: {  	v63 =	vld [tilespmem:$0x1F680];
	[tilespmem:s18+$0x12550] =	vst v58  }
0xc00: {  	[tilespmem:s18+$0x12530] =	vst v59  }
0xc01: {  	v62 =	vld [tilespmem:$0x1F740];
	[tilespmem:s18+$0x12510] =	vst v60  }
0xc02: {  	[tilespmem:s18+$0x11CD0] =	vst v1;
	v1 =	vld [tilespmem:$0x1F4D0]  }
0xc03: {  	v61 =	vld [tilespmem:$0x1F8D0];
	[tilespmem:s18+$0x12490] =	vst v12  }
0xc04: {  	[tilespmem:s18+$0x12990] =	vst v63;
	v63 =	vld [tilespmem:$0x1F750]  }
0xc05: {  	v13 =	vld [tilespmem:$0x1F910];
	[tilespmem:s18+$0x12480] =	vst v10  }
0xc06: {  	[tilespmem:s18+$0x12810] =	vst v62;
	v62 =	vld [tilespmem:$0x1F8E0]  }
0xc07: {  	[tilespmem:s18+$0x11CE0] =	vst v1;
	v1 =	vld [tilespmem:$0x1F4E0]  }
0xc08: {  	[tilespmem:s18+$0x124F0] =	vst v61  }
0xc09: {  	[tilespmem:s18+$0x127F0] =	vst v63;
	v63 =	vld [tilespmem:$0x1F8F0]  }
0xc0a: {  	v14 =	vld [tilespmem:$0x1F920];
	[tilespmem:s18+$0x12470] =	vst v13  }
0xc0b: {  	[tilespmem:s18+$0x124D0] =	vst v62  }
0xc0c: {  	[tilespmem:s18+$0x11CF0] =	vst v1;
	v1 =	vld [tilespmem:$0x1F4F0]  }
0xc0d: {  	v15 =	vld [tilespmem:$0x1F930];
	[tilespmem:s18+$0x12460] =	vst v9  }
0xc0e: {  	[tilespmem:s18+$0x124B0] =	vst v63  }
0xc0f: {  	v16 =	vld [tilespmem:$0x1F940];
	[tilespmem:s18+$0x12450] =	vst v14  }
0xc10: {  	[tilespmem:s18+$0x12440] =	vst v8  }
0xc11: {  	[tilespmem:s18+$0x12BF0] =	vst v1;
	v1 =	vld [tilespmem:$0x1F500]  }
0xc12: {  	v17 =	vld [tilespmem:$0x1F950];
	[tilespmem:s18+$0x12430] =	vst v15  }
0xc13: {  	[tilespmem:s18+$0x12420] =	vst v7  }
0xc14: {  	v18 =	vld [tilespmem:$0x1F960];
	[tilespmem:s18+$0x12410] =	vst v16  }
0xc15: {  	[tilespmem:s18+$0x12400] =	vst v6  }
0xc16: {  	[tilespmem:s18+$0x12BE0] =	vst v1;
	v1 =	vld [tilespmem:$0x1F510]  }
0xc17: {  	v19 =	vld [tilespmem:$0x1F970];
	[tilespmem:s18+$0x123F0] =	vst v17  }
0xc18: {  	[tilespmem:s18+$0x123E0] =	vst v5  }
0xc19: {  	v20 =	vld [tilespmem:$0x1F980];
	[tilespmem:s18+$0x123D0] =	vst v18  }
0xc1a: {  	[tilespmem:s18+$0x123C0] =	vst v4  }
0xc1b: {  	[tilespmem:s18+$0x12BD0] =	vst v1;
	v1 =	vld [tilespmem:$0x1F520]  }
0xc1c: {  	v21 =	vld [tilespmem:$0x1F990];
	[tilespmem:s18+$0x123B0] =	vst v19  }
0xc1d: {  	v22 =	vld [tilespmem:$0x1F9A0];
	[tilespmem:s18+$0x123A0] =	vst v3  }
0xc1e: {  	v23 =	vld [tilespmem:$0x1F9B0];
	[tilespmem:s18+$0x12390] =	vst v20  }
0xc1f: {  	v24 =	vld [tilespmem:$0x1F9C0];
	[tilespmem:s18+$0x12380] =	vst v2  }
0xc20: {  	[tilespmem:s18+$0x12BC0] =	vst v1;
	v1 =	vld [tilespmem:$0x1F530]  }
0xc21: {  	[tilespmem:s18+$0x12370] =	vst v21  }
0xc22: {  	v25 =	vld [tilespmem:$0x1F9D0];
	[tilespmem:s18+$0x12360] =	vst v22  }
0xc23: {  	v26 =	vld [tilespmem:$0x1F9E0];
	[tilespmem:s18+$0x12350] =	vst v23  }
0xc24: {  	v27 =	vld [tilespmem:$0x1F9F0];
	[tilespmem:s18+$0x12340] =	vst v24  }
0xc25: {  	[tilespmem:s18+$0x12BB0] =	vst v1;
	v1 =	vld [tilespmem:$0x1F540]  }
0xc26: {  	v28 =	vld [tilespmem:$0x1FA00];
	[tilespmem:s18+$0x12330] =	vst v0  }
0xc27: {  	v29 =	vld [tilespmem:$0x1FA10];
	[tilespmem:s18+$0x12320] =	vst v25  }
0xc28: {  	v30 =	vld [tilespmem:$0x1FA20];
	[tilespmem:s18+$0x12310] =	vst v26  }
0xc29: {  	v31 =	vld [tilespmem:$0x1FA30];
	[tilespmem:s18+$0x12300] =	vst v27  }
0xc2a: {  	[tilespmem:s18+$0x12BA0] =	vst v1;
	v1 =	vld [tilespmem:$0x1F550]  }
0xc2b: {  	v32 =	vld [tilespmem:$0x1FA40];
	[tilespmem:s18+$0x122F0] =	vst v28  }
0xc2c: {  	v33 =	vld [tilespmem:$0x1FA50];
	[tilespmem:s18+$0x122E0] =	vst v29  }
0xc2d: {  	v34 =	vld [tilespmem:$0x1FA60];
	[tilespmem:s18+$0x122D0] =	vst v30  }
0xc2e: {  	v35 =	vld [tilespmem:$0x1FA70];
	[tilespmem:s18+$0x122C0] =	vst v31  }
0xc2f: {  	[tilespmem:s18+$0x12B90] =	vst v1;
	v1 =	vld [tilespmem:$0x1F560]  }
0xc30: {  	v36 =	vld [tilespmem:$0x1FA80];
	[tilespmem:s18+$0x122B0] =	vst v32  }
0xc31: {  	v37 =	vld [tilespmem:$0x1FA90];
	[tilespmem:s18+$0x122A0] =	vst v33  }
0xc32: {  	v38 =	vld [tilespmem:$0x1FAA0];
	[tilespmem:s18+$0x12290] =	vst v34  }
0xc33: {  	v39 =	vld [tilespmem:$0x1FAB0];
	[tilespmem:s18+$0x12280] =	vst v35  }
0xc34: {  	[tilespmem:s18+$0x12B80] =	vst v1;
	v1 =	vld [tilespmem:$0x1F570]  }
0xc35: {  	v40 =	vld [tilespmem:$0x1FAC0];
	[tilespmem:s18+$0x12270] =	vst v36  }
0xc36: {  	v41 =	vld [tilespmem:$0x1FAD0];
	[tilespmem:s18+$0x12260] =	vst v37  }
0xc37: {  	v42 =	vld [tilespmem:$0x1FAE0];
	[tilespmem:s18+$0x12250] =	vst v38  }
0xc38: {  	v43 =	vld [tilespmem:$0x1FAF0];
	[tilespmem:s18+$0x12240] =	vst v39  }
0xc39: {  	[tilespmem:s18+$0x12B70] =	vst v1;
	v1 =	vld [tilespmem:$0x1F580]  }
0xc3a: {  	v44 =	vld [tilespmem:$0x1FB00];
	[tilespmem:s18+$0x12230] =	vst v40  }
0xc3b: {  	v45 =	vld [tilespmem:$0x1FB10];
	[tilespmem:s18+$0x12220] =	vst v41  }
0xc3c: {  	v46 =	vld [tilespmem:$0x1FB20];
	[tilespmem:s18+$0x12210] =	vst v42  }
0xc3d: {  	v47 =	vld [tilespmem:$0x1FB30];
	[tilespmem:s18+$0x12200] =	vst v43  }
0xc3e: {  	[tilespmem:s18+$0x12B60] =	vst v1;
	v1 =	vld [tilespmem:$0x1F590]  }
0xc3f: {  	v48 =	vld [tilespmem:$0x1FB40];
	[tilespmem:s18+$0x121F0] =	vst v44  }
0xc40: {  	v49 =	vld [tilespmem:$0x1FB50];
	[tilespmem:s18+$0x121E0] =	vst v45  }
0xc41: {  	v50 =	vld [tilespmem:$0x1FB60];
	[tilespmem:s18+$0x121D0] =	vst v46  }
0xc42: {  	v51 =	vld [tilespmem:$0x1FB70];
	[tilespmem:s18+$0x121C0] =	vst v47  }
0xc43: {  	[tilespmem:s18+$0x12B50] =	vst v1;
	v1 =	vld [tilespmem:$0x1F5A0]  }
0xc44: {  	v52 =	vld [tilespmem:$0x1FB80];
	[tilespmem:s18+$0x121B0] =	vst v48  }
0xc45: {  	v53 =	vld [tilespmem:$0x1FB90];
	[tilespmem:s18+$0x121A0] =	vst v49  }
0xc46: {  	v54 =	vld [tilespmem:$0x1FBA0];
	[tilespmem:s18+$0x12190] =	vst v50  }
0xc47: {  	v55 =	vld [tilespmem:$0x1FBB0];
	[tilespmem:s18+$0x12180] =	vst v51  }
0xc48: {  	[tilespmem:s18+$0x12B40] =	vst v1;
	v1 =	vld [tilespmem:$0x1F5B0]  }
0xc49: {  	v56 =	vld [tilespmem:$0x1FBC0];
	[tilespmem:s18+$0x12170] =	vst v52  }
0xc4a: {  	v57 =	vld [tilespmem:$0x1FBD0];
	[tilespmem:s18+$0x12160] =	vst v53  }
0xc4b: {  	v58 =	vld [tilespmem:$0x1FBE0];
	[tilespmem:s18+$0x12150] =	vst v54  }
0xc4c: {  	v59 =	vld [tilespmem:$0x1FBF0];
	[tilespmem:s18+$0x12140] =	vst v55  }
0xc4d: {  	v60 =	vld [tilespmem:$0x1FC00];
	[tilespmem:s18+$0x12B30] =	vst v1  }
0xc4e: {  	v61 =	vld [tilespmem:$0x1FC10];
	[tilespmem:s18+$0x12130] =	vst v56  }
0xc4f: {  	v62 =	vld [tilespmem:$0x1FC20];
	[tilespmem:s18+$0x12120] =	vst v57  }
0xc50: {  	v63 =	vld [tilespmem:$0x1FC30];
	[tilespmem:s18+$0x12110] =	vst v58  }
0xc51: {  	v4 =	vld [tilespmem:$0x1FC40];
	[tilespmem:s18+$0x12100] =	vst v59  }
0xc52: {  	v5 =	vld [tilespmem:$0x1FC50];
	[tilespmem:s18+$0x120F0] =	vst v60  }
0xc53: {  	v6 =	vld [tilespmem:$0x1FC60];
	[tilespmem:s18+$0x120E0] =	vst v61  }
0xc54: {  	v7 =	vld [tilespmem:$0x1FC70];
	[tilespmem:s18+$0x120D0] =	vst v62  }
0xc55: {  	v8 =	vld [tilespmem:$0x1FC80];
	[tilespmem:s18+$0x120C0] =	vst v63  }
0xc56: {  	v9 =	vld [tilespmem:$0x1FC90];
	[tilespmem:s18+$0x120B0] =	vst v4  }
0xc57: {  	v10 =	vld [tilespmem:$0x1FCA0];
	[tilespmem:s18+$0x120A0] =	vst v5  }
0xc58: {  	v11 =	vld [tilespmem:$0x1FCB0];
	[tilespmem:s18+$0x12090] =	vst v6  }
0xc59: {  	v12 =	vld [tilespmem:$0x1FCC0];
	[tilespmem:s18+$0x12080] =	vst v7  }
0xc5a: {  	v13 =	vld [tilespmem:$0x1FCD0];
	[tilespmem:s18+$0x12070] =	vst v8  }
0xc5b: {  	v14 =	vld [tilespmem:$0x1FCE0];
	[tilespmem:s18+$0x12060] =	vst v9  }
0xc5c: {  	v15 =	vld [tilespmem:$0x1FCF0];
	[tilespmem:s18+$0x12050] =	vst v10  }
0xc5d: {  	v16 =	vld [tilespmem:$0x1FD00];
	[tilespmem:s18+$0x12040] =	vst v11  }
0xc5e: {  	v17 =	vld [tilespmem:$0x1FD10];
	[tilespmem:s18+$0x12030] =	vst v12  }
0xc5f: {  	v18 =	vld [tilespmem:$0x1FD20];
	[tilespmem:s18+$0x12020] =	vst v13  }
0xc60: {  	v19 =	vld [tilespmem:$0x1FD30];
	[tilespmem:s18+$0x12010] =	vst v14  }
0xc61: {  	v20 =	vld [tilespmem:$0x1FD40];
	[tilespmem:s18+$0x12000] =	vst v15  }
0xc62: {  	v21 =	vld [tilespmem:$0x1FD50];
	[tilespmem:s18+$0x11FF0] =	vst v16  }
0xc63: {  	v22 =	vld [tilespmem:$0x1FD60];
	[tilespmem:s18+$0x11FE0] =	vst v17  }
0xc64: {  	v23 =	vld [tilespmem:$0x1FD70];
	[tilespmem:s18+$0x11FD0] =	vst v18  }
0xc65: {  	v24 =	vld [tilespmem:$0x1FD80];
	[tilespmem:s18+$0x11FC0] =	vst v19  }
0xc66: {  	v25 =	vld [tilespmem:$0x1FD90];
	[tilespmem:s18+$0x11FB0] =	vst v20  }
0xc67: {  	v26 =	vld [tilespmem:$0x1FDA0];
	[tilespmem:s18+$0x11FA0] =	vst v21  }
0xc68: {  	v27 =	vld [tilespmem:$0x1FDB0];
	[tilespmem:s18+$0x11F90] =	vst v22  }
0xc69: {  	v28 =	vld [tilespmem:$0x1FDC0];
	[tilespmem:s18+$0x11F80] =	vst v23  }
0xc6a: {  	v29 =	vld [tilespmem:$0x1FDD0];
	[tilespmem:s18+$0x11F70] =	vst v24  }
0xc6b: {  	v30 =	vld [tilespmem:$0x1FDE0];
	[tilespmem:s18+$0x11F60] =	vst v25  }
0xc6c: {  	v31 =	vld [tilespmem:$0x1FDF0];
	[tilespmem:s18+$0x11F50] =	vst v26  }
0xc6d: {  	v32 =	vld [tilespmem:$0x1FE00];
	[tilespmem:s18+$0x11F40] =	vst v27  }
0xc6e: {  	v33 =	vld [tilespmem:$0x1FE10];
	[tilespmem:s18+$0x11F30] =	vst v28  }
0xc6f: {  	v34 =	vld [tilespmem:$0x1FE20];
	[tilespmem:s18+$0x11F20] =	vst v29  }
0xc70: {  	v35 =	vld [tilespmem:$0x1FE30];
	[tilespmem:s18+$0x11F10] =	vst v30  }
0xc71: {  	v36 =	vld [tilespmem:$0x1FE40];
	[tilespmem:s18+$0x11F00] =	vst v31  }
0xc72: {  	v37 =	vld [tilespmem:$0x1FE50];
	[tilespmem:s18+$0x11EF0] =	vst v32  }
0xc73: {  	v38 =	vld [tilespmem:$0x1FE60];
	[tilespmem:s18+$0x11EE0] =	vst v33  }
0xc74: {  	v39 =	vld [tilespmem:$0x1FE70];
	[tilespmem:s18+$0x11ED0] =	vst v34  }
0xc75: {  	v40 =	vld [tilespmem:$0x1FE80];
	[tilespmem:s18+$0x11EC0] =	vst v35  }
0xc76: {  	v41 =	vld [tilespmem:$0x1FE90];
	[tilespmem:s18+$0x11EB0] =	vst v36  }
0xc77: {  	v42 =	vld [tilespmem:$0x1FEA0];
	[tilespmem:s18+$0x11EA0] =	vst v37  }
0xc78: {  	v43 =	vld [tilespmem:$0x1FEB0];
	[tilespmem:s18+$0x11E90] =	vst v38  }
0xc79: {  	v44 =	vld [tilespmem:$0x1FEC0];
	[tilespmem:s18+$0x11E80] =	vst v39  }
0xc7a: {  	v45 =	vld [tilespmem:$0x1FED0];
	[tilespmem:s18+$0x11E70] =	vst v40  }
0xc7b: {  	v46 =	vld [tilespmem:$0x1FEE0];
	[tilespmem:s18+$0x11E60] =	vst v41  }
0xc7c: {  	v47 =	vld [tilespmem:$0x1FEF0];
	[tilespmem:s18+$0x11E50] =	vst v42  }
0xc7d: {  	v48 =	vld [tilespmem:$0x1FF00];
	[tilespmem:s18+$0x11E40] =	vst v43  }
0xc7e: {  	v49 =	vld [tilespmem:$0x1FF10];
	[tilespmem:s18+$0x11E30] =	vst v44  }
0xc7f: {  	v50 =	vld [tilespmem:$0x1FF20];
	[tilespmem:s18+$0x11E20] =	vst v45  }
0xc80: {  	v51 =	vld [tilespmem:$0x1FF30];
	[tilespmem:s18+$0x11E10] =	vst v46  }
0xc81: {  	v52 =	vld [tilespmem:$0x1FF40];
	[tilespmem:s18+$0x11E00] =	vst v47  }
0xc82: {  	v53 =	vld [tilespmem:$0x1FF50];
	[tilespmem:s18+$0x11DF0] =	vst v48  }
0xc83: {  	v54 =	vld [tilespmem:$0x1FF60];
	[tilespmem:s18+$0x11DE0] =	vst v49  }
0xc84: {  	v55 =	vld [tilespmem:$0x1FF70];
	[tilespmem:s18+$0x11DD0] =	vst v50  }
0xc85: {  	[tilespmem:s18+$0x11DC0] =	vst v51;
	v56 =	vld [tilespmem:$0x1FF80]  }
0xc86: {  	[tilespmem:s18+$0x11DB0] =	vst v52;
	v57 =	vld [tilespmem:$0x1FF90]  }
0xc87: {  	[tilespmem:s18+$0x11DA0] =	vst v53;
	v58 =	vld [tilespmem:$0x1FFA0]  }
0xc88: {  	[tilespmem:s18+$0x11D90] =	vst v54;
	v59 =	vld [tilespmem:$0x1FFB0]  }
0xc89: {  	[tilespmem:s18+$0x11D80] =	vst v55;
	v60 =	vld [tilespmem:$0x1FFC0]  }
0xc8a: {  	v61 =	vld [tilespmem:$0x1FFD0];
	[tilespmem:s18+$0x11D70] =	vst v56  }
0xc8b: {  	v62 =	vld [tilespmem:$0x1FFE0];
	[tilespmem:s18+$0x11D60] =	vst v57  }
0xc8c: {  	v63 =	vld [tilespmem:$0x1FFF0];
	[tilespmem:s18+$0x11D50] =	vst v58  }
0xc8d: {  	[tilespmem:s18+$0x11D40] =	vst v59  }
0xc8e: {  	[tilespmem:s18+$0x11D30] =	vst v60  }
0xc8f: {  	p6 =	seq.s32 s7, s15;
	[tilespmem:s18+$0x11D20] =	vst v61  }
0xc90: {  	s16 =	sadd.s32 s4, s16;
	p1 =	por p6, p1;
	[tilespmem:s18+$0x11D10] =	vst v62  }
0xc91: {  	s16 =	smul.u32 @p1 $0x6400, s16;
	[tilespmem:s18+$0x11D00] =	vst v63  }
0xc92: {  	s20 =	simm.s32 $0x1;
	_ =	strace $0x9000004B  }
0xc93: {  	s16 =	sshrl.u32 @p1 s16, $0x3;
	s20 =	simm.s32 @!p0 $0x0;
	_ =	strace @p1 $0x8000004C  }
0xc94: {  	s17 =	sadd.s32 @p1 $0x3, s17;
	p0 =	seq.s32 s15, $0x0;
	s19 =	rddreg [dreg:$0x4]  }
0xc95: {  	s18 =	sadd.s32 $0xC800, s18;
	s16 =	sadd.s32 @p1 s19, s16;
	s19 =	simm.s32 @p1 $0x0  }
0xc96: {  	[hbm4b:s16+s19] =	stream.linear.scatter @p1 [tilespmem:s18], [sflag:s17], $0x6400, $0x200038;
	[tilespmem:$0x19000] =	vst v63  }
0xc97: {  	s16 =	simm.s32 $0x1;
	s18 =	simm.s32 $0x1;
	_ =	strace @p1 $0x9000004C  }
0xc98: {  	s16 =	simm.s32 @!p1 $0x0;
	p1 =	sne.s32 s15, $0x0;
	s15 =	sadd.s32 $0x1, s15  }
0xc99: {  	s17 =	sand.u32 @!p0 $0x1, s10;
	s18 =	simm.s32 @!p1 $0x0;
	p1 =	sne.s32 s5, s15  }
.Ltmp0:
0xc9a: {  	s17 =	sadd.s32 @!p0 $0x3, s17;
	_ =	strace @!p0 $0x8000004D;
	(pc) =	sbr.rel @p1 .LBB2_2-.Ltmp0, $4  }
0xc9b: {  	_ =	swait.ge @!p0 [sflag:s17], $0x6400  }
0xc9c: {  	[sflag:s17] =	ssyncset.done @!p0 $0x0  }
0xc9d: {  	s14 =	sadd.s32 s20, s14;
	s12 =	sadd.s32 s16, s12;
	[sflag:s17] =	ssyncadd.s32 @!p0 $0xFFFF9C00  }
0xc9e: {  	s13 =	sadd.s32 s16, s13;
	s10 =	sadd.s32 s18, s10;
	_ =	strace @!p0 $0x9000004D  }
0xc9f: {  	s9 =	sadd.s32 $0x1, s9  }
0xca0: {  	s10 =	sand.u32 $0x1, s10;
	p0 =	sne.s32 s9, s8  }
.Ltmp1:
0xca1: {  	_ =	strace $0x8000004E;
	s10 =	sadd.s32 $0x3, s10;
	(pc) =	sbr.rel @p0 .LBB2_1-.Ltmp1, $4  }
0xca2: {  	_ =	swait.ge [sflag:s10], $0x6400  }
0xca3: {  	[sflag:s10] =	ssyncset.done $0x0  }
0xca4: {  	[sflag:s10] =	ssyncadd.s32 $0xFFFF9C00  }
0xca5: {  	_ =	strace $0x9000004E  }
0xca6: {  	_ =	sfence.sel $0x180000  }
0xca7: {  	[bflag:$0x0] =	sbarrier.arrive $0xFFFF  }
0xca8: {  	p0 =	sne.s32 s0, $0x0;
	_ =	strace $0x90000047  }
0xca9: {  	s0 =	sadd.s32 @!p0 $0x100000, s2;
	[bflag:$0x2] =	sbarrier.arrive $0xFFFF  }
0xcaa: {  	[sflag:s0] =	ssyncadd.tile.s32 @!p0 $0x1;
	_ =	shalt  }
.Lfunc_end2:
_tile_overlayer_lowered:
.L_overlay_start_2:
0xcab: {  	(tag) =	ssettag $0x2  }
0xcac: {  	s0 =	rddreg [dreg:$0x0];
	s2 =	stileid.u32  }
0xcad: {  	s1 =	rddreg [dreg:$0x1];
	p0 =	sne.s32 s2, $0x0  }
0xcae: {  	s3 =	rddreg [dreg:$0x2];
	[bflag:$0x3] =	sbarrier.arrive $0xFFFF;
	s2 =	simm.s32 @!p0 $0x1C01  }
0xcaf: {  	[timem:s3], [sflag:s2] =	dma.local @!p0 [hbm:s0], s1  }
0xcb0: {  	s0 =	simm.s32 @!p0 $0x1  }
0xcb1: {  	_ =	swait.ge @!p0 [sflag:s0], s1  }
0xcb2: {  	s1 =	ssub.s32 @!p0 $0x0, s1;
	[sflag:s0] =	ssyncset.done @!p0 $0x0  }
0xcb3: {  	[sflag:s0] =	ssyncadd.s32 @!p0 s1  }
0xcb4: {  	[bflag:$0x3] =	sbarrier.arrive $0xFFFF  }
0xcb5: {  	_ =	shalt  }

</sc_bundles>
